<compile_context>
chip_gen: v7x
topology: tpu7x:2x2x1
jax: 0.10.2.dev20260603
libtpu: 0.0.44.dev20260713+nightly
codegen_flags: <defaults>
</compile_context>

<pallas_src>
import functools

import jax
import jax.numpy as jnp
from jax import lax
from jax.experimental import pallas as pl
from jax.experimental.pallas import tpu as pltpu
from jax.experimental.pallas import tpu_sc as plsc

N_BLOCK = 2000
NEG_SLOPE = 0.01

N_NODES = 100000
TILE_ROWS = 6500
N_ACC = 16 * TILE_ROWS
E_GROUP = 128
CHUNK_G = 4


def _lrelu(x):
    return jnp.where(x > 0, x, NEG_SLOPE * x)



def _seg16_body(q_hbm, src_hbm, dst_hbm, zeros_hbm, out_hbm,
                sidx0, didx0, rows0, sidx1, didx1, rows1, acc,
                gsem0, ssem0, isem0, gsem1, ssem1, isem1):
    c = lax.axis_index("c")
    s = lax.axis_index("s")
    n_groups = src_hbm.shape[0]
    gpt = n_groups // 16
    n_chunks = gpt // CHUNK_G
    n_pairs = n_chunks // 2

    pltpu.sync_copy(zeros_hbm.at[pl.ds(0, TILE_ROWS)],
                    acc.at[pl.ds(s * TILE_ROWS, TILE_ROWS)])
    plsc.subcore_barrier()

    row_off = c * N_NODES
    bufs = ((sidx0, didx0, rows0, gsem0, ssem0, isem0),
            (sidx1, didx1, rows1, gsem1, ssem1, isem1))

    def load_and_fire(cj, sidx, didx, rows, gsem, isem):
        gb = s * gpt + cj * CHUNK_G
        ic0 = pltpu.async_copy(src_hbm.at[pl.ds(gb, CHUNK_G)], sidx, isem)
        ic1 = pltpu.async_copy(dst_hbm.at[pl.ds(gb, CHUNK_G)], didx, isem)
        ic0.wait()
        ic1.wait()
        for g in range(CHUNK_G):
            for k in range(E_GROUP // 16):
                v = sidx[g, pl.ds(k * 16, 16)]
                sidx[g, pl.ds(k * 16, 16)] = v + row_off
        return [pltpu.async_copy(q_hbm.at[sidx.at[g]],
                                 rows.at[pl.ds(g * E_GROUP, E_GROUP)], gsem)
                for g in range(CHUNK_G)]

    def fire_scatters(didx, rows, ssem):
        return [pltpu.async_copy(rows.at[pl.ds(g * E_GROUP, E_GROUP)],
                                 acc.at[didx.at[g]], ssem, add=True)
                for g in range(CHUNK_G)]

    g0 = load_and_fire(0, bufs[0][0], bufs[0][1], bufs[0][2], bufs[0][3],
                       bufs[0][5])
    for cp in g0:
        cp.wait()

    def pair(j0, carry):
        s0 = fire_scatters(bufs[0][1], bufs[0][2], bufs[0][4])
        g1 = load_and_fire(2 * j0 + 1, bufs[1][0], bufs[1][1], bufs[1][2],
                           bufs[1][3], bufs[1][5])
        for cp in s0:
            cp.wait()

        @pl.when(j0 + 1 < n_pairs)
        def _():
            gn = load_and_fire(2 * j0 + 2, bufs[0][0], bufs[0][1],
                               bufs[0][2], bufs[0][3], bufs[0][5])
            for cp in g1:
                cp.wait()
            s1 = fire_scatters(bufs[1][1], bufs[1][2], bufs[1][4])
            for cp in s1:
                cp.wait()
            for cp in gn:
                cp.wait()

        @pl.when(j0 + 1 >= n_pairs)
        def _():
            for cp in g1:
                cp.wait()
            s1 = fire_scatters(bufs[1][1], bufs[1][2], bufs[1][4])
            for cp in s1:
                cp.wait()

        return carry

    lax.fori_loop(0, n_pairs, pair, 0)
    plsc.subcore_barrier()
    pltpu.sync_copy(acc.at[pl.ds(s * TILE_ROWS, TILE_ROWS)],
                    out_hbm.at[pl.ds(c * N_ACC + s * TILE_ROWS, TILE_ROWS)])


def _sc_seg16(q_flat, src2, dst2, zeros16):
    mesh = plsc.VectorSubcoreMesh(core_axis_name="c", subcore_axis_name="s")
    fn = pl.kernel(
        _seg16_body,
        out_type=jax.ShapeDtypeStruct((2 * N_ACC, 16), jnp.float32),
        mesh=mesh,
        compiler_params=pltpu.CompilerParams(use_tc_tiling_on_sc=False),
        scratch_types=[
            pltpu.VMEM((CHUNK_G, E_GROUP), jnp.int32),
            pltpu.VMEM((CHUNK_G, E_GROUP), jnp.int32),
            pltpu.VMEM((CHUNK_G * E_GROUP, 16), jnp.float32),
            pltpu.VMEM((CHUNK_G, E_GROUP), jnp.int32),
            pltpu.VMEM((CHUNK_G, E_GROUP), jnp.int32),
            pltpu.VMEM((CHUNK_G * E_GROUP, 16), jnp.float32),
            pltpu.VMEM_SHARED((N_ACC, 16), jnp.float32),
            pltpu.SemaphoreType.DMA,
            pltpu.SemaphoreType.DMA,
            pltpu.SemaphoreType.DMA,
            pltpu.SemaphoreType.DMA,
            pltpu.SemaphoreType.DMA,
            pltpu.SemaphoreType.DMA,
        ],
    )
    return fn(q_flat, src2, dst2, zeros16)


def _deg_body(dst_hbm, ones_hbm, zeros_hbm, out_hbm,
              didx, ones_v, acc, ssem):
    c = lax.axis_index("c")
    s = lax.axis_index("s")
    w = c * 16 + s
    n_groups = dst_hbm.shape[0]
    gpt = n_groups // 32
    n_chunks = gpt // CHUNK_G

    pltpu.sync_copy(zeros_hbm.at[pl.ds(0, TILE_ROWS)],
                    acc.at[pl.ds(s * TILE_ROWS, TILE_ROWS)])
    pltpu.sync_copy(ones_hbm, ones_v)
    plsc.subcore_barrier()

    def chunk(j, carry):
        gb = w * gpt + j * CHUNK_G
        pltpu.sync_copy(dst_hbm.at[pl.ds(gb, CHUNK_G)], didx)
        scps = [pltpu.async_copy(ones_v, acc.at[didx.at[g]], ssem, add=True)
                for g in range(CHUNK_G)]
        for cp in scps:
            cp.wait()
        return carry

    lax.fori_loop(0, n_chunks, chunk, 0)
    plsc.subcore_barrier()
    pltpu.sync_copy(acc.at[pl.ds(s * TILE_ROWS, TILE_ROWS)],
                    out_hbm.at[pl.ds(c * N_ACC + s * TILE_ROWS, TILE_ROWS)])


def _sc_deg(dst2, ones8, zeros8):
    mesh = plsc.VectorSubcoreMesh(core_axis_name="c", subcore_axis_name="s")
    fn = pl.kernel(
        _deg_body,
        out_type=jax.ShapeDtypeStruct((2 * N_ACC, 8), jnp.float32),
        mesh=mesh,
        compiler_params=pltpu.CompilerParams(use_tc_tiling_on_sc=False),
        scratch_types=[
            pltpu.VMEM((CHUNK_G, E_GROUP), jnp.int32),
            pltpu.VMEM((E_GROUP, 8), jnp.float32),
            pltpu.VMEM_SHARED((N_ACC, 8), jnp.float32),
            pltpu.SemaphoreType.DMA,
        ],
    )
    return fn(dst2, ones8, zeros8)



def _front_body(real_ref, cat_ref, w1a_ref, t1_ref, q1_ref):
    real = real_ref[...]
    cat = cat_ref[...]
    n_cat = t1_ref.shape[1]
    onehot = (cat == lax.broadcasted_iota(jnp.int32, (1, n_cat), 1)
              ).astype(jnp.float32)
    q1 = jnp.dot(real, w1a_ref[0], preferred_element_type=jnp.float32)
    q1 += jnp.dot(onehot, t1_ref[0], preferred_element_type=jnp.float32)
    q1_ref[...] = q1


def _front(real, cat, w1a_s, t1_s, blk):
    n = real.shape[0]
    nb = n // blk
    return pl.pallas_call(
        _front_body,
        grid=(2, nb),
        in_specs=[
            pl.BlockSpec((blk, real.shape[1]), lambda h, i: (i, 0)),
            pl.BlockSpec((blk, 1), lambda h, i: (i, 0)),
            pl.BlockSpec((1,) + w1a_s.shape[1:], lambda h, i: (h, 0, 0)),
            pl.BlockSpec((1,) + t1_s.shape[1:], lambda h, i: (h, 0, 0)),
        ],
        out_specs=pl.BlockSpec((blk, 16), lambda h, i: (h * nb + i, 0)),
        out_shape=jax.ShapeDtypeStruct((2 * n, 16), jnp.float32),
    )(real, cat, w1a_s, t1_s)


def _mid_body(lo_ref, hi_ref, d0_ref, d1_ref, b1_ref, w2_ref, q2_ref):
    agg = jnp.concatenate([lo_ref[...], hi_ref[...]], axis=1)
    deg = jnp.maximum(d0_ref[...][:, :1] + d1_ref[...][:, :1], 1.0)
    h1 = _lrelu(agg / deg + b1_ref[...])
    q2_ref[...] = jnp.dot(h1, w2_ref[0], preferred_element_type=jnp.float32)


def _mid(agg1, degp, b1, w2_s, blk):
    n = N_NODES
    nb = n // blk
    off = N_ACC // blk
    return pl.pallas_call(
        _mid_body,
        grid=(2, nb),
        in_specs=[
            pl.BlockSpec((blk, 16), lambda h, i: (i, 0)),
            pl.BlockSpec((blk, 16), lambda h, i: (i + off, 0)),
            pl.BlockSpec((blk, 8), lambda h, i: (i, 0)),
            pl.BlockSpec((blk, 8), lambda h, i: (i + off, 0)),
            pl.BlockSpec((1, b1.shape[1]), lambda h, i: (0, 0)),
            pl.BlockSpec((1,) + w2_s.shape[1:], lambda h, i: (h, 0, 0)),
        ],
        out_specs=pl.BlockSpec((blk, 16), lambda h, i: (h * nb + i, 0)),
        out_shape=jax.ShapeDtypeStruct((2 * n, 16), jnp.float32),
    )(agg1, agg1, degp, degp, b1, w2_s)


def _head_body(lo_ref, hi_ref, d0_ref, d1_ref, mask_ref, b2_ref,
               f1w_ref, f1b_ref, f2w_ref, f2b_ref, f3w_ref, f3b_ref,
               logits_ref, m_ref, s_ref, m_sc, s_sc):
    i = pl.program_id(0)

    @pl.when(i == 0)
    def _():
        m_sc[0] = -jnp.inf
        s_sc[0] = 0.0

    agg = jnp.concatenate([lo_ref[...], hi_ref[...]], axis=1)
    deg = jnp.maximum(d0_ref[...][:, :1] + d1_ref[...][:, :1], 1.0)
    embs = agg / deg + b2_ref[...]
    x = _lrelu(jnp.dot(embs, f1w_ref[...], preferred_element_type=jnp.float32)
               + f1b_ref[...])
    x = _lrelu(jnp.dot(x, f2w_ref[...], preferred_element_type=jnp.float32)
               + f2b_ref[...])
    logit = jnp.dot(x, f3w_ref[...], preferred_element_type=jnp.float32) \
        + f3b_ref[...]
    logit = jnp.where(mask_ref[...], logit, -jnp.inf)
    logits_ref[...] = logit

    blk_max = jnp.max(logit)
    m_old = m_sc[0]
    m_new = jnp.maximum(m_old, blk_max)
    scale = jnp.where(m_new == -jnp.inf, 0.0, jnp.exp(m_old - m_new))
    blk_sum = jnp.sum(jnp.where(logit == -jnp.inf, 0.0,
                                jnp.exp(logit - m_new)))
    s_sc[0] = s_sc[0] * scale + blk_sum
    m_sc[0] = m_new

    @pl.when(i == pl.num_programs(0) - 1)
    def _():
        m_ref[0, 0] = m_sc[0]
        s_ref[0, 0] = s_sc[0]


def _head(agg2, degp, mask, b2, f1w, f1b, f2w, f2b, f3w, f3b, blk):
    n = N_NODES
    off = N_ACC // blk
    return pl.pallas_call(
        _head_body,
        grid=(n // blk,),
        in_specs=[
            pl.BlockSpec((blk, 16), lambda i: (i, 0)),
            pl.BlockSpec((blk, 16), lambda i: (i + off, 0)),
            pl.BlockSpec((blk, 8), lambda i: (i, 0)),
            pl.BlockSpec((blk, 8), lambda i: (i + off, 0)),
            pl.BlockSpec((blk, 1), lambda i: (i, 0)),
            pl.BlockSpec((1, b2.shape[1]), lambda i: (0, 0)),
            pl.BlockSpec(f1w.shape, lambda i: (0, 0)),
            pl.BlockSpec((1, f1b.shape[1]), lambda i: (0, 0)),
            pl.BlockSpec(f2w.shape, lambda i: (0, 0)),
            pl.BlockSpec((1, f2b.shape[1]), lambda i: (0, 0)),
            pl.BlockSpec(f3w.shape, lambda i: (0, 0)),
            pl.BlockSpec((1, 1), lambda i: (0, 0)),
        ],
        out_specs=[
            pl.BlockSpec((blk, 1), lambda i: (i, 0)),
            pl.BlockSpec(memory_space=pltpu.SMEM),
            pl.BlockSpec(memory_space=pltpu.SMEM),
        ],
        out_shape=[
            jax.ShapeDtypeStruct((n, 1), jnp.float32),
            jax.ShapeDtypeStruct((1, 1), jnp.float32),
            jax.ShapeDtypeStruct((1, 1), jnp.float32),
        ],
        scratch_shapes=[pltpu.SMEM((1,), jnp.float32),
                        pltpu.SMEM((1,), jnp.float32)],
    )(agg2, agg2, degp, degp, mask, b2, f1w, f1b, f2w, f2b, f3w, f3b)


def _norm_body(logits_ref, m_ref, s_ref, probs_ref):
    logit = logits_ref[...]
    m = m_ref[0, 0]
    s = s_ref[0, 0]
    e = jnp.where(logit == -jnp.inf, 0.0, jnp.exp(logit - m))
    probs_ref[...] = e / s


def _norm(logits, m, s, blk):
    n = logits.shape[0]
    return pl.pallas_call(
        _norm_body,
        grid=(n // blk,),
        in_specs=[
            pl.BlockSpec((blk, 1), lambda i: (i, 0)),
            pl.BlockSpec(memory_space=pltpu.SMEM),
            pl.BlockSpec(memory_space=pltpu.SMEM),
        ],
        out_specs=pl.BlockSpec((blk, 1), lambda i: (i, 0)),
        out_shape=jax.ShapeDtypeStruct((n, 1), jnp.float32),
    )(logits, m, s)



def kernel(real_features, cat_features, edge_index, mask, emb_table,
           W1, b1, W2, b2, fc1_w, fc1_b, fc2_w, fc2_b, fc3_w, fc3_b):
    n = real_features.shape[0]
    r = real_features.shape[1]
    e = edge_index.shape[1]
    blk = N_BLOCK if n % N_BLOCK == 0 else n
    cat = cat_features.astype(jnp.int32)
    src = edge_index[0].astype(jnp.int32)
    dst = edge_index[1].astype(jnp.int32)

    grp = 32 * 2 * CHUNK_G * E_GROUP
    e_pad = ((e + grp - 1) // grp) * grp
    src_p = jnp.concatenate([src, jnp.zeros((e_pad - e,), jnp.int32)])
    dst_p = jnp.concatenate([dst, jnp.full((e_pad - e,), n, jnp.int32)])
    src2 = src_p.reshape(e_pad // E_GROUP, E_GROUP)
    dst2 = dst_p.reshape(e_pad // E_GROUP, E_GROUP)

    zeros16 = jnp.zeros((TILE_ROWS, 16), jnp.float32)
    zeros8 = jnp.zeros((TILE_ROWS, 8), jnp.float32)
    ones8 = jnp.ones((E_GROUP, 8), jnp.float32)

    t1 = emb_table @ W1[r:]
    w1a = W1[:r]
    w1a_s = jnp.stack([w1a[:, :16], w1a[:, 16:]])
    t1_s = jnp.stack([t1[:, :16], t1[:, 16:]])
    w2_s = jnp.stack([W2[:, :16], W2[:, 16:]])

    q1_flat = _front(real_features, cat, w1a_s, t1_s, blk)
    degp = _sc_deg(dst2, ones8, zeros8)
    agg1 = _sc_seg16(q1_flat, src2, dst2, zeros16)

    q2_flat = _mid(agg1, degp, b1[None, :], w2_s, blk)
    agg2 = _sc_seg16(q2_flat, src2, dst2, zeros16)

    logits, m, s = _head(agg2, degp, mask, b2[None, :],
                         fc1_w, fc1_b[None, :], fc2_w, fc2_b[None, :],
                         fc3_w, fc3_b[None, :], blk)
    probs = _norm(logits, m, s, blk)
    return probs[:, 0]

# --- scband reference (transcript-rebuilt; emitter-appended) ---
"""Pipeline reference for scband-policy-net-74148315398327 (READ-ONLY COPY).

The authoritative reference and input builder live on the scoring server;
editing this copy changes nothing except your own understanding.
"""

import jax, jax.numpy as jnp
import numpy as np

N = 100000
E = 3200000
REAL_DIM = 13
CAT_DIM = 64
CAT_EMB = 16
HID = 32
OUT = 32
POL = 32


def setup_inputs(seed: int = 0) -> dict:
    key = jax.random.key(seed)
    ks = jax.random.split(key, 16)
    inp = {}
    inp["real_features"] = jax.random.normal(ks[0], (N, REAL_DIM), dtype=jnp.float32)
    inp["cat_features"] = jax.random.randint(ks[1], (N, 1), 0, CAT_DIM, dtype=jnp.int64)
    inp["edge_index"] = jax.random.randint(ks[2], (2, E), 0, N, dtype=jnp.int64)
    inp["mask"] = jnp.ones((N, 1), dtype=bool)
    # GCN params: per init_weights -> normal(0, 0.1) weights, bias 0.1
    inp["emb_table"] = jax.random.normal(ks[3], (CAT_DIM, CAT_EMB), dtype=jnp.float32) * 0.1
    in_dim = REAL_DIM + CAT_EMB
    inp["W1"] = jax.random.normal(ks[4], (in_dim, HID), dtype=jnp.float32) * 0.1
    inp["b1"] = jnp.full((HID,), 0.1, dtype=jnp.float32)
    inp["W2"] = jax.random.normal(ks[5], (HID, OUT), dtype=jnp.float32) * 0.1
    inp["b2"] = jnp.full((OUT,), 0.1, dtype=jnp.float32)
    inp["fc1_w"] = jax.random.normal(ks[6], (OUT, POL), dtype=jnp.float32) * 0.1
    inp["fc1_b"] = jnp.full((POL,), 0.1, dtype=jnp.float32)
    inp["fc2_w"] = jax.random.normal(ks[7], (POL, POL), dtype=jnp.float32) * 0.1
    inp["fc2_b"] = jnp.full((POL,), 0.1, dtype=jnp.float32)
    inp["fc3_w"] = jax.random.normal(ks[8], (POL, 1), dtype=jnp.float32) * 0.1
    inp["fc3_b"] = jnp.full((1,), 0.1, dtype=jnp.float32)
    return inp


def reference(real_features, cat_features, edge_index, mask, emb_table, W1, b1, W2, b2, fc1_w, fc1_b, fc2_w, fc2_b, fc3_w, fc3_b):
    src = edge_index[0]
    dst = edge_index[1]
    # categorical embedding (gather) + concat with real features
    emb = jnp.take(emb_table, cat_features[:, 0], axis=0)
    h = jnp.concatenate([real_features, emb], axis=1)
    # mean-aggregation GCN layer 1
    deg = jax.ops.segment_sum(jnp.ones((E,), dtype=jnp.float32), dst, num_segments=N)
    deg = jnp.maximum(deg, 1.0)
    agg = jax.ops.segment_sum(jnp.take(h, src, axis=0), dst, num_segments=N) / deg[:, None]
    h1 = jax.nn.leaky_relu(agg @ W1 + b1)
    # mean-aggregation GCN layer 2
    agg2 = jax.ops.segment_sum(jnp.take(h1, src, axis=0), dst, num_segments=N) / deg[:, None]
    embs = agg2 @ W2 + b2
    # policy head
    x = jax.nn.leaky_relu(embs @ fc1_w + fc1_b)
    x = jax.nn.leaky_relu(x @ fc2_w + fc2_b)
    logits = x @ fc3_w + fc3_b  # [N, 1]
    mask_flat = mask[:, 0]
    masked_logits = jnp.where(mask_flat, logits[:, 0], -jnp.inf)
    probs = jax.nn.softmax(masked_logits, axis=0)
    return probs

if __name__ == "__main__":
    import jax
    _d = setup_inputs()
    print(jax.jit(kernel)(*tuple(_d.values())))

</pallas_src>

<mosaic_0001>
#map = affine_map<(d0, d1) -> (0, 0)>
module attributes {stable_mosaic.version = 14 : i64} {
  func.func @_seg16_body(%arg0: i32, %arg1: i32, %arg2: memref<200000x16xf32, #tpu.memory_space<hbm>>, %arg3: memref<25088x128xi32, #tpu.memory_space<hbm>>, %arg4: memref<25088x128xi32, #tpu.memory_space<hbm>>, %arg5: memref<6500x16xf32, #tpu.memory_space<hbm>>, %arg6: memref<208000x16xf32, #tpu.memory_space<hbm>>, %arg7: memref<4x128xi32, #tpu.memory_space<vmem>>, %arg8: memref<4x128xi32, #tpu.memory_space<vmem>>, %arg9: memref<512x16xf32, #tpu.memory_space<vmem>>, %arg10: memref<4x128xi32, #tpu.memory_space<vmem>>, %arg11: memref<4x128xi32, #tpu.memory_space<vmem>>, %arg12: memref<512x16xf32, #tpu.memory_space<vmem>>, %arg13: memref<104000x16xf32, #tpu.memory_space<vmem_shared>>, %arg14: memref<!tpu.dma_semaphore, #tpu.memory_space<semaphore_mem>>, %arg15: memref<!tpu.dma_semaphore, #tpu.memory_space<semaphore_mem>>, %arg16: memref<!tpu.dma_semaphore, #tpu.memory_space<semaphore_mem>>, %arg17: memref<!tpu.dma_semaphore, #tpu.memory_space<semaphore_mem>>, %arg18: memref<!tpu.dma_semaphore, #tpu.memory_space<semaphore_mem>>, %arg19: memref<!tpu.dma_semaphore, #tpu.memory_space<semaphore_mem>>) attributes {dimension_semantics = [#tpu.dimension_semantics<core_parallel>, #tpu.dimension_semantics<subcore_parallel>], iteration_bounds = array<i64: 2, 16>, scalar_prefetch = 0 : i64, scratch_operands = 13 : i64, tpu.core_type = #tpu.core_type<sc_vector_subcore>, window_params = [{transform_indices = #map}, {transform_indices = #map}, {transform_indices = #map}, {transform_indices = #map}, {transform_indices = #map}]} {
    %mul3A = arith.constant 6500 : i32
    %mul3A_0 = arith.muli %arg1, %mul3A : i32
    "tpu.region"() ({
      %run_scoped3A = tpu.sem_alloc : memref<!tpu.dma_semaphore, #tpu.memory_space<semaphore_mem>>
      %dma_start3A_527 = arith.constant 0 : i32
      %dma_start3A_528 = tpu.memref_slice %arg13[%mul3A_0, %dma_start3A_527] : memref<104000x16xf32, #tpu.memory_space<vmem_shared>> -> memref<6500x16xf32, #tpu.memory_space<vmem_shared>>
      %dma_start3A_529 = arith.constant 0 : i32
      %dma_start3A_530 = arith.constant 0 : i32
      %dma_start3A_531 = tpu.memref_slice %arg5[%dma_start3A_529, %dma_start3A_530] : memref<6500x16xf32, #tpu.memory_space<hbm>> -> memref<6500x16xf32, #tpu.memory_space<hbm>>
      tpu.enqueue_dma source(%dma_start3A_531 : memref<6500x16xf32, #tpu.memory_space<hbm>>) target(%dma_start3A_528 : memref<6500x16xf32, #tpu.memory_space<vmem_shared>>) target_semaphore(%run_scoped3A : memref<!tpu.dma_semaphore, #tpu.memory_space<semaphore_mem>>)
      %dma_wait3A_532 = arith.constant 0 : i32
      %dma_wait3A_533 = tpu.memref_slice %arg13[%mul3A_0, %dma_wait3A_532] : memref<104000x16xf32, #tpu.memory_space<vmem_shared>> -> memref<6500x16xf32, #tpu.memory_space<vmem_shared>>
      %dma_wait3A_534 = arith.constant 0 : i32
      %dma_wait3A_535 = arith.constant 0 : i32
      %dma_wait3A_536 = tpu.memref_slice %arg5[%dma_wait3A_534, %dma_wait3A_535] : memref<6500x16xf32, #tpu.memory_space<hbm>> -> memref<6500x16xf32, #tpu.memory_space<hbm>>
      tpu.wait_dma2 semaphore(%run_scoped3A : memref<!tpu.dma_semaphore, #tpu.memory_space<semaphore_mem>>) src(%dma_wait3A_536 : memref<6500x16xf32, #tpu.memory_space<hbm>>) dst(%dma_wait3A_533 : memref<6500x16xf32, #tpu.memory_space<vmem_shared>>)
      tpu.yield
    }) : () -> ()
    %barrier3A = arith.constant 0 : index
    tpu.barrier barrier_id(%barrier3A)
    %mul3A_1 = arith.constant 100000 : i32
    %mul3A_2 = arith.muli %arg0, %mul3A_1 : i32
    %mul3A_3 = arith.constant 1568 : i32
    %mul3A_4 = arith.muli %arg1, %mul3A_3 : i32
    %add3A = arith.constant 0 : i32
    %add3A_5 = arith.addi %mul3A_4, %add3A : i32
    %dma_start3A = arith.constant 0 : i32
    %dma_start3A_6 = tpu.memref_slice %arg3[%add3A_5, %dma_start3A] : memref<25088x128xi32, #tpu.memory_space<hbm>> -> memref<4x128xi32, #tpu.memory_space<hbm>>
    %dma_start3A_7 = arith.constant 0 : i32
    %dma_start3A_8 = tpu.memref_slice %arg3[%add3A_5, %dma_start3A_7] : memref<25088x128xi32, #tpu.memory_space<hbm>> -> memref<4x128xi32, #tpu.memory_space<hbm>>
    tpu.enqueue_dma source(%dma_start3A_8 : memref<4x128xi32, #tpu.memory_space<hbm>>) target(%arg7 : memref<4x128xi32, #tpu.memory_space<vmem>>) target_semaphore(%arg16 : memref<!tpu.dma_semaphore, #tpu.memory_space<semaphore_mem>>)
    %dma_start3A_9 = arith.constant 0 : i32
    %dma_start3A_10 = tpu.memref_slice %arg4[%add3A_5, %dma_start3A_9] : memref<25088x128xi32, #tpu.memory_space<hbm>> -> memref<4x128xi32, #tpu.memory_space<hbm>>
    %dma_start3A_11 = arith.constant 0 : i32
    %dma_start3A_12 = tpu.memref_slice %arg4[%add3A_5, %dma_start3A_11] : memref<25088x128xi32, #tpu.memory_space<hbm>> -> memref<4x128xi32, #tpu.memory_space<hbm>>
    tpu.enqueue_dma source(%dma_start3A_12 : memref<4x128xi32, #tpu.memory_space<hbm>>) target(%arg8 : memref<4x128xi32, #tpu.memory_space<vmem>>) target_semaphore(%arg16 : memref<!tpu.dma_semaphore, #tpu.memory_space<semaphore_mem>>)
    %dma_wait3A = arith.constant 0 : i32
    %dma_wait3A_13 = tpu.memref_slice %arg3[%add3A_5, %dma_wait3A] : memref<25088x128xi32, #tpu.memory_space<hbm>> -> memref<4x128xi32, #tpu.memory_space<hbm>>
    %dma_wait3A_14 = arith.constant 0 : i32
    %dma_wait3A_15 = tpu.memref_slice %arg3[%add3A_5, %dma_wait3A_14] : memref<25088x128xi32, #tpu.memory_space<hbm>> -> memref<4x128xi32, #tpu.memory_space<hbm>>
    tpu.wait_dma2 semaphore(%arg16 : memref<!tpu.dma_semaphore, #tpu.memory_space<semaphore_mem>>) src(%dma_wait3A_15 : memref<4x128xi32, #tpu.memory_space<hbm>>) dst(%arg7 : memref<4x128xi32, #tpu.memory_space<vmem>>)
    %dma_wait3A_16 = arith.constant 0 : i32
    %dma_wait3A_17 = tpu.memref_slice %arg4[%add3A_5, %dma_wait3A_16] : memref<25088x128xi32, #tpu.memory_space<hbm>> -> memref<4x128xi32, #tpu.memory_space<hbm>>
    %dma_wait3A_18 = arith.constant 0 : i32
    %dma_wait3A_19 = tpu.memref_slice %arg4[%add3A_5, %dma_wait3A_18] : memref<25088x128xi32, #tpu.memory_space<hbm>> -> memref<4x128xi32, #tpu.memory_space<hbm>>
    tpu.wait_dma2 semaphore(%arg16 : memref<!tpu.dma_semaphore, #tpu.memory_space<semaphore_mem>>) src(%dma_wait3A_19 : memref<4x128xi32, #tpu.memory_space<hbm>>) dst(%arg8 : memref<4x128xi32, #tpu.memory_space<vmem>>)
    %get3A = arith.constant 0 : i32
    %get3A_20 = arith.index_cast %get3A : i32 to index
    %get3A_21 = arith.constant 0 : index
    %get3A_22 = tpu.vector_load %arg7[%get3A_20, %get3A_21] {strides = array<i32>} : memref<4x128xi32, #tpu.memory_space<vmem>>, vector<1x16xi32>,
    %get3A_23 = vector.shape_cast %get3A_22 : vector<1x16xi32> to vector<16xi32>
    %add3A_24 = vector.broadcast %mul3A_2 : i32 to vector<16xi32>
    %add3A_25 = arith.addi %get3A_23, %add3A_24 : vector<16xi32>
    %swap3A = arith.constant 0 : i32
    %swap3A_26 = arith.index_cast %swap3A : i32 to index
    %swap3A_27 = arith.constant 0 : index
    %swap3A_28 = tpu.vector_load %arg7[%swap3A_26, %swap3A_27] {strides = array<i32>} : memref<4x128xi32, #tpu.memory_space<vmem>>, vector<1x16xi32>,
    %swap3A_29 = vector.shape_cast %swap3A_28 : vector<1x16xi32> to vector<16xi32>
    %swap3A_30 = vector.shape_cast %add3A_25 : vector<16xi32> to vector<1x16xi32>
    tpu.vector_store %arg7[%swap3A_26, %swap3A_27], %swap3A_30 {strides = array<i32>} : memref<4x128xi32, #tpu.memory_space<vmem>>, vector<1x16xi32>,
    %get3A_31 = arith.constant 0 : i32
    %get3A_32 = arith.index_cast %get3A_31 : i32 to index
    %get3A_33 = arith.constant 16 : index
    %get3A_34 = tpu.vector_load %arg7[%get3A_32, %get3A_33] {strides = array<i32>} : memref<4x128xi32, #tpu.memory_space<vmem>>, vector<1x16xi32>,
    %get3A_35 = vector.shape_cast %get3A_34 : vector<1x16xi32> to vector<16xi32>
    %add3A_36 = vector.broadcast %mul3A_2 : i32 to vector<16xi32>
    %add3A_37 = arith.addi %get3A_35, %add3A_36 : vector<16xi32>
    %swap3A_38 = arith.constant 0 : i32
    %swap3A_39 = arith.index_cast %swap3A_38 : i32 to index
    %swap3A_40 = arith.constant 16 : index
    %swap3A_41 = tpu.vector_load %arg7[%swap3A_39, %swap3A_40] {strides = array<i32>} : memref<4x128xi32, #tpu.memory_space<vmem>>, vector<1x16xi32>,
    %swap3A_42 = vector.shape_cast %swap3A_41 : vector<1x16xi32> to vector<16xi32>
    %swap3A_43 = vector.shape_cast %add3A_37 : vector<16xi32> to vector<1x16xi32>
    tpu.vector_store %arg7[%swap3A_39, %swap3A_40], %swap3A_43 {strides = array<i32>} : memref<4x128xi32, #tpu.memory_space<vmem>>, vector<1x16xi32>,
    %get3A_44 = arith.constant 0 : i32
    %get3A_45 = arith.index_cast %get3A_44 : i32 to index
    %get3A_46 = arith.constant 32 : index
    %get3A_47 = tpu.vector_load %arg7[%get3A_45, %get3A_46] {strides = array<i32>} : memref<4x128xi32, #tpu.memory_space<vmem>>, vector<1x16xi32>,
    %get3A_48 = vector.shape_cast %get3A_47 : vector<1x16xi32> to vector<16xi32>
    %add3A_49 = vector.broadcast %mul3A_2 : i32 to vector<16xi32>
    %add3A_50 = arith.addi %get3A_48, %add3A_49 : vector<16xi32>
    %swap3A_51 = arith.constant 0 : i32
    %swap3A_52 = arith.index_cast %swap3A_51 : i32 to index
    %swap3A_53 = arith.constant 32 : index
    %swap3A_54 = tpu.vector_load %arg7[%swap3A_52, %swap3A_53] {strides = array<i32>} : memref<4x128xi32, #tpu.memory_space<vmem>>, vector<1x16xi32>,
    %swap3A_55 = vector.shape_cast %swap3A_54 : vector<1x16xi32> to vector<16xi32>
    %swap3A_56 = vector.shape_cast %add3A_50 : vector<16xi32> to vector<1x16xi32>
    tpu.vector_store %arg7[%swap3A_52, %swap3A_53], %swap3A_56 {strides = array<i32>} : memref<4x128xi32, #tpu.memory_space<vmem>>, vector<1x16xi32>,
    %get3A_57 = arith.constant 0 : i32
    %get3A_58 = arith.index_cast %get3A_57 : i32 to index
    %get3A_59 = arith.constant 48 : index
    %get3A_60 = tpu.vector_load %arg7[%get3A_58, %get3A_59] {strides = array<i32>} : memref<4x128xi32, #tpu.memory_space<vmem>>, vector<1x16xi32>,
    %get3A_61 = vector.shape_cast %get3A_60 : vector<1x16xi32> to vector<16xi32>
    %add3A_62 = vector.broadcast %mul3A_2 : i32 to vector<16xi32>
    %add3A_63 = arith.addi %get3A_61, %add3A_62 : vector<16xi32>
    %swap3A_64 = arith.constant 0 : i32
    %swap3A_65 = arith.index_cast %swap3A_64 : i32 to index
    %swap3A_66 = arith.constant 48 : index
    %swap3A_67 = tpu.vector_load %arg7[%swap3A_65, %swap3A_66] {strides = array<i32>} : memref<4x128xi32, #tpu.memory_space<vmem>>, vector<1x16xi32>,
    %swap3A_68 = vector.shape_cast %swap3A_67 : vector<1x16xi32> to vector<16xi32>
    %swap3A_69 = vector.shape_cast %add3A_63 : vector<16xi32> to vector<1x16xi32>
    tpu.vector_store %arg7[%swap3A_65, %swap3A_66], %swap3A_69 {strides = array<i32>} : memref<4x128xi32, #tpu.memory_space<vmem>>, vector<1x16xi32>,
    %get3A_70 = arith.constant 0 : i32
    %get3A_71 = arith.index_cast %get3A_70 : i32 to index
    %get3A_72 = arith.constant 64 : index
    %get3A_73 = tpu.vector_load %arg7[%get3A_71, %get3A_72] {strides = array<i32>} : memref<4x128xi32, #tpu.memory_space<vmem>>, vector<1x16xi32>,
    %get3A_74 = vector.shape_cast %get3A_73 : vector<1x16xi32> to vector<16xi32>
    %add3A_75 = vector.broadcast %mul3A_2 : i32 to vector<16xi32>
    %add3A_76 = arith.addi %get3A_74, %add3A_75 : vector<16xi32>
    %swap3A_77 = arith.constant 0 : i32
    %swap3A_78 = arith.index_cast %swap3A_77 : i32 to index
    %swap3A_79 = arith.constant 64 : index
    %swap3A_80 = tpu.vector_load %arg7[%swap3A_78, %swap3A_79] {strides = array<i32>} : memref<4x128xi32, #tpu.memory_space<vmem>>, vector<1x16xi32>,
    %swap3A_81 = vector.shape_cast %swap3A_80 : vector<1x16xi32> to vector<16xi32>
    %swap3A_82 = vector.shape_cast %add3A_76 : vector<16xi32> to vector<1x16xi32>
    tpu.vector_store %arg7[%swap3A_78, %swap3A_79], %swap3A_82 {strides = array<i32>} : memref<4x128xi32, #tpu.memory_space<vmem>>, vector<1x16xi32>,
    %get3A_83 = arith.constant 0 : i32
    %get3A_84 = arith.index_cast %get3A_83 : i32 to index
    %get3A_85 = arith.constant 80 : index
    %get3A_86 = tpu.vector_load %arg7[%get3A_84, %get3A_85] {strides = array<i32>} : memref<4x128xi32, #tpu.memory_space<vmem>>, vector<1x16xi32>,
    %get3A_87 = vector.shape_cast %get3A_86 : vector<1x16xi32> to vector<16xi32>
    %add3A_88 = vector.broadcast %mul3A_2 : i32 to vector<16xi32>
    %add3A_89 = arith.addi %get3A_87, %add3A_88 : vector<16xi32>
    %swap3A_90 = arith.constant 0 : i32
    %swap3A_91 = arith.index_cast %swap3A_90 : i32 to index
    %swap3A_92 = arith.constant 80 : index
    %swap3A_93 = tpu.vector_load %arg7[%swap3A_91, %swap3A_92] {strides = array<i32>} : memref<4x128xi32, #tpu.memory_space<vmem>>, vector<1x16xi32>,
    %swap3A_94 = vector.shape_cast %swap3A_93 : vector<1x16xi32> to vector<16xi32>
    %swap3A_95 = vector.shape_cast %add3A_89 : vector<16xi32> to vector<1x16xi32>
    tpu.vector_store %arg7[%swap3A_91, %swap3A_92], %swap3A_95 {strides = array<i32>} : memref<4x128xi32, #tpu.memory_space<vmem>>, vector<1x16xi32>,
    %get3A_96 = arith.constant 0 : i32
    %get3A_97 = arith.index_cast %get3A_96 : i32 to index
    %get3A_98 = arith.constant 96 : index
    %get3A_99 = tpu.vector_load %arg7[%get3A_97, %get3A_98] {strides = array<i32>} : memref<4x128xi32, #tpu.memory_space<vmem>>, vector<1x16xi32>,
    %get3A_100 = vector.shape_cast %get3A_99 : vector<1x16xi32> to vector<16xi32>
    %add3A_101 = vector.broadcast %mul3A_2 : i32 to vector<16xi32>
    %add3A_102 = arith.addi %get3A_100, %add3A_101 : vector<16xi32>
    %swap3A_103 = arith.constant 0 : i32
    %swap3A_104 = arith.index_cast %swap3A_103 : i32 to index
    %swap3A_105 = arith.constant 96 : index
    %swap3A_106 = tpu.vector_load %arg7[%swap3A_104, %swap3A_105] {strides = array<i32>} : memref<4x128xi32, #tpu.memory_space<vmem>>, vector<1x16xi32>,
    %swap3A_107 = vector.shape_cast %swap3A_106 : vector<1x16xi32> to vector<16xi32>
    %swap3A_108 = vector.shape_cast %add3A_102 : vector<16xi32> to vector<1x16xi32>
    tpu.vector_store %arg7[%swap3A_104, %swap3A_105], %swap3A_108 {strides = array<i32>} : memref<4x128xi32, #tpu.memory_space<vmem>>, vector<1x16xi32>,
    %get3A_109 = arith.constant 0 : i32
    %get3A_110 = arith.index_cast %get3A_109 : i32 to index
    %get3A_111 = arith.constant 112 : index
    %get3A_112 = tpu.vector_load %arg7[%get3A_110, %get3A_111] {strides = array<i32>} : memref<4x128xi32, #tpu.memory_space<vmem>>, vector<1x16xi32>,
    %get3A_113 = vector.shape_cast %get3A_112 : vector<1x16xi32> to vector<16xi32>
    %add3A_114 = vector.broadcast %mul3A_2 : i32 to vector<16xi32>
    %add3A_115 = arith.addi %get3A_113, %add3A_114 : vector<16xi32>
    %swap3A_116 = arith.constant 0 : i32
    %swap3A_117 = arith.index_cast %swap3A_116 : i32 to index
    %swap3A_118 = arith.constant 112 : index
    %swap3A_119 = tpu.vector_load %arg7[%swap3A_117, %swap3A_118] {strides = array<i32>} : memref<4x128xi32, #tpu.memory_space<vmem>>, vector<1x16xi32>,
    %swap3A_120 = vector.shape_cast %swap3A_119 : vector<1x16xi32> to vector<16xi32>
    %swap3A_121 = vector.shape_cast %add3A_115 : vector<16xi32> to vector<1x16xi32>
    tpu.vector_store %arg7[%swap3A_117, %swap3A_118], %swap3A_121 {strides = array<i32>} : memref<4x128xi32, #tpu.memory_space<vmem>>, vector<1x16xi32>,
    %get3A_122 = arith.constant 1 : i32
    %get3A_123 = arith.index_cast %get3A_122 : i32 to index
    %get3A_124 = arith.constant 0 : index
    %get3A_125 = tpu.vector_load %arg7[%get3A_123, %get3A_124] {strides = array<i32>} : memref<4x128xi32, #tpu.memory_space<vmem>>, vector<1x16xi32>,
    %get3A_126 = vector.shape_cast %get3A_125 : vector<1x16xi32> to vector<16xi32>
    %add3A_127 = vector.broadcast %mul3A_2 : i32 to vector<16xi32>
    %add3A_128 = arith.addi %get3A_126, %add3A_127 : vector<16xi32>
    %swap3A_129 = arith.constant 1 : i32
    %swap3A_130 = arith.index_cast %swap3A_129 : i32 to index
    %swap3A_131 = arith.constant 0 : index
    %swap3A_132 = tpu.vector_load %arg7[%swap3A_130, %swap3A_131] {strides = array<i32>} : memref<4x128xi32, #tpu.memory_space<vmem>>, vector<1x16xi32>,
    %swap3A_133 = vector.shape_cast %swap3A_132 : vector<1x16xi32> to vector<16xi32>
    %swap3A_134 = vector.shape_cast %add3A_128 : vector<16xi32> to vector<1x16xi32>
    tpu.vector_store %arg7[%swap3A_130, %swap3A_131], %swap3A_134 {strides = array<i32>} : memref<4x128xi32, #tpu.memory_space<vmem>>, vector<1x16xi32>,
    %get3A_135 = arith.constant 1 : i32
    %get3A_136 = arith.index_cast %get3A_135 : i32 to index
    %get3A_137 = arith.constant 16 : index
    %get3A_138 = tpu.vector_load %arg7[%get3A_136, %get3A_137] {strides = array<i32>} : memref<4x128xi32, #tpu.memory_space<vmem>>, vector<1x16xi32>,
    %get3A_139 = vector.shape_cast %get3A_138 : vector<1x16xi32> to vector<16xi32>
    %add3A_140 = vector.broadcast %mul3A_2 : i32 to vector<16xi32>
    %add3A_141 = arith.addi %get3A_139, %add3A_140 : vector<16xi32>
    %swap3A_142 = arith.constant 1 : i32
    %swap3A_143 = arith.index_cast %swap3A_142 : i32 to index
    %swap3A_144 = arith.constant 16 : index
    %swap3A_145 = tpu.vector_load %arg7[%swap3A_143, %swap3A_144] {strides = array<i32>} : memref<4x128xi32, #tpu.memory_space<vmem>>, vector<1x16xi32>,
    %swap3A_146 = vector.shape_cast %swap3A_145 : vector<1x16xi32> to vector<16xi32>
    %swap3A_147 = vector.shape_cast %add3A_141 : vector<16xi32> to vector<1x16xi32>
    tpu.vector_store %arg7[%swap3A_143, %swap3A_144], %swap3A_147 {strides = array<i32>} : memref<4x128xi32, #tpu.memory_space<vmem>>, vector<1x16xi32>,
    %get3A_148 = arith.constant 1 : i32
    %get3A_149 = arith.index_cast %get3A_148 : i32 to index
    %get3A_150 = arith.constant 32 : index
    %get3A_151 = tpu.vector_load %arg7[%get3A_149, %get3A_150] {strides = array<i32>} : memref<4x128xi32, #tpu.memory_space<vmem>>, vector<1x16xi32>,
    %get3A_152 = vector.shape_cast %get3A_151 : vector<1x16xi32> to vector<16xi32>
    %add3A_153 = vector.broadcast %mul3A_2 : i32 to vector<16xi32>
    %add3A_154 = arith.addi %get3A_152, %add3A_153 : vector<16xi32>
    %swap3A_155 = arith.constant 1 : i32
    %swap3A_156 = arith.index_cast %swap3A_155 : i32 to index
    %swap3A_157 = arith.constant 32 : index
    %swap3A_158 = tpu.vector_load %arg7[%swap3A_156, %swap3A_157] {strides = array<i32>} : memref<4x128xi32, #tpu.memory_space<vmem>>, vector<1x16xi32>,
    %swap3A_159 = vector.shape_cast %swap3A_158 : vector<1x16xi32> to vector<16xi32>
    %swap3A_160 = vector.shape_cast %add3A_154 : vector<16xi32> to vector<1x16xi32>
    tpu.vector_store %arg7[%swap3A_156, %swap3A_157], %swap3A_160 {strides = array<i32>} : memref<4x128xi32, #tpu.memory_space<vmem>>, vector<1x16xi32>,
    %get3A_161 = arith.constant 1 : i32
    %get3A_162 = arith.index_cast %get3A_161 : i32 to index
    %get3A_163 = arith.constant 48 : index
    %get3A_164 = tpu.vector_load %arg7[%get3A_162, %get3A_163] {strides = array<i32>} : memref<4x128xi32, #tpu.memory_space<vmem>>, vector<1x16xi32>,
    %get3A_165 = vector.shape_cast %get3A_164 : vector<1x16xi32> to vector<16xi32>
    %add3A_166 = vector.broadcast %mul3A_2 : i32 to vector<16xi32>
    %add3A_167 = arith.addi %get3A_165, %add3A_166 : vector<16xi32>
    %swap3A_168 = arith.constant 1 : i32
    %swap3A_169 = arith.index_cast %swap3A_168 : i32 to index
    %swap3A_170 = arith.constant 48 : index
    %swap3A_171 = tpu.vector_load %arg7[%swap3A_169, %swap3A_170] {strides = array<i32>} : memref<4x128xi32, #tpu.memory_space<vmem>>, vector<1x16xi32>,
    %swap3A_172 = vector.shape_cast %swap3A_171 : vector<1x16xi32> to vector<16xi32>
    %swap3A_173 = vector.shape_cast %add3A_167 : vector<16xi32> to vector<1x16xi32>
    tpu.vector_store %arg7[%swap3A_169, %swap3A_170], %swap3A_173 {strides = array<i32>} : memref<4x128xi32, #tpu.memory_space<vmem>>, vector<1x16xi32>,
    %get3A_174 = arith.constant 1 : i32
    %get3A_175 = arith.index_cast %get3A_174 : i32 to index
    %get3A_176 = arith.constant 64 : index
    %get3A_177 = tpu.vector_load %arg7[%get3A_175, %get3A_176] {strides = array<i32>} : memref<4x128xi32, #tpu.memory_space<vmem>>, vector<1x16xi32>,
    %get3A_178 = vector.shape_cast %get3A_177 : vector<1x16xi32> to vector<16xi32>
    %add3A_179 = vector.broadcast %mul3A_2 : i32 to vector<16xi32>
    %add3A_180 = arith.addi %get3A_178, %add3A_179 : vector<16xi32>
    %swap3A_181 = arith.constant 1 : i32
    %swap3A_182 = arith.index_cast %swap3A_181 : i32 to index
    %swap3A_183 = arith.constant 64 : index
    %swap3A_184 = tpu.vector_load %arg7[%swap3A_182, %swap3A_183] {strides = array<i32>} : memref<4x128xi32, #tpu.memory_space<vmem>>, vector<1x16xi32>,
    %swap3A_185 = vector.shape_cast %swap3A_184 : vector<1x16xi32> to vector<16xi32>
    %swap3A_186 = vector.shape_cast %add3A_180 : vector<16xi32> to vector<1x16xi32>
    tpu.vector_store %arg7[%swap3A_182, %swap3A_183], %swap3A_186 {strides = array<i32>} : memref<4x128xi32, #tpu.memory_space<vmem>>, vector<1x16xi32>,
    %get3A_187 = arith.constant 1 : i32
    %get3A_188 = arith.index_cast %get3A_187 : i32 to index
    %get3A_189 = arith.constant 80 : index
    %get3A_190 = tpu.vector_load %arg7[%get3A_188, %get3A_189] {strides = array<i32>} : memref<4x128xi32, #tpu.memory_space<vmem>>, vector<1x16xi32>,
    %get3A_191 = vector.shape_cast %get3A_190 : vector<1x16xi32> to vector<16xi32>
    %add3A_192 = vector.broadcast %mul3A_2 : i32 to vector<16xi32>
    %add3A_193 = arith.addi %get3A_191, %add3A_192 : vector<16xi32>
    %swap3A_194 = arith.constant 1 : i32
    %swap3A_195 = arith.index_cast %swap3A_194 : i32 to index
    %swap3A_196 = arith.constant 80 : index
    %swap3A_197 = tpu.vector_load %arg7[%swap3A_195, %swap3A_196] {strides = array<i32>} : memref<4x128xi32, #tpu.memory_space<vmem>>, vector<1x16xi32>,
    %swap3A_198 = vector.shape_cast %swap3A_197 : vector<1x16xi32> to vector<16xi32>
    %swap3A_199 = vector.shape_cast %add3A_193 : vector<16xi32> to vector<1x16xi32>
    tpu.vector_store %arg7[%swap3A_195, %swap3A_196], %swap3A_199 {strides = array<i32>} : memref<4x128xi32, #tpu.memory_space<vmem>>, vector<1x16xi32>,
    %get3A_200 = arith.constant 1 : i32
    %get3A_201 = arith.index_cast %get3A_200 : i32 to index
    %get3A_202 = arith.constant 96 : index
    %get3A_203 = tpu.vector_load %arg7[%get3A_201, %get3A_202] {strides = array<i32>} : memref<4x128xi32, #tpu.memory_space<vmem>>, vector<1x16xi32>,
    %get3A_204 = vector.shape_cast %get3A_203 : vector<1x16xi32> to vector<16xi32>
    %add3A_205 = vector.broadcast %mul3A_2 : i32 to vector<16xi32>
    %add3A_206 = arith.addi %get3A_204, %add3A_205 : vector<16xi32>
    %swap3A_207 = arith.constant 1 : i32
    %swap3A_208 = arith.index_cast %swap3A_207 : i32 to index
    %swap3A_209 = arith.constant 96 : index
    %swap3A_210 = tpu.vector_load %arg7[%swap3A_208, %swap3A_209] {strides = array<i32>} : memref<4x128xi32, #tpu.memory_space<vmem>>, vector<1x16xi32>,
    %swap3A_211 = vector.shape_cast %swap3A_210 : vector<1x16xi32> to vector<16xi32>
    %swap3A_212 = vector.shape_cast %add3A_206 : vector<16xi32> to vector<1x16xi32>
    tpu.vector_store %arg7[%swap3A_208, %swap3A_209], %swap3A_212 {strides = array<i32>} : memref<4x128xi32, #tpu.memory_space<vmem>>, vector<1x16xi32>,
    %get3A_213 = arith.constant 1 : i32
    %get3A_214 = arith.index_cast %get3A_213 : i32 to index
    %get3A_215 = arith.constant 112 : index
    %get3A_216 = tpu.vector_load %arg7[%get3A_214, %get3A_215] {strides = array<i32>} : memref<4x128xi32, #tpu.memory_space<vmem>>, vector<1x16xi32>,
    %get3A_217 = vector.shape_cast %get3A_216 : vector<1x16xi32> to vector<16xi32>
    %add3A_218 = vector.broadcast %mul3A_2 : i32 to vector<16xi32>
    %add3A_219 = arith.addi %get3A_217, %add3A_218 : vector<16xi32>
    %swap3A_220 = arith.constant 1 : i32
    %swap3A_221 = arith.index_cast %swap3A_220 : i32 to index
    %swap3A_222 = arith.constant 112 : index
    %swap3A_223 = tpu.vector_load %arg7[%swap3A_221, %swap3A_222] {strides = array<i32>} : memref<4x128xi32, #tpu.memory_space<vmem>>, vector<1x16xi32>,
    %swap3A_224 = vector.shape_cast %swap3A_223 : vector<1x16xi32> to vector<16xi32>
    %swap3A_225 = vector.shape_cast %add3A_219 : vector<16xi32> to vector<1x16xi32>
    tpu.vector_store %arg7[%swap3A_221, %swap3A_222], %swap3A_225 {strides = array<i32>} : memref<4x128xi32, #tpu.memory_space<vmem>>, vector<1x16xi32>,
    %get3A_226 = arith.constant 2 : i32
    %get3A_227 = arith.index_cast %get3A_226 : i32 to index
    %get3A_228 = arith.constant 0 : index
    %get3A_229 = tpu.vector_load %arg7[%get3A_227, %get3A_228] {strides = array<i32>} : memref<4x128xi32, #tpu.memory_space<vmem>>, vector<1x16xi32>,
    %get3A_230 = vector.shape_cast %get3A_229 : vector<1x16xi32> to vector<16xi32>
    %add3A_231 = vector.broadcast %mul3A_2 : i32 to vector<16xi32>
    %add3A_232 = arith.addi %get3A_230, %add3A_231 : vector<16xi32>
    %swap3A_233 = arith.constant 2 : i32
    %swap3A_234 = arith.index_cast %swap3A_233 : i32 to index
    %swap3A_235 = arith.constant 0 : index
    %swap3A_236 = tpu.vector_load %arg7[%swap3A_234, %swap3A_235] {strides = array<i32>} : memref<4x128xi32, #tpu.memory_space<vmem>>, vector<1x16xi32>,
    %swap3A_237 = vector.shape_cast %swap3A_236 : vector<1x16xi32> to vector<16xi32>
    %swap3A_238 = vector.shape_cast %add3A_232 : vector<16xi32> to vector<1x16xi32>
    tpu.vector_store %arg7[%swap3A_234, %swap3A_235], %swap3A_238 {strides = array<i32>} : memref<4x128xi32, #tpu.memory_space<vmem>>, vector<1x16xi32>,
    %get3A_239 = arith.constant 2 : i32
    %get3A_240 = arith.index_cast %get3A_239 : i32 to index
    %get3A_241 = arith.constant 16 : index
    %get3A_242 = tpu.vector_load %arg7[%get3A_240, %get3A_241] {strides = array<i32>} : memref<4x128xi32, #tpu.memory_space<vmem>>, vector<1x16xi32>,
    %get3A_243 = vector.shape_cast %get3A_242 : vector<1x16xi32> to vector<16xi32>
    %add3A_244 = vector.broadcast %mul3A_2 : i32 to vector<16xi32>
    %add3A_245 = arith.addi %get3A_243, %add3A_244 : vector<16xi32>
    %swap3A_246 = arith.constant 2 : i32
    %swap3A_247 = arith.index_cast %swap3A_246 : i32 to index
    %swap3A_248 = arith.constant 16 : index
    %swap3A_249 = tpu.vector_load %arg7[%swap3A_247, %swap3A_248] {strides = array<i32>} : memref<4x128xi32, #tpu.memory_space<vmem>>, vector<1x16xi32>,
    %swap3A_250 = vector.shape_cast %swap3A_249 : vector<1x16xi32> to vector<16xi32>
    %swap3A_251 = vector.shape_cast %add3A_245 : vector<16xi32> to vector<1x16xi32>
    tpu.vector_store %arg7[%swap3A_247, %swap3A_248], %swap3A_251 {strides = array<i32>} : memref<4x128xi32, #tpu.memory_space<vmem>>, vector<1x16xi32>,
    %get3A_252 = arith.constant 2 : i32
    %get3A_253 = arith.index_cast %get3A_252 : i32 to index
    %get3A_254 = arith.constant 32 : index
    %get3A_255 = tpu.vector_load %arg7[%get3A_253, %get3A_254] {strides = array<i32>} : memref<4x128xi32, #tpu.memory_space<vmem>>, vector<1x16xi32>,
    %get3A_256 = vector.shape_cast %get3A_255 : vector<1x16xi32> to vector<16xi32>
    %add3A_257 = vector.broadcast %mul3A_2 : i32 to vector<16xi32>
    %add3A_258 = arith.addi %get3A_256, %add3A_257 : vector<16xi32>
    %swap3A_259 = arith.constant 2 : i32
    %swap3A_260 = arith.index_cast %swap3A_259 : i32 to index
    %swap3A_261 = arith.constant 32 : index
    %swap3A_262 = tpu.vector_load %arg7[%swap3A_260, %swap3A_261] {strides = array<i32>} : memref<4x128xi32, #tpu.memory_space<vmem>>, vector<1x16xi32>,
    %swap3A_263 = vector.shape_cast %swap3A_262 : vector<1x16xi32> to vector<16xi32>
    %swap3A_264 = vector.shape_cast %add3A_258 : vector<16xi32> to vector<1x16xi32>
    tpu.vector_store %arg7[%swap3A_260, %swap3A_261], %swap3A_264 {strides = array<i32>} : memref<4x128xi32, #tpu.memory_space<vmem>>, vector<1x16xi32>,
    %get3A_265 = arith.constant 2 : i32
    %get3A_266 = arith.index_cast %get3A_265 : i32 to index
    %get3A_267 = arith.constant 48 : index
    %get3A_268 = tpu.vector_load %arg7[%get3A_266, %get3A_267] {strides = array<i32>} : memref<4x128xi32, #tpu.memory_space<vmem>>, vector<1x16xi32>,
    %get3A_269 = vector.shape_cast %get3A_268 : vector<1x16xi32> to vector<16xi32>
    %add3A_270 = vector.broadcast %mul3A_2 : i32 to vector<16xi32>
    %add3A_271 = arith.addi %get3A_269, %add3A_270 : vector<16xi32>
    %swap3A_272 = arith.constant 2 : i32
    %swap3A_273 = arith.index_cast %swap3A_272 : i32 to index
    %swap3A_274 = arith.constant 48 : index
    %swap3A_275 = tpu.vector_load %arg7[%swap3A_273, %swap3A_274] {strides = array<i32>} : memref<4x128xi32, #tpu.memory_space<vmem>>, vector<1x16xi32>,
    %swap3A_276 = vector.shape_cast %swap3A_275 : vector<1x16xi32> to vector<16xi32>
    %swap3A_277 = vector.shape_cast %add3A_271 : vector<16xi32> to vector<1x16xi32>
    tpu.vector_store %arg7[%swap3A_273, %swap3A_274], %swap3A_277 {strides = array<i32>} : memref<4x128xi32, #tpu.memory_space<vmem>>, vector<1x16xi32>,
    %get3A_278 = arith.constant 2 : i32
    %get3A_279 = arith.index_cast %get3A_278 : i32 to index
    %get3A_280 = arith.constant 64 : index
    %get3A_281 = tpu.vector_load %arg7[%get3A_279, %get3A_280] {strides = array<i32>} : memref<4x128xi32, #tpu.memory_space<vmem>>, vector<1x16xi32>,
    %get3A_282 = vector.shape_cast %get3A_281 : vector<1x16xi32> to vector<16xi32>
    %add3A_283 = vector.broadcast %mul3A_2 : i32 to vector<16xi32>
    %add3A_284 = arith.addi %get3A_282, %add3A_283 : vector<16xi32>
    %swap3A_285 = arith.constant 2 : i32
    %swap3A_286 = arith.index_cast %swap3A_285 : i32 to index
    %swap3A_287 = arith.constant 64 : index
    %swap3A_288 = tpu.vector_load %arg7[%swap3A_286, %swap3A_287] {strides = array<i32>} : memref<4x128xi32, #tpu.memory_space<vmem>>, vector<1x16xi32>,
    %swap3A_289 = vector.shape_cast %swap3A_288 : vector<1x16xi32> to vector<16xi32>
    %swap3A_290 = vector.shape_cast %add3A_284 : vector<16xi32> to vector<1x16xi32>
    tpu.vector_store %arg7[%swap3A_286, %swap3A_287], %swap3A_290 {strides = array<i32>} : memref<4x128xi32, #tpu.memory_space<vmem>>, vector<1x16xi32>,
    %get3A_291 = arith.constant 2 : i32
    %get3A_292 = arith.index_cast %get3A_291 : i32 to index
    %get3A_293 = arith.constant 80 : index
    %get3A_294 = tpu.vector_load %arg7[%get3A_292, %get3A_293] {strides = array<i32>} : memref<4x128xi32, #tpu.memory_space<vmem>>, vector<1x16xi32>,
    %get3A_295 = vector.shape_cast %get3A_294 : vector<1x16xi32> to vector<16xi32>
    %add3A_296 = vector.broadcast %mul3A_2 : i32 to vector<16xi32>
    %add3A_297 = arith.addi %get3A_295, %add3A_296 : vector<16xi32>
    %swap3A_298 = arith.constant 2 : i32
    %swap3A_299 = arith.index_cast %swap3A_298 : i32 to index
    %swap3A_300 = arith.constant 80 : index
    %swap3A_301 = tpu.vector_load %arg7[%swap3A_299, %swap3A_300] {strides = array<i32>} : memref<4x128xi32, #tpu.memory_space<vmem>>, vector<1x16xi32>,
    %swap3A_302 = vector.shape_cast %swap3A_301 : vector<1x16xi32> to vector<16xi32>
    %swap3A_303 = vector.shape_cast %add3A_297 : vector<16xi32> to vector<1x16xi32>
    tpu.vector_store %arg7[%swap3A_299, %swap3A_300], %swap3A_303 {strides = array<i32>} : memref<4x128xi32, #tpu.memory_space<vmem>>, vector<1x16xi32>,
    %get3A_304 = arith.constant 2 : i32
    %get3A_305 = arith.index_cast %get3A_304 : i32 to index
    %get3A_306 = arith.constant 96 : index
    %get3A_307 = tpu.vector_load %arg7[%get3A_305, %get3A_306] {strides = array<i32>} : memref<4x128xi32, #tpu.memory_space<vmem>>, vector<1x16xi32>,
    %get3A_308 = vector.shape_cast %get3A_307 : vector<1x16xi32> to vector<16xi32>
    %add3A_309 = vector.broadcast %mul3A_2 : i32 to vector<16xi32>
    %add3A_310 = arith.addi %get3A_308, %add3A_309 : vector<16xi32>
    %swap3A_311 = arith.constant 2 : i32
    %swap3A_312 = arith.index_cast %swap3A_311 : i32 to index
    %swap3A_313 = arith.constant 96 : index
    %swap3A_314 = tpu.vector_load %arg7[%swap3A_312, %swap3A_313] {strides = array<i32>} : memref<4x128xi32, #tpu.memory_space<vmem>>, vector<1x16xi32>,
    %swap3A_315 = vector.shape_cast %swap3A_314 : vector<1x16xi32> to vector<16xi32>
    %swap3A_316 = vector.shape_cast %add3A_310 : vector<16xi32> to vector<1x16xi32>
    tpu.vector_store %arg7[%swap3A_312, %swap3A_313], %swap3A_316 {strides = array<i32>} : memref<4x128xi32, #tpu.memory_space<vmem>>, vector<1x16xi32>,
    %get3A_317 = arith.constant 2 : i32
    %get3A_318 = arith.index_cast %get3A_317 : i32 to index
    %get3A_319 = arith.constant 112 : index
    %get3A_320 = tpu.vector_load %arg7[%get3A_318, %get3A_319] {strides = array<i32>} : memref<4x128xi32, #tpu.memory_space<vmem>>, vector<1x16xi32>,
    %get3A_321 = vector.shape_cast %get3A_320 : vector<1x16xi32> to vector<16xi32>
    %add3A_322 = vector.broadcast %mul3A_2 : i32 to vector<16xi32>
    %add3A_323 = arith.addi %get3A_321, %add3A_322 : vector<16xi32>
    %swap3A_324 = arith.constant 2 : i32
    %swap3A_325 = arith.index_cast %swap3A_324 : i32 to index
    %swap3A_326 = arith.constant 112 : index
    %swap3A_327 = tpu.vector_load %arg7[%swap3A_325, %swap3A_326] {strides = array<i32>} : memref<4x128xi32, #tpu.memory_space<vmem>>, vector<1x16xi32>,
    %swap3A_328 = vector.shape_cast %swap3A_327 : vector<1x16xi32> to vector<16xi32>
    %swap3A_329 = vector.shape_cast %add3A_323 : vector<16xi32> to vector<1x16xi32>
    tpu.vector_store %arg7[%swap3A_325, %swap3A_326], %swap3A_329 {strides = array<i32>} : memref<4x128xi32, #tpu.memory_space<vmem>>, vector<1x16xi32>,
    %get3A_330 = arith.constant 3 : i32
    %get3A_331 = arith.index_cast %get3A_330 : i32 to index
    %get3A_332 = arith.constant 0 : index
    %get3A_333 = tpu.vector_load %arg7[%get3A_331, %get3A_332] {strides = array<i32>} : memref<4x128xi32, #tpu.memory_space<vmem>>, vector<1x16xi32>,
    %get3A_334 = vector.shape_cast %get3A_333 : vector<1x16xi32> to vector<16xi32>
    %add3A_335 = vector.broadcast %mul3A_2 : i32 to vector<16xi32>
    %add3A_336 = arith.addi %get3A_334, %add3A_335 : vector<16xi32>
    %swap3A_337 = arith.constant 3 : i32
    %swap3A_338 = arith.index_cast %swap3A_337 : i32 to index
    %swap3A_339 = arith.constant 0 : index
    %swap3A_340 = tpu.vector_load %arg7[%swap3A_338, %swap3A_339] {strides = array<i32>} : memref<4x128xi32, #tpu.memory_space<vmem>>, vector<1x16xi32>,
    %swap3A_341 = vector.shape_cast %swap3A_340 : vector<1x16xi32> to vector<16xi32>
    %swap3A_342 = vector.shape_cast %add3A_336 : vector<16xi32> to vector<1x16xi32>
    tpu.vector_store %arg7[%swap3A_338, %swap3A_339], %swap3A_342 {strides = array<i32>} : memref<4x128xi32, #tpu.memory_space<vmem>>, vector<1x16xi32>,
    %get3A_343 = arith.constant 3 : i32
    %get3A_344 = arith.index_cast %get3A_343 : i32 to index
    %get3A_345 = arith.constant 16 : index
    %get3A_346 = tpu.vector_load %arg7[%get3A_344, %get3A_345] {strides = array<i32>} : memref<4x128xi32, #tpu.memory_space<vmem>>, vector<1x16xi32>,
    %get3A_347 = vector.shape_cast %get3A_346 : vector<1x16xi32> to vector<16xi32>
    %add3A_348 = vector.broadcast %mul3A_2 : i32 to vector<16xi32>
    %add3A_349 = arith.addi %get3A_347, %add3A_348 : vector<16xi32>
    %swap3A_350 = arith.constant 3 : i32
    %swap3A_351 = arith.index_cast %swap3A_350 : i32 to index
    %swap3A_352 = arith.constant 16 : index
    %swap3A_353 = tpu.vector_load %arg7[%swap3A_351, %swap3A_352] {strides = array<i32>} : memref<4x128xi32, #tpu.memory_space<vmem>>, vector<1x16xi32>,
    %swap3A_354 = vector.shape_cast %swap3A_353 : vector<1x16xi32> to vector<16xi32>
    %swap3A_355 = vector.shape_cast %add3A_349 : vector<16xi32> to vector<1x16xi32>
    tpu.vector_store %arg7[%swap3A_351, %swap3A_352], %swap3A_355 {strides = array<i32>} : memref<4x128xi32, #tpu.memory_space<vmem>>, vector<1x16xi32>,
    %get3A_356 = arith.constant 3 : i32
    %get3A_357 = arith.index_cast %get3A_356 : i32 to index
    %get3A_358 = arith.constant 32 : index
    %get3A_359 = tpu.vector_load %arg7[%get3A_357, %get3A_358] {strides = array<i32>} : memref<4x128xi32, #tpu.memory_space<vmem>>, vector<1x16xi32>,
    %get3A_360 = vector.shape_cast %get3A_359 : vector<1x16xi32> to vector<16xi32>
    %add3A_361 = vector.broadcast %mul3A_2 : i32 to vector<16xi32>
    %add3A_362 = arith.addi %get3A_360, %add3A_361 : vector<16xi32>
    %swap3A_363 = arith.constant 3 : i32
    %swap3A_364 = arith.index_cast %swap3A_363 : i32 to index
    %swap3A_365 = arith.constant 32 : index
    %swap3A_366 = tpu.vector_load %arg7[%swap3A_364, %swap3A_365] {strides = array<i32>} : memref<4x128xi32, #tpu.memory_space<vmem>>, vector<1x16xi32>,
    %swap3A_367 = vector.shape_cast %swap3A_366 : vector<1x16xi32> to vector<16xi32>
    %swap3A_368 = vector.shape_cast %add3A_362 : vector<16xi32> to vector<1x16xi32>
    tpu.vector_store %arg7[%swap3A_364, %swap3A_365], %swap3A_368 {strides = array<i32>} : memref<4x128xi32, #tpu.memory_space<vmem>>, vector<1x16xi32>,
    %get3A_369 = arith.constant 3 : i32
    %get3A_370 = arith.index_cast %get3A_369 : i32 to index
    %get3A_371 = arith.constant 48 : index
    %get3A_372 = tpu.vector_load %arg7[%get3A_370, %get3A_371] {strides = array<i32>} : memref<4x128xi32, #tpu.memory_space<vmem>>, vector<1x16xi32>,
    %get3A_373 = vector.shape_cast %get3A_372 : vector<1x16xi32> to vector<16xi32>
    %add3A_374 = vector.broadcast %mul3A_2 : i32 to vector<16xi32>
    %add3A_375 = arith.addi %get3A_373, %add3A_374 : vector<16xi32>
    %swap3A_376 = arith.constant 3 : i32
    %swap3A_377 = arith.index_cast %swap3A_376 : i32 to index
    %swap3A_378 = arith.constant 48 : index
    %swap3A_379 = tpu.vector_load %arg7[%swap3A_377, %swap3A_378] {strides = array<i32>} : memref<4x128xi32, #tpu.memory_space<vmem>>, vector<1x16xi32>,
    %swap3A_380 = vector.shape_cast %swap3A_379 : vector<1x16xi32> to vector<16xi32>
    %swap3A_381 = vector.shape_cast %add3A_375 : vector<16xi32> to vector<1x16xi32>
    tpu.vector_store %arg7[%swap3A_377, %swap3A_378], %swap3A_381 {strides = array<i32>} : memref<4x128xi32, #tpu.memory_space<vmem>>, vector<1x16xi32>,
    %get3A_382 = arith.constant 3 : i32
    %get3A_383 = arith.index_cast %get3A_382 : i32 to index
    %get3A_384 = arith.constant 64 : index
    %get3A_385 = tpu.vector_load %arg7[%get3A_383, %get3A_384] {strides = array<i32>} : memref<4x128xi32, #tpu.memory_space<vmem>>, vector<1x16xi32>,
    %get3A_386 = vector.shape_cast %get3A_385 : vector<1x16xi32> to vector<16xi32>
    %add3A_387 = vector.broadcast %mul3A_2 : i32 to vector<16xi32>
    %add3A_388 = arith.addi %get3A_386, %add3A_387 : vector<16xi32>
    %swap3A_389 = arith.constant 3 : i32
    %swap3A_390 = arith.index_cast %swap3A_389 : i32 to index
    %swap3A_391 = arith.constant 64 : index
    %swap3A_392 = tpu.vector_load %arg7[%swap3A_390, %swap3A_391] {strides = array<i32>} : memref<4x128xi32, #tpu.memory_space<vmem>>, vector<1x16xi32>,
    %swap3A_393 = vector.shape_cast %swap3A_392 : vector<1x16xi32> to vector<16xi32>
    %swap3A_394 = vector.shape_cast %add3A_388 : vector<16xi32> to vector<1x16xi32>
    tpu.vector_store %arg7[%swap3A_390, %swap3A_391], %swap3A_394 {strides = array<i32>} : memref<4x128xi32, #tpu.memory_space<vmem>>, vector<1x16xi32>,
    %get3A_395 = arith.constant 3 : i32
    %get3A_396 = arith.index_cast %get3A_395 : i32 to index
    %get3A_397 = arith.constant 80 : index
    %get3A_398 = tpu.vector_load %arg7[%get3A_396, %get3A_397] {strides = array<i32>} : memref<4x128xi32, #tpu.memory_space<vmem>>, vector<1x16xi32>,
    %get3A_399 = vector.shape_cast %get3A_398 : vector<1x16xi32> to vector<16xi32>
    %add3A_400 = vector.broadcast %mul3A_2 : i32 to vector<16xi32>
    %add3A_401 = arith.addi %get3A_399, %add3A_400 : vector<16xi32>
    %swap3A_402 = arith.constant 3 : i32
    %swap3A_403 = arith.index_cast %swap3A_402 : i32 to index
    %swap3A_404 = arith.constant 80 : index
    %swap3A_405 = tpu.vector_load %arg7[%swap3A_403, %swap3A_404] {strides = array<i32>} : memref<4x128xi32, #tpu.memory_space<vmem>>, vector<1x16xi32>,
    %swap3A_406 = vector.shape_cast %swap3A_405 : vector<1x16xi32> to vector<16xi32>
    %swap3A_407 = vector.shape_cast %add3A_401 : vector<16xi32> to vector<1x16xi32>
    tpu.vector_store %arg7[%swap3A_403, %swap3A_404], %swap3A_407 {strides = array<i32>} : memref<4x128xi32, #tpu.memory_space<vmem>>, vector<1x16xi32>,
    %get3A_408 = arith.constant 3 : i32
    %get3A_409 = arith.index_cast %get3A_408 : i32 to index
    %get3A_410 = arith.constant 96 : index
    %get3A_411 = tpu.vector_load %arg7[%get3A_409, %get3A_410] {strides = array<i32>} : memref<4x128xi32, #tpu.memory_space<vmem>>, vector<1x16xi32>,
    %get3A_412 = vector.shape_cast %get3A_411 : vector<1x16xi32> to vector<16xi32>
    %add3A_413 = vector.broadcast %mul3A_2 : i32 to vector<16xi32>
    %add3A_414 = arith.addi %get3A_412, %add3A_413 : vector<16xi32>
    %swap3A_415 = arith.constant 3 : i32
    %swap3A_416 = arith.index_cast %swap3A_415 : i32 to index
    %swap3A_417 = arith.constant 96 : index
    %swap3A_418 = tpu.vector_load %arg7[%swap3A_416, %swap3A_417] {strides = array<i32>} : memref<4x128xi32, #tpu.memory_space<vmem>>, vector<1x16xi32>,
    %swap3A_419 = vector.shape_cast %swap3A_418 : vector<1x16xi32> to vector<16xi32>
    %swap3A_420 = vector.shape_cast %add3A_414 : vector<16xi32> to vector<1x16xi32>
    tpu.vector_store %arg7[%swap3A_416, %swap3A_417], %swap3A_420 {strides = array<i32>} : memref<4x128xi32, #tpu.memory_space<vmem>>, vector<1x16xi32>,
    %get3A_421 = arith.constant 3 : i32
    %get3A_422 = arith.index_cast %get3A_421 : i32 to index
    %get3A_423 = arith.constant 112 : index
    %get3A_424 = tpu.vector_load %arg7[%get3A_422, %get3A_423] {strides = array<i32>} : memref<4x128xi32, #tpu.memory_space<vmem>>, vector<1x16xi32>,
    %get3A_425 = vector.shape_cast %get3A_424 : vector<1x16xi32> to vector<16xi32>
    %add3A_426 = vector.broadcast %mul3A_2 : i32 to vector<16xi32>
    %add3A_427 = arith.addi %get3A_425, %add3A_426 : vector<16xi32>
    %swap3A_428 = arith.constant 3 : i32
    %swap3A_429 = arith.index_cast %swap3A_428 : i32 to index
    %swap3A_430 = arith.constant 112 : index
    %swap3A_431 = tpu.vector_load %arg7[%swap3A_429, %swap3A_430] {strides = array<i32>} : memref<4x128xi32, #tpu.memory_space<vmem>>, vector<1x16xi32>,
    %swap3A_432 = vector.shape_cast %swap3A_431 : vector<1x16xi32> to vector<16xi32>
    %swap3A_433 = vector.shape_cast %add3A_427 : vector<16xi32> to vector<1x16xi32>
    tpu.vector_store %arg7[%swap3A_429, %swap3A_430], %swap3A_433 {strides = array<i32>} : memref<4x128xi32, #tpu.memory_space<vmem>>, vector<1x16xi32>,
    %dma_start3A_434 = arith.constant 0 : i32
    %dma_start3A_435 = arith.constant 0 : i32
    %dma_start3A_436 = arith.constant 0 : i32
    %dma_start3A_437 = tpu.memref_slice %arg9[%dma_start3A_435, %dma_start3A_436] : memref<512x16xf32, #tpu.memory_space<vmem>> -> memref<128x16xf32, #tpu.memory_space<vmem>>
    %dma_start3A_438 = arith.constant 0 : i32
    %dma_start3A_439 = tpu.memref_slice %arg7[%dma_start3A_434, %dma_start3A_438] : memref<4x128xi32, #tpu.memory_space<vmem>> -> memref<1x128xi32, #tpu.memory_space<vmem>>
    %dma_start3A_440 = tpu.memref_squeeze %dma_start3A_439 : memref<1x128xi32, #tpu.memory_space<vmem>> -> memref<128xi32, #tpu.memory_space<vmem>>
    %dma_start3A_441 = arith.constant 0 : i32
    %dma_start3A_442 = arith.constant 0 : i32
    %dma_start3A_443 = tpu.memref_slice %arg2[%dma_start3A_441, %dma_start3A_442] : memref<200000x16xf32, #tpu.memory_space<hbm>> -> memref<200000x16xf32, #tpu.memory_space<hbm>>
    tpu.enqueue_indirect_dma source(%dma_start3A_443 : memref<200000x16xf32, #tpu.memory_space<hbm>>) target(%dma_start3A_437 : memref<128x16xf32, #tpu.memory_space<vmem>>) offsets(%dma_start3A_440 : memref<128xi32, #tpu.memory_space<vmem>>) semaphore(%arg14 : memref<!tpu.dma_semaphore, #tpu.memory_space<semaphore_mem>>)
    %dma_start3A_444 = arith.constant 1 : i32
    %dma_start3A_445 = arith.constant 128 : i32
    %dma_start3A_446 = arith.constant 0 : i32
    %dma_start3A_447 = tpu.memref_slice %arg9[%dma_start3A_445, %dma_start3A_446] : memref<512x16xf32, #tpu.memory_space<vmem>> -> memref<128x16xf32, #tpu.memory_space<vmem>>
    %dma_start3A_448 = arith.constant 0 : i32
    %dma_start3A_449 = tpu.memref_slice %arg7[%dma_start3A_444, %dma_start3A_448] : memref<4x128xi32, #tpu.memory_space<vmem>> -> memref<1x128xi32, #tpu.memory_space<vmem>>
    %dma_start3A_450 = tpu.memref_squeeze %dma_start3A_449 : memref<1x128xi32, #tpu.memory_space<vmem>> -> memref<128xi32, #tpu.memory_space<vmem>>
    %dma_start3A_451 = arith.constant 0 : i32
    %dma_start3A_452 = arith.constant 0 : i32
    %dma_start3A_453 = tpu.memref_slice %arg2[%dma_start3A_451, %dma_start3A_452] : memref<200000x16xf32, #tpu.memory_space<hbm>> -> memref<200000x16xf32, #tpu.memory_space<hbm>>
    tpu.enqueue_indirect_dma source(%dma_start3A_453 : memref<200000x16xf32, #tpu.memory_space<hbm>>) target(%dma_start3A_447 : memref<128x16xf32, #tpu.memory_space<vmem>>) offsets(%dma_start3A_450 : memref<128xi32, #tpu.memory_space<vmem>>) semaphore(%arg14 : memref<!tpu.dma_semaphore, #tpu.memory_space<semaphore_mem>>)
    %dma_start3A_454 = arith.constant 2 : i32
    %dma_start3A_455 = arith.constant 256 : i32
    %dma_start3A_456 = arith.constant 0 : i32
    %dma_start3A_457 = tpu.memref_slice %arg9[%dma_start3A_455, %dma_start3A_456] : memref<512x16xf32, #tpu.memory_space<vmem>> -> memref<128x16xf32, #tpu.memory_space<vmem>>
    %dma_start3A_458 = arith.constant 0 : i32
    %dma_start3A_459 = tpu.memref_slice %arg7[%dma_start3A_454, %dma_start3A_458] : memref<4x128xi32, #tpu.memory_space<vmem>> -> memref<1x128xi32, #tpu.memory_space<vmem>>
    %dma_start3A_460 = tpu.memref_squeeze %dma_start3A_459 : memref<1x128xi32, #tpu.memory_space<vmem>> -> memref<128xi32, #tpu.memory_space<vmem>>
    %dma_start3A_461 = arith.constant 0 : i32
    %dma_start3A_462 = arith.constant 0 : i32
    %dma_start3A_463 = tpu.memref_slice %arg2[%dma_start3A_461, %dma_start3A_462] : memref<200000x16xf32, #tpu.memory_space<hbm>> -> memref<200000x16xf32, #tpu.memory_space<hbm>>
    tpu.enqueue_indirect_dma source(%dma_start3A_463 : memref<200000x16xf32, #tpu.memory_space<hbm>>) target(%dma_start3A_457 : memref<128x16xf32, #tpu.memory_space<vmem>>) offsets(%dma_start3A_460 : memref<128xi32, #tpu.memory_space<vmem>>) semaphore(%arg14 : memref<!tpu.dma_semaphore, #tpu.memory_space<semaphore_mem>>)
    %dma_start3A_464 = arith.constant 3 : i32
    %dma_start3A_465 = arith.constant 384 : i32
    %dma_start3A_466 = arith.constant 0 : i32
    %dma_start3A_467 = tpu.memref_slice %arg9[%dma_start3A_465, %dma_start3A_466] : memref<512x16xf32, #tpu.memory_space<vmem>> -> memref<128x16xf32, #tpu.memory_space<vmem>>
    %dma_start3A_468 = arith.constant 0 : i32
    %dma_start3A_469 = tpu.memref_slice %arg7[%dma_start3A_464, %dma_start3A_468] : memref<4x128xi32, #tpu.memory_space<vmem>> -> memref<1x128xi32, #tpu.memory_space<vmem>>
    %dma_start3A_470 = tpu.memref_squeeze %dma_start3A_469 : memref<1x128xi32, #tpu.memory_space<vmem>> -> memref<128xi32, #tpu.memory_space<vmem>>
    %dma_start3A_471 = arith.constant 0 : i32
    %dma_start3A_472 = arith.constant 0 : i32
    %dma_start3A_473 = tpu.memref_slice %arg2[%dma_start3A_471, %dma_start3A_472] : memref<200000x16xf32, #tpu.memory_space<hbm>> -> memref<200000x16xf32, #tpu.memory_space<hbm>>
    tpu.enqueue_indirect_dma source(%dma_start3A_473 : memref<200000x16xf32, #tpu.memory_space<hbm>>) target(%dma_start3A_467 : memref<128x16xf32, #tpu.memory_space<vmem>>) offsets(%dma_start3A_470 : memref<128xi32, #tpu.memory_space<vmem>>) semaphore(%arg14 : memref<!tpu.dma_semaphore, #tpu.memory_space<semaphore_mem>>)
    %dma_wait3A_474 = arith.constant 0 : i32
    %dma_wait3A_475 = arith.constant 0 : i32
    %dma_wait3A_476 = arith.constant 0 : i32
    %dma_wait3A_477 = tpu.memref_slice %arg9[%dma_wait3A_475, %dma_wait3A_476] : memref<512x16xf32, #tpu.memory_space<vmem>> -> memref<128x16xf32, #tpu.memory_space<vmem>>
    %dma_wait3A_478 = arith.constant 0 : i32
    %dma_wait3A_479 = tpu.memref_slice %arg7[%dma_wait3A_474, %dma_wait3A_478] : memref<4x128xi32, #tpu.memory_space<vmem>> -> memref<1x128xi32, #tpu.memory_space<vmem>>
    %dma_wait3A_480 = tpu.memref_squeeze %dma_wait3A_479 : memref<1x128xi32, #tpu.memory_space<vmem>> -> memref<128xi32, #tpu.memory_space<vmem>>
    %dma_wait3A_481 = arith.constant 0 : i32
    %dma_wait3A_482 = arith.constant 0 : i32
    %dma_wait3A_483 = tpu.memref_slice %arg2[%dma_wait3A_481, %dma_wait3A_482] : memref<200000x16xf32, #tpu.memory_space<hbm>> -> memref<200000x16xf32, #tpu.memory_space<hbm>>
    tpu.wait_indirect_dma semaphore(%arg14 : memref<!tpu.dma_semaphore, #tpu.memory_space<semaphore_mem>>) src(%dma_wait3A_483 : memref<200000x16xf32, #tpu.memory_space<hbm>>) dst(%dma_wait3A_477 : memref<128x16xf32, #tpu.memory_space<vmem>>)
    %dma_wait3A_484 = arith.constant 1 : i32
    %dma_wait3A_485 = arith.constant 128 : i32
    %dma_wait3A_486 = arith.constant 0 : i32
    %dma_wait3A_487 = tpu.memref_slice %arg9[%dma_wait3A_485, %dma_wait3A_486] : memref<512x16xf32, #tpu.memory_space<vmem>> -> memref<128x16xf32, #tpu.memory_space<vmem>>
    %dma_wait3A_488 = arith.constant 0 : i32
    %dma_wait3A_489 = tpu.memref_slice %arg7[%dma_wait3A_484, %dma_wait3A_488] : memref<4x128xi32, #tpu.memory_space<vmem>> -> memref<1x128xi32, #tpu.memory_space<vmem>>
    %dma_wait3A_490 = tpu.memref_squeeze %dma_wait3A_489 : memref<1x128xi32, #tpu.memory_space<vmem>> -> memref<128xi32, #tpu.memory_space<vmem>>
    %dma_wait3A_491 = arith.constant 0 : i32
    %dma_wait3A_492 = arith.constant 0 : i32
    %dma_wait3A_493 = tpu.memref_slice %arg2[%dma_wait3A_491, %dma_wait3A_492] : memref<200000x16xf32, #tpu.memory_space<hbm>> -> memref<200000x16xf32, #tpu.memory_space<hbm>>
    tpu.wait_indirect_dma semaphore(%arg14 : memref<!tpu.dma_semaphore, #tpu.memory_space<semaphore_mem>>) src(%dma_wait3A_493 : memref<200000x16xf32, #tpu.memory_space<hbm>>) dst(%dma_wait3A_487 : memref<128x16xf32, #tpu.memory_space<vmem>>)
    %dma_wait3A_494 = arith.constant 2 : i32
    %dma_wait3A_495 = arith.constant 256 : i32
    %dma_wait3A_496 = arith.constant 0 : i32
    %dma_wait3A_497 = tpu.memref_slice %arg9[%dma_wait3A_495, %dma_wait3A_496] : memref<512x16xf32, #tpu.memory_space<vmem>> -> memref<128x16xf32, #tpu.memory_space<vmem>>
    %dma_wait3A_498 = arith.constant 0 : i32
    %dma_wait3A_499 = tpu.memref_slice %arg7[%dma_wait3A_494, %dma_wait3A_498] : memref<4x128xi32, #tpu.memory_space<vmem>> -> memref<1x128xi32, #tpu.memory_space<vmem>>
    %dma_wait3A_500 = tpu.memref_squeeze %dma_wait3A_499 : memref<1x128xi32, #tpu.memory_space<vmem>> -> memref<128xi32, #tpu.memory_space<vmem>>
    %dma_wait3A_501 = arith.constant 0 : i32
    %dma_wait3A_502 = arith.constant 0 : i32
    %dma_wait3A_503 = tpu.memref_slice %arg2[%dma_wait3A_501, %dma_wait3A_502] : memref<200000x16xf32, #tpu.memory_space<hbm>> -> memref<200000x16xf32, #tpu.memory_space<hbm>>
    tpu.wait_indirect_dma semaphore(%arg14 : memref<!tpu.dma_semaphore, #tpu.memory_space<semaphore_mem>>) src(%dma_wait3A_503 : memref<200000x16xf32, #tpu.memory_space<hbm>>) dst(%dma_wait3A_497 : memref<128x16xf32, #tpu.memory_space<vmem>>)
    %dma_wait3A_504 = arith.constant 3 : i32
    %dma_wait3A_505 = arith.constant 384 : i32
    %dma_wait3A_506 = arith.constant 0 : i32
    %dma_wait3A_507 = tpu.memref_slice %arg9[%dma_wait3A_505, %dma_wait3A_506] : memref<512x16xf32, #tpu.memory_space<vmem>> -> memref<128x16xf32, #tpu.memory_space<vmem>>
    %dma_wait3A_508 = arith.constant 0 : i32
    %dma_wait3A_509 = tpu.memref_slice %arg7[%dma_wait3A_504, %dma_wait3A_508] : memref<4x128xi32, #tpu.memory_space<vmem>> -> memref<1x128xi32, #tpu.memory_space<vmem>>
    %dma_wait3A_510 = tpu.memref_squeeze %dma_wait3A_509 : memref<1x128xi32, #tpu.memory_space<vmem>> -> memref<128xi32, #tpu.memory_space<vmem>>
    %dma_wait3A_511 = arith.constant 0 : i32
    %dma_wait3A_512 = arith.constant 0 : i32
    %dma_wait3A_513 = tpu.memref_slice %arg2[%dma_wait3A_511, %dma_wait3A_512] : memref<200000x16xf32, #tpu.memory_space<hbm>> -> memref<200000x16xf32, #tpu.memory_space<hbm>>
    tpu.wait_indirect_dma semaphore(%arg14 : memref<!tpu.dma_semaphore, #tpu.memory_space<semaphore_mem>>) src(%dma_wait3A_513 : memref<200000x16xf32, #tpu.memory_space<hbm>>) dst(%dma_wait3A_507 : memref<128x16xf32, #tpu.memory_space<vmem>>)
    %scan3A = arith.constant 0 : i32
    %scan3A_514 = arith.constant 0 : i32
    %scan3A_515 = arith.constant 196 : i32
    %scan3A_516 = arith.addi %scan3A_514, %scan3A_515 : i32
    %scan3A_517 = arith.constant 1 : i32
    scf.for %scan3A_527 = %scan3A_514 to %scan3A_516 step %scan3A_517  : i32 {
      %dma_start3A_528 = arith.constant 0 : i32
      %dma_start3A_529 = arith.constant 0 : i32
      %dma_start3A_530 = arith.constant 0 : i32
      %dma_start3A_531 = tpu.memref_slice %arg9[%dma_start3A_529, %dma_start3A_530] : memref<512x16xf32, #tpu.memory_space<vmem>> -> memref<128x16xf32, #tpu.memory_space<vmem>>
      %dma_start3A_532 = arith.constant 0 : i32
      %dma_start3A_533 = tpu.memref_slice %arg8[%dma_start3A_528, %dma_start3A_532] : memref<4x128xi32, #tpu.memory_space<vmem>> -> memref<1x128xi32, #tpu.memory_space<vmem>>
      %dma_start3A_534 = tpu.memref_squeeze %dma_start3A_533 : memref<1x128xi32, #tpu.memory_space<vmem>> -> memref<128xi32, #tpu.memory_space<vmem>>
      %dma_start3A_535 = arith.constant 0 : i32
      %dma_start3A_536 = arith.constant 0 : i32
      %dma_start3A_537 = tpu.memref_slice %arg13[%dma_start3A_535, %dma_start3A_536] : memref<104000x16xf32, #tpu.memory_space<vmem_shared>> -> memref<104000x16xf32, #tpu.memory_space<vmem_shared>>
      tpu.enqueue_indirect_dma source(%dma_start3A_531 : memref<128x16xf32, #tpu.memory_space<vmem>>) target(%dma_start3A_537 : memref<104000x16xf32, #tpu.memory_space<vmem_shared>>) offsets(%dma_start3A_534 : memref<128xi32, #tpu.memory_space<vmem>>) semaphore(%arg15 : memref<!tpu.dma_semaphore, #tpu.memory_space<semaphore_mem>>) {add = true}
      %dma_start3A_538 = arith.constant 1 : i32
      %dma_start3A_539 = arith.constant 128 : i32
      %dma_start3A_540 = arith.constant 0 : i32
      %dma_start3A_541 = tpu.memref_slice %arg9[%dma_start3A_539, %dma_start3A_540] : memref<512x16xf32, #tpu.memory_space<vmem>> -> memref<128x16xf32, #tpu.memory_space<vmem>>
      %dma_start3A_542 = arith.constant 0 : i32
      %dma_start3A_543 = tpu.memref_slice %arg8[%dma_start3A_538, %dma_start3A_542] : memref<4x128xi32, #tpu.memory_space<vmem>> -> memref<1x128xi32, #tpu.memory_space<vmem>>
      %dma_start3A_544 = tpu.memref_squeeze %dma_start3A_543 : memref<1x128xi32, #tpu.memory_space<vmem>> -> memref<128xi32, #tpu.memory_space<vmem>>
      %dma_start3A_545 = arith.constant 0 : i32
      %dma_start3A_546 = arith.constant 0 : i32
      %dma_start3A_547 = tpu.memref_slice %arg13[%dma_start3A_545, %dma_start3A_546] : memref<104000x16xf32, #tpu.memory_space<vmem_shared>> -> memref<104000x16xf32, #tpu.memory_space<vmem_shared>>
      tpu.enqueue_indirect_dma source(%dma_start3A_541 : memref<128x16xf32, #tpu.memory_space<vmem>>) target(%dma_start3A_547 : memref<104000x16xf32, #tpu.memory_space<vmem_shared>>) offsets(%dma_start3A_544 : memref<128xi32, #tpu.memory_space<vmem>>) semaphore(%arg15 : memref<!tpu.dma_semaphore, #tpu.memory_space<semaphore_mem>>) {add = true}
      %dma_start3A_548 = arith.constant 2 : i32
      %dma_start3A_549 = arith.constant 256 : i32
      %dma_start3A_550 = arith.constant 0 : i32
      %dma_start3A_551 = tpu.memref_slice %arg9[%dma_start3A_549, %dma_start3A_550] : memref<512x16xf32, #tpu.memory_space<vmem>> -> memref<128x16xf32, #tpu.memory_space<vmem>>
      %dma_start3A_552 = arith.constant 0 : i32
      %dma_start3A_553 = tpu.memref_slice %arg8[%dma_start3A_548, %dma_start3A_552] : memref<4x128xi32, #tpu.memory_space<vmem>> -> memref<1x128xi32, #tpu.memory_space<vmem>>
      %dma_start3A_554 = tpu.memref_squeeze %dma_start3A_553 : memref<1x128xi32, #tpu.memory_space<vmem>> -> memref<128xi32, #tpu.memory_space<vmem>>
      %dma_start3A_555 = arith.constant 0 : i32
      %dma_start3A_556 = arith.constant 0 : i32
      %dma_start3A_557 = tpu.memref_slice %arg13[%dma_start3A_555, %dma_start3A_556] : memref<104000x16xf32, #tpu.memory_space<vmem_shared>> -> memref<104000x16xf32, #tpu.memory_space<vmem_shared>>
      tpu.enqueue_indirect_dma source(%dma_start3A_551 : memref<128x16xf32, #tpu.memory_space<vmem>>) target(%dma_start3A_557 : memref<104000x16xf32, #tpu.memory_space<vmem_shared>>) offsets(%dma_start3A_554 : memref<128xi32, #tpu.memory_space<vmem>>) semaphore(%arg15 : memref<!tpu.dma_semaphore, #tpu.memory_space<semaphore_mem>>) {add = true}
      %dma_start3A_558 = arith.constant 3 : i32
      %dma_start3A_559 = arith.constant 384 : i32
      %dma_start3A_560 = arith.constant 0 : i32
      %dma_start3A_561 = tpu.memref_slice %arg9[%dma_start3A_559, %dma_start3A_560] : memref<512x16xf32, #tpu.memory_space<vmem>> -> memref<128x16xf32, #tpu.memory_space<vmem>>
      %dma_start3A_562 = arith.constant 0 : i32
      %dma_start3A_563 = tpu.memref_slice %arg8[%dma_start3A_558, %dma_start3A_562] : memref<4x128xi32, #tpu.memory_space<vmem>> -> memref<1x128xi32, #tpu.memory_space<vmem>>
      %dma_start3A_564 = tpu.memref_squeeze %dma_start3A_563 : memref<1x128xi32, #tpu.memory_space<vmem>> -> memref<128xi32, #tpu.memory_space<vmem>>
      %dma_start3A_565 = arith.constant 0 : i32
      %dma_start3A_566 = arith.constant 0 : i32
      %dma_start3A_567 = tpu.memref_slice %arg13[%dma_start3A_565, %dma_start3A_566] : memref<104000x16xf32, #tpu.memory_space<vmem_shared>> -> memref<104000x16xf32, #tpu.memory_space<vmem_shared>>
      tpu.enqueue_indirect_dma source(%dma_start3A_561 : memref<128x16xf32, #tpu.memory_space<vmem>>) target(%dma_start3A_567 : memref<104000x16xf32, #tpu.memory_space<vmem_shared>>) offsets(%dma_start3A_564 : memref<128xi32, #tpu.memory_space<vmem>>) semaphore(%arg15 : memref<!tpu.dma_semaphore, #tpu.memory_space<semaphore_mem>>) {add = true}
      %mul3A_568 = arith.constant 2 : i32
      %mul3A_569 = arith.muli %mul3A_568, %scan3A_527 : i32
      %add3A_570 = arith.constant 1 : i32
      %add3A_571 = arith.addi %mul3A_569, %add3A_570 : i32
      %mul3A_572 = arith.constant 1568 : i32
      %mul3A_573 = arith.muli %arg1, %mul3A_572 : i32
      %mul3A_574 = arith.constant 4 : i32
      %mul3A_575 = arith.muli %add3A_571, %mul3A_574 : i32
      %add3A_576 = arith.addi %mul3A_573, %mul3A_575 : i32
      %dma_start3A_577 = arith.constant 0 : i32
      %dma_start3A_578 = tpu.memref_slice %arg3[%add3A_576, %dma_start3A_577] : memref<25088x128xi32, #tpu.memory_space<hbm>> -> memref<4x128xi32, #tpu.memory_space<hbm>>
      %dma_start3A_579 = arith.constant 0 : i32
      %dma_start3A_580 = tpu.memref_slice %arg3[%add3A_576, %dma_start3A_579] : memref<25088x128xi32, #tpu.memory_space<hbm>> -> memref<4x128xi32, #tpu.memory_space<hbm>>
      tpu.enqueue_dma source(%dma_start3A_580 : memref<4x128xi32, #tpu.memory_space<hbm>>) target(%arg10 : memref<4x128xi32, #tpu.memory_space<vmem>>) target_semaphore(%arg19 : memref<!tpu.dma_semaphore, #tpu.memory_space<semaphore_mem>>)
      %dma_start3A_581 = arith.constant 0 : i32
      %dma_start3A_582 = tpu.memref_slice %arg4[%add3A_576, %dma_start3A_581] : memref<25088x128xi32, #tpu.memory_space<hbm>> -> memref<4x128xi32, #tpu.memory_space<hbm>>
      %dma_start3A_583 = arith.constant 0 : i32
      %dma_start3A_584 = tpu.memref_slice %arg4[%add3A_576, %dma_start3A_583] : memref<25088x128xi32, #tpu.memory_space<hbm>> -> memref<4x128xi32, #tpu.memory_space<hbm>>
      tpu.enqueue_dma source(%dma_start3A_584 : memref<4x128xi32, #tpu.memory_space<hbm>>) target(%arg11 : memref<4x128xi32, #tpu.memory_space<vmem>>) target_semaphore(%arg19 : memref<!tpu.dma_semaphore, #tpu.memory_space<semaphore_mem>>)
      %dma_wait3A_585 = arith.constant 0 : i32
      %dma_wait3A_586 = tpu.memref_slice %arg3[%add3A_576, %dma_wait3A_585] : memref<25088x128xi32, #tpu.memory_space<hbm>> -> memref<4x128xi32, #tpu.memory_space<hbm>>
      %dma_wait3A_587 = arith.constant 0 : i32
      %dma_wait3A_588 = tpu.memref_slice %arg3[%add3A_576, %dma_wait3A_587] : memref<25088x128xi32, #tpu.memory_space<hbm>> -> memref<4x128xi32, #tpu.memory_space<hbm>>
      tpu.wait_dma2 semaphore(%arg19 : memref<!tpu.dma_semaphore, #tpu.memory_space<semaphore_mem>>) src(%dma_wait3A_588 : memref<4x128xi32, #tpu.memory_space<hbm>>) dst(%arg10 : memref<4x128xi32, #tpu.memory_space<vmem>>)
      %dma_wait3A_589 = arith.constant 0 : i32
      %dma_wait3A_590 = tpu.memref_slice %arg4[%add3A_576, %dma_wait3A_589] : memref<25088x128xi32, #tpu.memory_space<hbm>> -> memref<4x128xi32, #tpu.memory_space<hbm>>
      %dma_wait3A_591 = arith.constant 0 : i32
      %dma_wait3A_592 = tpu.memref_slice %arg4[%add3A_576, %dma_wait3A_591] : memref<25088x128xi32, #tpu.memory_space<hbm>> -> memref<4x128xi32, #tpu.memory_space<hbm>>
      tpu.wait_dma2 semaphore(%arg19 : memref<!tpu.dma_semaphore, #tpu.memory_space<semaphore_mem>>) src(%dma_wait3A_592 : memref<4x128xi32, #tpu.memory_space<hbm>>) dst(%arg11 : memref<4x128xi32, #tpu.memory_space<vmem>>)
      %get3A_593 = arith.constant 0 : i32
      %get3A_594 = arith.index_cast %get3A_593 : i32 to index
      %get3A_595 = arith.constant 0 : index
      %get3A_596 = tpu.vector_load %arg10[%get3A_594, %get3A_595] {strides = array<i32>} : memref<4x128xi32, #tpu.memory_space<vmem>>, vector<1x16xi32>,
      %get3A_597 = vector.shape_cast %get3A_596 : vector<1x16xi32> to vector<16xi32>
      %add3A_598 = vector.broadcast %mul3A_2 : i32 to vector<16xi32>
      %add3A_599 = arith.addi %get3A_597, %add3A_598 : vector<16xi32>
      %swap3A_600 = arith.constant 0 : i32
      %swap3A_601 = arith.index_cast %swap3A_600 : i32 to index
      %swap3A_602 = arith.constant 0 : index
      %swap3A_603 = tpu.vector_load %arg10[%swap3A_601, %swap3A_602] {strides = array<i32>} : memref<4x128xi32, #tpu.memory_space<vmem>>, vector<1x16xi32>,
      %swap3A_604 = vector.shape_cast %swap3A_603 : vector<1x16xi32> to vector<16xi32>
      %swap3A_605 = vector.shape_cast %add3A_599 : vector<16xi32> to vector<1x16xi32>
      tpu.vector_store %arg10[%swap3A_601, %swap3A_602], %swap3A_605 {strides = array<i32>} : memref<4x128xi32, #tpu.memory_space<vmem>>, vector<1x16xi32>,
      %get3A_606 = arith.constant 0 : i32
      %get3A_607 = arith.index_cast %get3A_606 : i32 to index
      %get3A_608 = arith.constant 16 : index
      %get3A_609 = tpu.vector_load %arg10[%get3A_607, %get3A_608] {strides = array<i32>} : memref<4x128xi32, #tpu.memory_space<vmem>>, vector<1x16xi32>,
      %get3A_610 = vector.shape_cast %get3A_609 : vector<1x16xi32> to vector<16xi32>
      %add3A_611 = vector.broadcast %mul3A_2 : i32 to vector<16xi32>
      %add3A_612 = arith.addi %get3A_610, %add3A_611 : vector<16xi32>
      %swap3A_613 = arith.constant 0 : i32
      %swap3A_614 = arith.index_cast %swap3A_613 : i32 to index
      %swap3A_615 = arith.constant 16 : index
      %swap3A_616 = tpu.vector_load %arg10[%swap3A_614, %swap3A_615] {strides = array<i32>} : memref<4x128xi32, #tpu.memory_space<vmem>>, vector<1x16xi32>,
      %swap3A_617 = vector.shape_cast %swap3A_616 : vector<1x16xi32> to vector<16xi32>
      %swap3A_618 = vector.shape_cast %add3A_612 : vector<16xi32> to vector<1x16xi32>
      tpu.vector_store %arg10[%swap3A_614, %swap3A_615], %swap3A_618 {strides = array<i32>} : memref<4x128xi32, #tpu.memory_space<vmem>>, vector<1x16xi32>,
      %get3A_619 = arith.constant 0 : i32
      %get3A_620 = arith.index_cast %get3A_619 : i32 to index
      %get3A_621 = arith.constant 32 : index
      %get3A_622 = tpu.vector_load %arg10[%get3A_620, %get3A_621] {strides = array<i32>} : memref<4x128xi32, #tpu.memory_space<vmem>>, vector<1x16xi32>,
      %get3A_623 = vector.shape_cast %get3A_622 : vector<1x16xi32> to vector<16xi32>
      %add3A_624 = vector.broadcast %mul3A_2 : i32 to vector<16xi32>
      %add3A_625 = arith.addi %get3A_623, %add3A_624 : vector<16xi32>
      %swap3A_626 = arith.constant 0 : i32
      %swap3A_627 = arith.index_cast %swap3A_626 : i32 to index
      %swap3A_628 = arith.constant 32 : index
      %swap3A_629 = tpu.vector_load %arg10[%swap3A_627, %swap3A_628] {strides = array<i32>} : memref<4x128xi32, #tpu.memory_space<vmem>>, vector<1x16xi32>,
      %swap3A_630 = vector.shape_cast %swap3A_629 : vector<1x16xi32> to vector<16xi32>
      %swap3A_631 = vector.shape_cast %add3A_625 : vector<16xi32> to vector<1x16xi32>
      tpu.vector_store %arg10[%swap3A_627, %swap3A_628], %swap3A_631 {strides = array<i32>} : memref<4x128xi32, #tpu.memory_space<vmem>>, vector<1x16xi32>,
      %get3A_632 = arith.constant 0 : i32
      %get3A_633 = arith.index_cast %get3A_632 : i32 to index
      %get3A_634 = arith.constant 48 : index
      %get3A_635 = tpu.vector_load %arg10[%get3A_633, %get3A_634] {strides = array<i32>} : memref<4x128xi32, #tpu.memory_space<vmem>>, vector<1x16xi32>,
      %get3A_636 = vector.shape_cast %get3A_635 : vector<1x16xi32> to vector<16xi32>
      %add3A_637 = vector.broadcast %mul3A_2 : i32 to vector<16xi32>
      %add3A_638 = arith.addi %get3A_636, %add3A_637 : vector<16xi32>
      %swap3A_639 = arith.constant 0 : i32
      %swap3A_640 = arith.index_cast %swap3A_639 : i32 to index
      %swap3A_641 = arith.constant 48 : index
      %swap3A_642 = tpu.vector_load %arg10[%swap3A_640, %swap3A_641] {strides = array<i32>} : memref<4x128xi32, #tpu.memory_space<vmem>>, vector<1x16xi32>,
      %swap3A_643 = vector.shape_cast %swap3A_642 : vector<1x16xi32> to vector<16xi32>
      %swap3A_644 = vector.shape_cast %add3A_638 : vector<16xi32> to vector<1x16xi32>
      tpu.vector_store %arg10[%swap3A_640, %swap3A_641], %swap3A_644 {strides = array<i32>} : memref<4x128xi32, #tpu.memory_space<vmem>>, vector<1x16xi32>,
      %get3A_645 = arith.constant 0 : i32
      %get3A_646 = arith.index_cast %get3A_645 : i32 to index
      %get3A_647 = arith.constant 64 : index
      %get3A_648 = tpu.vector_load %arg10[%get3A_646, %get3A_647] {strides = array<i32>} : memref<4x128xi32, #tpu.memory_space<vmem>>, vector<1x16xi32>,
      %get3A_649 = vector.shape_cast %get3A_648 : vector<1x16xi32> to vector<16xi32>
      %add3A_650 = vector.broadcast %mul3A_2 : i32 to vector<16xi32>
      %add3A_651 = arith.addi %get3A_649, %add3A_650 : vector<16xi32>
      %swap3A_652 = arith.constant 0 : i32
      %swap3A_653 = arith.index_cast %swap3A_652 : i32 to index
      %swap3A_654 = arith.constant 64 : index
      %swap3A_655 = tpu.vector_load %arg10[%swap3A_653, %swap3A_654] {strides = array<i32>} : memref<4x128xi32, #tpu.memory_space<vmem>>, vector<1x16xi32>,
      %swap3A_656 = vector.shape_cast %swap3A_655 : vector<1x16xi32> to vector<16xi32>
      %swap3A_657 = vector.shape_cast %add3A_651 : vector<16xi32> to vector<1x16xi32>
      tpu.vector_store %arg10[%swap3A_653, %swap3A_654], %swap3A_657 {strides = array<i32>} : memref<4x128xi32, #tpu.memory_space<vmem>>, vector<1x16xi32>,
      %get3A_658 = arith.constant 0 : i32
      %get3A_659 = arith.index_cast %get3A_658 : i32 to index
      %get3A_660 = arith.constant 80 : index
      %get3A_661 = tpu.vector_load %arg10[%get3A_659, %get3A_660] {strides = array<i32>} : memref<4x128xi32, #tpu.memory_space<vmem>>, vector<1x16xi32>,
      %get3A_662 = vector.shape_cast %get3A_661 : vector<1x16xi32> to vector<16xi32>
      %add3A_663 = vector.broadcast %mul3A_2 : i32 to vector<16xi32>
      %add3A_664 = arith.addi %get3A_662, %add3A_663 : vector<16xi32>
      %swap3A_665 = arith.constant 0 : i32
      %swap3A_666 = arith.index_cast %swap3A_665 : i32 to index
      %swap3A_667 = arith.constant 80 : index
      %swap3A_668 = tpu.vector_load %arg10[%swap3A_666, %swap3A_667] {strides = array<i32>} : memref<4x128xi32, #tpu.memory_space<vmem>>, vector<1x16xi32>,
      %swap3A_669 = vector.shape_cast %swap3A_668 : vector<1x16xi32> to vector<16xi32>
      %swap3A_670 = vector.shape_cast %add3A_664 : vector<16xi32> to vector<1x16xi32>
      tpu.vector_store %arg10[%swap3A_666, %swap3A_667], %swap3A_670 {strides = array<i32>} : memref<4x128xi32, #tpu.memory_space<vmem>>, vector<1x16xi32>,
      %get3A_671 = arith.constant 0 : i32
      %get3A_672 = arith.index_cast %get3A_671 : i32 to index
      %get3A_673 = arith.constant 96 : index
      %get3A_674 = tpu.vector_load %arg10[%get3A_672, %get3A_673] {strides = array<i32>} : memref<4x128xi32, #tpu.memory_space<vmem>>, vector<1x16xi32>,
      %get3A_675 = vector.shape_cast %get3A_674 : vector<1x16xi32> to vector<16xi32>
      %add3A_676 = vector.broadcast %mul3A_2 : i32 to vector<16xi32>
      %add3A_677 = arith.addi %get3A_675, %add3A_676 : vector<16xi32>
      %swap3A_678 = arith.constant 0 : i32
      %swap3A_679 = arith.index_cast %swap3A_678 : i32 to index
      %swap3A_680 = arith.constant 96 : index
      %swap3A_681 = tpu.vector_load %arg10[%swap3A_679, %swap3A_680] {strides = array<i32>} : memref<4x128xi32, #tpu.memory_space<vmem>>, vector<1x16xi32>,
      %swap3A_682 = vector.shape_cast %swap3A_681 : vector<1x16xi32> to vector<16xi32>
      %swap3A_683 = vector.shape_cast %add3A_677 : vector<16xi32> to vector<1x16xi32>
      tpu.vector_store %arg10[%swap3A_679, %swap3A_680], %swap3A_683 {strides = array<i32>} : memref<4x128xi32, #tpu.memory_space<vmem>>, vector<1x16xi32>,
      %get3A_684 = arith.constant 0 : i32
      %get3A_685 = arith.index_cast %get3A_684 : i32 to index
      %get3A_686 = arith.constant 112 : index
      %get3A_687 = tpu.vector_load %arg10[%get3A_685, %get3A_686] {strides = array<i32>} : memref<4x128xi32, #tpu.memory_space<vmem>>, vector<1x16xi32>,
      %get3A_688 = vector.shape_cast %get3A_687 : vector<1x16xi32> to vector<16xi32>
      %add3A_689 = vector.broadcast %mul3A_2 : i32 to vector<16xi32>
      %add3A_690 = arith.addi %get3A_688, %add3A_689 : vector<16xi32>
      %swap3A_691 = arith.constant 0 : i32
      %swap3A_692 = arith.index_cast %swap3A_691 : i32 to index
      %swap3A_693 = arith.constant 112 : index
      %swap3A_694 = tpu.vector_load %arg10[%swap3A_692, %swap3A_693] {strides = array<i32>} : memref<4x128xi32, #tpu.memory_space<vmem>>, vector<1x16xi32>,
      %swap3A_695 = vector.shape_cast %swap3A_694 : vector<1x16xi32> to vector<16xi32>
      %swap3A_696 = vector.shape_cast %add3A_690 : vector<16xi32> to vector<1x16xi32>
      tpu.vector_store %arg10[%swap3A_692, %swap3A_693], %swap3A_696 {strides = array<i32>} : memref<4x128xi32, #tpu.memory_space<vmem>>, vector<1x16xi32>,
      %get3A_697 = arith.constant 1 : i32
      %get3A_698 = arith.index_cast %get3A_697 : i32 to index
      %get3A_699 = arith.constant 0 : index
      %get3A_700 = tpu.vector_load %arg10[%get3A_698, %get3A_699] {strides = array<i32>} : memref<4x128xi32, #tpu.memory_space<vmem>>, vector<1x16xi32>,
      %get3A_701 = vector.shape_cast %get3A_700 : vector<1x16xi32> to vector<16xi32>
      %add3A_702 = vector.broadcast %mul3A_2 : i32 to vector<16xi32>
      %add3A_703 = arith.addi %get3A_701, %add3A_702 : vector<16xi32>
      %swap3A_704 = arith.constant 1 : i32
      %swap3A_705 = arith.index_cast %swap3A_704 : i32 to index
      %swap3A_706 = arith.constant 0 : index
      %swap3A_707 = tpu.vector_load %arg10[%swap3A_705, %swap3A_706] {strides = array<i32>} : memref<4x128xi32, #tpu.memory_space<vmem>>, vector<1x16xi32>,
      %swap3A_708 = vector.shape_cast %swap3A_707 : vector<1x16xi32> to vector<16xi32>
      %swap3A_709 = vector.shape_cast %add3A_703 : vector<16xi32> to vector<1x16xi32>
      tpu.vector_store %arg10[%swap3A_705, %swap3A_706], %swap3A_709 {strides = array<i32>} : memref<4x128xi32, #tpu.memory_space<vmem>>, vector<1x16xi32>,
      %get3A_710 = arith.constant 1 : i32
      %get3A_711 = arith.index_cast %get3A_710 : i32 to index
      %get3A_712 = arith.constant 16 : index
      %get3A_713 = tpu.vector_load %arg10[%get3A_711, %get3A_712] {strides = array<i32>} : memref<4x128xi32, #tpu.memory_space<vmem>>, vector<1x16xi32>,
      %get3A_714 = vector.shape_cast %get3A_713 : vector<1x16xi32> to vector<16xi32>
      %add3A_715 = vector.broadcast %mul3A_2 : i32 to vector<16xi32>
      %add3A_716 = arith.addi %get3A_714, %add3A_715 : vector<16xi32>
      %swap3A_717 = arith.constant 1 : i32
      %swap3A_718 = arith.index_cast %swap3A_717 : i32 to index
      %swap3A_719 = arith.constant 16 : index
      %swap3A_720 = tpu.vector_load %arg10[%swap3A_718, %swap3A_719] {strides = array<i32>} : memref<4x128xi32, #tpu.memory_space<vmem>>, vector<1x16xi32>,
      %swap3A_721 = vector.shape_cast %swap3A_720 : vector<1x16xi32> to vector<16xi32>
      %swap3A_722 = vector.shape_cast %add3A_716 : vector<16xi32> to vector<1x16xi32>
      tpu.vector_store %arg10[%swap3A_718, %swap3A_719], %swap3A_722 {strides = array<i32>} : memref<4x128xi32, #tpu.memory_space<vmem>>, vector<1x16xi32>,
      %get3A_723 = arith.constant 1 : i32
      %get3A_724 = arith.index_cast %get3A_723 : i32 to index
      %get3A_725 = arith.constant 32 : index
      %get3A_726 = tpu.vector_load %arg10[%get3A_724, %get3A_725] {strides = array<i32>} : memref<4x128xi32, #tpu.memory_space<vmem>>, vector<1x16xi32>,
      %get3A_727 = vector.shape_cast %get3A_726 : vector<1x16xi32> to vector<16xi32>
      %add3A_728 = vector.broadcast %mul3A_2 : i32 to vector<16xi32>
      %add3A_729 = arith.addi %get3A_727, %add3A_728 : vector<16xi32>
      %swap3A_730 = arith.constant 1 : i32
      %swap3A_731 = arith.index_cast %swap3A_730 : i32 to index
      %swap3A_732 = arith.constant 32 : index
      %swap3A_733 = tpu.vector_load %arg10[%swap3A_731, %swap3A_732] {strides = array<i32>} : memref<4x128xi32, #tpu.memory_space<vmem>>, vector<1x16xi32>,
      %swap3A_734 = vector.shape_cast %swap3A_733 : vector<1x16xi32> to vector<16xi32>
      %swap3A_735 = vector.shape_cast %add3A_729 : vector<16xi32> to vector<1x16xi32>
      tpu.vector_store %arg10[%swap3A_731, %swap3A_732], %swap3A_735 {strides = array<i32>} : memref<4x128xi32, #tpu.memory_space<vmem>>, vector<1x16xi32>,
      %get3A_736 = arith.constant 1 : i32
      %get3A_737 = arith.index_cast %get3A_736 : i32 to index
      %get3A_738 = arith.constant 48 : index
      %get3A_739 = tpu.vector_load %arg10[%get3A_737, %get3A_738] {strides = array<i32>} : memref<4x128xi32, #tpu.memory_space<vmem>>, vector<1x16xi32>,
      %get3A_740 = vector.shape_cast %get3A_739 : vector<1x16xi32> to vector<16xi32>
      %add3A_741 = vector.broadcast %mul3A_2 : i32 to vector<16xi32>
      %add3A_742 = arith.addi %get3A_740, %add3A_741 : vector<16xi32>
      %swap3A_743 = arith.constant 1 : i32
      %swap3A_744 = arith.index_cast %swap3A_743 : i32 to index
      %swap3A_745 = arith.constant 48 : index
      %swap3A_746 = tpu.vector_load %arg10[%swap3A_744, %swap3A_745] {strides = array<i32>} : memref<4x128xi32, #tpu.memory_space<vmem>>, vector<1x16xi32>,
      %swap3A_747 = vector.shape_cast %swap3A_746 : vector<1x16xi32> to vector<16xi32>
      %swap3A_748 = vector.shape_cast %add3A_742 : vector<16xi32> to vector<1x16xi32>
      tpu.vector_store %arg10[%swap3A_744, %swap3A_745], %swap3A_748 {strides = array<i32>} : memref<4x128xi32, #tpu.memory_space<vmem>>, vector<1x16xi32>,
      %get3A_749 = arith.constant 1 : i32
      %get3A_750 = arith.index_cast %get3A_749 : i32 to index
      %get3A_751 = arith.constant 64 : index
      %get3A_752 = tpu.vector_load %arg10[%get3A_750, %get3A_751] {strides = array<i32>} : memref<4x128xi32, #tpu.memory_space<vmem>>, vector<1x16xi32>,
      %get3A_753 = vector.shape_cast %get3A_752 : vector<1x16xi32> to vector<16xi32>
      %add3A_754 = vector.broadcast %mul3A_2 : i32 to vector<16xi32>
      %add3A_755 = arith.addi %get3A_753, %add3A_754 : vector<16xi32>
      %swap3A_756 = arith.constant 1 : i32
      %swap3A_757 = arith.index_cast %swap3A_756 : i32 to index
      %swap3A_758 = arith.constant 64 : index
      %swap3A_759 = tpu.vector_load %arg10[%swap3A_757, %swap3A_758] {strides = array<i32>} : memref<4x128xi32, #tpu.memory_space<vmem>>, vector<1x16xi32>,
      %swap3A_760 = vector.shape_cast %swap3A_759 : vector<1x16xi32> to vector<16xi32>
      %swap3A_761 = vector.shape_cast %add3A_755 : vector<16xi32> to vector<1x16xi32>
      tpu.vector_store %arg10[%swap3A_757, %swap3A_758], %swap3A_761 {strides = array<i32>} : memref<4x128xi32, #tpu.memory_space<vmem>>, vector<1x16xi32>,
      %get3A_762 = arith.constant 1 : i32
      %get3A_763 = arith.index_cast %get3A_762 : i32 to index
      %get3A_764 = arith.constant 80 : index
      %get3A_765 = tpu.vector_load %arg10[%get3A_763, %get3A_764] {strides = array<i32>} : memref<4x128xi32, #tpu.memory_space<vmem>>, vector<1x16xi32>,
      %get3A_766 = vector.shape_cast %get3A_765 : vector<1x16xi32> to vector<16xi32>
      %add3A_767 = vector.broadcast %mul3A_2 : i32 to vector<16xi32>
      %add3A_768 = arith.addi %get3A_766, %add3A_767 : vector<16xi32>
      %swap3A_769 = arith.constant 1 : i32
      %swap3A_770 = arith.index_cast %swap3A_769 : i32 to index
      %swap3A_771 = arith.constant 80 : index
      %swap3A_772 = tpu.vector_load %arg10[%swap3A_770, %swap3A_771] {strides = array<i32>} : memref<4x128xi32, #tpu.memory_space<vmem>>, vector<1x16xi32>,
      %swap3A_773 = vector.shape_cast %swap3A_772 : vector<1x16xi32> to vector<16xi32>
      %swap3A_774 = vector.shape_cast %add3A_768 : vector<16xi32> to vector<1x16xi32>
      tpu.vector_store %arg10[%swap3A_770, %swap3A_771], %swap3A_774 {strides = array<i32>} : memref<4x128xi32, #tpu.memory_space<vmem>>, vector<1x16xi32>,
      %get3A_775 = arith.constant 1 : i32
      %get3A_776 = arith.index_cast %get3A_775 : i32 to index
      %get3A_777 = arith.constant 96 : index
      %get3A_778 = tpu.vector_load %arg10[%get3A_776, %get3A_777] {strides = array<i32>} : memref<4x128xi32, #tpu.memory_space<vmem>>, vector<1x16xi32>,
      %get3A_779 = vector.shape_cast %get3A_778 : vector<1x16xi32> to vector<16xi32>
      %add3A_780 = vector.broadcast %mul3A_2 : i32 to vector<16xi32>
      %add3A_781 = arith.addi %get3A_779, %add3A_780 : vector<16xi32>
      %swap3A_782 = arith.constant 1 : i32
      %swap3A_783 = arith.index_cast %swap3A_782 : i32 to index
      %swap3A_784 = arith.constant 96 : index
      %swap3A_785 = tpu.vector_load %arg10[%swap3A_783, %swap3A_784] {strides = array<i32>} : memref<4x128xi32, #tpu.memory_space<vmem>>, vector<1x16xi32>,
      %swap3A_786 = vector.shape_cast %swap3A_785 : vector<1x16xi32> to vector<16xi32>
      %swap3A_787 = vector.shape_cast %add3A_781 : vector<16xi32> to vector<1x16xi32>
      tpu.vector_store %arg10[%swap3A_783, %swap3A_784], %swap3A_787 {strides = array<i32>} : memref<4x128xi32, #tpu.memory_space<vmem>>, vector<1x16xi32>,
      %get3A_788 = arith.constant 1 : i32
      %get3A_789 = arith.index_cast %get3A_788 : i32 to index
      %get3A_790 = arith.constant 112 : index
      %get3A_791 = tpu.vector_load %arg10[%get3A_789, %get3A_790] {strides = array<i32>} : memref<4x128xi32, #tpu.memory_space<vmem>>, vector<1x16xi32>,
      %get3A_792 = vector.shape_cast %get3A_791 : vector<1x16xi32> to vector<16xi32>
      %add3A_793 = vector.broadcast %mul3A_2 : i32 to vector<16xi32>
      %add3A_794 = arith.addi %get3A_792, %add3A_793 : vector<16xi32>
      %swap3A_795 = arith.constant 1 : i32
      %swap3A_796 = arith.index_cast %swap3A_795 : i32 to index
      %swap3A_797 = arith.constant 112 : index
      %swap3A_798 = tpu.vector_load %arg10[%swap3A_796, %swap3A_797] {strides = array<i32>} : memref<4x128xi32, #tpu.memory_space<vmem>>, vector<1x16xi32>,
      %swap3A_799 = vector.shape_cast %swap3A_798 : vector<1x16xi32> to vector<16xi32>
      %swap3A_800 = vector.shape_cast %add3A_794 : vector<16xi32> to vector<1x16xi32>
      tpu.vector_store %arg10[%swap3A_796, %swap3A_797], %swap3A_800 {strides = array<i32>} : memref<4x128xi32, #tpu.memory_space<vmem>>, vector<1x16xi32>,
      %get3A_801 = arith.constant 2 : i32
      %get3A_802 = arith.index_cast %get3A_801 : i32 to index
      %get3A_803 = arith.constant 0 : index
      %get3A_804 = tpu.vector_load %arg10[%get3A_802, %get3A_803] {strides = array<i32>} : memref<4x128xi32, #tpu.memory_space<vmem>>, vector<1x16xi32>,
      %get3A_805 = vector.shape_cast %get3A_804 : vector<1x16xi32> to vector<16xi32>
      %add3A_806 = vector.broadcast %mul3A_2 : i32 to vector<16xi32>
      %add3A_807 = arith.addi %get3A_805, %add3A_806 : vector<16xi32>
      %swap3A_808 = arith.constant 2 : i32
      %swap3A_809 = arith.index_cast %swap3A_808 : i32 to index
      %swap3A_810 = arith.constant 0 : index
      %swap3A_811 = tpu.vector_load %arg10[%swap3A_809, %swap3A_810] {strides = array<i32>} : memref<4x128xi32, #tpu.memory_space<vmem>>, vector<1x16xi32>,
      %swap3A_812 = vector.shape_cast %swap3A_811 : vector<1x16xi32> to vector<16xi32>
      %swap3A_813 = vector.shape_cast %add3A_807 : vector<16xi32> to vector<1x16xi32>
      tpu.vector_store %arg10[%swap3A_809, %swap3A_810], %swap3A_813 {strides = array<i32>} : memref<4x128xi32, #tpu.memory_space<vmem>>, vector<1x16xi32>,
      %get3A_814 = arith.constant 2 : i32
      %get3A_815 = arith.index_cast %get3A_814 : i32 to index
      %get3A_816 = arith.constant 16 : index
      %get3A_817 = tpu.vector_load %arg10[%get3A_815, %get3A_816] {strides = array<i32>} : memref<4x128xi32, #tpu.memory_space<vmem>>, vector<1x16xi32>,
      %get3A_818 = vector.shape_cast %get3A_817 : vector<1x16xi32> to vector<16xi32>
      %add3A_819 = vector.broadcast %mul3A_2 : i32 to vector<16xi32>
      %add3A_820 = arith.addi %get3A_818, %add3A_819 : vector<16xi32>
      %swap3A_821 = arith.constant 2 : i32
      %swap3A_822 = arith.index_cast %swap3A_821 : i32 to index
      %swap3A_823 = arith.constant 16 : index
      %swap3A_824 = tpu.vector_load %arg10[%swap3A_822, %swap3A_823] {strides = array<i32>} : memref<4x128xi32, #tpu.memory_space<vmem>>, vector<1x16xi32>,
      %swap3A_825 = vector.shape_cast %swap3A_824 : vector<1x16xi32> to vector<16xi32>
      %swap3A_826 = vector.shape_cast %add3A_820 : vector<16xi32> to vector<1x16xi32>
      tpu.vector_store %arg10[%swap3A_822, %swap3A_823], %swap3A_826 {strides = array<i32>} : memref<4x128xi32, #tpu.memory_space<vmem>>, vector<1x16xi32>,
      %get3A_827 = arith.constant 2 : i32
      %get3A_828 = arith.index_cast %get3A_827 : i32 to index
      %get3A_829 = arith.constant 32 : index
      %get3A_830 = tpu.vector_load %arg10[%get3A_828, %get3A_829] {strides = array<i32>} : memref<4x128xi32, #tpu.memory_space<vmem>>, vector<1x16xi32>,
      %get3A_831 = vector.shape_cast %get3A_830 : vector<1x16xi32> to vector<16xi32>
      %add3A_832 = vector.broadcast %mul3A_2 : i32 to vector<16xi32>
      %add3A_833 = arith.addi %get3A_831, %add3A_832 : vector<16xi32>
      %swap3A_834 = arith.constant 2 : i32
      %swap3A_835 = arith.index_cast %swap3A_834 : i32 to index
      %swap3A_836 = arith.constant 32 : index
      %swap3A_837 = tpu.vector_load %arg10[%swap3A_835, %swap3A_836] {strides = array<i32>} : memref<4x128xi32, #tpu.memory_space<vmem>>, vector<1x16xi32>,
      %swap3A_838 = vector.shape_cast %swap3A_837 : vector<1x16xi32> to vector<16xi32>
      %swap3A_839 = vector.shape_cast %add3A_833 : vector<16xi32> to vector<1x16xi32>
      tpu.vector_store %arg10[%swap3A_835, %swap3A_836], %swap3A_839 {strides = array<i32>} : memref<4x128xi32, #tpu.memory_space<vmem>>, vector<1x16xi32>,
      %get3A_840 = arith.constant 2 : i32
      %get3A_841 = arith.index_cast %get3A_840 : i32 to index
      %get3A_842 = arith.constant 48 : index
      %get3A_843 = tpu.vector_load %arg10[%get3A_841, %get3A_842] {strides = array<i32>} : memref<4x128xi32, #tpu.memory_space<vmem>>, vector<1x16xi32>,
      %get3A_844 = vector.shape_cast %get3A_843 : vector<1x16xi32> to vector<16xi32>
      %add3A_845 = vector.broadcast %mul3A_2 : i32 to vector<16xi32>
      %add3A_846 = arith.addi %get3A_844, %add3A_845 : vector<16xi32>
      %swap3A_847 = arith.constant 2 : i32
      %swap3A_848 = arith.index_cast %swap3A_847 : i32 to index
      %swap3A_849 = arith.constant 48 : index
      %swap3A_850 = tpu.vector_load %arg10[%swap3A_848, %swap3A_849] {strides = array<i32>} : memref<4x128xi32, #tpu.memory_space<vmem>>, vector<1x16xi32>,
      %swap3A_851 = vector.shape_cast %swap3A_850 : vector<1x16xi32> to vector<16xi32>
      %swap3A_852 = vector.shape_cast %add3A_846 : vector<16xi32> to vector<1x16xi32>
      tpu.vector_store %arg10[%swap3A_848, %swap3A_849], %swap3A_852 {strides = array<i32>} : memref<4x128xi32, #tpu.memory_space<vmem>>, vector<1x16xi32>,
      %get3A_853 = arith.constant 2 : i32
      %get3A_854 = arith.index_cast %get3A_853 : i32 to index
      %get3A_855 = arith.constant 64 : index
      %get3A_856 = tpu.vector_load %arg10[%get3A_854, %get3A_855] {strides = array<i32>} : memref<4x128xi32, #tpu.memory_space<vmem>>, vector<1x16xi32>,
      %get3A_857 = vector.shape_cast %get3A_856 : vector<1x16xi32> to vector<16xi32>
      %add3A_858 = vector.broadcast %mul3A_2 : i32 to vector<16xi32>
      %add3A_859 = arith.addi %get3A_857, %add3A_858 : vector<16xi32>
      %swap3A_860 = arith.constant 2 : i32
      %swap3A_861 = arith.index_cast %swap3A_860 : i32 to index
      %swap3A_862 = arith.constant 64 : index
      %swap3A_863 = tpu.vector_load %arg10[%swap3A_861, %swap3A_862] {strides = array<i32>} : memref<4x128xi32, #tpu.memory_space<vmem>>, vector<1x16xi32>,
      %swap3A_864 = vector.shape_cast %swap3A_863 : vector<1x16xi32> to vector<16xi32>
      %swap3A_865 = vector.shape_cast %add3A_859 : vector<16xi32> to vector<1x16xi32>
      tpu.vector_store %arg10[%swap3A_861, %swap3A_862], %swap3A_865 {strides = array<i32>} : memref<4x128xi32, #tpu.memory_space<vmem>>, vector<1x16xi32>,
      %get3A_866 = arith.constant 2 : i32
      %get3A_867 = arith.index_cast %get3A_866 : i32 to index
      %get3A_868 = arith.constant 80 : index
      %get3A_869 = tpu.vector_load %arg10[%get3A_867, %get3A_868] {strides = array<i32>} : memref<4x128xi32, #tpu.memory_space<vmem>>, vector<1x16xi32>,
      %get3A_870 = vector.shape_cast %get3A_869 : vector<1x16xi32> to vector<16xi32>
      %add3A_871 = vector.broadcast %mul3A_2 : i32 to vector<16xi32>
      %add3A_872 = arith.addi %get3A_870, %add3A_871 : vector<16xi32>
      %swap3A_873 = arith.constant 2 : i32
      %swap3A_874 = arith.index_cast %swap3A_873 : i32 to index
      %swap3A_875 = arith.constant 80 : index
      %swap3A_876 = tpu.vector_load %arg10[%swap3A_874, %swap3A_875] {strides = array<i32>} : memref<4x128xi32, #tpu.memory_space<vmem>>, vector<1x16xi32>,
      %swap3A_877 = vector.shape_cast %swap3A_876 : vector<1x16xi32> to vector<16xi32>
      %swap3A_878 = vector.shape_cast %add3A_872 : vector<16xi32> to vector<1x16xi32>
      tpu.vector_store %arg10[%swap3A_874, %swap3A_875], %swap3A_878 {strides = array<i32>} : memref<4x128xi32, #tpu.memory_space<vmem>>, vector<1x16xi32>,
      %get3A_879 = arith.constant 2 : i32
      %get3A_880 = arith.index_cast %get3A_879 : i32 to index
      %get3A_881 = arith.constant 96 : index
      %get3A_882 = tpu.vector_load %arg10[%get3A_880, %get3A_881] {strides = array<i32>} : memref<4x128xi32, #tpu.memory_space<vmem>>, vector<1x16xi32>,
      %get3A_883 = vector.shape_cast %get3A_882 : vector<1x16xi32> to vector<16xi32>
      %add3A_884 = vector.broadcast %mul3A_2 : i32 to vector<16xi32>
      %add3A_885 = arith.addi %get3A_883, %add3A_884 : vector<16xi32>
      %swap3A_886 = arith.constant 2 : i32
      %swap3A_887 = arith.index_cast %swap3A_886 : i32 to index
      %swap3A_888 = arith.constant 96 : index
      %swap3A_889 = tpu.vector_load %arg10[%swap3A_887, %swap3A_888] {strides = array<i32>} : memref<4x128xi32, #tpu.memory_space<vmem>>, vector<1x16xi32>,
      %swap3A_890 = vector.shape_cast %swap3A_889 : vector<1x16xi32> to vector<16xi32>
      %swap3A_891 = vector.shape_cast %add3A_885 : vector<16xi32> to vector<1x16xi32>
      tpu.vector_store %arg10[%swap3A_887, %swap3A_888], %swap3A_891 {strides = array<i32>} : memref<4x128xi32, #tpu.memory_space<vmem>>, vector<1x16xi32>,
      %get3A_892 = arith.constant 2 : i32
      %get3A_893 = arith.index_cast %get3A_892 : i32 to index
      %get3A_894 = arith.constant 112 : index
      %get3A_895 = tpu.vector_load %arg10[%get3A_893, %get3A_894] {strides = array<i32>} : memref<4x128xi32, #tpu.memory_space<vmem>>, vector<1x16xi32>,
      %get3A_896 = vector.shape_cast %get3A_895 : vector<1x16xi32> to vector<16xi32>
      %add3A_897 = vector.broadcast %mul3A_2 : i32 to vector<16xi32>
      %add3A_898 = arith.addi %get3A_896, %add3A_897 : vector<16xi32>
      %swap3A_899 = arith.constant 2 : i32
      %swap3A_900 = arith.index_cast %swap3A_899 : i32 to index
      %swap3A_901 = arith.constant 112 : index
      %swap3A_902 = tpu.vector_load %arg10[%swap3A_900, %swap3A_901] {strides = array<i32>} : memref<4x128xi32, #tpu.memory_space<vmem>>, vector<1x16xi32>,
      %swap3A_903 = vector.shape_cast %swap3A_902 : vector<1x16xi32> to vector<16xi32>
      %swap3A_904 = vector.shape_cast %add3A_898 : vector<16xi32> to vector<1x16xi32>
      tpu.vector_store %arg10[%swap3A_900, %swap3A_901], %swap3A_904 {strides = array<i32>} : memref<4x128xi32, #tpu.memory_space<vmem>>, vector<1x16xi32>,
      %get3A_905 = arith.constant 3 : i32
      %get3A_906 = arith.index_cast %get3A_905 : i32 to index
      %get3A_907 = arith.constant 0 : index
      %get3A_908 = tpu.vector_load %arg10[%get3A_906, %get3A_907] {strides = array<i32>} : memref<4x128xi32, #tpu.memory_space<vmem>>, vector<1x16xi32>,
      %get3A_909 = vector.shape_cast %get3A_908 : vector<1x16xi32> to vector<16xi32>
      %add3A_910 = vector.broadcast %mul3A_2 : i32 to vector<16xi32>
      %add3A_911 = arith.addi %get3A_909, %add3A_910 : vector<16xi32>
      %swap3A_912 = arith.constant 3 : i32
      %swap3A_913 = arith.index_cast %swap3A_912 : i32 to index
      %swap3A_914 = arith.constant 0 : index
      %swap3A_915 = tpu.vector_load %arg10[%swap3A_913, %swap3A_914] {strides = array<i32>} : memref<4x128xi32, #tpu.memory_space<vmem>>, vector<1x16xi32>,
      %swap3A_916 = vector.shape_cast %swap3A_915 : vector<1x16xi32> to vector<16xi32>
      %swap3A_917 = vector.shape_cast %add3A_911 : vector<16xi32> to vector<1x16xi32>
      tpu.vector_store %arg10[%swap3A_913, %swap3A_914], %swap3A_917 {strides = array<i32>} : memref<4x128xi32, #tpu.memory_space<vmem>>, vector<1x16xi32>,
      %get3A_918 = arith.constant 3 : i32
      %get3A_919 = arith.index_cast %get3A_918 : i32 to index
      %get3A_920 = arith.constant 16 : index
      %get3A_921 = tpu.vector_load %arg10[%get3A_919, %get3A_920] {strides = array<i32>} : memref<4x128xi32, #tpu.memory_space<vmem>>, vector<1x16xi32>,
      %get3A_922 = vector.shape_cast %get3A_921 : vector<1x16xi32> to vector<16xi32>
      %add3A_923 = vector.broadcast %mul3A_2 : i32 to vector<16xi32>
      %add3A_924 = arith.addi %get3A_922, %add3A_923 : vector<16xi32>
      %swap3A_925 = arith.constant 3 : i32
      %swap3A_926 = arith.index_cast %swap3A_925 : i32 to index
      %swap3A_927 = arith.constant 16 : index
      %swap3A_928 = tpu.vector_load %arg10[%swap3A_926, %swap3A_927] {strides = array<i32>} : memref<4x128xi32, #tpu.memory_space<vmem>>, vector<1x16xi32>,
      %swap3A_929 = vector.shape_cast %swap3A_928 : vector<1x16xi32> to vector<16xi32>
      %swap3A_930 = vector.shape_cast %add3A_924 : vector<16xi32> to vector<1x16xi32>
      tpu.vector_store %arg10[%swap3A_926, %swap3A_927], %swap3A_930 {strides = array<i32>} : memref<4x128xi32, #tpu.memory_space<vmem>>, vector<1x16xi32>,
      %get3A_931 = arith.constant 3 : i32
      %get3A_932 = arith.index_cast %get3A_931 : i32 to index
      %get3A_933 = arith.constant 32 : index
      %get3A_934 = tpu.vector_load %arg10[%get3A_932, %get3A_933] {strides = array<i32>} : memref<4x128xi32, #tpu.memory_space<vmem>>, vector<1x16xi32>,
      %get3A_935 = vector.shape_cast %get3A_934 : vector<1x16xi32> to vector<16xi32>
      %add3A_936 = vector.broadcast %mul3A_2 : i32 to vector<16xi32>
      %add3A_937 = arith.addi %get3A_935, %add3A_936 : vector<16xi32>
      %swap3A_938 = arith.constant 3 : i32
      %swap3A_939 = arith.index_cast %swap3A_938 : i32 to index
      %swap3A_940 = arith.constant 32 : index
      %swap3A_941 = tpu.vector_load %arg10[%swap3A_939, %swap3A_940] {strides = array<i32>} : memref<4x128xi32, #tpu.memory_space<vmem>>, vector<1x16xi32>,
      %swap3A_942 = vector.shape_cast %swap3A_941 : vector<1x16xi32> to vector<16xi32>
      %swap3A_943 = vector.shape_cast %add3A_937 : vector<16xi32> to vector<1x16xi32>
      tpu.vector_store %arg10[%swap3A_939, %swap3A_940], %swap3A_943 {strides = array<i32>} : memref<4x128xi32, #tpu.memory_space<vmem>>, vector<1x16xi32>,
      %get3A_944 = arith.constant 3 : i32
      %get3A_945 = arith.index_cast %get3A_944 : i32 to index
      %get3A_946 = arith.constant 48 : index
      %get3A_947 = tpu.vector_load %arg10[%get3A_945, %get3A_946] {strides = array<i32>} : memref<4x128xi32, #tpu.memory_space<vmem>>, vector<1x16xi32>,
      %get3A_948 = vector.shape_cast %get3A_947 : vector<1x16xi32> to vector<16xi32>
      %add3A_949 = vector.broadcast %mul3A_2 : i32 to vector<16xi32>
      %add3A_950 = arith.addi %get3A_948, %add3A_949 : vector<16xi32>
      %swap3A_951 = arith.constant 3 : i32
      %swap3A_952 = arith.index_cast %swap3A_951 : i32 to index
      %swap3A_953 = arith.constant 48 : index
      %swap3A_954 = tpu.vector_load %arg10[%swap3A_952, %swap3A_953] {strides = array<i32>} : memref<4x128xi32, #tpu.memory_space<vmem>>, vector<1x16xi32>,
      %swap3A_955 = vector.shape_cast %swap3A_954 : vector<1x16xi32> to vector<16xi32>
      %swap3A_956 = vector.shape_cast %add3A_950 : vector<16xi32> to vector<1x16xi32>
      tpu.vector_store %arg10[%swap3A_952, %swap3A_953], %swap3A_956 {strides = array<i32>} : memref<4x128xi32, #tpu.memory_space<vmem>>, vector<1x16xi32>,
      %get3A_957 = arith.constant 3 : i32
      %get3A_958 = arith.index_cast %get3A_957 : i32 to index
      %get3A_959 = arith.constant 64 : index
      %get3A_960 = tpu.vector_load %arg10[%get3A_958, %get3A_959] {strides = array<i32>} : memref<4x128xi32, #tpu.memory_space<vmem>>, vector<1x16xi32>,
      %get3A_961 = vector.shape_cast %get3A_960 : vector<1x16xi32> to vector<16xi32>
      %add3A_962 = vector.broadcast %mul3A_2 : i32 to vector<16xi32>
      %add3A_963 = arith.addi %get3A_961, %add3A_962 : vector<16xi32>
      %swap3A_964 = arith.constant 3 : i32
      %swap3A_965 = arith.index_cast %swap3A_964 : i32 to index
      %swap3A_966 = arith.constant 64 : index
      %swap3A_967 = tpu.vector_load %arg10[%swap3A_965, %swap3A_966] {strides = array<i32>} : memref<4x128xi32, #tpu.memory_space<vmem>>, vector<1x16xi32>,
      %swap3A_968 = vector.shape_cast %swap3A_967 : vector<1x16xi32> to vector<16xi32>
      %swap3A_969 = vector.shape_cast %add3A_963 : vector<16xi32> to vector<1x16xi32>
      tpu.vector_store %arg10[%swap3A_965, %swap3A_966], %swap3A_969 {strides = array<i32>} : memref<4x128xi32, #tpu.memory_space<vmem>>, vector<1x16xi32>,
      %get3A_970 = arith.constant 3 : i32
      %get3A_971 = arith.index_cast %get3A_970 : i32 to index
      %get3A_972 = arith.constant 80 : index
      %get3A_973 = tpu.vector_load %arg10[%get3A_971, %get3A_972] {strides = array<i32>} : memref<4x128xi32, #tpu.memory_space<vmem>>, vector<1x16xi32>,
      %get3A_974 = vector.shape_cast %get3A_973 : vector<1x16xi32> to vector<16xi32>
      %add3A_975 = vector.broadcast %mul3A_2 : i32 to vector<16xi32>
      %add3A_976 = arith.addi %get3A_974, %add3A_975 : vector<16xi32>
      %swap3A_977 = arith.constant 3 : i32
      %swap3A_978 = arith.index_cast %swap3A_977 : i32 to index
      %swap3A_979 = arith.constant 80 : index
      %swap3A_980 = tpu.vector_load %arg10[%swap3A_978, %swap3A_979] {strides = array<i32>} : memref<4x128xi32, #tpu.memory_space<vmem>>, vector<1x16xi32>,
      %swap3A_981 = vector.shape_cast %swap3A_980 : vector<1x16xi32> to vector<16xi32>
      %swap3A_982 = vector.shape_cast %add3A_976 : vector<16xi32> to vector<1x16xi32>
      tpu.vector_store %arg10[%swap3A_978, %swap3A_979], %swap3A_982 {strides = array<i32>} : memref<4x128xi32, #tpu.memory_space<vmem>>, vector<1x16xi32>,
      %get3A_983 = arith.constant 3 : i32
      %get3A_984 = arith.index_cast %get3A_983 : i32 to index
      %get3A_985 = arith.constant 96 : index
      %get3A_986 = tpu.vector_load %arg10[%get3A_984, %get3A_985] {strides = array<i32>} : memref<4x128xi32, #tpu.memory_space<vmem>>, vector<1x16xi32>,
      %get3A_987 = vector.shape_cast %get3A_986 : vector<1x16xi32> to vector<16xi32>
      %add3A_988 = vector.broadcast %mul3A_2 : i32 to vector<16xi32>
      %add3A_989 = arith.addi %get3A_987, %add3A_988 : vector<16xi32>
      %swap3A_990 = arith.constant 3 : i32
      %swap3A_991 = arith.index_cast %swap3A_990 : i32 to index
      %swap3A_992 = arith.constant 96 : index
      %swap3A_993 = tpu.vector_load %arg10[%swap3A_991, %swap3A_992] {strides = array<i32>} : memref<4x128xi32, #tpu.memory_space<vmem>>, vector<1x16xi32>,
      %swap3A_994 = vector.shape_cast %swap3A_993 : vector<1x16xi32> to vector<16xi32>
      %swap3A_995 = vector.shape_cast %add3A_989 : vector<16xi32> to vector<1x16xi32>
      tpu.vector_store %arg10[%swap3A_991, %swap3A_992], %swap3A_995 {strides = array<i32>} : memref<4x128xi32, #tpu.memory_space<vmem>>, vector<1x16xi32>,
      %get3A_996 = arith.constant 3 : i32
      %get3A_997 = arith.index_cast %get3A_996 : i32 to index
      %get3A_998 = arith.constant 112 : index
      %get3A_999 = tpu.vector_load %arg10[%get3A_997, %get3A_998] {strides = array<i32>} : memref<4x128xi32, #tpu.memory_space<vmem>>, vector<1x16xi32>,
      %get3A_1000 = vector.shape_cast %get3A_999 : vector<1x16xi32> to vector<16xi32>
      %add3A_1001 = vector.broadcast %mul3A_2 : i32 to vector<16xi32>
      %add3A_1002 = arith.addi %get3A_1000, %add3A_1001 : vector<16xi32>
      %swap3A_1003 = arith.constant 3 : i32
      %swap3A_1004 = arith.index_cast %swap3A_1003 : i32 to index
      %swap3A_1005 = arith.constant 112 : index
      %swap3A_1006 = tpu.vector_load %arg10[%swap3A_1004, %swap3A_1005] {strides = array<i32>} : memref<4x128xi32, #tpu.memory_space<vmem>>, vector<1x16xi32>,
      %swap3A_1007 = vector.shape_cast %swap3A_1006 : vector<1x16xi32> to vector<16xi32>
      %swap3A_1008 = vector.shape_cast %add3A_1002 : vector<16xi32> to vector<1x16xi32>
      tpu.vector_store %arg10[%swap3A_1004, %swap3A_1005], %swap3A_1008 {strides = array<i32>} : memref<4x128xi32, #tpu.memory_space<vmem>>, vector<1x16xi32>,
      %dma_start3A_1009 = arith.constant 0 : i32
      %dma_start3A_1010 = arith.constant 0 : i32
      %dma_start3A_1011 = arith.constant 0 : i32
      %dma_start3A_1012 = tpu.memref_slice %arg12[%dma_start3A_1010, %dma_start3A_1011] : memref<512x16xf32, #tpu.memory_space<vmem>> -> memref<128x16xf32, #tpu.memory_space<vmem>>
      %dma_start3A_1013 = arith.constant 0 : i32
      %dma_start3A_1014 = tpu.memref_slice %arg10[%dma_start3A_1009, %dma_start3A_1013] : memref<4x128xi32, #tpu.memory_space<vmem>> -> memref<1x128xi32, #tpu.memory_space<vmem>>
      %dma_start3A_1015 = tpu.memref_squeeze %dma_start3A_1014 : memref<1x128xi32, #tpu.memory_space<vmem>> -> memref<128xi32, #tpu.memory_space<vmem>>
      %dma_start3A_1016 = arith.constant 0 : i32
      %dma_start3A_1017 = arith.constant 0 : i32
      %dma_start3A_1018 = tpu.memref_slice %arg2[%dma_start3A_1016, %dma_start3A_1017] : memref<200000x16xf32, #tpu.memory_space<hbm>> -> memref<200000x16xf32, #tpu.memory_space<hbm>>
      tpu.enqueue_indirect_dma source(%dma_start3A_1018 : memref<200000x16xf32, #tpu.memory_space<hbm>>) target(%dma_start3A_1012 : memref<128x16xf32, #tpu.memory_space<vmem>>) offsets(%dma_start3A_1015 : memref<128xi32, #tpu.memory_space<vmem>>) semaphore(%arg17 : memref<!tpu.dma_semaphore, #tpu.memory_space<semaphore_mem>>)
      %dma_start3A_1019 = arith.constant 1 : i32
      %dma_start3A_1020 = arith.constant 128 : i32
      %dma_start3A_1021 = arith.constant 0 : i32
      %dma_start3A_1022 = tpu.memref_slice %arg12[%dma_start3A_1020, %dma_start3A_1021] : memref<512x16xf32, #tpu.memory_space<vmem>> -> memref<128x16xf32, #tpu.memory_space<vmem>>
      %dma_start3A_1023 = arith.constant 0 : i32
      %dma_start3A_1024 = tpu.memref_slice %arg10[%dma_start3A_1019, %dma_start3A_1023] : memref<4x128xi32, #tpu.memory_space<vmem>> -> memref<1x128xi32, #tpu.memory_space<vmem>>
      %dma_start3A_1025 = tpu.memref_squeeze %dma_start3A_1024 : memref<1x128xi32, #tpu.memory_space<vmem>> -> memref<128xi32, #tpu.memory_space<vmem>>
      %dma_start3A_1026 = arith.constant 0 : i32
      %dma_start3A_1027 = arith.constant 0 : i32
      %dma_start3A_1028 = tpu.memref_slice %arg2[%dma_start3A_1026, %dma_start3A_1027] : memref<200000x16xf32, #tpu.memory_space<hbm>> -> memref<200000x16xf32, #tpu.memory_space<hbm>>
      tpu.enqueue_indirect_dma source(%dma_start3A_1028 : memref<200000x16xf32, #tpu.memory_space<hbm>>) target(%dma_start3A_1022 : memref<128x16xf32, #tpu.memory_space<vmem>>) offsets(%dma_start3A_1025 : memref<128xi32, #tpu.memory_space<vmem>>) semaphore(%arg17 : memref<!tpu.dma_semaphore, #tpu.memory_space<semaphore_mem>>)
      %dma_start3A_1029 = arith.constant 2 : i32
      %dma_start3A_1030 = arith.constant 256 : i32
      %dma_start3A_1031 = arith.constant 0 : i32
      %dma_start3A_1032 = tpu.memref_slice %arg12[%dma_start3A_1030, %dma_start3A_1031] : memref<512x16xf32, #tpu.memory_space<vmem>> -> memref<128x16xf32, #tpu.memory_space<vmem>>
      %dma_start3A_1033 = arith.constant 0 : i32
      %dma_start3A_1034 = tpu.memref_slice %arg10[%dma_start3A_1029, %dma_start3A_1033] : memref<4x128xi32, #tpu.memory_space<vmem>> -> memref<1x128xi32, #tpu.memory_space<vmem>>
      %dma_start3A_1035 = tpu.memref_squeeze %dma_start3A_1034 : memref<1x128xi32, #tpu.memory_space<vmem>> -> memref<128xi32, #tpu.memory_space<vmem>>
      %dma_start3A_1036 = arith.constant 0 : i32
      %dma_start3A_1037 = arith.constant 0 : i32
      %dma_start3A_1038 = tpu.memref_slice %arg2[%dma_start3A_1036, %dma_start3A_1037] : memref<200000x16xf32, #tpu.memory_space<hbm>> -> memref<200000x16xf32, #tpu.memory_space<hbm>>
      tpu.enqueue_indirect_dma source(%dma_start3A_1038 : memref<200000x16xf32, #tpu.memory_space<hbm>>) target(%dma_start3A_1032 : memref<128x16xf32, #tpu.memory_space<vmem>>) offsets(%dma_start3A_1035 : memref<128xi32, #tpu.memory_space<vmem>>) semaphore(%arg17 : memref<!tpu.dma_semaphore, #tpu.memory_space<semaphore_mem>>)
      %dma_start3A_1039 = arith.constant 3 : i32
      %dma_start3A_1040 = arith.constant 384 : i32
      %dma_start3A_1041 = arith.constant 0 : i32
      %dma_start3A_1042 = tpu.memref_slice %arg12[%dma_start3A_1040, %dma_start3A_1041] : memref<512x16xf32, #tpu.memory_space<vmem>> -> memref<128x16xf32, #tpu.memory_space<vmem>>
      %dma_start3A_1043 = arith.constant 0 : i32
      %dma_start3A_1044 = tpu.memref_slice %arg10[%dma_start3A_1039, %dma_start3A_1043] : memref<4x128xi32, #tpu.memory_space<vmem>> -> memref<1x128xi32, #tpu.memory_space<vmem>>
      %dma_start3A_1045 = tpu.memref_squeeze %dma_start3A_1044 : memref<1x128xi32, #tpu.memory_space<vmem>> -> memref<128xi32, #tpu.memory_space<vmem>>
      %dma_start3A_1046 = arith.constant 0 : i32
      %dma_start3A_1047 = arith.constant 0 : i32
      %dma_start3A_1048 = tpu.memref_slice %arg2[%dma_start3A_1046, %dma_start3A_1047] : memref<200000x16xf32, #tpu.memory_space<hbm>> -> memref<200000x16xf32, #tpu.memory_space<hbm>>
      tpu.enqueue_indirect_dma source(%dma_start3A_1048 : memref<200000x16xf32, #tpu.memory_space<hbm>>) target(%dma_start3A_1042 : memref<128x16xf32, #tpu.memory_space<vmem>>) offsets(%dma_start3A_1045 : memref<128xi32, #tpu.memory_space<vmem>>) semaphore(%arg17 : memref<!tpu.dma_semaphore, #tpu.memory_space<semaphore_mem>>)
      %dma_wait3A_1049 = arith.constant 0 : i32
      %dma_wait3A_1050 = arith.constant 0 : i32
      %dma_wait3A_1051 = arith.constant 0 : i32
      %dma_wait3A_1052 = tpu.memref_slice %arg9[%dma_wait3A_1050, %dma_wait3A_1051] : memref<512x16xf32, #tpu.memory_space<vmem>> -> memref<128x16xf32, #tpu.memory_space<vmem>>
      %dma_wait3A_1053 = arith.constant 0 : i32
      %dma_wait3A_1054 = tpu.memref_slice %arg8[%dma_wait3A_1049, %dma_wait3A_1053] : memref<4x128xi32, #tpu.memory_space<vmem>> -> memref<1x128xi32, #tpu.memory_space<vmem>>
      %dma_wait3A_1055 = tpu.memref_squeeze %dma_wait3A_1054 : memref<1x128xi32, #tpu.memory_space<vmem>> -> memref<128xi32, #tpu.memory_space<vmem>>
      %dma_wait3A_1056 = arith.constant 0 : i32
      %dma_wait3A_1057 = arith.constant 0 : i32
      %dma_wait3A_1058 = tpu.memref_slice %arg13[%dma_wait3A_1056, %dma_wait3A_1057] : memref<104000x16xf32, #tpu.memory_space<vmem_shared>> -> memref<104000x16xf32, #tpu.memory_space<vmem_shared>>
      tpu.wait_indirect_dma semaphore(%arg15 : memref<!tpu.dma_semaphore, #tpu.memory_space<semaphore_mem>>) src(%dma_wait3A_1052 : memref<128x16xf32, #tpu.memory_space<vmem>>) dst(%dma_wait3A_1058 : memref<104000x16xf32, #tpu.memory_space<vmem_shared>>)
      %dma_wait3A_1059 = arith.constant 1 : i32
      %dma_wait3A_1060 = arith.constant 128 : i32
      %dma_wait3A_1061 = arith.constant 0 : i32
      %dma_wait3A_1062 = tpu.memref_slice %arg9[%dma_wait3A_1060, %dma_wait3A_1061] : memref<512x16xf32, #tpu.memory_space<vmem>> -> memref<128x16xf32, #tpu.memory_space<vmem>>
      %dma_wait3A_1063 = arith.constant 0 : i32
      %dma_wait3A_1064 = tpu.memref_slice %arg8[%dma_wait3A_1059, %dma_wait3A_1063] : memref<4x128xi32, #tpu.memory_space<vmem>> -> memref<1x128xi32, #tpu.memory_space<vmem>>
      %dma_wait3A_1065 = tpu.memref_squeeze %dma_wait3A_1064 : memref<1x128xi32, #tpu.memory_space<vmem>> -> memref<128xi32, #tpu.memory_space<vmem>>
      %dma_wait3A_1066 = arith.constant 0 : i32
      %dma_wait3A_1067 = arith.constant 0 : i32
      %dma_wait3A_1068 = tpu.memref_slice %arg13[%dma_wait3A_1066, %dma_wait3A_1067] : memref<104000x16xf32, #tpu.memory_space<vmem_shared>> -> memref<104000x16xf32, #tpu.memory_space<vmem_shared>>
      tpu.wait_indirect_dma semaphore(%arg15 : memref<!tpu.dma_semaphore, #tpu.memory_space<semaphore_mem>>) src(%dma_wait3A_1062 : memref<128x16xf32, #tpu.memory_space<vmem>>) dst(%dma_wait3A_1068 : memref<104000x16xf32, #tpu.memory_space<vmem_shared>>)
      %dma_wait3A_1069 = arith.constant 2 : i32
      %dma_wait3A_1070 = arith.constant 256 : i32
      %dma_wait3A_1071 = arith.constant 0 : i32
      %dma_wait3A_1072 = tpu.memref_slice %arg9[%dma_wait3A_1070, %dma_wait3A_1071] : memref<512x16xf32, #tpu.memory_space<vmem>> -> memref<128x16xf32, #tpu.memory_space<vmem>>
      %dma_wait3A_1073 = arith.constant 0 : i32
      %dma_wait3A_1074 = tpu.memref_slice %arg8[%dma_wait3A_1069, %dma_wait3A_1073] : memref<4x128xi32, #tpu.memory_space<vmem>> -> memref<1x128xi32, #tpu.memory_space<vmem>>
      %dma_wait3A_1075 = tpu.memref_squeeze %dma_wait3A_1074 : memref<1x128xi32, #tpu.memory_space<vmem>> -> memref<128xi32, #tpu.memory_space<vmem>>
      %dma_wait3A_1076 = arith.constant 0 : i32
      %dma_wait3A_1077 = arith.constant 0 : i32
      %dma_wait3A_1078 = tpu.memref_slice %arg13[%dma_wait3A_1076, %dma_wait3A_1077] : memref<104000x16xf32, #tpu.memory_space<vmem_shared>> -> memref<104000x16xf32, #tpu.memory_space<vmem_shared>>
      tpu.wait_indirect_dma semaphore(%arg15 : memref<!tpu.dma_semaphore, #tpu.memory_space<semaphore_mem>>) src(%dma_wait3A_1072 : memref<128x16xf32, #tpu.memory_space<vmem>>) dst(%dma_wait3A_1078 : memref<104000x16xf32, #tpu.memory_space<vmem_shared>>)
      %dma_wait3A_1079 = arith.constant 3 : i32
      %dma_wait3A_1080 = arith.constant 384 : i32
      %dma_wait3A_1081 = arith.constant 0 : i32
      %dma_wait3A_1082 = tpu.memref_slice %arg9[%dma_wait3A_1080, %dma_wait3A_1081] : memref<512x16xf32, #tpu.memory_space<vmem>> -> memref<128x16xf32, #tpu.memory_space<vmem>>
      %dma_wait3A_1083 = arith.constant 0 : i32
      %dma_wait3A_1084 = tpu.memref_slice %arg8[%dma_wait3A_1079, %dma_wait3A_1083] : memref<4x128xi32, #tpu.memory_space<vmem>> -> memref<1x128xi32, #tpu.memory_space<vmem>>
      %dma_wait3A_1085 = tpu.memref_squeeze %dma_wait3A_1084 : memref<1x128xi32, #tpu.memory_space<vmem>> -> memref<128xi32, #tpu.memory_space<vmem>>
      %dma_wait3A_1086 = arith.constant 0 : i32
      %dma_wait3A_1087 = arith.constant 0 : i32
      %dma_wait3A_1088 = tpu.memref_slice %arg13[%dma_wait3A_1086, %dma_wait3A_1087] : memref<104000x16xf32, #tpu.memory_space<vmem_shared>> -> memref<104000x16xf32, #tpu.memory_space<vmem_shared>>
      tpu.wait_indirect_dma semaphore(%arg15 : memref<!tpu.dma_semaphore, #tpu.memory_space<semaphore_mem>>) src(%dma_wait3A_1082 : memref<128x16xf32, #tpu.memory_space<vmem>>) dst(%dma_wait3A_1088 : memref<104000x16xf32, #tpu.memory_space<vmem_shared>>)
      %add3A_1089 = arith.constant 1 : i32
      %add3A_1090 = arith.addi %scan3A_527, %add3A_1089 : i32
      %lt3A = arith.constant 196 : i32
      %lt3A_1091 = arith.cmpi slt, %add3A_1090, %lt3A : i32
      %convert_element_type3A = arith.extui %lt3A_1091 : i1 to i32
      %cond3A = arith.constant 0 : i32
      %cond3A_1092 = arith.constant 1 : i32
      %cond3A_1093 = arith.constant 2 : i32
      %cond3A_1094 = arith.constant 3 : i32
      %cond3A_1095 = arith.constant 0 : i32
      %cond3A_1096 = arith.cmpi ne, %convert_element_type3A, %cond3A_1095 : i32
      scf.if %cond3A_1096 {
        %mul3A_1107 = arith.constant 2 : i32
        %mul3A_1108 = arith.muli %mul3A_1107, %scan3A_527 : i32
        %add3A_1109 = arith.constant 2 : i32
        %add3A_1110 = arith.addi %mul3A_1108, %add3A_1109 : i32
        %mul3A_1111 = arith.constant 1568 : i32
        %mul3A_1112 = arith.muli %arg1, %mul3A_1111 : i32
        %mul3A_1113 = arith.constant 4 : i32
        %mul3A_1114 = arith.muli %add3A_1110, %mul3A_1113 : i32
        %add3A_1115 = arith.addi %mul3A_1112, %mul3A_1114 : i32
        %dma_start3A_1116 = arith.constant 0 : i32
        %dma_start3A_1117 = tpu.memref_slice %arg3[%add3A_1115, %dma_start3A_1116] : memref<25088x128xi32, #tpu.memory_space<hbm>> -> memref<4x128xi32, #tpu.memory_space<hbm>>
        %dma_start3A_1118 = arith.constant 0 : i32
        %dma_start3A_1119 = tpu.memref_slice %arg3[%add3A_1115, %dma_start3A_1118] : memref<25088x128xi32, #tpu.memory_space<hbm>> -> memref<4x128xi32, #tpu.memory_space<hbm>>
        tpu.enqueue_dma source(%dma_start3A_1119 : memref<4x128xi32, #tpu.memory_space<hbm>>) target(%arg7 : memref<4x128xi32, #tpu.memory_space<vmem>>) target_semaphore(%arg16 : memref<!tpu.dma_semaphore, #tpu.memory_space<semaphore_mem>>)
        %dma_start3A_1120 = arith.constant 0 : i32
        %dma_start3A_1121 = tpu.memref_slice %arg4[%add3A_1115, %dma_start3A_1120] : memref<25088x128xi32, #tpu.memory_space<hbm>> -> memref<4x128xi32, #tpu.memory_space<hbm>>
        %dma_start3A_1122 = arith.constant 0 : i32
        %dma_start3A_1123 = tpu.memref_slice %arg4[%add3A_1115, %dma_start3A_1122] : memref<25088x128xi32, #tpu.memory_space<hbm>> -> memref<4x128xi32, #tpu.memory_space<hbm>>
        tpu.enqueue_dma source(%dma_start3A_1123 : memref<4x128xi32, #tpu.memory_space<hbm>>) target(%arg8 : memref<4x128xi32, #tpu.memory_space<vmem>>) target_semaphore(%arg16 : memref<!tpu.dma_semaphore, #tpu.memory_space<semaphore_mem>>)
        %dma_wait3A_1124 = arith.constant 0 : i32
        %dma_wait3A_1125 = tpu.memref_slice %arg3[%add3A_1115, %dma_wait3A_1124] : memref<25088x128xi32, #tpu.memory_space<hbm>> -> memref<4x128xi32, #tpu.memory_space<hbm>>
        %dma_wait3A_1126 = arith.constant 0 : i32
        %dma_wait3A_1127 = tpu.memref_slice %arg3[%add3A_1115, %dma_wait3A_1126] : memref<25088x128xi32, #tpu.memory_space<hbm>> -> memref<4x128xi32, #tpu.memory_space<hbm>>
        tpu.wait_dma2 semaphore(%arg16 : memref<!tpu.dma_semaphore, #tpu.memory_space<semaphore_mem>>) src(%dma_wait3A_1127 : memref<4x128xi32, #tpu.memory_space<hbm>>) dst(%arg7 : memref<4x128xi32, #tpu.memory_space<vmem>>)
        %dma_wait3A_1128 = arith.constant 0 : i32
        %dma_wait3A_1129 = tpu.memref_slice %arg4[%add3A_1115, %dma_wait3A_1128] : memref<25088x128xi32, #tpu.memory_space<hbm>> -> memref<4x128xi32, #tpu.memory_space<hbm>>
        %dma_wait3A_1130 = arith.constant 0 : i32
        %dma_wait3A_1131 = tpu.memref_slice %arg4[%add3A_1115, %dma_wait3A_1130] : memref<25088x128xi32, #tpu.memory_space<hbm>> -> memref<4x128xi32, #tpu.memory_space<hbm>>
        tpu.wait_dma2 semaphore(%arg16 : memref<!tpu.dma_semaphore, #tpu.memory_space<semaphore_mem>>) src(%dma_wait3A_1131 : memref<4x128xi32, #tpu.memory_space<hbm>>) dst(%arg8 : memref<4x128xi32, #tpu.memory_space<vmem>>)
        %get3A_1132 = arith.constant 0 : i32
        %get3A_1133 = arith.index_cast %get3A_1132 : i32 to index
        %get3A_1134 = arith.constant 0 : index
        %get3A_1135 = tpu.vector_load %arg7[%get3A_1133, %get3A_1134] {strides = array<i32>} : memref<4x128xi32, #tpu.memory_space<vmem>>, vector<1x16xi32>,
        %get3A_1136 = vector.shape_cast %get3A_1135 : vector<1x16xi32> to vector<16xi32>
        %add3A_1137 = vector.broadcast %mul3A_2 : i32 to vector<16xi32>
        %add3A_1138 = arith.addi %get3A_1136, %add3A_1137 : vector<16xi32>
        %swap3A_1139 = arith.constant 0 : i32
        %swap3A_1140 = arith.index_cast %swap3A_1139 : i32 to index
        %swap3A_1141 = arith.constant 0 : index
        %swap3A_1142 = tpu.vector_load %arg7[%swap3A_1140, %swap3A_1141] {strides = array<i32>} : memref<4x128xi32, #tpu.memory_space<vmem>>, vector<1x16xi32>,
        %swap3A_1143 = vector.shape_cast %swap3A_1142 : vector<1x16xi32> to vector<16xi32>
        %swap3A_1144 = vector.shape_cast %add3A_1138 : vector<16xi32> to vector<1x16xi32>
        tpu.vector_store %arg7[%swap3A_1140, %swap3A_1141], %swap3A_1144 {strides = array<i32>} : memref<4x128xi32, #tpu.memory_space<vmem>>, vector<1x16xi32>,
        %get3A_1145 = arith.constant 0 : i32
        %get3A_1146 = arith.index_cast %get3A_1145 : i32 to index
        %get3A_1147 = arith.constant 16 : index
        %get3A_1148 = tpu.vector_load %arg7[%get3A_1146, %get3A_1147] {strides = array<i32>} : memref<4x128xi32, #tpu.memory_space<vmem>>, vector<1x16xi32>,
        %get3A_1149 = vector.shape_cast %get3A_1148 : vector<1x16xi32> to vector<16xi32>
        %add3A_1150 = vector.broadcast %mul3A_2 : i32 to vector<16xi32>
        %add3A_1151 = arith.addi %get3A_1149, %add3A_1150 : vector<16xi32>
        %swap3A_1152 = arith.constant 0 : i32
        %swap3A_1153 = arith.index_cast %swap3A_1152 : i32 to index
        %swap3A_1154 = arith.constant 16 : index
        %swap3A_1155 = tpu.vector_load %arg7[%swap3A_1153, %swap3A_1154] {strides = array<i32>} : memref<4x128xi32, #tpu.memory_space<vmem>>, vector<1x16xi32>,
        %swap3A_1156 = vector.shape_cast %swap3A_1155 : vector<1x16xi32> to vector<16xi32>
        %swap3A_1157 = vector.shape_cast %add3A_1151 : vector<16xi32> to vector<1x16xi32>
        tpu.vector_store %arg7[%swap3A_1153, %swap3A_1154], %swap3A_1157 {strides = array<i32>} : memref<4x128xi32, #tpu.memory_space<vmem>>, vector<1x16xi32>,
        %get3A_1158 = arith.constant 0 : i32
        %get3A_1159 = arith.index_cast %get3A_1158 : i32 to index
        %get3A_1160 = arith.constant 32 : index
        %get3A_1161 = tpu.vector_load %arg7[%get3A_1159, %get3A_1160] {strides = array<i32>} : memref<4x128xi32, #tpu.memory_space<vmem>>, vector<1x16xi32>,
        %get3A_1162 = vector.shape_cast %get3A_1161 : vector<1x16xi32> to vector<16xi32>
        %add3A_1163 = vector.broadcast %mul3A_2 : i32 to vector<16xi32>
        %add3A_1164 = arith.addi %get3A_1162, %add3A_1163 : vector<16xi32>
        %swap3A_1165 = arith.constant 0 : i32
        %swap3A_1166 = arith.index_cast %swap3A_1165 : i32 to index
        %swap3A_1167 = arith.constant 32 : index
        %swap3A_1168 = tpu.vector_load %arg7[%swap3A_1166, %swap3A_1167] {strides = array<i32>} : memref<4x128xi32, #tpu.memory_space<vmem>>, vector<1x16xi32>,
        %swap3A_1169 = vector.shape_cast %swap3A_1168 : vector<1x16xi32> to vector<16xi32>
        %swap3A_1170 = vector.shape_cast %add3A_1164 : vector<16xi32> to vector<1x16xi32>
        tpu.vector_store %arg7[%swap3A_1166, %swap3A_1167], %swap3A_1170 {strides = array<i32>} : memref<4x128xi32, #tpu.memory_space<vmem>>, vector<1x16xi32>,
        %get3A_1171 = arith.constant 0 : i32
        %get3A_1172 = arith.index_cast %get3A_1171 : i32 to index
        %get3A_1173 = arith.constant 48 : index
        %get3A_1174 = tpu.vector_load %arg7[%get3A_1172, %get3A_1173] {strides = array<i32>} : memref<4x128xi32, #tpu.memory_space<vmem>>, vector<1x16xi32>,
        %get3A_1175 = vector.shape_cast %get3A_1174 : vector<1x16xi32> to vector<16xi32>
        %add3A_1176 = vector.broadcast %mul3A_2 : i32 to vector<16xi32>
        %add3A_1177 = arith.addi %get3A_1175, %add3A_1176 : vector<16xi32>
        %swap3A_1178 = arith.constant 0 : i32
        %swap3A_1179 = arith.index_cast %swap3A_1178 : i32 to index
        %swap3A_1180 = arith.constant 48 : index
        %swap3A_1181 = tpu.vector_load %arg7[%swap3A_1179, %swap3A_1180] {strides = array<i32>} : memref<4x128xi32, #tpu.memory_space<vmem>>, vector<1x16xi32>,
        %swap3A_1182 = vector.shape_cast %swap3A_1181 : vector<1x16xi32> to vector<16xi32>
        %swap3A_1183 = vector.shape_cast %add3A_1177 : vector<16xi32> to vector<1x16xi32>
        tpu.vector_store %arg7[%swap3A_1179, %swap3A_1180], %swap3A_1183 {strides = array<i32>} : memref<4x128xi32, #tpu.memory_space<vmem>>, vector<1x16xi32>,
        %get3A_1184 = arith.constant 0 : i32
        %get3A_1185 = arith.index_cast %get3A_1184 : i32 to index
        %get3A_1186 = arith.constant 64 : index
        %get3A_1187 = tpu.vector_load %arg7[%get3A_1185, %get3A_1186] {strides = array<i32>} : memref<4x128xi32, #tpu.memory_space<vmem>>, vector<1x16xi32>,
        %get3A_1188 = vector.shape_cast %get3A_1187 : vector<1x16xi32> to vector<16xi32>
        %add3A_1189 = vector.broadcast %mul3A_2 : i32 to vector<16xi32>
        %add3A_1190 = arith.addi %get3A_1188, %add3A_1189 : vector<16xi32>
        %swap3A_1191 = arith.constant 0 : i32
        %swap3A_1192 = arith.index_cast %swap3A_1191 : i32 to index
        %swap3A_1193 = arith.constant 64 : index
        %swap3A_1194 = tpu.vector_load %arg7[%swap3A_1192, %swap3A_1193] {strides = array<i32>} : memref<4x128xi32, #tpu.memory_space<vmem>>, vector<1x16xi32>,
        %swap3A_1195 = vector.shape_cast %swap3A_1194 : vector<1x16xi32> to vector<16xi32>
        %swap3A_1196 = vector.shape_cast %add3A_1190 : vector<16xi32> to vector<1x16xi32>
        tpu.vector_store %arg7[%swap3A_1192, %swap3A_1193], %swap3A_1196 {strides = array<i32>} : memref<4x128xi32, #tpu.memory_space<vmem>>, vector<1x16xi32>,
        %get3A_1197 = arith.constant 0 : i32
        %get3A_1198 = arith.index_cast %get3A_1197 : i32 to index
        %get3A_1199 = arith.constant 80 : index
        %get3A_1200 = tpu.vector_load %arg7[%get3A_1198, %get3A_1199] {strides = array<i32>} : memref<4x128xi32, #tpu.memory_space<vmem>>, vector<1x16xi32>,
        %get3A_1201 = vector.shape_cast %get3A_1200 : vector<1x16xi32> to vector<16xi32>
        %add3A_1202 = vector.broadcast %mul3A_2 : i32 to vector<16xi32>
        %add3A_1203 = arith.addi %get3A_1201, %add3A_1202 : vector<16xi32>
        %swap3A_1204 = arith.constant 0 : i32
        %swap3A_1205 = arith.index_cast %swap3A_1204 : i32 to index
        %swap3A_1206 = arith.constant 80 : index
        %swap3A_1207 = tpu.vector_load %arg7[%swap3A_1205, %swap3A_1206] {strides = array<i32>} : memref<4x128xi32, #tpu.memory_space<vmem>>, vector<1x16xi32>,
        %swap3A_1208 = vector.shape_cast %swap3A_1207 : vector<1x16xi32> to vector<16xi32>
        %swap3A_1209 = vector.shape_cast %add3A_1203 : vector<16xi32> to vector<1x16xi32>
        tpu.vector_store %arg7[%swap3A_1205, %swap3A_1206], %swap3A_1209 {strides = array<i32>} : memref<4x128xi32, #tpu.memory_space<vmem>>, vector<1x16xi32>,
        %get3A_1210 = arith.constant 0 : i32
        %get3A_1211 = arith.index_cast %get3A_1210 : i32 to index
        %get3A_1212 = arith.constant 96 : index
        %get3A_1213 = tpu.vector_load %arg7[%get3A_1211, %get3A_1212] {strides = array<i32>} : memref<4x128xi32, #tpu.memory_space<vmem>>, vector<1x16xi32>,
        %get3A_1214 = vector.shape_cast %get3A_1213 : vector<1x16xi32> to vector<16xi32>
        %add3A_1215 = vector.broadcast %mul3A_2 : i32 to vector<16xi32>
        %add3A_1216 = arith.addi %get3A_1214, %add3A_1215 : vector<16xi32>
        %swap3A_1217 = arith.constant 0 : i32
        %swap3A_1218 = arith.index_cast %swap3A_1217 : i32 to index
        %swap3A_1219 = arith.constant 96 : index
        %swap3A_1220 = tpu.vector_load %arg7[%swap3A_1218, %swap3A_1219] {strides = array<i32>} : memref<4x128xi32, #tpu.memory_space<vmem>>, vector<1x16xi32>,
        %swap3A_1221 = vector.shape_cast %swap3A_1220 : vector<1x16xi32> to vector<16xi32>
        %swap3A_1222 = vector.shape_cast %add3A_1216 : vector<16xi32> to vector<1x16xi32>
        tpu.vector_store %arg7[%swap3A_1218, %swap3A_1219], %swap3A_1222 {strides = array<i32>} : memref<4x128xi32, #tpu.memory_space<vmem>>, vector<1x16xi32>,
        %get3A_1223 = arith.constant 0 : i32
        %get3A_1224 = arith.index_cast %get3A_1223 : i32 to index
        %get3A_1225 = arith.constant 112 : index
        %get3A_1226 = tpu.vector_load %arg7[%get3A_1224, %get3A_1225] {strides = array<i32>} : memref<4x128xi32, #tpu.memory_space<vmem>>, vector<1x16xi32>,
        %get3A_1227 = vector.shape_cast %get3A_1226 : vector<1x16xi32> to vector<16xi32>
        %add3A_1228 = vector.broadcast %mul3A_2 : i32 to vector<16xi32>
        %add3A_1229 = arith.addi %get3A_1227, %add3A_1228 : vector<16xi32>
        %swap3A_1230 = arith.constant 0 : i32
        %swap3A_1231 = arith.index_cast %swap3A_1230 : i32 to index
        %swap3A_1232 = arith.constant 112 : index
        %swap3A_1233 = tpu.vector_load %arg7[%swap3A_1231, %swap3A_1232] {strides = array<i32>} : memref<4x128xi32, #tpu.memory_space<vmem>>, vector<1x16xi32>,
        %swap3A_1234 = vector.shape_cast %swap3A_1233 : vector<1x16xi32> to vector<16xi32>
        %swap3A_1235 = vector.shape_cast %add3A_1229 : vector<16xi32> to vector<1x16xi32>
        tpu.vector_store %arg7[%swap3A_1231, %swap3A_1232], %swap3A_1235 {strides = array<i32>} : memref<4x128xi32, #tpu.memory_space<vmem>>, vector<1x16xi32>,
        %get3A_1236 = arith.constant 1 : i32
        %get3A_1237 = arith.index_cast %get3A_1236 : i32 to index
        %get3A_1238 = arith.constant 0 : index
        %get3A_1239 = tpu.vector_load %arg7[%get3A_1237, %get3A_1238] {strides = array<i32>} : memref<4x128xi32, #tpu.memory_space<vmem>>, vector<1x16xi32>,
        %get3A_1240 = vector.shape_cast %get3A_1239 : vector<1x16xi32> to vector<16xi32>
        %add3A_1241 = vector.broadcast %mul3A_2 : i32 to vector<16xi32>
        %add3A_1242 = arith.addi %get3A_1240, %add3A_1241 : vector<16xi32>
        %swap3A_1243 = arith.constant 1 : i32
        %swap3A_1244 = arith.index_cast %swap3A_1243 : i32 to index
        %swap3A_1245 = arith.constant 0 : index
        %swap3A_1246 = tpu.vector_load %arg7[%swap3A_1244, %swap3A_1245] {strides = array<i32>} : memref<4x128xi32, #tpu.memory_space<vmem>>, vector<1x16xi32>,
        %swap3A_1247 = vector.shape_cast %swap3A_1246 : vector<1x16xi32> to vector<16xi32>
        %swap3A_1248 = vector.shape_cast %add3A_1242 : vector<16xi32> to vector<1x16xi32>
        tpu.vector_store %arg7[%swap3A_1244, %swap3A_1245], %swap3A_1248 {strides = array<i32>} : memref<4x128xi32, #tpu.memory_space<vmem>>, vector<1x16xi32>,
        %get3A_1249 = arith.constant 1 : i32
        %get3A_1250 = arith.index_cast %get3A_1249 : i32 to index
        %get3A_1251 = arith.constant 16 : index
        %get3A_1252 = tpu.vector_load %arg7[%get3A_1250, %get3A_1251] {strides = array<i32>} : memref<4x128xi32, #tpu.memory_space<vmem>>, vector<1x16xi32>,
        %get3A_1253 = vector.shape_cast %get3A_1252 : vector<1x16xi32> to vector<16xi32>
        %add3A_1254 = vector.broadcast %mul3A_2 : i32 to vector<16xi32>
        %add3A_1255 = arith.addi %get3A_1253, %add3A_1254 : vector<16xi32>
        %swap3A_1256 = arith.constant 1 : i32
        %swap3A_1257 = arith.index_cast %swap3A_1256 : i32 to index
        %swap3A_1258 = arith.constant 16 : index
        %swap3A_1259 = tpu.vector_load %arg7[%swap3A_1257, %swap3A_1258] {strides = array<i32>} : memref<4x128xi32, #tpu.memory_space<vmem>>, vector<1x16xi32>,
        %swap3A_1260 = vector.shape_cast %swap3A_1259 : vector<1x16xi32> to vector<16xi32>
        %swap3A_1261 = vector.shape_cast %add3A_1255 : vector<16xi32> to vector<1x16xi32>
        tpu.vector_store %arg7[%swap3A_1257, %swap3A_1258], %swap3A_1261 {strides = array<i32>} : memref<4x128xi32, #tpu.memory_space<vmem>>, vector<1x16xi32>,
        %get3A_1262 = arith.constant 1 : i32
        %get3A_1263 = arith.index_cast %get3A_1262 : i32 to index
        %get3A_1264 = arith.constant 32 : index
        %get3A_1265 = tpu.vector_load %arg7[%get3A_1263, %get3A_1264] {strides = array<i32>} : memref<4x128xi32, #tpu.memory_space<vmem>>, vector<1x16xi32>,
        %get3A_1266 = vector.shape_cast %get3A_1265 : vector<1x16xi32> to vector<16xi32>
        %add3A_1267 = vector.broadcast %mul3A_2 : i32 to vector<16xi32>
        %add3A_1268 = arith.addi %get3A_1266, %add3A_1267 : vector<16xi32>
        %swap3A_1269 = arith.constant 1 : i32
        %swap3A_1270 = arith.index_cast %swap3A_1269 : i32 to index
        %swap3A_1271 = arith.constant 32 : index
        %swap3A_1272 = tpu.vector_load %arg7[%swap3A_1270, %swap3A_1271] {strides = array<i32>} : memref<4x128xi32, #tpu.memory_space<vmem>>, vector<1x16xi32>,
        %swap3A_1273 = vector.shape_cast %swap3A_1272 : vector<1x16xi32> to vector<16xi32>
        %swap3A_1274 = vector.shape_cast %add3A_1268 : vector<16xi32> to vector<1x16xi32>
        tpu.vector_store %arg7[%swap3A_1270, %swap3A_1271], %swap3A_1274 {strides = array<i32>} : memref<4x128xi32, #tpu.memory_space<vmem>>, vector<1x16xi32>,
        %get3A_1275 = arith.constant 1 : i32
        %get3A_1276 = arith.index_cast %get3A_1275 : i32 to index
        %get3A_1277 = arith.constant 48 : index
        %get3A_1278 = tpu.vector_load %arg7[%get3A_1276, %get3A_1277] {strides = array<i32>} : memref<4x128xi32, #tpu.memory_space<vmem>>, vector<1x16xi32>,
        %get3A_1279 = vector.shape_cast %get3A_1278 : vector<1x16xi32> to vector<16xi32>
        %add3A_1280 = vector.broadcast %mul3A_2 : i32 to vector<16xi32>
        %add3A_1281 = arith.addi %get3A_1279, %add3A_1280 : vector<16xi32>
        %swap3A_1282 = arith.constant 1 : i32
        %swap3A_1283 = arith.index_cast %swap3A_1282 : i32 to index
        %swap3A_1284 = arith.constant 48 : index
        %swap3A_1285 = tpu.vector_load %arg7[%swap3A_1283, %swap3A_1284] {strides = array<i32>} : memref<4x128xi32, #tpu.memory_space<vmem>>, vector<1x16xi32>,
        %swap3A_1286 = vector.shape_cast %swap3A_1285 : vector<1x16xi32> to vector<16xi32>
        %swap3A_1287 = vector.shape_cast %add3A_1281 : vector<16xi32> to vector<1x16xi32>
        tpu.vector_store %arg7[%swap3A_1283, %swap3A_1284], %swap3A_1287 {strides = array<i32>} : memref<4x128xi32, #tpu.memory_space<vmem>>, vector<1x16xi32>,
        %get3A_1288 = arith.constant 1 : i32
        %get3A_1289 = arith.index_cast %get3A_1288 : i32 to index
        %get3A_1290 = arith.constant 64 : index
        %get3A_1291 = tpu.vector_load %arg7[%get3A_1289, %get3A_1290] {strides = array<i32>} : memref<4x128xi32, #tpu.memory_space<vmem>>, vector<1x16xi32>,
        %get3A_1292 = vector.shape_cast %get3A_1291 : vector<1x16xi32> to vector<16xi32>
        %add3A_1293 = vector.broadcast %mul3A_2 : i32 to vector<16xi32>
        %add3A_1294 = arith.addi %get3A_1292, %add3A_1293 : vector<16xi32>
        %swap3A_1295 = arith.constant 1 : i32
        %swap3A_1296 = arith.index_cast %swap3A_1295 : i32 to index
        %swap3A_1297 = arith.constant 64 : index
        %swap3A_1298 = tpu.vector_load %arg7[%swap3A_1296, %swap3A_1297] {strides = array<i32>} : memref<4x128xi32, #tpu.memory_space<vmem>>, vector<1x16xi32>,
        %swap3A_1299 = vector.shape_cast %swap3A_1298 : vector<1x16xi32> to vector<16xi32>
        %swap3A_1300 = vector.shape_cast %add3A_1294 : vector<16xi32> to vector<1x16xi32>
        tpu.vector_store %arg7[%swap3A_1296, %swap3A_1297], %swap3A_1300 {strides = array<i32>} : memref<4x128xi32, #tpu.memory_space<vmem>>, vector<1x16xi32>,
        %get3A_1301 = arith.constant 1 : i32
        %get3A_1302 = arith.index_cast %get3A_1301 : i32 to index
        %get3A_1303 = arith.constant 80 : index
        %get3A_1304 = tpu.vector_load %arg7[%get3A_1302, %get3A_1303] {strides = array<i32>} : memref<4x128xi32, #tpu.memory_space<vmem>>, vector<1x16xi32>,
        %get3A_1305 = vector.shape_cast %get3A_1304 : vector<1x16xi32> to vector<16xi32>
        %add3A_1306 = vector.broadcast %mul3A_2 : i32 to vector<16xi32>
        %add3A_1307 = arith.addi %get3A_1305, %add3A_1306 : vector<16xi32>
        %swap3A_1308 = arith.constant 1 : i32
        %swap3A_1309 = arith.index_cast %swap3A_1308 : i32 to index
        %swap3A_1310 = arith.constant 80 : index
        %swap3A_1311 = tpu.vector_load %arg7[%swap3A_1309, %swap3A_1310] {strides = array<i32>} : memref<4x128xi32, #tpu.memory_space<vmem>>, vector<1x16xi32>,
        %swap3A_1312 = vector.shape_cast %swap3A_1311 : vector<1x16xi32> to vector<16xi32>
        %swap3A_1313 = vector.shape_cast %add3A_1307 : vector<16xi32> to vector<1x16xi32>
        tpu.vector_store %arg7[%swap3A_1309, %swap3A_1310], %swap3A_1313 {strides = array<i32>} : memref<4x128xi32, #tpu.memory_space<vmem>>, vector<1x16xi32>,
        %get3A_1314 = arith.constant 1 : i32
        %get3A_1315 = arith.index_cast %get3A_1314 : i32 to index
        %get3A_1316 = arith.constant 96 : index
        %get3A_1317 = tpu.vector_load %arg7[%get3A_1315, %get3A_1316] {strides = array<i32>} : memref<4x128xi32, #tpu.memory_space<vmem>>, vector<1x16xi32>,
        %get3A_1318 = vector.shape_cast %get3A_1317 : vector<1x16xi32> to vector<16xi32>
        %add3A_1319 = vector.broadcast %mul3A_2 : i32 to vector<16xi32>
        %add3A_1320 = arith.addi %get3A_1318, %add3A_1319 : vector<16xi32>
        %swap3A_1321 = arith.constant 1 : i32
        %swap3A_1322 = arith.index_cast %swap3A_1321 : i32 to index
        %swap3A_1323 = arith.constant 96 : index
        %swap3A_1324 = tpu.vector_load %arg7[%swap3A_1322, %swap3A_1323] {strides = array<i32>} : memref<4x128xi32, #tpu.memory_space<vmem>>, vector<1x16xi32>,
        %swap3A_1325 = vector.shape_cast %swap3A_1324 : vector<1x16xi32> to vector<16xi32>
        %swap3A_1326 = vector.shape_cast %add3A_1320 : vector<16xi32> to vector<1x16xi32>
        tpu.vector_store %arg7[%swap3A_1322, %swap3A_1323], %swap3A_1326 {strides = array<i32>} : memref<4x128xi32, #tpu.memory_space<vmem>>, vector<1x16xi32>,
        %get3A_1327 = arith.constant 1 : i32
        %get3A_1328 = arith.index_cast %get3A_1327 : i32 to index
        %get3A_1329 = arith.constant 112 : index
        %get3A_1330 = tpu.vector_load %arg7[%get3A_1328, %get3A_1329] {strides = array<i32>} : memref<4x128xi32, #tpu.memory_space<vmem>>, vector<1x16xi32>,
        %get3A_1331 = vector.shape_cast %get3A_1330 : vector<1x16xi32> to vector<16xi32>
        %add3A_1332 = vector.broadcast %mul3A_2 : i32 to vector<16xi32>
        %add3A_1333 = arith.addi %get3A_1331, %add3A_1332 : vector<16xi32>
        %swap3A_1334 = arith.constant 1 : i32
        %swap3A_1335 = arith.index_cast %swap3A_1334 : i32 to index
        %swap3A_1336 = arith.constant 112 : index
        %swap3A_1337 = tpu.vector_load %arg7[%swap3A_1335, %swap3A_1336] {strides = array<i32>} : memref<4x128xi32, #tpu.memory_space<vmem>>, vector<1x16xi32>,
        %swap3A_1338 = vector.shape_cast %swap3A_1337 : vector<1x16xi32> to vector<16xi32>
        %swap3A_1339 = vector.shape_cast %add3A_1333 : vector<16xi32> to vector<1x16xi32>
        tpu.vector_store %arg7[%swap3A_1335, %swap3A_1336], %swap3A_1339 {strides = array<i32>} : memref<4x128xi32, #tpu.memory_space<vmem>>, vector<1x16xi32>,
        %get3A_1340 = arith.constant 2 : i32
        %get3A_1341 = arith.index_cast %get3A_1340 : i32 to index
        %get3A_1342 = arith.constant 0 : index
        %get3A_1343 = tpu.vector_load %arg7[%get3A_1341, %get3A_1342] {strides = array<i32>} : memref<4x128xi32, #tpu.memory_space<vmem>>, vector<1x16xi32>,
        %get3A_1344 = vector.shape_cast %get3A_1343 : vector<1x16xi32> to vector<16xi32>
        %add3A_1345 = vector.broadcast %mul3A_2 : i32 to vector<16xi32>
        %add3A_1346 = arith.addi %get3A_1344, %add3A_1345 : vector<16xi32>
        %swap3A_1347 = arith.constant 2 : i32
        %swap3A_1348 = arith.index_cast %swap3A_1347 : i32 to index
        %swap3A_1349 = arith.constant 0 : index
        %swap3A_1350 = tpu.vector_load %arg7[%swap3A_1348, %swap3A_1349] {strides = array<i32>} : memref<4x128xi32, #tpu.memory_space<vmem>>, vector<1x16xi32>,
        %swap3A_1351 = vector.shape_cast %swap3A_1350 : vector<1x16xi32> to vector<16xi32>
        %swap3A_1352 = vector.shape_cast %add3A_1346 : vector<16xi32> to vector<1x16xi32>
        tpu.vector_store %arg7[%swap3A_1348, %swap3A_1349], %swap3A_1352 {strides = array<i32>} : memref<4x128xi32, #tpu.memory_space<vmem>>, vector<1x16xi32>,
        %get3A_1353 = arith.constant 2 : i32
        %get3A_1354 = arith.index_cast %get3A_1353 : i32 to index
        %get3A_1355 = arith.constant 16 : index
        %get3A_1356 = tpu.vector_load %arg7[%get3A_1354, %get3A_1355] {strides = array<i32>} : memref<4x128xi32, #tpu.memory_space<vmem>>, vector<1x16xi32>,
        %get3A_1357 = vector.shape_cast %get3A_1356 : vector<1x16xi32> to vector<16xi32>
        %add3A_1358 = vector.broadcast %mul3A_2 : i32 to vector<16xi32>
        %add3A_1359 = arith.addi %get3A_1357, %add3A_1358 : vector<16xi32>
        %swap3A_1360 = arith.constant 2 : i32
        %swap3A_1361 = arith.index_cast %swap3A_1360 : i32 to index
        %swap3A_1362 = arith.constant 16 : index
        %swap3A_1363 = tpu.vector_load %arg7[%swap3A_1361, %swap3A_1362] {strides = array<i32>} : memref<4x128xi32, #tpu.memory_space<vmem>>, vector<1x16xi32>,
        %swap3A_1364 = vector.shape_cast %swap3A_1363 : vector<1x16xi32> to vector<16xi32>
        %swap3A_1365 = vector.shape_cast %add3A_1359 : vector<16xi32> to vector<1x16xi32>
        tpu.vector_store %arg7[%swap3A_1361, %swap3A_1362], %swap3A_1365 {strides = array<i32>} : memref<4x128xi32, #tpu.memory_space<vmem>>, vector<1x16xi32>,
        %get3A_1366 = arith.constant 2 : i32
        %get3A_1367 = arith.index_cast %get3A_1366 : i32 to index
        %get3A_1368 = arith.constant 32 : index
        %get3A_1369 = tpu.vector_load %arg7[%get3A_1367, %get3A_1368] {strides = array<i32>} : memref<4x128xi32, #tpu.memory_space<vmem>>, vector<1x16xi32>,
        %get3A_1370 = vector.shape_cast %get3A_1369 : vector<1x16xi32> to vector<16xi32>
        %add3A_1371 = vector.broadcast %mul3A_2 : i32 to vector<16xi32>
        %add3A_1372 = arith.addi %get3A_1370, %add3A_1371 : vector<16xi32>
        %swap3A_1373 = arith.constant 2 : i32
        %swap3A_1374 = arith.index_cast %swap3A_1373 : i32 to index
        %swap3A_1375 = arith.constant 32 : index
        %swap3A_1376 = tpu.vector_load %arg7[%swap3A_1374, %swap3A_1375] {strides = array<i32>} : memref<4x128xi32, #tpu.memory_space<vmem>>, vector<1x16xi32>,
        %swap3A_1377 = vector.shape_cast %swap3A_1376 : vector<1x16xi32> to vector<16xi32>
        %swap3A_1378 = vector.shape_cast %add3A_1372 : vector<16xi32> to vector<1x16xi32>
        tpu.vector_store %arg7[%swap3A_1374, %swap3A_1375], %swap3A_1378 {strides = array<i32>} : memref<4x128xi32, #tpu.memory_space<vmem>>, vector<1x16xi32>,
        %get3A_1379 = arith.constant 2 : i32
        %get3A_1380 = arith.index_cast %get3A_1379 : i32 to index
        %get3A_1381 = arith.constant 48 : index
        %get3A_1382 = tpu.vector_load %arg7[%get3A_1380, %get3A_1381] {strides = array<i32>} : memref<4x128xi32, #tpu.memory_space<vmem>>, vector<1x16xi32>,
        %get3A_1383 = vector.shape_cast %get3A_1382 : vector<1x16xi32> to vector<16xi32>
        %add3A_1384 = vector.broadcast %mul3A_2 : i32 to vector<16xi32>
        %add3A_1385 = arith.addi %get3A_1383, %add3A_1384 : vector<16xi32>
        %swap3A_1386 = arith.constant 2 : i32
        %swap3A_1387 = arith.index_cast %swap3A_1386 : i32 to index
        %swap3A_1388 = arith.constant 48 : index
        %swap3A_1389 = tpu.vector_load %arg7[%swap3A_1387, %swap3A_1388] {strides = array<i32>} : memref<4x128xi32, #tpu.memory_space<vmem>>, vector<1x16xi32>,
        %swap3A_1390 = vector.shape_cast %swap3A_1389 : vector<1x16xi32> to vector<16xi32>
        %swap3A_1391 = vector.shape_cast %add3A_1385 : vector<16xi32> to vector<1x16xi32>
        tpu.vector_store %arg7[%swap3A_1387, %swap3A_1388], %swap3A_1391 {strides = array<i32>} : memref<4x128xi32, #tpu.memory_space<vmem>>, vector<1x16xi32>,
        %get3A_1392 = arith.constant 2 : i32
        %get3A_1393 = arith.index_cast %get3A_1392 : i32 to index
        %get3A_1394 = arith.constant 64 : index
        %get3A_1395 = tpu.vector_load %arg7[%get3A_1393, %get3A_1394] {strides = array<i32>} : memref<4x128xi32, #tpu.memory_space<vmem>>, vector<1x16xi32>,
        %get3A_1396 = vector.shape_cast %get3A_1395 : vector<1x16xi32> to vector<16xi32>
        %add3A_1397 = vector.broadcast %mul3A_2 : i32 to vector<16xi32>
        %add3A_1398 = arith.addi %get3A_1396, %add3A_1397 : vector<16xi32>
        %swap3A_1399 = arith.constant 2 : i32
        %swap3A_1400 = arith.index_cast %swap3A_1399 : i32 to index
        %swap3A_1401 = arith.constant 64 : index
        %swap3A_1402 = tpu.vector_load %arg7[%swap3A_1400, %swap3A_1401] {strides = array<i32>} : memref<4x128xi32, #tpu.memory_space<vmem>>, vector<1x16xi32>,
        %swap3A_1403 = vector.shape_cast %swap3A_1402 : vector<1x16xi32> to vector<16xi32>
        %swap3A_1404 = vector.shape_cast %add3A_1398 : vector<16xi32> to vector<1x16xi32>
        tpu.vector_store %arg7[%swap3A_1400, %swap3A_1401], %swap3A_1404 {strides = array<i32>} : memref<4x128xi32, #tpu.memory_space<vmem>>, vector<1x16xi32>,
        %get3A_1405 = arith.constant 2 : i32
        %get3A_1406 = arith.index_cast %get3A_1405 : i32 to index
        %get3A_1407 = arith.constant 80 : index
        %get3A_1408 = tpu.vector_load %arg7[%get3A_1406, %get3A_1407] {strides = array<i32>} : memref<4x128xi32, #tpu.memory_space<vmem>>, vector<1x16xi32>,
        %get3A_1409 = vector.shape_cast %get3A_1408 : vector<1x16xi32> to vector<16xi32>
        %add3A_1410 = vector.broadcast %mul3A_2 : i32 to vector<16xi32>
        %add3A_1411 = arith.addi %get3A_1409, %add3A_1410 : vector<16xi32>
        %swap3A_1412 = arith.constant 2 : i32
        %swap3A_1413 = arith.index_cast %swap3A_1412 : i32 to index
        %swap3A_1414 = arith.constant 80 : index
        %swap3A_1415 = tpu.vector_load %arg7[%swap3A_1413, %swap3A_1414] {strides = array<i32>} : memref<4x128xi32, #tpu.memory_space<vmem>>, vector<1x16xi32>,
        %swap3A_1416 = vector.shape_cast %swap3A_1415 : vector<1x16xi32> to vector<16xi32>
        %swap3A_1417 = vector.shape_cast %add3A_1411 : vector<16xi32> to vector<1x16xi32>
        tpu.vector_store %arg7[%swap3A_1413, %swap3A_1414], %swap3A_1417 {strides = array<i32>} : memref<4x128xi32, #tpu.memory_space<vmem>>, vector<1x16xi32>,
        %get3A_1418 = arith.constant 2 : i32
        %get3A_1419 = arith.index_cast %get3A_1418 : i32 to index
        %get3A_1420 = arith.constant 96 : index
        %get3A_1421 = tpu.vector_load %arg7[%get3A_1419, %get3A_1420] {strides = array<i32>} : memref<4x128xi32, #tpu.memory_space<vmem>>, vector<1x16xi32>,
        %get3A_1422 = vector.shape_cast %get3A_1421 : vector<1x16xi32> to vector<16xi32>
        %add3A_1423 = vector.broadcast %mul3A_2 : i32 to vector<16xi32>
        %add3A_1424 = arith.addi %get3A_1422, %add3A_1423 : vector<16xi32>
        %swap3A_1425 = arith.constant 2 : i32
        %swap3A_1426 = arith.index_cast %swap3A_1425 : i32 to index
        %swap3A_1427 = arith.constant 96 : index
        %swap3A_1428 = tpu.vector_load %arg7[%swap3A_1426, %swap3A_1427] {strides = array<i32>} : memref<4x128xi32, #tpu.memory_space<vmem>>, vector<1x16xi32>,
        %swap3A_1429 = vector.shape_cast %swap3A_1428 : vector<1x16xi32> to vector<16xi32>
        %swap3A_1430 = vector.shape_cast %add3A_1424 : vector<16xi32> to vector<1x16xi32>
        tpu.vector_store %arg7[%swap3A_1426, %swap3A_1427], %swap3A_1430 {strides = array<i32>} : memref<4x128xi32, #tpu.memory_space<vmem>>, vector<1x16xi32>,
        %get3A_1431 = arith.constant 2 : i32
        %get3A_1432 = arith.index_cast %get3A_1431 : i32 to index
        %get3A_1433 = arith.constant 112 : index
        %get3A_1434 = tpu.vector_load %arg7[%get3A_1432, %get3A_1433] {strides = array<i32>} : memref<4x128xi32, #tpu.memory_space<vmem>>, vector<1x16xi32>,
        %get3A_1435 = vector.shape_cast %get3A_1434 : vector<1x16xi32> to vector<16xi32>
        %add3A_1436 = vector.broadcast %mul3A_2 : i32 to vector<16xi32>
        %add3A_1437 = arith.addi %get3A_1435, %add3A_1436 : vector<16xi32>
        %swap3A_1438 = arith.constant 2 : i32
        %swap3A_1439 = arith.index_cast %swap3A_1438 : i32 to index
        %swap3A_1440 = arith.constant 112 : index
        %swap3A_1441 = tpu.vector_load %arg7[%swap3A_1439, %swap3A_1440] {strides = array<i32>} : memref<4x128xi32, #tpu.memory_space<vmem>>, vector<1x16xi32>,
        %swap3A_1442 = vector.shape_cast %swap3A_1441 : vector<1x16xi32> to vector<16xi32>
        %swap3A_1443 = vector.shape_cast %add3A_1437 : vector<16xi32> to vector<1x16xi32>
        tpu.vector_store %arg7[%swap3A_1439, %swap3A_1440], %swap3A_1443 {strides = array<i32>} : memref<4x128xi32, #tpu.memory_space<vmem>>, vector<1x16xi32>,
        %get3A_1444 = arith.constant 3 : i32
        %get3A_1445 = arith.index_cast %get3A_1444 : i32 to index
        %get3A_1446 = arith.constant 0 : index
        %get3A_1447 = tpu.vector_load %arg7[%get3A_1445, %get3A_1446] {strides = array<i32>} : memref<4x128xi32, #tpu.memory_space<vmem>>, vector<1x16xi32>,
        %get3A_1448 = vector.shape_cast %get3A_1447 : vector<1x16xi32> to vector<16xi32>
        %add3A_1449 = vector.broadcast %mul3A_2 : i32 to vector<16xi32>
        %add3A_1450 = arith.addi %get3A_1448, %add3A_1449 : vector<16xi32>
        %swap3A_1451 = arith.constant 3 : i32
        %swap3A_1452 = arith.index_cast %swap3A_1451 : i32 to index
        %swap3A_1453 = arith.constant 0 : index
        %swap3A_1454 = tpu.vector_load %arg7[%swap3A_1452, %swap3A_1453] {strides = array<i32>} : memref<4x128xi32, #tpu.memory_space<vmem>>, vector<1x16xi32>,
        %swap3A_1455 = vector.shape_cast %swap3A_1454 : vector<1x16xi32> to vector<16xi32>
        %swap3A_1456 = vector.shape_cast %add3A_1450 : vector<16xi32> to vector<1x16xi32>
        tpu.vector_store %arg7[%swap3A_1452, %swap3A_1453], %swap3A_1456 {strides = array<i32>} : memref<4x128xi32, #tpu.memory_space<vmem>>, vector<1x16xi32>,
        %get3A_1457 = arith.constant 3 : i32
        %get3A_1458 = arith.index_cast %get3A_1457 : i32 to index
        %get3A_1459 = arith.constant 16 : index
        %get3A_1460 = tpu.vector_load %arg7[%get3A_1458, %get3A_1459] {strides = array<i32>} : memref<4x128xi32, #tpu.memory_space<vmem>>, vector<1x16xi32>,
        %get3A_1461 = vector.shape_cast %get3A_1460 : vector<1x16xi32> to vector<16xi32>
        %add3A_1462 = vector.broadcast %mul3A_2 : i32 to vector<16xi32>
        %add3A_1463 = arith.addi %get3A_1461, %add3A_1462 : vector<16xi32>
        %swap3A_1464 = arith.constant 3 : i32
        %swap3A_1465 = arith.index_cast %swap3A_1464 : i32 to index
        %swap3A_1466 = arith.constant 16 : index
        %swap3A_1467 = tpu.vector_load %arg7[%swap3A_1465, %swap3A_1466] {strides = array<i32>} : memref<4x128xi32, #tpu.memory_space<vmem>>, vector<1x16xi32>,
        %swap3A_1468 = vector.shape_cast %swap3A_1467 : vector<1x16xi32> to vector<16xi32>
        %swap3A_1469 = vector.shape_cast %add3A_1463 : vector<16xi32> to vector<1x16xi32>
        tpu.vector_store %arg7[%swap3A_1465, %swap3A_1466], %swap3A_1469 {strides = array<i32>} : memref<4x128xi32, #tpu.memory_space<vmem>>, vector<1x16xi32>,
        %get3A_1470 = arith.constant 3 : i32
        %get3A_1471 = arith.index_cast %get3A_1470 : i32 to index
        %get3A_1472 = arith.constant 32 : index
        %get3A_1473 = tpu.vector_load %arg7[%get3A_1471, %get3A_1472] {strides = array<i32>} : memref<4x128xi32, #tpu.memory_space<vmem>>, vector<1x16xi32>,
        %get3A_1474 = vector.shape_cast %get3A_1473 : vector<1x16xi32> to vector<16xi32>
        %add3A_1475 = vector.broadcast %mul3A_2 : i32 to vector<16xi32>
        %add3A_1476 = arith.addi %get3A_1474, %add3A_1475 : vector<16xi32>
        %swap3A_1477 = arith.constant 3 : i32
        %swap3A_1478 = arith.index_cast %swap3A_1477 : i32 to index
        %swap3A_1479 = arith.constant 32 : index
        %swap3A_1480 = tpu.vector_load %arg7[%swap3A_1478, %swap3A_1479] {strides = array<i32>} : memref<4x128xi32, #tpu.memory_space<vmem>>, vector<1x16xi32>,
        %swap3A_1481 = vector.shape_cast %swap3A_1480 : vector<1x16xi32> to vector<16xi32>
        %swap3A_1482 = vector.shape_cast %add3A_1476 : vector<16xi32> to vector<1x16xi32>
        tpu.vector_store %arg7[%swap3A_1478, %swap3A_1479], %swap3A_1482 {strides = array<i32>} : memref<4x128xi32, #tpu.memory_space<vmem>>, vector<1x16xi32>,
        %get3A_1483 = arith.constant 3 : i32
        %get3A_1484 = arith.index_cast %get3A_1483 : i32 to index
        %get3A_1485 = arith.constant 48 : index
        %get3A_1486 = tpu.vector_load %arg7[%get3A_1484, %get3A_1485] {strides = array<i32>} : memref<4x128xi32, #tpu.memory_space<vmem>>, vector<1x16xi32>,
        %get3A_1487 = vector.shape_cast %get3A_1486 : vector<1x16xi32> to vector<16xi32>
        %add3A_1488 = vector.broadcast %mul3A_2 : i32 to vector<16xi32>
        %add3A_1489 = arith.addi %get3A_1487, %add3A_1488 : vector<16xi32>
        %swap3A_1490 = arith.constant 3 : i32
        %swap3A_1491 = arith.index_cast %swap3A_1490 : i32 to index
        %swap3A_1492 = arith.constant 48 : index
        %swap3A_1493 = tpu.vector_load %arg7[%swap3A_1491, %swap3A_1492] {strides = array<i32>} : memref<4x128xi32, #tpu.memory_space<vmem>>, vector<1x16xi32>,
        %swap3A_1494 = vector.shape_cast %swap3A_1493 : vector<1x16xi32> to vector<16xi32>
        %swap3A_1495 = vector.shape_cast %add3A_1489 : vector<16xi32> to vector<1x16xi32>
        tpu.vector_store %arg7[%swap3A_1491, %swap3A_1492], %swap3A_1495 {strides = array<i32>} : memref<4x128xi32, #tpu.memory_space<vmem>>, vector<1x16xi32>,
        %get3A_1496 = arith.constant 3 : i32
        %get3A_1497 = arith.index_cast %get3A_1496 : i32 to index
        %get3A_1498 = arith.constant 64 : index
        %get3A_1499 = tpu.vector_load %arg7[%get3A_1497, %get3A_1498] {strides = array<i32>} : memref<4x128xi32, #tpu.memory_space<vmem>>, vector<1x16xi32>,
        %get3A_1500 = vector.shape_cast %get3A_1499 : vector<1x16xi32> to vector<16xi32>
        %add3A_1501 = vector.broadcast %mul3A_2 : i32 to vector<16xi32>
        %add3A_1502 = arith.addi %get3A_1500, %add3A_1501 : vector<16xi32>
        %swap3A_1503 = arith.constant 3 : i32
        %swap3A_1504 = arith.index_cast %swap3A_1503 : i32 to index
        %swap3A_1505 = arith.constant 64 : index
        %swap3A_1506 = tpu.vector_load %arg7[%swap3A_1504, %swap3A_1505] {strides = array<i32>} : memref<4x128xi32, #tpu.memory_space<vmem>>, vector<1x16xi32>,
        %swap3A_1507 = vector.shape_cast %swap3A_1506 : vector<1x16xi32> to vector<16xi32>
        %swap3A_1508 = vector.shape_cast %add3A_1502 : vector<16xi32> to vector<1x16xi32>
        tpu.vector_store %arg7[%swap3A_1504, %swap3A_1505], %swap3A_1508 {strides = array<i32>} : memref<4x128xi32, #tpu.memory_space<vmem>>, vector<1x16xi32>,
        %get3A_1509 = arith.constant 3 : i32
        %get3A_1510 = arith.index_cast %get3A_1509 : i32 to index
        %get3A_1511 = arith.constant 80 : index
        %get3A_1512 = tpu.vector_load %arg7[%get3A_1510, %get3A_1511] {strides = array<i32>} : memref<4x128xi32, #tpu.memory_space<vmem>>, vector<1x16xi32>,
        %get3A_1513 = vector.shape_cast %get3A_1512 : vector<1x16xi32> to vector<16xi32>
        %add3A_1514 = vector.broadcast %mul3A_2 : i32 to vector<16xi32>
        %add3A_1515 = arith.addi %get3A_1513, %add3A_1514 : vector<16xi32>
        %swap3A_1516 = arith.constant 3 : i32
        %swap3A_1517 = arith.index_cast %swap3A_1516 : i32 to index
        %swap3A_1518 = arith.constant 80 : index
        %swap3A_1519 = tpu.vector_load %arg7[%swap3A_1517, %swap3A_1518] {strides = array<i32>} : memref<4x128xi32, #tpu.memory_space<vmem>>, vector<1x16xi32>,
        %swap3A_1520 = vector.shape_cast %swap3A_1519 : vector<1x16xi32> to vector<16xi32>
        %swap3A_1521 = vector.shape_cast %add3A_1515 : vector<16xi32> to vector<1x16xi32>
        tpu.vector_store %arg7[%swap3A_1517, %swap3A_1518], %swap3A_1521 {strides = array<i32>} : memref<4x128xi32, #tpu.memory_space<vmem>>, vector<1x16xi32>,
        %get3A_1522 = arith.constant 3 : i32
        %get3A_1523 = arith.index_cast %get3A_1522 : i32 to index
        %get3A_1524 = arith.constant 96 : index
        %get3A_1525 = tpu.vector_load %arg7[%get3A_1523, %get3A_1524] {strides = array<i32>} : memref<4x128xi32, #tpu.memory_space<vmem>>, vector<1x16xi32>,
        %get3A_1526 = vector.shape_cast %get3A_1525 : vector<1x16xi32> to vector<16xi32>
        %add3A_1527 = vector.broadcast %mul3A_2 : i32 to vector<16xi32>
        %add3A_1528 = arith.addi %get3A_1526, %add3A_1527 : vector<16xi32>
        %swap3A_1529 = arith.constant 3 : i32
        %swap3A_1530 = arith.index_cast %swap3A_1529 : i32 to index
        %swap3A_1531 = arith.constant 96 : index
        %swap3A_1532 = tpu.vector_load %arg7[%swap3A_1530, %swap3A_1531] {strides = array<i32>} : memref<4x128xi32, #tpu.memory_space<vmem>>, vector<1x16xi32>,
        %swap3A_1533 = vector.shape_cast %swap3A_1532 : vector<1x16xi32> to vector<16xi32>
        %swap3A_1534 = vector.shape_cast %add3A_1528 : vector<16xi32> to vector<1x16xi32>
        tpu.vector_store %arg7[%swap3A_1530, %swap3A_1531], %swap3A_1534 {strides = array<i32>} : memref<4x128xi32, #tpu.memory_space<vmem>>, vector<1x16xi32>,
        %get3A_1535 = arith.constant 3 : i32
        %get3A_1536 = arith.index_cast %get3A_1535 : i32 to index
        %get3A_1537 = arith.constant 112 : index
        %get3A_1538 = tpu.vector_load %arg7[%get3A_1536, %get3A_1537] {strides = array<i32>} : memref<4x128xi32, #tpu.memory_space<vmem>>, vector<1x16xi32>,
        %get3A_1539 = vector.shape_cast %get3A_1538 : vector<1x16xi32> to vector<16xi32>
        %add3A_1540 = vector.broadcast %mul3A_2 : i32 to vector<16xi32>
        %add3A_1541 = arith.addi %get3A_1539, %add3A_1540 : vector<16xi32>
        %swap3A_1542 = arith.constant 3 : i32
        %swap3A_1543 = arith.index_cast %swap3A_1542 : i32 to index
        %swap3A_1544 = arith.constant 112 : index
        %swap3A_1545 = tpu.vector_load %arg7[%swap3A_1543, %swap3A_1544] {strides = array<i32>} : memref<4x128xi32, #tpu.memory_space<vmem>>, vector<1x16xi32>,
        %swap3A_1546 = vector.shape_cast %swap3A_1545 : vector<1x16xi32> to vector<16xi32>
        %swap3A_1547 = vector.shape_cast %add3A_1541 : vector<16xi32> to vector<1x16xi32>
        tpu.vector_store %arg7[%swap3A_1543, %swap3A_1544], %swap3A_1547 {strides = array<i32>} : memref<4x128xi32, #tpu.memory_space<vmem>>, vector<1x16xi32>,
        %dma_start3A_1548 = arith.constant 0 : i32
        %dma_start3A_1549 = arith.constant 0 : i32
        %dma_start3A_1550 = arith.constant 0 : i32
        %dma_start3A_1551 = tpu.memref_slice %arg9[%dma_start3A_1549, %dma_start3A_1550] : memref<512x16xf32, #tpu.memory_space<vmem>> -> memref<128x16xf32, #tpu.memory_space<vmem>>
        %dma_start3A_1552 = arith.constant 0 : i32
        %dma_start3A_1553 = tpu.memref_slice %arg7[%dma_start3A_1548, %dma_start3A_1552] : memref<4x128xi32, #tpu.memory_space<vmem>> -> memref<1x128xi32, #tpu.memory_space<vmem>>
        %dma_start3A_1554 = tpu.memref_squeeze %dma_start3A_1553 : memref<1x128xi32, #tpu.memory_space<vmem>> -> memref<128xi32, #tpu.memory_space<vmem>>
        %dma_start3A_1555 = arith.constant 0 : i32
        %dma_start3A_1556 = arith.constant 0 : i32
        %dma_start3A_1557 = tpu.memref_slice %arg2[%dma_start3A_1555, %dma_start3A_1556] : memref<200000x16xf32, #tpu.memory_space<hbm>> -> memref<200000x16xf32, #tpu.memory_space<hbm>>
        tpu.enqueue_indirect_dma source(%dma_start3A_1557 : memref<200000x16xf32, #tpu.memory_space<hbm>>) target(%dma_start3A_1551 : memref<128x16xf32, #tpu.memory_space<vmem>>) offsets(%dma_start3A_1554 : memref<128xi32, #tpu.memory_space<vmem>>) semaphore(%arg14 : memref<!tpu.dma_semaphore, #tpu.memory_space<semaphore_mem>>)
        %dma_start3A_1558 = arith.constant 1 : i32
        %dma_start3A_1559 = arith.constant 128 : i32
        %dma_start3A_1560 = arith.constant 0 : i32
        %dma_start3A_1561 = tpu.memref_slice %arg9[%dma_start3A_1559, %dma_start3A_1560] : memref<512x16xf32, #tpu.memory_space<vmem>> -> memref<128x16xf32, #tpu.memory_space<vmem>>
        %dma_start3A_1562 = arith.constant 0 : i32
        %dma_start3A_1563 = tpu.memref_slice %arg7[%dma_start3A_1558, %dma_start3A_1562] : memref<4x128xi32, #tpu.memory_space<vmem>> -> memref<1x128xi32, #tpu.memory_space<vmem>>
        %dma_start3A_1564 = tpu.memref_squeeze %dma_start3A_1563 : memref<1x128xi32, #tpu.memory_space<vmem>> -> memref<128xi32, #tpu.memory_space<vmem>>
        %dma_start3A_1565 = arith.constant 0 : i32
        %dma_start3A_1566 = arith.constant 0 : i32
        %dma_start3A_1567 = tpu.memref_slice %arg2[%dma_start3A_1565, %dma_start3A_1566] : memref<200000x16xf32, #tpu.memory_space<hbm>> -> memref<200000x16xf32, #tpu.memory_space<hbm>>
        tpu.enqueue_indirect_dma source(%dma_start3A_1567 : memref<200000x16xf32, #tpu.memory_space<hbm>>) target(%dma_start3A_1561 : memref<128x16xf32, #tpu.memory_space<vmem>>) offsets(%dma_start3A_1564 : memref<128xi32, #tpu.memory_space<vmem>>) semaphore(%arg14 : memref<!tpu.dma_semaphore, #tpu.memory_space<semaphore_mem>>)
        %dma_start3A_1568 = arith.constant 2 : i32
        %dma_start3A_1569 = arith.constant 256 : i32
        %dma_start3A_1570 = arith.constant 0 : i32
        %dma_start3A_1571 = tpu.memref_slice %arg9[%dma_start3A_1569, %dma_start3A_1570] : memref<512x16xf32, #tpu.memory_space<vmem>> -> memref<128x16xf32, #tpu.memory_space<vmem>>
        %dma_start3A_1572 = arith.constant 0 : i32
        %dma_start3A_1573 = tpu.memref_slice %arg7[%dma_start3A_1568, %dma_start3A_1572] : memref<4x128xi32, #tpu.memory_space<vmem>> -> memref<1x128xi32, #tpu.memory_space<vmem>>
        %dma_start3A_1574 = tpu.memref_squeeze %dma_start3A_1573 : memref<1x128xi32, #tpu.memory_space<vmem>> -> memref<128xi32, #tpu.memory_space<vmem>>
        %dma_start3A_1575 = arith.constant 0 : i32
        %dma_start3A_1576 = arith.constant 0 : i32
        %dma_start3A_1577 = tpu.memref_slice %arg2[%dma_start3A_1575, %dma_start3A_1576] : memref<200000x16xf32, #tpu.memory_space<hbm>> -> memref<200000x16xf32, #tpu.memory_space<hbm>>
        tpu.enqueue_indirect_dma source(%dma_start3A_1577 : memref<200000x16xf32, #tpu.memory_space<hbm>>) target(%dma_start3A_1571 : memref<128x16xf32, #tpu.memory_space<vmem>>) offsets(%dma_start3A_1574 : memref<128xi32, #tpu.memory_space<vmem>>) semaphore(%arg14 : memref<!tpu.dma_semaphore, #tpu.memory_space<semaphore_mem>>)
        %dma_start3A_1578 = arith.constant 3 : i32
        %dma_start3A_1579 = arith.constant 384 : i32
        %dma_start3A_1580 = arith.constant 0 : i32
        %dma_start3A_1581 = tpu.memref_slice %arg9[%dma_start3A_1579, %dma_start3A_1580] : memref<512x16xf32, #tpu.memory_space<vmem>> -> memref<128x16xf32, #tpu.memory_space<vmem>>
        %dma_start3A_1582 = arith.constant 0 : i32
        %dma_start3A_1583 = tpu.memref_slice %arg7[%dma_start3A_1578, %dma_start3A_1582] : memref<4x128xi32, #tpu.memory_space<vmem>> -> memref<1x128xi32, #tpu.memory_space<vmem>>
        %dma_start3A_1584 = tpu.memref_squeeze %dma_start3A_1583 : memref<1x128xi32, #tpu.memory_space<vmem>> -> memref<128xi32, #tpu.memory_space<vmem>>
        %dma_start3A_1585 = arith.constant 0 : i32
        %dma_start3A_1586 = arith.constant 0 : i32
        %dma_start3A_1587 = tpu.memref_slice %arg2[%dma_start3A_1585, %dma_start3A_1586] : memref<200000x16xf32, #tpu.memory_space<hbm>> -> memref<200000x16xf32, #tpu.memory_space<hbm>>
        tpu.enqueue_indirect_dma source(%dma_start3A_1587 : memref<200000x16xf32, #tpu.memory_space<hbm>>) target(%dma_start3A_1581 : memref<128x16xf32, #tpu.memory_space<vmem>>) offsets(%dma_start3A_1584 : memref<128xi32, #tpu.memory_space<vmem>>) semaphore(%arg14 : memref<!tpu.dma_semaphore, #tpu.memory_space<semaphore_mem>>)
        %dma_wait3A_1588 = arith.constant 0 : i32
        %dma_wait3A_1589 = arith.constant 0 : i32
        %dma_wait3A_1590 = tpu.memref_slice %arg12[%dma_wait3A_1588, %dma_wait3A_1589] : memref<512x16xf32, #tpu.memory_space<vmem>> -> memref<128x16xf32, #tpu.memory_space<vmem>>
        %dma_wait3A_1591 = arith.constant 0 : i32
        %dma_wait3A_1592 = tpu.memref_slice %arg10[%cond3A, %dma_wait3A_1591] : memref<4x128xi32, #tpu.memory_space<vmem>> -> memref<1x128xi32, #tpu.memory_space<vmem>>
        %dma_wait3A_1593 = tpu.memref_squeeze %dma_wait3A_1592 : memref<1x128xi32, #tpu.memory_space<vmem>> -> memref<128xi32, #tpu.memory_space<vmem>>
        %dma_wait3A_1594 = arith.constant 0 : i32
        %dma_wait3A_1595 = arith.constant 0 : i32
        %dma_wait3A_1596 = tpu.memref_slice %arg2[%dma_wait3A_1594, %dma_wait3A_1595] : memref<200000x16xf32, #tpu.memory_space<hbm>> -> memref<200000x16xf32, #tpu.memory_space<hbm>>
        tpu.wait_indirect_dma semaphore(%arg17 : memref<!tpu.dma_semaphore, #tpu.memory_space<semaphore_mem>>) src(%dma_wait3A_1596 : memref<200000x16xf32, #tpu.memory_space<hbm>>) dst(%dma_wait3A_1590 : memref<128x16xf32, #tpu.memory_space<vmem>>)
        %dma_wait3A_1597 = arith.constant 128 : i32
        %dma_wait3A_1598 = arith.constant 0 : i32
        %dma_wait3A_1599 = tpu.memref_slice %arg12[%dma_wait3A_1597, %dma_wait3A_1598] : memref<512x16xf32, #tpu.memory_space<vmem>> -> memref<128x16xf32, #tpu.memory_space<vmem>>
        %dma_wait3A_1600 = arith.constant 0 : i32
        %dma_wait3A_1601 = tpu.memref_slice %arg10[%cond3A_1092, %dma_wait3A_1600] : memref<4x128xi32, #tpu.memory_space<vmem>> -> memref<1x128xi32, #tpu.memory_space<vmem>>
        %dma_wait3A_1602 = tpu.memref_squeeze %dma_wait3A_1601 : memref<1x128xi32, #tpu.memory_space<vmem>> -> memref<128xi32, #tpu.memory_space<vmem>>
        %dma_wait3A_1603 = arith.constant 0 : i32
        %dma_wait3A_1604 = arith.constant 0 : i32
        %dma_wait3A_1605 = tpu.memref_slice %arg2[%dma_wait3A_1603, %dma_wait3A_1604] : memref<200000x16xf32, #tpu.memory_space<hbm>> -> memref<200000x16xf32, #tpu.memory_space<hbm>>
        tpu.wait_indirect_dma semaphore(%arg17 : memref<!tpu.dma_semaphore, #tpu.memory_space<semaphore_mem>>) src(%dma_wait3A_1605 : memref<200000x16xf32, #tpu.memory_space<hbm>>) dst(%dma_wait3A_1599 : memref<128x16xf32, #tpu.memory_space<vmem>>)
        %dma_wait3A_1606 = arith.constant 256 : i32
        %dma_wait3A_1607 = arith.constant 0 : i32
        %dma_wait3A_1608 = tpu.memref_slice %arg12[%dma_wait3A_1606, %dma_wait3A_1607] : memref<512x16xf32, #tpu.memory_space<vmem>> -> memref<128x16xf32, #tpu.memory_space<vmem>>
        %dma_wait3A_1609 = arith.constant 0 : i32
        %dma_wait3A_1610 = tpu.memref_slice %arg10[%cond3A_1093, %dma_wait3A_1609] : memref<4x128xi32, #tpu.memory_space<vmem>> -> memref<1x128xi32, #tpu.memory_space<vmem>>
        %dma_wait3A_1611 = tpu.memref_squeeze %dma_wait3A_1610 : memref<1x128xi32, #tpu.memory_space<vmem>> -> memref<128xi32, #tpu.memory_space<vmem>>
        %dma_wait3A_1612 = arith.constant 0 : i32
        %dma_wait3A_1613 = arith.constant 0 : i32
        %dma_wait3A_1614 = tpu.memref_slice %arg2[%dma_wait3A_1612, %dma_wait3A_1613] : memref<200000x16xf32, #tpu.memory_space<hbm>> -> memref<200000x16xf32, #tpu.memory_space<hbm>>
        tpu.wait_indirect_dma semaphore(%arg17 : memref<!tpu.dma_semaphore, #tpu.memory_space<semaphore_mem>>) src(%dma_wait3A_1614 : memref<200000x16xf32, #tpu.memory_space<hbm>>) dst(%dma_wait3A_1608 : memref<128x16xf32, #tpu.memory_space<vmem>>)
        %dma_wait3A_1615 = arith.constant 384 : i32
        %dma_wait3A_1616 = arith.constant 0 : i32
        %dma_wait3A_1617 = tpu.memref_slice %arg12[%dma_wait3A_1615, %dma_wait3A_1616] : memref<512x16xf32, #tpu.memory_space<vmem>> -> memref<128x16xf32, #tpu.memory_space<vmem>>
        %dma_wait3A_1618 = arith.constant 0 : i32
        %dma_wait3A_1619 = tpu.memref_slice %arg10[%cond3A_1094, %dma_wait3A_1618] : memref<4x128xi32, #tpu.memory_space<vmem>> -> memref<1x128xi32, #tpu.memory_space<vmem>>
        %dma_wait3A_1620 = tpu.memref_squeeze %dma_wait3A_1619 : memref<1x128xi32, #tpu.memory_space<vmem>> -> memref<128xi32, #tpu.memory_space<vmem>>
        %dma_wait3A_1621 = arith.constant 0 : i32
        %dma_wait3A_1622 = arith.constant 0 : i32
        %dma_wait3A_1623 = tpu.memref_slice %arg2[%dma_wait3A_1621, %dma_wait3A_1622] : memref<200000x16xf32, #tpu.memory_space<hbm>> -> memref<200000x16xf32, #tpu.memory_space<hbm>>
        tpu.wait_indirect_dma semaphore(%arg17 : memref<!tpu.dma_semaphore, #tpu.memory_space<semaphore_mem>>) src(%dma_wait3A_1623 : memref<200000x16xf32, #tpu.memory_space<hbm>>) dst(%dma_wait3A_1617 : memref<128x16xf32, #tpu.memory_space<vmem>>)
        %dma_start3A_1624 = arith.constant 0 : i32
        %dma_start3A_1625 = arith.constant 0 : i32
        %dma_start3A_1626 = arith.constant 0 : i32
        %dma_start3A_1627 = tpu.memref_slice %arg12[%dma_start3A_1625, %dma_start3A_1626] : memref<512x16xf32, #tpu.memory_space<vmem>> -> memref<128x16xf32, #tpu.memory_space<vmem>>
        %dma_start3A_1628 = arith.constant 0 : i32
        %dma_start3A_1629 = tpu.memref_slice %arg11[%dma_start3A_1624, %dma_start3A_1628] : memref<4x128xi32, #tpu.memory_space<vmem>> -> memref<1x128xi32, #tpu.memory_space<vmem>>
        %dma_start3A_1630 = tpu.memref_squeeze %dma_start3A_1629 : memref<1x128xi32, #tpu.memory_space<vmem>> -> memref<128xi32, #tpu.memory_space<vmem>>
        %dma_start3A_1631 = arith.constant 0 : i32
        %dma_start3A_1632 = arith.constant 0 : i32
        %dma_start3A_1633 = tpu.memref_slice %arg13[%dma_start3A_1631, %dma_start3A_1632] : memref<104000x16xf32, #tpu.memory_space<vmem_shared>> -> memref<104000x16xf32, #tpu.memory_space<vmem_shared>>
        tpu.enqueue_indirect_dma source(%dma_start3A_1627 : memref<128x16xf32, #tpu.memory_space<vmem>>) target(%dma_start3A_1633 : memref<104000x16xf32, #tpu.memory_space<vmem_shared>>) offsets(%dma_start3A_1630 : memref<128xi32, #tpu.memory_space<vmem>>) semaphore(%arg18 : memref<!tpu.dma_semaphore, #tpu.memory_space<semaphore_mem>>) {add = true}
        %dma_start3A_1634 = arith.constant 1 : i32
        %dma_start3A_1635 = arith.constant 128 : i32
        %dma_start3A_1636 = arith.constant 0 : i32
        %dma_start3A_1637 = tpu.memref_slice %arg12[%dma_start3A_1635, %dma_start3A_1636] : memref<512x16xf32, #tpu.memory_space<vmem>> -> memref<128x16xf32, #tpu.memory_space<vmem>>
        %dma_start3A_1638 = arith.constant 0 : i32
        %dma_start3A_1639 = tpu.memref_slice %arg11[%dma_start3A_1634, %dma_start3A_1638] : memref<4x128xi32, #tpu.memory_space<vmem>> -> memref<1x128xi32, #tpu.memory_space<vmem>>
        %dma_start3A_1640 = tpu.memref_squeeze %dma_start3A_1639 : memref<1x128xi32, #tpu.memory_space<vmem>> -> memref<128xi32, #tpu.memory_space<vmem>>
        %dma_start3A_1641 = arith.constant 0 : i32
        %dma_start3A_1642 = arith.constant 0 : i32
        %dma_start3A_1643 = tpu.memref_slice %arg13[%dma_start3A_1641, %dma_start3A_1642] : memref<104000x16xf32, #tpu.memory_space<vmem_shared>> -> memref<104000x16xf32, #tpu.memory_space<vmem_shared>>
        tpu.enqueue_indirect_dma source(%dma_start3A_1637 : memref<128x16xf32, #tpu.memory_space<vmem>>) target(%dma_start3A_1643 : memref<104000x16xf32, #tpu.memory_space<vmem_shared>>) offsets(%dma_start3A_1640 : memref<128xi32, #tpu.memory_space<vmem>>) semaphore(%arg18 : memref<!tpu.dma_semaphore, #tpu.memory_space<semaphore_mem>>) {add = true}
        %dma_start3A_1644 = arith.constant 2 : i32
        %dma_start3A_1645 = arith.constant 256 : i32
        %dma_start3A_1646 = arith.constant 0 : i32
        %dma_start3A_1647 = tpu.memref_slice %arg12[%dma_start3A_1645, %dma_start3A_1646] : memref<512x16xf32, #tpu.memory_space<vmem>> -> memref<128x16xf32, #tpu.memory_space<vmem>>
        %dma_start3A_1648 = arith.constant 0 : i32
        %dma_start3A_1649 = tpu.memref_slice %arg11[%dma_start3A_1644, %dma_start3A_1648] : memref<4x128xi32, #tpu.memory_space<vmem>> -> memref<1x128xi32, #tpu.memory_space<vmem>>
        %dma_start3A_1650 = tpu.memref_squeeze %dma_start3A_1649 : memref<1x128xi32, #tpu.memory_space<vmem>> -> memref<128xi32, #tpu.memory_space<vmem>>
        %dma_start3A_1651 = arith.constant 0 : i32
        %dma_start3A_1652 = arith.constant 0 : i32
        %dma_start3A_1653 = tpu.memref_slice %arg13[%dma_start3A_1651, %dma_start3A_1652] : memref<104000x16xf32, #tpu.memory_space<vmem_shared>> -> memref<104000x16xf32, #tpu.memory_space<vmem_shared>>
        tpu.enqueue_indirect_dma source(%dma_start3A_1647 : memref<128x16xf32, #tpu.memory_space<vmem>>) target(%dma_start3A_1653 : memref<104000x16xf32, #tpu.memory_space<vmem_shared>>) offsets(%dma_start3A_1650 : memref<128xi32, #tpu.memory_space<vmem>>) semaphore(%arg18 : memref<!tpu.dma_semaphore, #tpu.memory_space<semaphore_mem>>) {add = true}
        %dma_start3A_1654 = arith.constant 3 : i32
        %dma_start3A_1655 = arith.constant 384 : i32
        %dma_start3A_1656 = arith.constant 0 : i32
        %dma_start3A_1657 = tpu.memref_slice %arg12[%dma_start3A_1655, %dma_start3A_1656] : memref<512x16xf32, #tpu.memory_space<vmem>> -> memref<128x16xf32, #tpu.memory_space<vmem>>
        %dma_start3A_1658 = arith.constant 0 : i32
        %dma_start3A_1659 = tpu.memref_slice %arg11[%dma_start3A_1654, %dma_start3A_1658] : memref<4x128xi32, #tpu.memory_space<vmem>> -> memref<1x128xi32, #tpu.memory_space<vmem>>
        %dma_start3A_1660 = tpu.memref_squeeze %dma_start3A_1659 : memref<1x128xi32, #tpu.memory_space<vmem>> -> memref<128xi32, #tpu.memory_space<vmem>>
        %dma_start3A_1661 = arith.constant 0 : i32
        %dma_start3A_1662 = arith.constant 0 : i32
        %dma_start3A_1663 = tpu.memref_slice %arg13[%dma_start3A_1661, %dma_start3A_1662] : memref<104000x16xf32, #tpu.memory_space<vmem_shared>> -> memref<104000x16xf32, #tpu.memory_space<vmem_shared>>
        tpu.enqueue_indirect_dma source(%dma_start3A_1657 : memref<128x16xf32, #tpu.memory_space<vmem>>) target(%dma_start3A_1663 : memref<104000x16xf32, #tpu.memory_space<vmem_shared>>) offsets(%dma_start3A_1660 : memref<128xi32, #tpu.memory_space<vmem>>) semaphore(%arg18 : memref<!tpu.dma_semaphore, #tpu.memory_space<semaphore_mem>>) {add = true}
        %dma_wait3A_1664 = arith.constant 0 : i32
        %dma_wait3A_1665 = arith.constant 0 : i32
        %dma_wait3A_1666 = arith.constant 0 : i32
        %dma_wait3A_1667 = tpu.memref_slice %arg12[%dma_wait3A_1665, %dma_wait3A_1666] : memref<512x16xf32, #tpu.memory_space<vmem>> -> memref<128x16xf32, #tpu.memory_space<vmem>>
        %dma_wait3A_1668 = arith.constant 0 : i32
        %dma_wait3A_1669 = tpu.memref_slice %arg11[%dma_wait3A_1664, %dma_wait3A_1668] : memref<4x128xi32, #tpu.memory_space<vmem>> -> memref<1x128xi32, #tpu.memory_space<vmem>>
        %dma_wait3A_1670 = tpu.memref_squeeze %dma_wait3A_1669 : memref<1x128xi32, #tpu.memory_space<vmem>> -> memref<128xi32, #tpu.memory_space<vmem>>
        %dma_wait3A_1671 = arith.constant 0 : i32
        %dma_wait3A_1672 = arith.constant 0 : i32
        %dma_wait3A_1673 = tpu.memref_slice %arg13[%dma_wait3A_1671, %dma_wait3A_1672] : memref<104000x16xf32, #tpu.memory_space<vmem_shared>> -> memref<104000x16xf32, #tpu.memory_space<vmem_shared>>
        tpu.wait_indirect_dma semaphore(%arg18 : memref<!tpu.dma_semaphore, #tpu.memory_space<semaphore_mem>>) src(%dma_wait3A_1667 : memref<128x16xf32, #tpu.memory_space<vmem>>) dst(%dma_wait3A_1673 : memref<104000x16xf32, #tpu.memory_space<vmem_shared>>)
        %dma_wait3A_1674 = arith.constant 1 : i32
        %dma_wait3A_1675 = arith.constant 128 : i32
        %dma_wait3A_1676 = arith.constant 0 : i32
        %dma_wait3A_1677 = tpu.memref_slice %arg12[%dma_wait3A_1675, %dma_wait3A_1676] : memref<512x16xf32, #tpu.memory_space<vmem>> -> memref<128x16xf32, #tpu.memory_space<vmem>>
        %dma_wait3A_1678 = arith.constant 0 : i32
        %dma_wait3A_1679 = tpu.memref_slice %arg11[%dma_wait3A_1674, %dma_wait3A_1678] : memref<4x128xi32, #tpu.memory_space<vmem>> -> memref<1x128xi32, #tpu.memory_space<vmem>>
        %dma_wait3A_1680 = tpu.memref_squeeze %dma_wait3A_1679 : memref<1x128xi32, #tpu.memory_space<vmem>> -> memref<128xi32, #tpu.memory_space<vmem>>
        %dma_wait3A_1681 = arith.constant 0 : i32
        %dma_wait3A_1682 = arith.constant 0 : i32
        %dma_wait3A_1683 = tpu.memref_slice %arg13[%dma_wait3A_1681, %dma_wait3A_1682] : memref<104000x16xf32, #tpu.memory_space<vmem_shared>> -> memref<104000x16xf32, #tpu.memory_space<vmem_shared>>
        tpu.wait_indirect_dma semaphore(%arg18 : memref<!tpu.dma_semaphore, #tpu.memory_space<semaphore_mem>>) src(%dma_wait3A_1677 : memref<128x16xf32, #tpu.memory_space<vmem>>) dst(%dma_wait3A_1683 : memref<104000x16xf32, #tpu.memory_space<vmem_shared>>)
        %dma_wait3A_1684 = arith.constant 2 : i32
        %dma_wait3A_1685 = arith.constant 256 : i32
        %dma_wait3A_1686 = arith.constant 0 : i32
        %dma_wait3A_1687 = tpu.memref_slice %arg12[%dma_wait3A_1685, %dma_wait3A_1686] : memref<512x16xf32, #tpu.memory_space<vmem>> -> memref<128x16xf32, #tpu.memory_space<vmem>>
        %dma_wait3A_1688 = arith.constant 0 : i32
        %dma_wait3A_1689 = tpu.memref_slice %arg11[%dma_wait3A_1684, %dma_wait3A_1688] : memref<4x128xi32, #tpu.memory_space<vmem>> -> memref<1x128xi32, #tpu.memory_space<vmem>>
        %dma_wait3A_1690 = tpu.memref_squeeze %dma_wait3A_1689 : memref<1x128xi32, #tpu.memory_space<vmem>> -> memref<128xi32, #tpu.memory_space<vmem>>
        %dma_wait3A_1691 = arith.constant 0 : i32
        %dma_wait3A_1692 = arith.constant 0 : i32
        %dma_wait3A_1693 = tpu.memref_slice %arg13[%dma_wait3A_1691, %dma_wait3A_1692] : memref<104000x16xf32, #tpu.memory_space<vmem_shared>> -> memref<104000x16xf32, #tpu.memory_space<vmem_shared>>
        tpu.wait_indirect_dma semaphore(%arg18 : memref<!tpu.dma_semaphore, #tpu.memory_space<semaphore_mem>>) src(%dma_wait3A_1687 : memref<128x16xf32, #tpu.memory_space<vmem>>) dst(%dma_wait3A_1693 : memref<104000x16xf32, #tpu.memory_space<vmem_shared>>)
        %dma_wait3A_1694 = arith.constant 3 : i32
        %dma_wait3A_1695 = arith.constant 384 : i32
        %dma_wait3A_1696 = arith.constant 0 : i32
        %dma_wait3A_1697 = tpu.memref_slice %arg12[%dma_wait3A_1695, %dma_wait3A_1696] : memref<512x16xf32, #tpu.memory_space<vmem>> -> memref<128x16xf32, #tpu.memory_space<vmem>>
        %dma_wait3A_1698 = arith.constant 0 : i32
        %dma_wait3A_1699 = tpu.memref_slice %arg11[%dma_wait3A_1694, %dma_wait3A_1698] : memref<4x128xi32, #tpu.memory_space<vmem>> -> memref<1x128xi32, #tpu.memory_space<vmem>>
        %dma_wait3A_1700 = tpu.memref_squeeze %dma_wait3A_1699 : memref<1x128xi32, #tpu.memory_space<vmem>> -> memref<128xi32, #tpu.memory_space<vmem>>
        %dma_wait3A_1701 = arith.constant 0 : i32
        %dma_wait3A_1702 = arith.constant 0 : i32
        %dma_wait3A_1703 = tpu.memref_slice %arg13[%dma_wait3A_1701, %dma_wait3A_1702] : memref<104000x16xf32, #tpu.memory_space<vmem_shared>> -> memref<104000x16xf32, #tpu.memory_space<vmem_shared>>
        tpu.wait_indirect_dma semaphore(%arg18 : memref<!tpu.dma_semaphore, #tpu.memory_space<semaphore_mem>>) src(%dma_wait3A_1697 : memref<128x16xf32, #tpu.memory_space<vmem>>) dst(%dma_wait3A_1703 : memref<104000x16xf32, #tpu.memory_space<vmem_shared>>)
        %dma_wait3A_1704 = arith.constant 0 : i32
        %dma_wait3A_1705 = arith.constant 0 : i32
        %dma_wait3A_1706 = arith.constant 0 : i32
        %dma_wait3A_1707 = tpu.memref_slice %arg9[%dma_wait3A_1705, %dma_wait3A_1706] : memref<512x16xf32, #tpu.memory_space<vmem>> -> memref<128x16xf32, #tpu.memory_space<vmem>>
        %dma_wait3A_1708 = arith.constant 0 : i32
        %dma_wait3A_1709 = tpu.memref_slice %arg7[%dma_wait3A_1704, %dma_wait3A_1708] : memref<4x128xi32, #tpu.memory_space<vmem>> -> memref<1x128xi32, #tpu.memory_space<vmem>>
        %dma_wait3A_1710 = tpu.memref_squeeze %dma_wait3A_1709 : memref<1x128xi32, #tpu.memory_space<vmem>> -> memref<128xi32, #tpu.memory_space<vmem>>
        %dma_wait3A_1711 = arith.constant 0 : i32
        %dma_wait3A_1712 = arith.constant 0 : i32
        %dma_wait3A_1713 = tpu.memref_slice %arg2[%dma_wait3A_1711, %dma_wait3A_1712] : memref<200000x16xf32, #tpu.memory_space<hbm>> -> memref<200000x16xf32, #tpu.memory_space<hbm>>
        tpu.wait_indirect_dma semaphore(%arg14 : memref<!tpu.dma_semaphore, #tpu.memory_space<semaphore_mem>>) src(%dma_wait3A_1713 : memref<200000x16xf32, #tpu.memory_space<hbm>>) dst(%dma_wait3A_1707 : memref<128x16xf32, #tpu.memory_space<vmem>>)
        %dma_wait3A_1714 = arith.constant 1 : i32
        %dma_wait3A_1715 = arith.constant 128 : i32
        %dma_wait3A_1716 = arith.constant 0 : i32
        %dma_wait3A_1717 = tpu.memref_slice %arg9[%dma_wait3A_1715, %dma_wait3A_1716] : memref<512x16xf32, #tpu.memory_space<vmem>> -> memref<128x16xf32, #tpu.memory_space<vmem>>
        %dma_wait3A_1718 = arith.constant 0 : i32
        %dma_wait3A_1719 = tpu.memref_slice %arg7[%dma_wait3A_1714, %dma_wait3A_1718] : memref<4x128xi32, #tpu.memory_space<vmem>> -> memref<1x128xi32, #tpu.memory_space<vmem>>
        %dma_wait3A_1720 = tpu.memref_squeeze %dma_wait3A_1719 : memref<1x128xi32, #tpu.memory_space<vmem>> -> memref<128xi32, #tpu.memory_space<vmem>>
        %dma_wait3A_1721 = arith.constant 0 : i32
        %dma_wait3A_1722 = arith.constant 0 : i32
        %dma_wait3A_1723 = tpu.memref_slice %arg2[%dma_wait3A_1721, %dma_wait3A_1722] : memref<200000x16xf32, #tpu.memory_space<hbm>> -> memref<200000x16xf32, #tpu.memory_space<hbm>>
        tpu.wait_indirect_dma semaphore(%arg14 : memref<!tpu.dma_semaphore, #tpu.memory_space<semaphore_mem>>) src(%dma_wait3A_1723 : memref<200000x16xf32, #tpu.memory_space<hbm>>) dst(%dma_wait3A_1717 : memref<128x16xf32, #tpu.memory_space<vmem>>)
        %dma_wait3A_1724 = arith.constant 2 : i32
        %dma_wait3A_1725 = arith.constant 256 : i32
        %dma_wait3A_1726 = arith.constant 0 : i32
        %dma_wait3A_1727 = tpu.memref_slice %arg9[%dma_wait3A_1725, %dma_wait3A_1726] : memref<512x16xf32, #tpu.memory_space<vmem>> -> memref<128x16xf32, #tpu.memory_space<vmem>>
        %dma_wait3A_1728 = arith.constant 0 : i32
        %dma_wait3A_1729 = tpu.memref_slice %arg7[%dma_wait3A_1724, %dma_wait3A_1728] : memref<4x128xi32, #tpu.memory_space<vmem>> -> memref<1x128xi32, #tpu.memory_space<vmem>>
        %dma_wait3A_1730 = tpu.memref_squeeze %dma_wait3A_1729 : memref<1x128xi32, #tpu.memory_space<vmem>> -> memref<128xi32, #tpu.memory_space<vmem>>
        %dma_wait3A_1731 = arith.constant 0 : i32
        %dma_wait3A_1732 = arith.constant 0 : i32
        %dma_wait3A_1733 = tpu.memref_slice %arg2[%dma_wait3A_1731, %dma_wait3A_1732] : memref<200000x16xf32, #tpu.memory_space<hbm>> -> memref<200000x16xf32, #tpu.memory_space<hbm>>
        tpu.wait_indirect_dma semaphore(%arg14 : memref<!tpu.dma_semaphore, #tpu.memory_space<semaphore_mem>>) src(%dma_wait3A_1733 : memref<200000x16xf32, #tpu.memory_space<hbm>>) dst(%dma_wait3A_1727 : memref<128x16xf32, #tpu.memory_space<vmem>>)
        %dma_wait3A_1734 = arith.constant 3 : i32
        %dma_wait3A_1735 = arith.constant 384 : i32
        %dma_wait3A_1736 = arith.constant 0 : i32
        %dma_wait3A_1737 = tpu.memref_slice %arg9[%dma_wait3A_1735, %dma_wait3A_1736] : memref<512x16xf32, #tpu.memory_space<vmem>> -> memref<128x16xf32, #tpu.memory_space<vmem>>
        %dma_wait3A_1738 = arith.constant 0 : i32
        %dma_wait3A_1739 = tpu.memref_slice %arg7[%dma_wait3A_1734, %dma_wait3A_1738] : memref<4x128xi32, #tpu.memory_space<vmem>> -> memref<1x128xi32, #tpu.memory_space<vmem>>
        %dma_wait3A_1740 = tpu.memref_squeeze %dma_wait3A_1739 : memref<1x128xi32, #tpu.memory_space<vmem>> -> memref<128xi32, #tpu.memory_space<vmem>>
        %dma_wait3A_1741 = arith.constant 0 : i32
        %dma_wait3A_1742 = arith.constant 0 : i32
        %dma_wait3A_1743 = tpu.memref_slice %arg2[%dma_wait3A_1741, %dma_wait3A_1742] : memref<200000x16xf32, #tpu.memory_space<hbm>> -> memref<200000x16xf32, #tpu.memory_space<hbm>>
        tpu.wait_indirect_dma semaphore(%arg14 : memref<!tpu.dma_semaphore, #tpu.memory_space<semaphore_mem>>) src(%dma_wait3A_1743 : memref<200000x16xf32, #tpu.memory_space<hbm>>) dst(%dma_wait3A_1737 : memref<128x16xf32, #tpu.memory_space<vmem>>)
      } else {
      }
      %add3A_1097 = arith.constant 1 : i32
      %add3A_1098 = arith.addi %scan3A_527, %add3A_1097 : i32
      %ge3A = arith.constant 196 : i32
      %ge3A_1099 = arith.cmpi sge, %add3A_1098, %ge3A : i32
      %convert_element_type3A_1100 = arith.extui %ge3A_1099 : i1 to i32
      %cond3A_1101 = arith.constant 0 : i32
      %cond3A_1102 = arith.constant 1 : i32
      %cond3A_1103 = arith.constant 2 : i32
      %cond3A_1104 = arith.constant 3 : i32
      %cond3A_1105 = arith.constant 0 : i32
      %cond3A_1106 = arith.cmpi ne, %convert_element_type3A_1100, %cond3A_1105 : i32
      scf.if %cond3A_1106 {
        %dma_wait3A_1107 = arith.constant 0 : i32
        %dma_wait3A_1108 = arith.constant 0 : i32
        %dma_wait3A_1109 = tpu.memref_slice %arg12[%dma_wait3A_1107, %dma_wait3A_1108] : memref<512x16xf32, #tpu.memory_space<vmem>> -> memref<128x16xf32, #tpu.memory_space<vmem>>
        %dma_wait3A_1110 = arith.constant 0 : i32
        %dma_wait3A_1111 = tpu.memref_slice %arg10[%cond3A_1101, %dma_wait3A_1110] : memref<4x128xi32, #tpu.memory_space<vmem>> -> memref<1x128xi32, #tpu.memory_space<vmem>>
        %dma_wait3A_1112 = tpu.memref_squeeze %dma_wait3A_1111 : memref<1x128xi32, #tpu.memory_space<vmem>> -> memref<128xi32, #tpu.memory_space<vmem>>
        %dma_wait3A_1113 = arith.constant 0 : i32
        %dma_wait3A_1114 = arith.constant 0 : i32
        %dma_wait3A_1115 = tpu.memref_slice %arg2[%dma_wait3A_1113, %dma_wait3A_1114] : memref<200000x16xf32, #tpu.memory_space<hbm>> -> memref<200000x16xf32, #tpu.memory_space<hbm>>
        tpu.wait_indirect_dma semaphore(%arg17 : memref<!tpu.dma_semaphore, #tpu.memory_space<semaphore_mem>>) src(%dma_wait3A_1115 : memref<200000x16xf32, #tpu.memory_space<hbm>>) dst(%dma_wait3A_1109 : memref<128x16xf32, #tpu.memory_space<vmem>>)
        %dma_wait3A_1116 = arith.constant 128 : i32
        %dma_wait3A_1117 = arith.constant 0 : i32
        %dma_wait3A_1118 = tpu.memref_slice %arg12[%dma_wait3A_1116, %dma_wait3A_1117] : memref<512x16xf32, #tpu.memory_space<vmem>> -> memref<128x16xf32, #tpu.memory_space<vmem>>
        %dma_wait3A_1119 = arith.constant 0 : i32
        %dma_wait3A_1120 = tpu.memref_slice %arg10[%cond3A_1102, %dma_wait3A_1119] : memref<4x128xi32, #tpu.memory_space<vmem>> -> memref<1x128xi32, #tpu.memory_space<vmem>>
        %dma_wait3A_1121 = tpu.memref_squeeze %dma_wait3A_1120 : memref<1x128xi32, #tpu.memory_space<vmem>> -> memref<128xi32, #tpu.memory_space<vmem>>
        %dma_wait3A_1122 = arith.constant 0 : i32
        %dma_wait3A_1123 = arith.constant 0 : i32
        %dma_wait3A_1124 = tpu.memref_slice %arg2[%dma_wait3A_1122, %dma_wait3A_1123] : memref<200000x16xf32, #tpu.memory_space<hbm>> -> memref<200000x16xf32, #tpu.memory_space<hbm>>
        tpu.wait_indirect_dma semaphore(%arg17 : memref<!tpu.dma_semaphore, #tpu.memory_space<semaphore_mem>>) src(%dma_wait3A_1124 : memref<200000x16xf32, #tpu.memory_space<hbm>>) dst(%dma_wait3A_1118 : memref<128x16xf32, #tpu.memory_space<vmem>>)
        %dma_wait3A_1125 = arith.constant 256 : i32
        %dma_wait3A_1126 = arith.constant 0 : i32
        %dma_wait3A_1127 = tpu.memref_slice %arg12[%dma_wait3A_1125, %dma_wait3A_1126] : memref<512x16xf32, #tpu.memory_space<vmem>> -> memref<128x16xf32, #tpu.memory_space<vmem>>
        %dma_wait3A_1128 = arith.constant 0 : i32
        %dma_wait3A_1129 = tpu.memref_slice %arg10[%cond3A_1103, %dma_wait3A_1128] : memref<4x128xi32, #tpu.memory_space<vmem>> -> memref<1x128xi32, #tpu.memory_space<vmem>>
        %dma_wait3A_1130 = tpu.memref_squeeze %dma_wait3A_1129 : memref<1x128xi32, #tpu.memory_space<vmem>> -> memref<128xi32, #tpu.memory_space<vmem>>
        %dma_wait3A_1131 = arith.constant 0 : i32
        %dma_wait3A_1132 = arith.constant 0 : i32
        %dma_wait3A_1133 = tpu.memref_slice %arg2[%dma_wait3A_1131, %dma_wait3A_1132] : memref<200000x16xf32, #tpu.memory_space<hbm>> -> memref<200000x16xf32, #tpu.memory_space<hbm>>
        tpu.wait_indirect_dma semaphore(%arg17 : memref<!tpu.dma_semaphore, #tpu.memory_space<semaphore_mem>>) src(%dma_wait3A_1133 : memref<200000x16xf32, #tpu.memory_space<hbm>>) dst(%dma_wait3A_1127 : memref<128x16xf32, #tpu.memory_space<vmem>>)
        %dma_wait3A_1134 = arith.constant 384 : i32
        %dma_wait3A_1135 = arith.constant 0 : i32
        %dma_wait3A_1136 = tpu.memref_slice %arg12[%dma_wait3A_1134, %dma_wait3A_1135] : memref<512x16xf32, #tpu.memory_space<vmem>> -> memref<128x16xf32, #tpu.memory_space<vmem>>
        %dma_wait3A_1137 = arith.constant 0 : i32
        %dma_wait3A_1138 = tpu.memref_slice %arg10[%cond3A_1104, %dma_wait3A_1137] : memref<4x128xi32, #tpu.memory_space<vmem>> -> memref<1x128xi32, #tpu.memory_space<vmem>>
        %dma_wait3A_1139 = tpu.memref_squeeze %dma_wait3A_1138 : memref<1x128xi32, #tpu.memory_space<vmem>> -> memref<128xi32, #tpu.memory_space<vmem>>
        %dma_wait3A_1140 = arith.constant 0 : i32
        %dma_wait3A_1141 = arith.constant 0 : i32
        %dma_wait3A_1142 = tpu.memref_slice %arg2[%dma_wait3A_1140, %dma_wait3A_1141] : memref<200000x16xf32, #tpu.memory_space<hbm>> -> memref<200000x16xf32, #tpu.memory_space<hbm>>
        tpu.wait_indirect_dma semaphore(%arg17 : memref<!tpu.dma_semaphore, #tpu.memory_space<semaphore_mem>>) src(%dma_wait3A_1142 : memref<200000x16xf32, #tpu.memory_space<hbm>>) dst(%dma_wait3A_1136 : memref<128x16xf32, #tpu.memory_space<vmem>>)
        %dma_start3A_1143 = arith.constant 0 : i32
        %dma_start3A_1144 = arith.constant 0 : i32
        %dma_start3A_1145 = arith.constant 0 : i32
        %dma_start3A_1146 = tpu.memref_slice %arg12[%dma_start3A_1144, %dma_start3A_1145] : memref<512x16xf32, #tpu.memory_space<vmem>> -> memref<128x16xf32, #tpu.memory_space<vmem>>
        %dma_start3A_1147 = arith.constant 0 : i32
        %dma_start3A_1148 = tpu.memref_slice %arg11[%dma_start3A_1143, %dma_start3A_1147] : memref<4x128xi32, #tpu.memory_space<vmem>> -> memref<1x128xi32, #tpu.memory_space<vmem>>
        %dma_start3A_1149 = tpu.memref_squeeze %dma_start3A_1148 : memref<1x128xi32, #tpu.memory_space<vmem>> -> memref<128xi32, #tpu.memory_space<vmem>>
        %dma_start3A_1150 = arith.constant 0 : i32
        %dma_start3A_1151 = arith.constant 0 : i32
        %dma_start3A_1152 = tpu.memref_slice %arg13[%dma_start3A_1150, %dma_start3A_1151] : memref<104000x16xf32, #tpu.memory_space<vmem_shared>> -> memref<104000x16xf32, #tpu.memory_space<vmem_shared>>
        tpu.enqueue_indirect_dma source(%dma_start3A_1146 : memref<128x16xf32, #tpu.memory_space<vmem>>) target(%dma_start3A_1152 : memref<104000x16xf32, #tpu.memory_space<vmem_shared>>) offsets(%dma_start3A_1149 : memref<128xi32, #tpu.memory_space<vmem>>) semaphore(%arg18 : memref<!tpu.dma_semaphore, #tpu.memory_space<semaphore_mem>>) {add = true}
        %dma_start3A_1153 = arith.constant 1 : i32
        %dma_start3A_1154 = arith.constant 128 : i32
        %dma_start3A_1155 = arith.constant 0 : i32
        %dma_start3A_1156 = tpu.memref_slice %arg12[%dma_start3A_1154, %dma_start3A_1155] : memref<512x16xf32, #tpu.memory_space<vmem>> -> memref<128x16xf32, #tpu.memory_space<vmem>>
        %dma_start3A_1157 = arith.constant 0 : i32
        %dma_start3A_1158 = tpu.memref_slice %arg11[%dma_start3A_1153, %dma_start3A_1157] : memref<4x128xi32, #tpu.memory_space<vmem>> -> memref<1x128xi32, #tpu.memory_space<vmem>>
        %dma_start3A_1159 = tpu.memref_squeeze %dma_start3A_1158 : memref<1x128xi32, #tpu.memory_space<vmem>> -> memref<128xi32, #tpu.memory_space<vmem>>
        %dma_start3A_1160 = arith.constant 0 : i32
        %dma_start3A_1161 = arith.constant 0 : i32
        %dma_start3A_1162 = tpu.memref_slice %arg13[%dma_start3A_1160, %dma_start3A_1161] : memref<104000x16xf32, #tpu.memory_space<vmem_shared>> -> memref<104000x16xf32, #tpu.memory_space<vmem_shared>>
        tpu.enqueue_indirect_dma source(%dma_start3A_1156 : memref<128x16xf32, #tpu.memory_space<vmem>>) target(%dma_start3A_1162 : memref<104000x16xf32, #tpu.memory_space<vmem_shared>>) offsets(%dma_start3A_1159 : memref<128xi32, #tpu.memory_space<vmem>>) semaphore(%arg18 : memref<!tpu.dma_semaphore, #tpu.memory_space<semaphore_mem>>) {add = true}
        %dma_start3A_1163 = arith.constant 2 : i32
        %dma_start3A_1164 = arith.constant 256 : i32
        %dma_start3A_1165 = arith.constant 0 : i32
        %dma_start3A_1166 = tpu.memref_slice %arg12[%dma_start3A_1164, %dma_start3A_1165] : memref<512x16xf32, #tpu.memory_space<vmem>> -> memref<128x16xf32, #tpu.memory_space<vmem>>
        %dma_start3A_1167 = arith.constant 0 : i32
        %dma_start3A_1168 = tpu.memref_slice %arg11[%dma_start3A_1163, %dma_start3A_1167] : memref<4x128xi32, #tpu.memory_space<vmem>> -> memref<1x128xi32, #tpu.memory_space<vmem>>
        %dma_start3A_1169 = tpu.memref_squeeze %dma_start3A_1168 : memref<1x128xi32, #tpu.memory_space<vmem>> -> memref<128xi32, #tpu.memory_space<vmem>>
        %dma_start3A_1170 = arith.constant 0 : i32
        %dma_start3A_1171 = arith.constant 0 : i32
        %dma_start3A_1172 = tpu.memref_slice %arg13[%dma_start3A_1170, %dma_start3A_1171] : memref<104000x16xf32, #tpu.memory_space<vmem_shared>> -> memref<104000x16xf32, #tpu.memory_space<vmem_shared>>
        tpu.enqueue_indirect_dma source(%dma_start3A_1166 : memref<128x16xf32, #tpu.memory_space<vmem>>) target(%dma_start3A_1172 : memref<104000x16xf32, #tpu.memory_space<vmem_shared>>) offsets(%dma_start3A_1169 : memref<128xi32, #tpu.memory_space<vmem>>) semaphore(%arg18 : memref<!tpu.dma_semaphore, #tpu.memory_space<semaphore_mem>>) {add = true}
        %dma_start3A_1173 = arith.constant 3 : i32
        %dma_start3A_1174 = arith.constant 384 : i32
        %dma_start3A_1175 = arith.constant 0 : i32
        %dma_start3A_1176 = tpu.memref_slice %arg12[%dma_start3A_1174, %dma_start3A_1175] : memref<512x16xf32, #tpu.memory_space<vmem>> -> memref<128x16xf32, #tpu.memory_space<vmem>>
        %dma_start3A_1177 = arith.constant 0 : i32
        %dma_start3A_1178 = tpu.memref_slice %arg11[%dma_start3A_1173, %dma_start3A_1177] : memref<4x128xi32, #tpu.memory_space<vmem>> -> memref<1x128xi32, #tpu.memory_space<vmem>>
        %dma_start3A_1179 = tpu.memref_squeeze %dma_start3A_1178 : memref<1x128xi32, #tpu.memory_space<vmem>> -> memref<128xi32, #tpu.memory_space<vmem>>
        %dma_start3A_1180 = arith.constant 0 : i32
        %dma_start3A_1181 = arith.constant 0 : i32
        %dma_start3A_1182 = tpu.memref_slice %arg13[%dma_start3A_1180, %dma_start3A_1181] : memref<104000x16xf32, #tpu.memory_space<vmem_shared>> -> memref<104000x16xf32, #tpu.memory_space<vmem_shared>>
        tpu.enqueue_indirect_dma source(%dma_start3A_1176 : memref<128x16xf32, #tpu.memory_space<vmem>>) target(%dma_start3A_1182 : memref<104000x16xf32, #tpu.memory_space<vmem_shared>>) offsets(%dma_start3A_1179 : memref<128xi32, #tpu.memory_space<vmem>>) semaphore(%arg18 : memref<!tpu.dma_semaphore, #tpu.memory_space<semaphore_mem>>) {add = true}
        %dma_wait3A_1183 = arith.constant 0 : i32
        %dma_wait3A_1184 = arith.constant 0 : i32
        %dma_wait3A_1185 = arith.constant 0 : i32
        %dma_wait3A_1186 = tpu.memref_slice %arg12[%dma_wait3A_1184, %dma_wait3A_1185] : memref<512x16xf32, #tpu.memory_space<vmem>> -> memref<128x16xf32, #tpu.memory_space<vmem>>
        %dma_wait3A_1187 = arith.constant 0 : i32
        %dma_wait3A_1188 = tpu.memref_slice %arg11[%dma_wait3A_1183, %dma_wait3A_1187] : memref<4x128xi32, #tpu.memory_space<vmem>> -> memref<1x128xi32, #tpu.memory_space<vmem>>
        %dma_wait3A_1189 = tpu.memref_squeeze %dma_wait3A_1188 : memref<1x128xi32, #tpu.memory_space<vmem>> -> memref<128xi32, #tpu.memory_space<vmem>>
        %dma_wait3A_1190 = arith.constant 0 : i32
        %dma_wait3A_1191 = arith.constant 0 : i32
        %dma_wait3A_1192 = tpu.memref_slice %arg13[%dma_wait3A_1190, %dma_wait3A_1191] : memref<104000x16xf32, #tpu.memory_space<vmem_shared>> -> memref<104000x16xf32, #tpu.memory_space<vmem_shared>>
        tpu.wait_indirect_dma semaphore(%arg18 : memref<!tpu.dma_semaphore, #tpu.memory_space<semaphore_mem>>) src(%dma_wait3A_1186 : memref<128x16xf32, #tpu.memory_space<vmem>>) dst(%dma_wait3A_1192 : memref<104000x16xf32, #tpu.memory_space<vmem_shared>>)
        %dma_wait3A_1193 = arith.constant 1 : i32
        %dma_wait3A_1194 = arith.constant 128 : i32
        %dma_wait3A_1195 = arith.constant 0 : i32
        %dma_wait3A_1196 = tpu.memref_slice %arg12[%dma_wait3A_1194, %dma_wait3A_1195] : memref<512x16xf32, #tpu.memory_space<vmem>> -> memref<128x16xf32, #tpu.memory_space<vmem>>
        %dma_wait3A_1197 = arith.constant 0 : i32
        %dma_wait3A_1198 = tpu.memref_slice %arg11[%dma_wait3A_1193, %dma_wait3A_1197] : memref<4x128xi32, #tpu.memory_space<vmem>> -> memref<1x128xi32, #tpu.memory_space<vmem>>
        %dma_wait3A_1199 = tpu.memref_squeeze %dma_wait3A_1198 : memref<1x128xi32, #tpu.memory_space<vmem>> -> memref<128xi32, #tpu.memory_space<vmem>>
        %dma_wait3A_1200 = arith.constant 0 : i32
        %dma_wait3A_1201 = arith.constant 0 : i32
        %dma_wait3A_1202 = tpu.memref_slice %arg13[%dma_wait3A_1200, %dma_wait3A_1201] : memref<104000x16xf32, #tpu.memory_space<vmem_shared>> -> memref<104000x16xf32, #tpu.memory_space<vmem_shared>>
        tpu.wait_indirect_dma semaphore(%arg18 : memref<!tpu.dma_semaphore, #tpu.memory_space<semaphore_mem>>) src(%dma_wait3A_1196 : memref<128x16xf32, #tpu.memory_space<vmem>>) dst(%dma_wait3A_1202 : memref<104000x16xf32, #tpu.memory_space<vmem_shared>>)
        %dma_wait3A_1203 = arith.constant 2 : i32
        %dma_wait3A_1204 = arith.constant 256 : i32
        %dma_wait3A_1205 = arith.constant 0 : i32
        %dma_wait3A_1206 = tpu.memref_slice %arg12[%dma_wait3A_1204, %dma_wait3A_1205] : memref<512x16xf32, #tpu.memory_space<vmem>> -> memref<128x16xf32, #tpu.memory_space<vmem>>
        %dma_wait3A_1207 = arith.constant 0 : i32
        %dma_wait3A_1208 = tpu.memref_slice %arg11[%dma_wait3A_1203, %dma_wait3A_1207] : memref<4x128xi32, #tpu.memory_space<vmem>> -> memref<1x128xi32, #tpu.memory_space<vmem>>
        %dma_wait3A_1209 = tpu.memref_squeeze %dma_wait3A_1208 : memref<1x128xi32, #tpu.memory_space<vmem>> -> memref<128xi32, #tpu.memory_space<vmem>>
        %dma_wait3A_1210 = arith.constant 0 : i32
        %dma_wait3A_1211 = arith.constant 0 : i32
        %dma_wait3A_1212 = tpu.memref_slice %arg13[%dma_wait3A_1210, %dma_wait3A_1211] : memref<104000x16xf32, #tpu.memory_space<vmem_shared>> -> memref<104000x16xf32, #tpu.memory_space<vmem_shared>>
        tpu.wait_indirect_dma semaphore(%arg18 : memref<!tpu.dma_semaphore, #tpu.memory_space<semaphore_mem>>) src(%dma_wait3A_1206 : memref<128x16xf32, #tpu.memory_space<vmem>>) dst(%dma_wait3A_1212 : memref<104000x16xf32, #tpu.memory_space<vmem_shared>>)
        %dma_wait3A_1213 = arith.constant 3 : i32
        %dma_wait3A_1214 = arith.constant 384 : i32
        %dma_wait3A_1215 = arith.constant 0 : i32
        %dma_wait3A_1216 = tpu.memref_slice %arg12[%dma_wait3A_1214, %dma_wait3A_1215] : memref<512x16xf32, #tpu.memory_space<vmem>> -> memref<128x16xf32, #tpu.memory_space<vmem>>
        %dma_wait3A_1217 = arith.constant 0 : i32
        %dma_wait3A_1218 = tpu.memref_slice %arg11[%dma_wait3A_1213, %dma_wait3A_1217] : memref<4x128xi32, #tpu.memory_space<vmem>> -> memref<1x128xi32, #tpu.memory_space<vmem>>
        %dma_wait3A_1219 = tpu.memref_squeeze %dma_wait3A_1218 : memref<1x128xi32, #tpu.memory_space<vmem>> -> memref<128xi32, #tpu.memory_space<vmem>>
        %dma_wait3A_1220 = arith.constant 0 : i32
        %dma_wait3A_1221 = arith.constant 0 : i32
        %dma_wait3A_1222 = tpu.memref_slice %arg13[%dma_wait3A_1220, %dma_wait3A_1221] : memref<104000x16xf32, #tpu.memory_space<vmem_shared>> -> memref<104000x16xf32, #tpu.memory_space<vmem_shared>>
        tpu.wait_indirect_dma semaphore(%arg18 : memref<!tpu.dma_semaphore, #tpu.memory_space<semaphore_mem>>) src(%dma_wait3A_1216 : memref<128x16xf32, #tpu.memory_space<vmem>>) dst(%dma_wait3A_1222 : memref<104000x16xf32, #tpu.memory_space<vmem_shared>>)
      } else {
      }
    }
    %scan3A_518 = arith.constant 196 : i32
    %barrier3A_519 = arith.constant 0 : index
    tpu.barrier barrier_id(%barrier3A_519)
    %mul3A_520 = arith.constant 6500 : i32
    %mul3A_521 = arith.muli %arg1, %mul3A_520 : i32
    %mul3A_522 = arith.constant 104000 : i32
    %mul3A_523 = arith.muli %arg0, %mul3A_522 : i32
    %mul3A_524 = arith.constant 6500 : i32
    %mul3A_525 = arith.muli %arg1, %mul3A_524 : i32
    %add3A_526 = arith.addi %mul3A_523, %mul3A_525 : i32
    "tpu.region"() ({
      %run_scoped3A = tpu.sem_alloc : memref<!tpu.dma_semaphore, #tpu.memory_space<semaphore_mem>>
      %dma_start3A_527 = arith.constant 0 : i32
      %dma_start3A_528 = tpu.memref_slice %arg6[%add3A_526, %dma_start3A_527] : memref<208000x16xf32, #tpu.memory_space<hbm>> -> memref<6500x16xf32, #tpu.memory_space<hbm>>
      %dma_start3A_529 = arith.constant 0 : i32
      %dma_start3A_530 = tpu.memref_slice %arg13[%mul3A_521, %dma_start3A_529] : memref<104000x16xf32, #tpu.memory_space<vmem_shared>> -> memref<6500x16xf32, #tpu.memory_space<vmem_shared>>
      tpu.enqueue_dma source(%dma_start3A_530 : memref<6500x16xf32, #tpu.memory_space<vmem_shared>>) target(%dma_start3A_528 : memref<6500x16xf32, #tpu.memory_space<hbm>>) target_semaphore(%run_scoped3A : memref<!tpu.dma_semaphore, #tpu.memory_space<semaphore_mem>>)
      %dma_wait3A_531 = arith.constant 0 : i32
      %dma_wait3A_532 = tpu.memref_slice %arg6[%add3A_526, %dma_wait3A_531] : memref<208000x16xf32, #tpu.memory_space<hbm>> -> memref<6500x16xf32, #tpu.memory_space<hbm>>
      %dma_wait3A_533 = arith.constant 0 : i32
      %dma_wait3A_534 = tpu.memref_slice %arg13[%mul3A_521, %dma_wait3A_533] : memref<104000x16xf32, #tpu.memory_space<vmem_shared>> -> memref<6500x16xf32, #tpu.memory_space<vmem_shared>>
      tpu.wait_dma2 semaphore(%run_scoped3A : memref<!tpu.dma_semaphore, #tpu.memory_space<semaphore_mem>>) src(%dma_wait3A_534 : memref<6500x16xf32, #tpu.memory_space<vmem_shared>>) dst(%dma_wait3A_532 : memref<6500x16xf32, #tpu.memory_space<hbm>>)
      tpu.yield
    }) : () -> ()
    return
  }
}

#map = affine_map<(d0, d1) -> (0, 0)>
module attributes {stable_mosaic.version = 14 : i64} {
  func.func @_seg16_body(%arg0: i32, %arg1: i32, %arg2: memref<200000x16xf32, #tpu.memory_space<hbm>>, %arg3: memref<25088x128xi32, #tpu.memory_space<hbm>>, %arg4: memref<25088x128xi32, #tpu.memory_space<hbm>>, %arg5: memref<6500x16xf32, #tpu.memory_space<hbm>>, %arg6: memref<208000x16xf32, #tpu.memory_space<hbm>>, %arg7: memref<4x128xi32, #tpu.memory_space<vmem>>, %arg8: memref<4x128xi32, #tpu.memory_space<vmem>>, %arg9: memref<512x16xf32, #tpu.memory_space<vmem>>, %arg10: memref<4x128xi32, #tpu.memory_space<vmem>>, %arg11: memref<4x128xi32, #tpu.memory_space<vmem>>, %arg12: memref<512x16xf32, #tpu.memory_space<vmem>>, %arg13: memref<104000x16xf32, #tpu.memory_space<vmem_shared>>, %arg14: memref<!tpu.dma_semaphore, #tpu.memory_space<semaphore_mem>>, %arg15: memref<!tpu.dma_semaphore, #tpu.memory_space<semaphore_mem>>, %arg16: memref<!tpu.dma_semaphore, #tpu.memory_space<semaphore_mem>>, %arg17: memref<!tpu.dma_semaphore, #tpu.memory_space<semaphore_mem>>, %arg18: memref<!tpu.dma_semaphore, #tpu.memory_space<semaphore_mem>>, %arg19: memref<!tpu.dma_semaphore, #tpu.memory_space<semaphore_mem>>) attributes {dimension_semantics = [#tpu.dimension_semantics<core_parallel>, #tpu.dimension_semantics<subcore_parallel>], iteration_bounds = array<i64: 2, 16>, scalar_prefetch = 0 : i64, scratch_operands = 13 : i64, tpu.core_type = #tpu.core_type<sc_vector_subcore>, window_params = [{transform_indices = #map}, {transform_indices = #map}, {transform_indices = #map}, {transform_indices = #map}, {transform_indices = #map}]} {
    %mul3A = arith.constant 6500 : i32
    %mul3A_0 = arith.muli %arg1, %mul3A : i32
    "tpu.region"() ({
      %run_scoped3A = tpu.sem_alloc : memref<!tpu.dma_semaphore, #tpu.memory_space<semaphore_mem>>
      %dma_start3A_527 = arith.constant 0 : i32
      %dma_start3A_528 = tpu.memref_slice %arg13[%mul3A_0, %dma_start3A_527] : memref<104000x16xf32, #tpu.memory_space<vmem_shared>> -> memref<6500x16xf32, #tpu.memory_space<vmem_shared>>
      %dma_start3A_529 = arith.constant 0 : i32
      %dma_start3A_530 = arith.constant 0 : i32
      %dma_start3A_531 = tpu.memref_slice %arg5[%dma_start3A_529, %dma_start3A_530] : memref<6500x16xf32, #tpu.memory_space<hbm>> -> memref<6500x16xf32, #tpu.memory_space<hbm>>
      tpu.enqueue_dma source(%dma_start3A_531 : memref<6500x16xf32, #tpu.memory_space<hbm>>) target(%dma_start3A_528 : memref<6500x16xf32, #tpu.memory_space<vmem_shared>>) target_semaphore(%run_scoped3A : memref<!tpu.dma_semaphore, #tpu.memory_space<semaphore_mem>>)
      %dma_wait3A_532 = arith.constant 0 : i32
      %dma_wait3A_533 = tpu.memref_slice %arg13[%mul3A_0, %dma_wait3A_532] : memref<104000x16xf32, #tpu.memory_space<vmem_shared>> -> memref<6500x16xf32, #tpu.memory_space<vmem_shared>>
      %dma_wait3A_534 = arith.constant 0 : i32
      %dma_wait3A_535 = arith.constant 0 : i32
      %dma_wait3A_536 = tpu.memref_slice %arg5[%dma_wait3A_534, %dma_wait3A_535] : memref<6500x16xf32, #tpu.memory_space<hbm>> -> memref<6500x16xf32, #tpu.memory_space<hbm>>
      tpu.wait_dma2 semaphore(%run_scoped3A : memref<!tpu.dma_semaphore, #tpu.memory_space<semaphore_mem>>) src(%dma_wait3A_536 : memref<6500x16xf32, #tpu.memory_space<hbm>>) dst(%dma_wait3A_533 : memref<6500x16xf32, #tpu.memory_space<vmem_shared>>)
      tpu.yield
    }) : () -> ()
    %barrier3A = arith.constant 0 : index
    tpu.barrier barrier_id(%barrier3A)
    %mul3A_1 = arith.constant 100000 : i32
    %mul3A_2 = arith.muli %arg0, %mul3A_1 : i32
    %mul3A_3 = arith.constant 1568 : i32
    %mul3A_4 = arith.muli %arg1, %mul3A_3 : i32
    %add3A = arith.constant 0 : i32
    %add3A_5 = arith.addi %mul3A_4, %add3A : i32
    %dma_start3A = arith.constant 0 : i32
    %dma_start3A_6 = tpu.memref_slice %arg3[%add3A_5, %dma_start3A] : memref<25088x128xi32, #tpu.memory_space<hbm>> -> memref<4x128xi32, #tpu.memory_space<hbm>>
    %dma_start3A_7 = arith.constant 0 : i32
    %dma_start3A_8 = tpu.memref_slice %arg3[%add3A_5, %dma_start3A_7] : memref<25088x128xi32, #tpu.memory_space<hbm>> -> memref<4x128xi32, #tpu.memory_space<hbm>>
    tpu.enqueue_dma source(%dma_start3A_8 : memref<4x128xi32, #tpu.memory_space<hbm>>) target(%arg7 : memref<4x128xi32, #tpu.memory_space<vmem>>) target_semaphore(%arg16 : memref<!tpu.dma_semaphore, #tpu.memory_space<semaphore_mem>>)
    %dma_start3A_9 = arith.constant 0 : i32
    %dma_start3A_10 = tpu.memref_slice %arg4[%add3A_5, %dma_start3A_9] : memref<25088x128xi32, #tpu.memory_space<hbm>> -> memref<4x128xi32, #tpu.memory_space<hbm>>
    %dma_start3A_11 = arith.constant 0 : i32
    %dma_start3A_12 = tpu.memref_slice %arg4[%add3A_5, %dma_start3A_11] : memref<25088x128xi32, #tpu.memory_space<hbm>> -> memref<4x128xi32, #tpu.memory_space<hbm>>
    tpu.enqueue_dma source(%dma_start3A_12 : memref<4x128xi32, #tpu.memory_space<hbm>>) target(%arg8 : memref<4x128xi32, #tpu.memory_space<vmem>>) target_semaphore(%arg16 : memref<!tpu.dma_semaphore, #tpu.memory_space<semaphore_mem>>)
    %dma_wait3A = arith.constant 0 : i32
    %dma_wait3A_13 = tpu.memref_slice %arg3[%add3A_5, %dma_wait3A] : memref<25088x128xi32, #tpu.memory_space<hbm>> -> memref<4x128xi32, #tpu.memory_space<hbm>>
    %dma_wait3A_14 = arith.constant 0 : i32
    %dma_wait3A_15 = tpu.memref_slice %arg3[%add3A_5, %dma_wait3A_14] : memref<25088x128xi32, #tpu.memory_space<hbm>> -> memref<4x128xi32, #tpu.memory_space<hbm>>
    tpu.wait_dma2 semaphore(%arg16 : memref<!tpu.dma_semaphore, #tpu.memory_space<semaphore_mem>>) src(%dma_wait3A_15 : memref<4x128xi32, #tpu.memory_space<hbm>>) dst(%arg7 : memref<4x128xi32, #tpu.memory_space<vmem>>)
    %dma_wait3A_16 = arith.constant 0 : i32
    %dma_wait3A_17 = tpu.memref_slice %arg4[%add3A_5, %dma_wait3A_16] : memref<25088x128xi32, #tpu.memory_space<hbm>> -> memref<4x128xi32, #tpu.memory_space<hbm>>
    %dma_wait3A_18 = arith.constant 0 : i32
    %dma_wait3A_19 = tpu.memref_slice %arg4[%add3A_5, %dma_wait3A_18] : memref<25088x128xi32, #tpu.memory_space<hbm>> -> memref<4x128xi32, #tpu.memory_space<hbm>>
    tpu.wait_dma2 semaphore(%arg16 : memref<!tpu.dma_semaphore, #tpu.memory_space<semaphore_mem>>) src(%dma_wait3A_19 : memref<4x128xi32, #tpu.memory_space<hbm>>) dst(%arg8 : memref<4x128xi32, #tpu.memory_space<vmem>>)
    %get3A = arith.constant 0 : i32
    %get3A_20 = arith.index_cast %get3A : i32 to index
    %get3A_21 = arith.constant 0 : index
    %get3A_22 = tpu.vector_load %arg7[%get3A_20, %get3A_21] {strides = array<i32>} : memref<4x128xi32, #tpu.memory_space<vmem>>, vector<1x16xi32>,
    %get3A_23 = vector.shape_cast %get3A_22 : vector<1x16xi32> to vector<16xi32>
    %add3A_24 = vector.broadcast %mul3A_2 : i32 to vector<16xi32>
    %add3A_25 = arith.addi %get3A_23, %add3A_24 : vector<16xi32>
    %swap3A = arith.constant 0 : i32
    %swap3A_26 = arith.index_cast %swap3A : i32 to index
    %swap3A_27 = arith.constant 0 : index
    %swap3A_28 = tpu.vector_load %arg7[%swap3A_26, %swap3A_27] {strides = array<i32>} : memref<4x128xi32, #tpu.memory_space<vmem>>, vector<1x16xi32>,
    %swap3A_29 = vector.shape_cast %swap3A_28 : vector<1x16xi32> to vector<16xi32>
    %swap3A_30 = vector.shape_cast %add3A_25 : vector<16xi32> to vector<1x16xi32>
    tpu.vector_store %arg7[%swap3A_26, %swap3A_27], %swap3A_30 {strides = array<i32>} : memref<4x128xi32, #tpu.memory_space<vmem>>, vector<1x16xi32>,
    %get3A_31 = arith.constant 0 : i32
    %get3A_32 = arith.index_cast %get3A_31 : i32 to index
    %get3A_33 = arith.constant 16 : index
    %get3A_34 = tpu.vector_load %arg7[%get3A_32, %get3A_33] {strides = array<i32>} : memref<4x128xi32, #tpu.memory_space<vmem>>, vector<1x16xi32>,
    %get3A_35 = vector.shape_cast %get3A_34 : vector<1x16xi32> to vector<16xi32>
    %add3A_36 = vector.broadcast %mul3A_2 : i32 to vector<16xi32>
    %add3A_37 = arith.addi %get3A_35, %add3A_36 : vector<16xi32>
    %swap3A_38 = arith.constant 0 : i32
    %swap3A_39 = arith.index_cast %swap3A_38 : i32 to index
    %swap3A_40 = arith.constant 16 : index
    %swap3A_41 = tpu.vector_load %arg7[%swap3A_39, %swap3A_40] {strides = array<i32>} : memref<4x128xi32, #tpu.memory_space<vmem>>, vector<1x16xi32>,
    %swap3A_42 = vector.shape_cast %swap3A_41 : vector<1x16xi32> to vector<16xi32>
    %swap3A_43 = vector.shape_cast %add3A_37 : vector<16xi32> to vector<1x16xi32>
    tpu.vector_store %arg7[%swap3A_39, %swap3A_40], %swap3A_43 {strides = array<i32>} : memref<4x128xi32, #tpu.memory_space<vmem>>, vector<1x16xi32>,
    %get3A_44 = arith.constant 0 : i32
    %get3A_45 = arith.index_cast %get3A_44 : i32 to index
    %get3A_46 = arith.constant 32 : index
    %get3A_47 = tpu.vector_load %arg7[%get3A_45, %get3A_46] {strides = array<i32>} : memref<4x128xi32, #tpu.memory_space<vmem>>, vector<1x16xi32>,
    %get3A_48 = vector.shape_cast %get3A_47 : vector<1x16xi32> to vector<16xi32>
    %add3A_49 = vector.broadcast %mul3A_2 : i32 to vector<16xi32>
    %add3A_50 = arith.addi %get3A_48, %add3A_49 : vector<16xi32>
    %swap3A_51 = arith.constant 0 : i32
    %swap3A_52 = arith.index_cast %swap3A_51 : i32 to index
    %swap3A_53 = arith.constant 32 : index
    %swap3A_54 = tpu.vector_load %arg7[%swap3A_52, %swap3A_53] {strides = array<i32>} : memref<4x128xi32, #tpu.memory_space<vmem>>, vector<1x16xi32>,
    %swap3A_55 = vector.shape_cast %swap3A_54 : vector<1x16xi32> to vector<16xi32>
    %swap3A_56 = vector.shape_cast %add3A_50 : vector<16xi32> to vector<1x16xi32>
    tpu.vector_store %arg7[%swap3A_52, %swap3A_53], %swap3A_56 {strides = array<i32>} : memref<4x128xi32, #tpu.memory_space<vmem>>, vector<1x16xi32>,
    %get3A_57 = arith.constant 0 : i32
    %get3A_58 = arith.index_cast %get3A_57 : i32 to index
    %get3A_59 = arith.constant 48 : index
    %get3A_60 = tpu.vector_load %arg7[%get3A_58, %get3A_59] {strides = array<i32>} : memref<4x128xi32, #tpu.memory_space<vmem>>, vector<1x16xi32>,
    %get3A_61 = vector.shape_cast %get3A_60 : vector<1x16xi32> to vector<16xi32>
    %add3A_62 = vector.broadcast %mul3A_2 : i32 to vector<16xi32>
    %add3A_63 = arith.addi %get3A_61, %add3A_62 : vector<16xi32>
    %swap3A_64 = arith.constant 0 : i32
    %swap3A_65 = arith.index_cast %swap3A_64 : i32 to index
    %swap3A_66 = arith.constant 48 : index
    %swap3A_67 = tpu.vector_load %arg7[%swap3A_65, %swap3A_66] {strides = array<i32>} : memref<4x128xi32, #tpu.memory_space<vmem>>, vector<1x16xi32>,
    %swap3A_68 = vector.shape_cast %swap3A_67 : vector<1x16xi32> to vector<16xi32>
    %swap3A_69 = vector.shape_cast %add3A_63 : vector<16xi32> to vector<1x16xi32>
    tpu.vector_store %arg7[%swap3A_65, %swap3A_66], %swap3A_69 {strides = array<i32>} : memref<4x128xi32, #tpu.memory_space<vmem>>, vector<1x16xi32>,
    %get3A_70 = arith.constant 0 : i32
    %get3A_71 = arith.index_cast %get3A_70 : i32 to index
    %get3A_72 = arith.constant 64 : index
    %get3A_73 = tpu.vector_load %arg7[%get3A_71, %get3A_72] {strides = array<i32>} : memref<4x128xi32, #tpu.memory_space<vmem>>, vector<1x16xi32>,
    %get3A_74 = vector.shape_cast %get3A_73 : vector<1x16xi32> to vector<16xi32>
    %add3A_75 = vector.broadcast %mul3A_2 : i32 to vector<16xi32>
    %add3A_76 = arith.addi %get3A_74, %add3A_75 : vector<16xi32>
    %swap3A_77 = arith.constant 0 : i32
    %swap3A_78 = arith.index_cast %swap3A_77 : i32 to index
    %swap3A_79 = arith.constant 64 : index
    %swap3A_80 = tpu.vector_load %arg7[%swap3A_78, %swap3A_79] {strides = array<i32>} : memref<4x128xi32, #tpu.memory_space<vmem>>, vector<1x16xi32>,
    %swap3A_81 = vector.shape_cast %swap3A_80 : vector<1x16xi32> to vector<16xi32>
    %swap3A_82 = vector.shape_cast %add3A_76 : vector<16xi32> to vector<1x16xi32>
    tpu.vector_store %arg7[%swap3A_78, %swap3A_79], %swap3A_82 {strides = array<i32>} : memref<4x128xi32, #tpu.memory_space<vmem>>, vector<1x16xi32>,
    %get3A_83 = arith.constant 0 : i32
    %get3A_84 = arith.index_cast %get3A_83 : i32 to index
    %get3A_85 = arith.constant 80 : index
    %get3A_86 = tpu.vector_load %arg7[%get3A_84, %get3A_85] {strides = array<i32>} : memref<4x128xi32, #tpu.memory_space<vmem>>, vector<1x16xi32>,
    %get3A_87 = vector.shape_cast %get3A_86 : vector<1x16xi32> to vector<16xi32>
    %add3A_88 = vector.broadcast %mul3A_2 : i32 to vector<16xi32>
    %add3A_89 = arith.addi %get3A_87, %add3A_88 : vector<16xi32>
    %swap3A_90 = arith.constant 0 : i32
    %swap3A_91 = arith.index_cast %swap3A_90 : i32 to index
    %swap3A_92 = arith.constant 80 : index
    %swap3A_93 = tpu.vector_load %arg7[%swap3A_91, %swap3A_92] {strides = array<i32>} : memref<4x128xi32, #tpu.memory_space<vmem>>, vector<1x16xi32>,
    %swap3A_94 = vector.shape_cast %swap3A_93 : vector<1x16xi32> to vector<16xi32>
    %swap3A_95 = vector.shape_cast %add3A_89 : vector<16xi32> to vector<1x16xi32>
    tpu.vector_store %arg7[%swap3A_91, %swap3A_92], %swap3A_95 {strides = array<i32>} : memref<4x128xi32, #tpu.memory_space<vmem>>, vector<1x16xi32>,
    %get3A_96 = arith.constant 0 : i32
    %get3A_97 = arith.index_cast %get3A_96 : i32 to index
    %get3A_98 = arith.constant 96 : index
    %get3A_99 = tpu.vector_load %arg7[%get3A_97, %get3A_98] {strides = array<i32>} : memref<4x128xi32, #tpu.memory_space<vmem>>, vector<1x16xi32>,
    %get3A_100 = vector.shape_cast %get3A_99 : vector<1x16xi32> to vector<16xi32>
    %add3A_101 = vector.broadcast %mul3A_2 : i32 to vector<16xi32>
    %add3A_102 = arith.addi %get3A_100, %add3A_101 : vector<16xi32>
    %swap3A_103 = arith.constant 0 : i32
    %swap3A_104 = arith.index_cast %swap3A_103 : i32 to index
    %swap3A_105 = arith.constant 96 : index
    %swap3A_106 = tpu.vector_load %arg7[%swap3A_104, %swap3A_105] {strides = array<i32>} : memref<4x128xi32, #tpu.memory_space<vmem>>, vector<1x16xi32>,
    %swap3A_107 = vector.shape_cast %swap3A_106 : vector<1x16xi32> to vector<16xi32>
    %swap3A_108 = vector.shape_cast %add3A_102 : vector<16xi32> to vector<1x16xi32>
    tpu.vector_store %arg7[%swap3A_104, %swap3A_105], %swap3A_108 {strides = array<i32>} : memref<4x128xi32, #tpu.memory_space<vmem>>, vector<1x16xi32>,
    %get3A_109 = arith.constant 0 : i32
    %get3A_110 = arith.index_cast %get3A_109 : i32 to index
    %get3A_111 = arith.constant 112 : index
    %get3A_112 = tpu.vector_load %arg7[%get3A_110, %get3A_111] {strides = array<i32>} : memref<4x128xi32, #tpu.memory_space<vmem>>, vector<1x16xi32>,
    %get3A_113 = vector.shape_cast %get3A_112 : vector<1x16xi32> to vector<16xi32>
    %add3A_114 = vector.broadcast %mul3A_2 : i32 to vector<16xi32>
    %add3A_115 = arith.addi %get3A_113, %add3A_114 : vector<16xi32>
    %swap3A_116 = arith.constant 0 : i32
    %swap3A_117 = arith.index_cast %swap3A_116 : i32 to index
    %swap3A_118 = arith.constant 112 : index
    %swap3A_119 = tpu.vector_load %arg7[%swap3A_117, %swap3A_118] {strides = array<i32>} : memref<4x128xi32, #tpu.memory_space<vmem>>, vector<1x16xi32>,
    %swap3A_120 = vector.shape_cast %swap3A_119 : vector<1x16xi32> to vector<16xi32>
    %swap3A_121 = vector.shape_cast %add3A_115 : vector<16xi32> to vector<1x16xi32>
    tpu.vector_store %arg7[%swap3A_117, %swap3A_118], %swap3A_121 {strides = array<i32>} : memref<4x128xi32, #tpu.memory_space<vmem>>, vector<1x16xi32>,
    %get3A_122 = arith.constant 1 : i32
    %get3A_123 = arith.index_cast %get3A_122 : i32 to index
    %get3A_124 = arith.constant 0 : index
    %get3A_125 = tpu.vector_load %arg7[%get3A_123, %get3A_124] {strides = array<i32>} : memref<4x128xi32, #tpu.memory_space<vmem>>, vector<1x16xi32>,
    %get3A_126 = vector.shape_cast %get3A_125 : vector<1x16xi32> to vector<16xi32>
    %add3A_127 = vector.broadcast %mul3A_2 : i32 to vector<16xi32>
    %add3A_128 = arith.addi %get3A_126, %add3A_127 : vector<16xi32>
    %swap3A_129 = arith.constant 1 : i32
    %swap3A_130 = arith.index_cast %swap3A_129 : i32 to index
    %swap3A_131 = arith.constant 0 : index
    %swap3A_132 = tpu.vector_load %arg7[%swap3A_130, %swap3A_131] {strides = array<i32>} : memref<4x128xi32, #tpu.memory_space<vmem>>, vector<1x16xi32>,
    %swap3A_133 = vector.shape_cast %swap3A_132 : vector<1x16xi32> to vector<16xi32>
    %swap3A_134 = vector.shape_cast %add3A_128 : vector<16xi32> to vector<1x16xi32>
    tpu.vector_store %arg7[%swap3A_130, %swap3A_131], %swap3A_134 {strides = array<i32>} : memref<4x128xi32, #tpu.memory_space<vmem>>, vector<1x16xi32>,
    %get3A_135 = arith.constant 1 : i32
    %get3A_136 = arith.index_cast %get3A_135 : i32 to index
    %get3A_137 = arith.constant 16 : index
    %get3A_138 = tpu.vector_load %arg7[%get3A_136, %get3A_137] {strides = array<i32>} : memref<4x128xi32, #tpu.memory_space<vmem>>, vector<1x16xi32>,
    %get3A_139 = vector.shape_cast %get3A_138 : vector<1x16xi32> to vector<16xi32>
    %add3A_140 = vector.broadcast %mul3A_2 : i32 to vector<16xi32>
    %add3A_141 = arith.addi %get3A_139, %add3A_140 : vector<16xi32>
    %swap3A_142 = arith.constant 1 : i32
    %swap3A_143 = arith.index_cast %swap3A_142 : i32 to index
    %swap3A_144 = arith.constant 16 : index
    %swap3A_145 = tpu.vector_load %arg7[%swap3A_143, %swap3A_144] {strides = array<i32>} : memref<4x128xi32, #tpu.memory_space<vmem>>, vector<1x16xi32>,
    %swap3A_146 = vector.shape_cast %swap3A_145 : vector<1x16xi32> to vector<16xi32>
    %swap3A_147 = vector.shape_cast %add3A_141 : vector<16xi32> to vector<1x16xi32>
    tpu.vector_store %arg7[%swap3A_143, %swap3A_144], %swap3A_147 {strides = array<i32>} : memref<4x128xi32, #tpu.memory_space<vmem>>, vector<1x16xi32>,
    %get3A_148 = arith.constant 1 : i32
    %get3A_149 = arith.index_cast %get3A_148 : i32 to index
    %get3A_150 = arith.constant 32 : index
    %get3A_151 = tpu.vector_load %arg7[%get3A_149, %get3A_150] {strides = array<i32>} : memref<4x128xi32, #tpu.memory_space<vmem>>, vector<1x16xi32>,
    %get3A_152 = vector.shape_cast %get3A_151 : vector<1x16xi32> to vector<16xi32>
    %add3A_153 = vector.broadcast %mul3A_2 : i32 to vector<16xi32>
    %add3A_154 = arith.addi %get3A_152, %add3A_153 : vector<16xi32>
    %swap3A_155 = arith.constant 1 : i32
    %swap3A_156 = arith.index_cast %swap3A_155 : i32 to index
    %swap3A_157 = arith.constant 32 : index
    %swap3A_158 = tpu.vector_load %arg7[%swap3A_156, %swap3A_157] {strides = array<i32>} : memref<4x128xi32, #tpu.memory_space<vmem>>, vector<1x16xi32>,
    %swap3A_159 = vector.shape_cast %swap3A_158 : vector<1x16xi32> to vector<16xi32>
    %swap3A_160 = vector.shape_cast %add3A_154 : vector<16xi32> to vector<1x16xi32>
    tpu.vector_store %arg7[%swap3A_156, %swap3A_157], %swap3A_160 {strides = array<i32>} : memref<4x128xi32, #tpu.memory_space<vmem>>, vector<1x16xi32>,
    %get3A_161 = arith.constant 1 : i32
    %get3A_162 = arith.index_cast %get3A_161 : i32 to index
    %get3A_163 = arith.constant 48 : index
    %get3A_164 = tpu.vector_load %arg7[%get3A_162, %get3A_163] {strides = array<i32>} : memref<4x128xi32, #tpu.memory_space<vmem>>, vector<1x16xi32>,
    %get3A_165 = vector.shape_cast %get3A_164 : vector<1x16xi32> to vector<16xi32>
    %add3A_166 = vector.broadcast %mul3A_2 : i32 to vector<16xi32>
    %add3A_167 = arith.addi %get3A_165, %add3A_166 : vector<16xi32>
    %swap3A_168 = arith.constant 1 : i32
    %swap3A_169 = arith.index_cast %swap3A_168 : i32 to index
    %swap3A_170 = arith.constant 48 : index
    %swap3A_171 = tpu.vector_load %arg7[%swap3A_169, %swap3A_170] {strides = array<i32>} : memref<4x128xi32, #tpu.memory_space<vmem>>, vector<1x16xi32>,
    %swap3A_172 = vector.shape_cast %swap3A_171 : vector<1x16xi32> to vector<16xi32>
    %swap3A_173 = vector.shape_cast %add3A_167 : vector<16xi32> to vector<1x16xi32>
    tpu.vector_store %arg7[%swap3A_169, %swap3A_170], %swap3A_173 {strides = array<i32>} : memref<4x128xi32, #tpu.memory_space<vmem>>, vector<1x16xi32>,
    %get3A_174 = arith.constant 1 : i32
    %get3A_175 = arith.index_cast %get3A_174 : i32 to index
    %get3A_176 = arith.constant 64 : index
    %get3A_177 = tpu.vector_load %arg7[%get3A_175, %get3A_176] {strides = array<i32>} : memref<4x128xi32, #tpu.memory_space<vmem>>, vector<1x16xi32>,
    %get3A_178 = vector.shape_cast %get3A_177 : vector<1x16xi32> to vector<16xi32>
    %add3A_179 = vector.broadcast %mul3A_2 : i32 to vector<16xi32>
    %add3A_180 = arith.addi %get3A_178, %add3A_179 : vector<16xi32>
    %swap3A_181 = arith.constant 1 : i32
    %swap3A_182 = arith.index_cast %swap3A_181 : i32 to index
    %swap3A_183 = arith.constant 64 : index
    %swap3A_184 = tpu.vector_load %arg7[%swap3A_182, %swap3A_183] {strides = array<i32>} : memref<4x128xi32, #tpu.memory_space<vmem>>, vector<1x16xi32>,
    %swap3A_185 = vector.shape_cast %swap3A_184 : vector<1x16xi32> to vector<16xi32>
    %swap3A_186 = vector.shape_cast %add3A_180 : vector<16xi32> to vector<1x16xi32>
    tpu.vector_store %arg7[%swap3A_182, %swap3A_183], %swap3A_186 {strides = array<i32>} : memref<4x128xi32, #tpu.memory_space<vmem>>, vector<1x16xi32>,
    %get3A_187 = arith.constant 1 : i32
    %get3A_188 = arith.index_cast %get3A_187 : i32 to index
    %get3A_189 = arith.constant 80 : index
    %get3A_190 = tpu.vector_load %arg7[%get3A_188, %get3A_189] {strides = array<i32>} : memref<4x128xi32, #tpu.memory_space<vmem>>, vector<1x16xi32>,
    %get3A_191 = vector.shape_cast %get3A_190 : vector<1x16xi32> to vector<16xi32>
    %add3A_192 = vector.broadcast %mul3A_2 : i32 to vector<16xi32>
    %add3A_193 = arith.addi %get3A_191, %add3A_192 : vector<16xi32>
    %swap3A_194 = arith.constant 1 : i32
    %swap3A_195 = arith.index_cast %swap3A_194 : i32 to index
    %swap3A_196 = arith.constant 80 : index
    %swap3A_197 = tpu.vector_load %arg7[%swap3A_195, %swap3A_196] {strides = array<i32>} : memref<4x128xi32, #tpu.memory_space<vmem>>, vector<1x16xi32>,
    %swap3A_198 = vector.shape_cast %swap3A_197 : vector<1x16xi32> to vector<16xi32>
    %swap3A_199 = vector.shape_cast %add3A_193 : vector<16xi32> to vector<1x16xi32>
    tpu.vector_store %arg7[%swap3A_195, %swap3A_196], %swap3A_199 {strides = array<i32>} : memref<4x128xi32, #tpu.memory_space<vmem>>, vector<1x16xi32>,
    %get3A_200 = arith.constant 1 : i32
    %get3A_201 = arith.index_cast %get3A_200 : i32 to index
    %get3A_202 = arith.constant 96 : index
    %get3A_203 = tpu.vector_load %arg7[%get3A_201, %get3A_202] {strides = array<i32>} : memref<4x128xi32, #tpu.memory_space<vmem>>, vector<1x16xi32>,
    %get3A_204 = vector.shape_cast %get3A_203 : vector<1x16xi32> to vector<16xi32>
    %add3A_205 = vector.broadcast %mul3A_2 : i32 to vector<16xi32>
    %add3A_206 = arith.addi %get3A_204, %add3A_205 : vector<16xi32>
    %swap3A_207 = arith.constant 1 : i32
    %swap3A_208 = arith.index_cast %swap3A_207 : i32 to index
    %swap3A_209 = arith.constant 96 : index
    %swap3A_210 = tpu.vector_load %arg7[%swap3A_208, %swap3A_209] {strides = array<i32>} : memref<4x128xi32, #tpu.memory_space<vmem>>, vector<1x16xi32>,
    %swap3A_211 = vector.shape_cast %swap3A_210 : vector<1x16xi32> to vector<16xi32>
    %swap3A_212 = vector.shape_cast %add3A_206 : vector<16xi32> to vector<1x16xi32>
    tpu.vector_store %arg7[%swap3A_208, %swap3A_209], %swap3A_212 {strides = array<i32>} : memref<4x128xi32, #tpu.memory_space<vmem>>, vector<1x16xi32>,
    %get3A_213 = arith.constant 1 : i32
    %get3A_214 = arith.index_cast %get3A_213 : i32 to index
    %get3A_215 = arith.constant 112 : index
    %get3A_216 = tpu.vector_load %arg7[%get3A_214, %get3A_215] {strides = array<i32>} : memref<4x128xi32, #tpu.memory_space<vmem>>, vector<1x16xi32>,
    %get3A_217 = vector.shape_cast %get3A_216 : vector<1x16xi32> to vector<16xi32>
    %add3A_218 = vector.broadcast %mul3A_2 : i32 to vector<16xi32>
    %add3A_219 = arith.addi %get3A_217, %add3A_218 : vector<16xi32>
    %swap3A_220 = arith.constant 1 : i32
    %swap3A_221 = arith.index_cast %swap3A_220 : i32 to index
    %swap3A_222 = arith.constant 112 : index
    %swap3A_223 = tpu.vector_load %arg7[%swap3A_221, %swap3A_222] {strides = array<i32>} : memref<4x128xi32, #tpu.memory_space<vmem>>, vector<1x16xi32>,
    %swap3A_224 = vector.shape_cast %swap3A_223 : vector<1x16xi32> to vector<16xi32>
    %swap3A_225 = vector.shape_cast %add3A_219 : vector<16xi32> to vector<1x16xi32>
    tpu.vector_store %arg7[%swap3A_221, %swap3A_222], %swap3A_225 {strides = array<i32>} : memref<4x128xi32, #tpu.memory_space<vmem>>, vector<1x16xi32>,
    %get3A_226 = arith.constant 2 : i32
    %get3A_227 = arith.index_cast %get3A_226 : i32 to index
    %get3A_228 = arith.constant 0 : index
    %get3A_229 = tpu.vector_load %arg7[%get3A_227, %get3A_228] {strides = array<i32>} : memref<4x128xi32, #tpu.memory_space<vmem>>, vector<1x16xi32>,
    %get3A_230 = vector.shape_cast %get3A_229 : vector<1x16xi32> to vector<16xi32>
    %add3A_231 = vector.broadcast %mul3A_2 : i32 to vector<16xi32>
    %add3A_232 = arith.addi %get3A_230, %add3A_231 : vector<16xi32>
    %swap3A_233 = arith.constant 2 : i32
    %swap3A_234 = arith.index_cast %swap3A_233 : i32 to index
    %swap3A_235 = arith.constant 0 : index
    %swap3A_236 = tpu.vector_load %arg7[%swap3A_234, %swap3A_235] {strides = array<i32>} : memref<4x128xi32, #tpu.memory_space<vmem>>, vector<1x16xi32>,
    %swap3A_237 = vector.shape_cast %swap3A_236 : vector<1x16xi32> to vector<16xi32>
    %swap3A_238 = vector.shape_cast %add3A_232 : vector<16xi32> to vector<1x16xi32>
    tpu.vector_store %arg7[%swap3A_234, %swap3A_235], %swap3A_238 {strides = array<i32>} : memref<4x128xi32, #tpu.memory_space<vmem>>, vector<1x16xi32>,
    %get3A_239 = arith.constant 2 : i32
    %get3A_240 = arith.index_cast %get3A_239 : i32 to index
    %get3A_241 = arith.constant 16 : index
    %get3A_242 = tpu.vector_load %arg7[%get3A_240, %get3A_241] {strides = array<i32>} : memref<4x128xi32, #tpu.memory_space<vmem>>, vector<1x16xi32>,
    %get3A_243 = vector.shape_cast %get3A_242 : vector<1x16xi32> to vector<16xi32>
    %add3A_244 = vector.broadcast %mul3A_2 : i32 to vector<16xi32>
    %add3A_245 = arith.addi %get3A_243, %add3A_244 : vector<16xi32>
    %swap3A_246 = arith.constant 2 : i32
    %swap3A_247 = arith.index_cast %swap3A_246 : i32 to index
    %swap3A_248 = arith.constant 16 : index
    %swap3A_249 = tpu.vector_load %arg7[%swap3A_247, %swap3A_248] {strides = array<i32>} : memref<4x128xi32, #tpu.memory_space<vmem>>, vector<1x16xi32>,
    %swap3A_250 = vector.shape_cast %swap3A_249 : vector<1x16xi32> to vector<16xi32>
    %swap3A_251 = vector.shape_cast %add3A_245 : vector<16xi32> to vector<1x16xi32>
    tpu.vector_store %arg7[%swap3A_247, %swap3A_248], %swap3A_251 {strides = array<i32>} : memref<4x128xi32, #tpu.memory_space<vmem>>, vector<1x16xi32>,
    %get3A_252 = arith.constant 2 : i32
    %get3A_253 = arith.index_cast %get3A_252 : i32 to index
    %get3A_254 = arith.constant 32 : index
    %get3A_255 = tpu.vector_load %arg7[%get3A_253, %get3A_254] {strides = array<i32>} : memref<4x128xi32, #tpu.memory_space<vmem>>, vector<1x16xi32>,
    %get3A_256 = vector.shape_cast %get3A_255 : vector<1x16xi32> to vector<16xi32>
    %add3A_257 = vector.broadcast %mul3A_2 : i32 to vector<16xi32>
    %add3A_258 = arith.addi %get3A_256, %add3A_257 : vector<16xi32>
    %swap3A_259 = arith.constant 2 : i32
    %swap3A_260 = arith.index_cast %swap3A_259 : i32 to index
    %swap3A_261 = arith.constant 32 : index
    %swap3A_262 = tpu.vector_load %arg7[%swap3A_260, %swap3A_261] {strides = array<i32>} : memref<4x128xi32, #tpu.memory_space<vmem>>, vector<1x16xi32>,
    %swap3A_263 = vector.shape_cast %swap3A_262 : vector<1x16xi32> to vector<16xi32>
    %swap3A_264 = vector.shape_cast %add3A_258 : vector<16xi32> to vector<1x16xi32>
    tpu.vector_store %arg7[%swap3A_260, %swap3A_261], %swap3A_264 {strides = array<i32>} : memref<4x128xi32, #tpu.memory_space<vmem>>, vector<1x16xi32>,
    %get3A_265 = arith.constant 2 : i32
    %get3A_266 = arith.index_cast %get3A_265 : i32 to index
    %get3A_267 = arith.constant 48 : index
    %get3A_268 = tpu.vector_load %arg7[%get3A_266, %get3A_267] {strides = array<i32>} : memref<4x128xi32, #tpu.memory_space<vmem>>, vector<1x16xi32>,
    %get3A_269 = vector.shape_cast %get3A_268 : vector<1x16xi32> to vector<16xi32>
    %add3A_270 = vector.broadcast %mul3A_2 : i32 to vector<16xi32>
    %add3A_271 = arith.addi %get3A_269, %add3A_270 : vector<16xi32>
    %swap3A_272 = arith.constant 2 : i32
    %swap3A_273 = arith.index_cast %swap3A_272 : i32 to index
    %swap3A_274 = arith.constant 48 : index
    %swap3A_275 = tpu.vector_load %arg7[%swap3A_273, %swap3A_274] {strides = array<i32>} : memref<4x128xi32, #tpu.memory_space<vmem>>, vector<1x16xi32>,
    %swap3A_276 = vector.shape_cast %swap3A_275 : vector<1x16xi32> to vector<16xi32>
    %swap3A_277 = vector.shape_cast %add3A_271 : vector<16xi32> to vector<1x16xi32>
    tpu.vector_store %arg7[%swap3A_273, %swap3A_274], %swap3A_277 {strides = array<i32>} : memref<4x128xi32, #tpu.memory_space<vmem>>, vector<1x16xi32>,
    %get3A_278 = arith.constant 2 : i32
    %get3A_279 = arith.index_cast %get3A_278 : i32 to index
    %get3A_280 = arith.constant 64 : index
    %get3A_281 = tpu.vector_load %arg7[%get3A_279, %get3A_280] {strides = array<i32>} : memref<4x128xi32, #tpu.memory_space<vmem>>, vector<1x16xi32>,
    %get3A_282 = vector.shape_cast %get3A_281 : vector<1x16xi32> to vector<16xi32>
    %add3A_283 = vector.broadcast %mul3A_2 : i32 to vector<16xi32>
    %add3A_284 = arith.addi %get3A_282, %add3A_283 : vector<16xi32>
    %swap3A_285 = arith.constant 2 : i32
    %swap3A_286 = arith.index_cast %swap3A_285 : i32 to index
    %swap3A_287 = arith.constant 64 : index
    %swap3A_288 = tpu.vector_load %arg7[%swap3A_286, %swap3A_287] {strides = array<i32>} : memref<4x128xi32, #tpu.memory_space<vmem>>, vector<1x16xi32>,
    %swap3A_289 = vector.shape_cast %swap3A_288 : vector<1x16xi32> to vector<16xi32>
    %swap3A_290 = vector.shape_cast %add3A_284 : vector<16xi32> to vector<1x16xi32>
    tpu.vector_store %arg7[%swap3A_286, %swap3A_287], %swap3A_290 {strides = array<i32>} : memref<4x128xi32, #tpu.memory_space<vmem>>, vector<1x16xi32>,
    %get3A_291 = arith.constant 2 : i32
    %get3A_292 = arith.index_cast %get3A_291 : i32 to index
    %get3A_293 = arith.constant 80 : index
    %get3A_294 = tpu.vector_load %arg7[%get3A_292, %get3A_293] {strides = array<i32>} : memref<4x128xi32, #tpu.memory_space<vmem>>, vector<1x16xi32>,
    %get3A_295 = vector.shape_cast %get3A_294 : vector<1x16xi32> to vector<16xi32>
    %add3A_296 = vector.broadcast %mul3A_2 : i32 to vector<16xi32>
    %add3A_297 = arith.addi %get3A_295, %add3A_296 : vector<16xi32>
    %swap3A_298 = arith.constant 2 : i32
    %swap3A_299 = arith.index_cast %swap3A_298 : i32 to index
    %swap3A_300 = arith.constant 80 : index
    %swap3A_301 = tpu.vector_load %arg7[%swap3A_299, %swap3A_300] {strides = array<i32>} : memref<4x128xi32, #tpu.memory_space<vmem>>, vector<1x16xi32>,
    %swap3A_302 = vector.shape_cast %swap3A_301 : vector<1x16xi32> to vector<16xi32>
    %swap3A_303 = vector.shape_cast %add3A_297 : vector<16xi32> to vector<1x16xi32>
    tpu.vector_store %arg7[%swap3A_299, %swap3A_300], %swap3A_303 {strides = array<i32>} : memref<4x128xi32, #tpu.memory_space<vmem>>, vector<1x16xi32>,
    %get3A_304 = arith.constant 2 : i32
    %get3A_305 = arith.index_cast %get3A_304 : i32 to index
    %get3A_306 = arith.constant 96 : index
    %get3A_307 = tpu.vector_load %arg7[%get3A_305, %get3A_306] {strides = array<i32>} : memref<4x128xi32, #tpu.memory_space<vmem>>, vector<1x16xi32>,
    %get3A_308 = vector.shape_cast %get3A_307 : vector<1x16xi32> to vector<16xi32>
    %add3A_309 = vector.broadcast %mul3A_2 : i32 to vector<16xi32>
    %add3A_310 = arith.addi %get3A_308, %add3A_309 : vector<16xi32>
    %swap3A_311 = arith.constant 2 : i32
    %swap3A_312 = arith.index_cast %swap3A_311 : i32 to index
    %swap3A_313 = arith.constant 96 : index
    %swap3A_314 = tpu.vector_load %arg7[%swap3A_312, %swap3A_313] {strides = array<i32>} : memref<4x128xi32, #tpu.memory_space<vmem>>, vector<1x16xi32>,
    %swap3A_315 = vector.shape_cast %swap3A_314 : vector<1x16xi32> to vector<16xi32>
    %swap3A_316 = vector.shape_cast %add3A_310 : vector<16xi32> to vector<1x16xi32>
    tpu.vector_store %arg7[%swap3A_312, %swap3A_313], %swap3A_316 {strides = array<i32>} : memref<4x128xi32, #tpu.memory_space<vmem>>, vector<1x16xi32>,
    %get3A_317 = arith.constant 2 : i32
    %get3A_318 = arith.index_cast %get3A_317 : i32 to index
    %get3A_319 = arith.constant 112 : index
    %get3A_320 = tpu.vector_load %arg7[%get3A_318, %get3A_319] {strides = array<i32>} : memref<4x128xi32, #tpu.memory_space<vmem>>, vector<1x16xi32>,
    %get3A_321 = vector.shape_cast %get3A_320 : vector<1x16xi32> to vector<16xi32>
    %add3A_322 = vector.broadcast %mul3A_2 : i32 to vector<16xi32>
    %add3A_323 = arith.addi %get3A_321, %add3A_322 : vector<16xi32>
    %swap3A_324 = arith.constant 2 : i32
    %swap3A_325 = arith.index_cast %swap3A_324 : i32 to index
    %swap3A_326 = arith.constant 112 : index
    %swap3A_327 = tpu.vector_load %arg7[%swap3A_325, %swap3A_326] {strides = array<i32>} : memref<4x128xi32, #tpu.memory_space<vmem>>, vector<1x16xi32>,
    %swap3A_328 = vector.shape_cast %swap3A_327 : vector<1x16xi32> to vector<16xi32>
    %swap3A_329 = vector.shape_cast %add3A_323 : vector<16xi32> to vector<1x16xi32>
    tpu.vector_store %arg7[%swap3A_325, %swap3A_326], %swap3A_329 {strides = array<i32>} : memref<4x128xi32, #tpu.memory_space<vmem>>, vector<1x16xi32>,
    %get3A_330 = arith.constant 3 : i32
    %get3A_331 = arith.index_cast %get3A_330 : i32 to index
    %get3A_332 = arith.constant 0 : index
    %get3A_333 = tpu.vector_load %arg7[%get3A_331, %get3A_332] {strides = array<i32>} : memref<4x128xi32, #tpu.memory_space<vmem>>, vector<1x16xi32>,
    %get3A_334 = vector.shape_cast %get3A_333 : vector<1x16xi32> to vector<16xi32>
    %add3A_335 = vector.broadcast %mul3A_2 : i32 to vector<16xi32>
    %add3A_336 = arith.addi %get3A_334, %add3A_335 : vector<16xi32>
    %swap3A_337 = arith.constant 3 : i32
    %swap3A_338 = arith.index_cast %swap3A_337 : i32 to index
    %swap3A_339 = arith.constant 0 : index
    %swap3A_340 = tpu.vector_load %arg7[%swap3A_338, %swap3A_339] {strides = array<i32>} : memref<4x128xi32, #tpu.memory_space<vmem>>, vector<1x16xi32>,
    %swap3A_341 = vector.shape_cast %swap3A_340 : vector<1x16xi32> to vector<16xi32>
    %swap3A_342 = vector.shape_cast %add3A_336 : vector<16xi32> to vector<1x16xi32>
    tpu.vector_store %arg7[%swap3A_338, %swap3A_339], %swap3A_342 {strides = array<i32>} : memref<4x128xi32, #tpu.memory_space<vmem>>, vector<1x16xi32>,
    %get3A_343 = arith.constant 3 : i32
    %get3A_344 = arith.index_cast %get3A_343 : i32 to index
    %get3A_345 = arith.constant 16 : index
    %get3A_346 = tpu.vector_load %arg7[%get3A_344, %get3A_345] {strides = array<i32>} : memref<4x128xi32, #tpu.memory_space<vmem>>, vector<1x16xi32>,
    %get3A_347 = vector.shape_cast %get3A_346 : vector<1x16xi32> to vector<16xi32>
    %add3A_348 = vector.broadcast %mul3A_2 : i32 to vector<16xi32>
    %add3A_349 = arith.addi %get3A_347, %add3A_348 : vector<16xi32>
    %swap3A_350 = arith.constant 3 : i32
    %swap3A_351 = arith.index_cast %swap3A_350 : i32 to index
    %swap3A_352 = arith.constant 16 : index
    %swap3A_353 = tpu.vector_load %arg7[%swap3A_351, %swap3A_352] {strides = array<i32>} : memref<4x128xi32, #tpu.memory_space<vmem>>, vector<1x16xi32>,
    %swap3A_354 = vector.shape_cast %swap3A_353 : vector<1x16xi32> to vector<16xi32>
    %swap3A_355 = vector.shape_cast %add3A_349 : vector<16xi32> to vector<1x16xi32>
    tpu.vector_store %arg7[%swap3A_351, %swap3A_352], %swap3A_355 {strides = array<i32>} : memref<4x128xi32, #tpu.memory_space<vmem>>, vector<1x16xi32>,
    %get3A_356 = arith.constant 3 : i32
    %get3A_357 = arith.index_cast %get3A_356 : i32 to index
    %get3A_358 = arith.constant 32 : index
    %get3A_359 = tpu.vector_load %arg7[%get3A_357, %get3A_358] {strides = array<i32>} : memref<4x128xi32, #tpu.memory_space<vmem>>, vector<1x16xi32>,
    %get3A_360 = vector.shape_cast %get3A_359 : vector<1x16xi32> to vector<16xi32>
    %add3A_361 = vector.broadcast %mul3A_2 : i32 to vector<16xi32>
    %add3A_362 = arith.addi %get3A_360, %add3A_361 : vector<16xi32>
    %swap3A_363 = arith.constant 3 : i32
    %swap3A_364 = arith.index_cast %swap3A_363 : i32 to index
    %swap3A_365 = arith.constant 32 : index
    %swap3A_366 = tpu.vector_load %arg7[%swap3A_364, %swap3A_365] {strides = array<i32>} : memref<4x128xi32, #tpu.memory_space<vmem>>, vector<1x16xi32>,
    %swap3A_367 = vector.shape_cast %swap3A_366 : vector<1x16xi32> to vector<16xi32>
    %swap3A_368 = vector.shape_cast %add3A_362 : vector<16xi32> to vector<1x16xi32>
    tpu.vector_store %arg7[%swap3A_364, %swap3A_365], %swap3A_368 {strides = array<i32>} : memref<4x128xi32, #tpu.memory_space<vmem>>, vector<1x16xi32>,
    %get3A_369 = arith.constant 3 : i32
    %get3A_370 = arith.index_cast %get3A_369 : i32 to index
    %get3A_371 = arith.constant 48 : index
    %get3A_372 = tpu.vector_load %arg7[%get3A_370, %get3A_371] {strides = array<i32>} : memref<4x128xi32, #tpu.memory_space<vmem>>, vector<1x16xi32>,
    %get3A_373 = vector.shape_cast %get3A_372 : vector<1x16xi32> to vector<16xi32>
    %add3A_374 = vector.broadcast %mul3A_2 : i32 to vector<16xi32>
    %add3A_375 = arith.addi %get3A_373, %add3A_374 : vector<16xi32>
    %swap3A_376 = arith.constant 3 : i32
    %swap3A_377 = arith.index_cast %swap3A_376 : i32 to index
    %swap3A_378 = arith.constant 48 : index
    %swap3A_379 = tpu.vector_load %arg7[%swap3A_377, %swap3A_378] {strides = array<i32>} : memref<4x128xi32, #tpu.memory_space<vmem>>, vector<1x16xi32>,
    %swap3A_380 = vector.shape_cast %swap3A_379 : vector<1x16xi32> to vector<16xi32>
    %swap3A_381 = vector.shape_cast %add3A_375 : vector<16xi32> to vector<1x16xi32>
    tpu.vector_store %arg7[%swap3A_377, %swap3A_378], %swap3A_381 {strides = array<i32>} : memref<4x128xi32, #tpu.memory_space<vmem>>, vector<1x16xi32>,
    %get3A_382 = arith.constant 3 : i32
    %get3A_383 = arith.index_cast %get3A_382 : i32 to index
    %get3A_384 = arith.constant 64 : index
    %get3A_385 = tpu.vector_load %arg7[%get3A_383, %get3A_384] {strides = array<i32>} : memref<4x128xi32, #tpu.memory_space<vmem>>, vector<1x16xi32>,
    %get3A_386 = vector.shape_cast %get3A_385 : vector<1x16xi32> to vector<16xi32>
    %add3A_387 = vector.broadcast %mul3A_2 : i32 to vector<16xi32>
    %add3A_388 = arith.addi %get3A_386, %add3A_387 : vector<16xi32>
    %swap3A_389 = arith.constant 3 : i32
    %swap3A_390 = arith.index_cast %swap3A_389 : i32 to index
    %swap3A_391 = arith.constant 64 : index
    %swap3A_392 = tpu.vector_load %arg7[%swap3A_390, %swap3A_391] {strides = array<i32>} : memref<4x128xi32, #tpu.memory_space<vmem>>, vector<1x16xi32>,
    %swap3A_393 = vector.shape_cast %swap3A_392 : vector<1x16xi32> to vector<16xi32>
    %swap3A_394 = vector.shape_cast %add3A_388 : vector<16xi32> to vector<1x16xi32>
    tpu.vector_store %arg7[%swap3A_390, %swap3A_391], %swap3A_394 {strides = array<i32>} : memref<4x128xi32, #tpu.memory_space<vmem>>, vector<1x16xi32>,
    %get3A_395 = arith.constant 3 : i32
    %get3A_396 = arith.index_cast %get3A_395 : i32 to index
    %get3A_397 = arith.constant 80 : index
    %get3A_398 = tpu.vector_load %arg7[%get3A_396, %get3A_397] {strides = array<i32>} : memref<4x128xi32, #tpu.memory_space<vmem>>, vector<1x16xi32>,
    %get3A_399 = vector.shape_cast %get3A_398 : vector<1x16xi32> to vector<16xi32>
    %add3A_400 = vector.broadcast %mul3A_2 : i32 to vector<16xi32>
    %add3A_401 = arith.addi %get3A_399, %add3A_400 : vector<16xi32>
    %swap3A_402 = arith.constant 3 : i32
    %swap3A_403 = arith.index_cast %swap3A_402 : i32 to index
    %swap3A_404 = arith.constant 80 : index
    %swap3A_405 = tpu.vector_load %arg7[%swap3A_403, %swap3A_404] {strides = array<i32>} : memref<4x128xi32, #tpu.memory_space<vmem>>, vector<1x16xi32>,
    %swap3A_406 = vector.shape_cast %swap3A_405 : vector<1x16xi32> to vector<16xi32>
    %swap3A_407 = vector.shape_cast %add3A_401 : vector<16xi32> to vector<1x16xi32>
    tpu.vector_store %arg7[%swap3A_403, %swap3A_404], %swap3A_407 {strides = array<i32>} : memref<4x128xi32, #tpu.memory_space<vmem>>, vector<1x16xi32>,
    %get3A_408 = arith.constant 3 : i32
    %get3A_409 = arith.index_cast %get3A_408 : i32 to index
    %get3A_410 = arith.constant 96 : index
    %get3A_411 = tpu.vector_load %arg7[%get3A_409, %get3A_410] {strides = array<i32>} : memref<4x128xi32, #tpu.memory_space<vmem>>, vector<1x16xi32>,
    %get3A_412 = vector.shape_cast %get3A_411 : vector<1x16xi32> to vector<16xi32>
    %add3A_413 = vector.broadcast %mul3A_2 : i32 to vector<16xi32>
    %add3A_414 = arith.addi %get3A_412, %add3A_413 : vector<16xi32>
    %swap3A_415 = arith.constant 3 : i32
    %swap3A_416 = arith.index_cast %swap3A_415 : i32 to index
    %swap3A_417 = arith.constant 96 : index
    %swap3A_418 = tpu.vector_load %arg7[%swap3A_416, %swap3A_417] {strides = array<i32>} : memref<4x128xi32, #tpu.memory_space<vmem>>, vector<1x16xi32>,
    %swap3A_419 = vector.shape_cast %swap3A_418 : vector<1x16xi32> to vector<16xi32>
    %swap3A_420 = vector.shape_cast %add3A_414 : vector<16xi32> to vector<1x16xi32>
    tpu.vector_store %arg7[%swap3A_416, %swap3A_417], %swap3A_420 {strides = array<i32>} : memref<4x128xi32, #tpu.memory_space<vmem>>, vector<1x16xi32>,
    %get3A_421 = arith.constant 3 : i32
    %get3A_422 = arith.index_cast %get3A_421 : i32 to index
    %get3A_423 = arith.constant 112 : index
    %get3A_424 = tpu.vector_load %arg7[%get3A_422, %get3A_423] {strides = array<i32>} : memref<4x128xi32, #tpu.memory_space<vmem>>, vector<1x16xi32>,
    %get3A_425 = vector.shape_cast %get3A_424 : vector<1x16xi32> to vector<16xi32>
    %add3A_426 = vector.broadcast %mul3A_2 : i32 to vector<16xi32>
    %add3A_427 = arith.addi %get3A_425, %add3A_426 : vector<16xi32>
    %swap3A_428 = arith.constant 3 : i32
    %swap3A_429 = arith.index_cast %swap3A_428 : i32 to index
    %swap3A_430 = arith.constant 112 : index
    %swap3A_431 = tpu.vector_load %arg7[%swap3A_429, %swap3A_430] {strides = array<i32>} : memref<4x128xi32, #tpu.memory_space<vmem>>, vector<1x16xi32>,
    %swap3A_432 = vector.shape_cast %swap3A_431 : vector<1x16xi32> to vector<16xi32>
    %swap3A_433 = vector.shape_cast %add3A_427 : vector<16xi32> to vector<1x16xi32>
    tpu.vector_store %arg7[%swap3A_429, %swap3A_430], %swap3A_433 {strides = array<i32>} : memref<4x128xi32, #tpu.memory_space<vmem>>, vector<1x16xi32>,
    %dma_start3A_434 = arith.constant 0 : i32
    %dma_start3A_435 = arith.constant 0 : i32
    %dma_start3A_436 = arith.constant 0 : i32
    %dma_start3A_437 = tpu.memref_slice %arg9[%dma_start3A_435, %dma_start3A_436] : memref<512x16xf32, #tpu.memory_space<vmem>> -> memref<128x16xf32, #tpu.memory_space<vmem>>
    %dma_start3A_438 = arith.constant 0 : i32
    %dma_start3A_439 = tpu.memref_slice %arg7[%dma_start3A_434, %dma_start3A_438] : memref<4x128xi32, #tpu.memory_space<vmem>> -> memref<1x128xi32, #tpu.memory_space<vmem>>
    %dma_start3A_440 = tpu.memref_squeeze %dma_start3A_439 : memref<1x128xi32, #tpu.memory_space<vmem>> -> memref<128xi32, #tpu.memory_space<vmem>>
    %dma_start3A_441 = arith.constant 0 : i32
    %dma_start3A_442 = arith.constant 0 : i32
    %dma_start3A_443 = tpu.memref_slice %arg2[%dma_start3A_441, %dma_start3A_442] : memref<200000x16xf32, #tpu.memory_space<hbm>> -> memref<200000x16xf32, #tpu.memory_space<hbm>>
    tpu.enqueue_indirect_dma source(%dma_start3A_443 : memref<200000x16xf32, #tpu.memory_space<hbm>>) target(%dma_start3A_437 : memref<128x16xf32, #tpu.memory_space<vmem>>) offsets(%dma_start3A_440 : memref<128xi32, #tpu.memory_space<vmem>>) semaphore(%arg14 : memref<!tpu.dma_semaphore, #tpu.memory_space<semaphore_mem>>)
    %dma_start3A_444 = arith.constant 1 : i32
    %dma_start3A_445 = arith.constant 128 : i32
    %dma_start3A_446 = arith.constant 0 : i32
    %dma_start3A_447 = tpu.memref_slice %arg9[%dma_start3A_445, %dma_start3A_446] : memref<512x16xf32, #tpu.memory_space<vmem>> -> memref<128x16xf32, #tpu.memory_space<vmem>>
    %dma_start3A_448 = arith.constant 0 : i32
    %dma_start3A_449 = tpu.memref_slice %arg7[%dma_start3A_444, %dma_start3A_448] : memref<4x128xi32, #tpu.memory_space<vmem>> -> memref<1x128xi32, #tpu.memory_space<vmem>>
    %dma_start3A_450 = tpu.memref_squeeze %dma_start3A_449 : memref<1x128xi32, #tpu.memory_space<vmem>> -> memref<128xi32, #tpu.memory_space<vmem>>
    %dma_start3A_451 = arith.constant 0 : i32
    %dma_start3A_452 = arith.constant 0 : i32
    %dma_start3A_453 = tpu.memref_slice %arg2[%dma_start3A_451, %dma_start3A_452] : memref<200000x16xf32, #tpu.memory_space<hbm>> -> memref<200000x16xf32, #tpu.memory_space<hbm>>
    tpu.enqueue_indirect_dma source(%dma_start3A_453 : memref<200000x16xf32, #tpu.memory_space<hbm>>) target(%dma_start3A_447 : memref<128x16xf32, #tpu.memory_space<vmem>>) offsets(%dma_start3A_450 : memref<128xi32, #tpu.memory_space<vmem>>) semaphore(%arg14 : memref<!tpu.dma_semaphore, #tpu.memory_space<semaphore_mem>>)
    %dma_start3A_454 = arith.constant 2 : i32
    %dma_start3A_455 = arith.constant 256 : i32
    %dma_start3A_456 = arith.constant 0 : i32
    %dma_start3A_457 = tpu.memref_slice %arg9[%dma_start3A_455, %dma_start3A_456] : memref<512x16xf32, #tpu.memory_space<vmem>> -> memref<128x16xf32, #tpu.memory_space<vmem>>
    %dma_start3A_458 = arith.constant 0 : i32
    %dma_start3A_459 = tpu.memref_slice %arg7[%dma_start3A_454, %dma_start3A_458] : memref<4x128xi32, #tpu.memory_space<vmem>> -> memref<1x128xi32, #tpu.memory_space<vmem>>
    %dma_start3A_460 = tpu.memref_squeeze %dma_start3A_459 : memref<1x128xi32, #tpu.memory_space<vmem>> -> memref<128xi32, #tpu.memory_space<vmem>>
    %dma_start3A_461 = arith.constant 0 : i32
    %dma_start3A_462 = arith.constant 0 : i32
    %dma_start3A_463 = tpu.memref_slice %arg2[%dma_start3A_461, %dma_start3A_462] : memref<200000x16xf32, #tpu.memory_space<hbm>> -> memref<200000x16xf32, #tpu.memory_space<hbm>>
    tpu.enqueue_indirect_dma source(%dma_start3A_463 : memref<200000x16xf32, #tpu.memory_space<hbm>>) target(%dma_start3A_457 : memref<128x16xf32, #tpu.memory_space<vmem>>) offsets(%dma_start3A_460 : memref<128xi32, #tpu.memory_space<vmem>>) semaphore(%arg14 : memref<!tpu.dma_semaphore, #tpu.memory_space<semaphore_mem>>)
    %dma_start3A_464 = arith.constant 3 : i32
    %dma_start3A_465 = arith.constant 384 : i32
    %dma_start3A_466 = arith.constant 0 : i32
    %dma_start3A_467 = tpu.memref_slice %arg9[%dma_start3A_465, %dma_start3A_466] : memref<512x16xf32, #tpu.memory_space<vmem>> -> memref<128x16xf32, #tpu.memory_space<vmem>>
    %dma_start3A_468 = arith.constant 0 : i32
    %dma_start3A_469 = tpu.memref_slice %arg7[%dma_start3A_464, %dma_start3A_468] : memref<4x128xi32, #tpu.memory_space<vmem>> -> memref<1x128xi32, #tpu.memory_space<vmem>>
    %dma_start3A_470 = tpu.memref_squeeze %dma_start3A_469 : memref<1x128xi32, #tpu.memory_space<vmem>> -> memref<128xi32, #tpu.memory_space<vmem>>
    %dma_start3A_471 = arith.constant 0 : i32
    %dma_start3A_472 = arith.constant 0 : i32
    %dma_start3A_473 = tpu.memref_slice %arg2[%dma_start3A_471, %dma_start3A_472] : memref<200000x16xf32, #tpu.memory_space<hbm>> -> memref<200000x16xf32, #tpu.memory_space<hbm>>
    tpu.enqueue_indirect_dma source(%dma_start3A_473 : memref<200000x16xf32, #tpu.memory_space<hbm>>) target(%dma_start3A_467 : memref<128x16xf32, #tpu.memory_space<vmem>>) offsets(%dma_start3A_470 : memref<128xi32, #tpu.memory_space<vmem>>) semaphore(%arg14 : memref<!tpu.dma_semaphore, #tpu.memory_space<semaphore_mem>>)
    %dma_wait3A_474 = arith.constant 0 : i32
    %dma_wait3A_475 = arith.constant 0 : i32
    %dma_wait3A_476 = arith.constant 0 : i32
    %dma_wait3A_477 = tpu.memref_slice %arg9[%dma_wait3A_475, %dma_wait3A_476] : memref<512x16xf32, #tpu.memory_space<vmem>> -> memref<128x16xf32, #tpu.memory_space<vmem>>
    %dma_wait3A_478 = arith.constant 0 : i32
    %dma_wait3A_479 = tpu.memref_slice %arg7[%dma_wait3A_474, %dma_wait3A_478] : memref<4x128xi32, #tpu.memory_space<vmem>> -> memref<1x128xi32, #tpu.memory_space<vmem>>
    %dma_wait3A_480 = tpu.memref_squeeze %dma_wait3A_479 : memref<1x128xi32, #tpu.memory_space<vmem>> -> memref<128xi32, #tpu.memory_space<vmem>>
    %dma_wait3A_481 = arith.constant 0 : i32
    %dma_wait3A_482 = arith.constant 0 : i32
    %dma_wait3A_483 = tpu.memref_slice %arg2[%dma_wait3A_481, %dma_wait3A_482] : memref<200000x16xf32, #tpu.memory_space<hbm>> -> memref<200000x16xf32, #tpu.memory_space<hbm>>
    tpu.wait_indirect_dma semaphore(%arg14 : memref<!tpu.dma_semaphore, #tpu.memory_space<semaphore_mem>>) src(%dma_wait3A_483 : memref<200000x16xf32, #tpu.memory_space<hbm>>) dst(%dma_wait3A_477 : memref<128x16xf32, #tpu.memory_space<vmem>>)
    %dma_wait3A_484 = arith.constant 1 : i32
    %dma_wait3A_485 = arith.constant 128 : i32
    %dma_wait3A_486 = arith.constant 0 : i32
    %dma_wait3A_487 = tpu.memref_slice %arg9[%dma_wait3A_485, %dma_wait3A_486] : memref<512x16xf32, #tpu.memory_space<vmem>> -> memref<128x16xf32, #tpu.memory_space<vmem>>
    %dma_wait3A_488 = arith.constant 0 : i32
    %dma_wait3A_489 = tpu.memref_slice %arg7[%dma_wait3A_484, %dma_wait3A_488] : memref<4x128xi32, #tpu.memory_space<vmem>> -> memref<1x128xi32, #tpu.memory_space<vmem>>
    %dma_wait3A_490 = tpu.memref_squeeze %dma_wait3A_489 : memref<1x128xi32, #tpu.memory_space<vmem>> -> memref<128xi32, #tpu.memory_space<vmem>>
    %dma_wait3A_491 = arith.constant 0 : i32
    %dma_wait3A_492 = arith.constant 0 : i32
    %dma_wait3A_493 = tpu.memref_slice %arg2[%dma_wait3A_491, %dma_wait3A_492] : memref<200000x16xf32, #tpu.memory_space<hbm>> -> memref<200000x16xf32, #tpu.memory_space<hbm>>
    tpu.wait_indirect_dma semaphore(%arg14 : memref<!tpu.dma_semaphore, #tpu.memory_space<semaphore_mem>>) src(%dma_wait3A_493 : memref<200000x16xf32, #tpu.memory_space<hbm>>) dst(%dma_wait3A_487 : memref<128x16xf32, #tpu.memory_space<vmem>>)
    %dma_wait3A_494 = arith.constant 2 : i32
    %dma_wait3A_495 = arith.constant 256 : i32
    %dma_wait3A_496 = arith.constant 0 : i32
    %dma_wait3A_497 = tpu.memref_slice %arg9[%dma_wait3A_495, %dma_wait3A_496] : memref<512x16xf32, #tpu.memory_space<vmem>> -> memref<128x16xf32, #tpu.memory_space<vmem>>
    %dma_wait3A_498 = arith.constant 0 : i32
    %dma_wait3A_499 = tpu.memref_slice %arg7[%dma_wait3A_494, %dma_wait3A_498] : memref<4x128xi32, #tpu.memory_space<vmem>> -> memref<1x128xi32, #tpu.memory_space<vmem>>
    %dma_wait3A_500 = tpu.memref_squeeze %dma_wait3A_499 : memref<1x128xi32, #tpu.memory_space<vmem>> -> memref<128xi32, #tpu.memory_space<vmem>>
    %dma_wait3A_501 = arith.constant 0 : i32
    %dma_wait3A_502 = arith.constant 0 : i32
    %dma_wait3A_503 = tpu.memref_slice %arg2[%dma_wait3A_501, %dma_wait3A_502] : memref<200000x16xf32, #tpu.memory_space<hbm>> -> memref<200000x16xf32, #tpu.memory_space<hbm>>
    tpu.wait_indirect_dma semaphore(%arg14 : memref<!tpu.dma_semaphore, #tpu.memory_space<semaphore_mem>>) src(%dma_wait3A_503 : memref<200000x16xf32, #tpu.memory_space<hbm>>) dst(%dma_wait3A_497 : memref<128x16xf32, #tpu.memory_space<vmem>>)
    %dma_wait3A_504 = arith.constant 3 : i32
    %dma_wait3A_505 = arith.constant 384 : i32
    %dma_wait3A_506 = arith.constant 0 : i32
    %dma_wait3A_507 = tpu.memref_slice %arg9[%dma_wait3A_505, %dma_wait3A_506] : memref<512x16xf32, #tpu.memory_space<vmem>> -> memref<128x16xf32, #tpu.memory_space<vmem>>
    %dma_wait3A_508 = arith.constant 0 : i32
    %dma_wait3A_509 = tpu.memref_slice %arg7[%dma_wait3A_504, %dma_wait3A_508] : memref<4x128xi32, #tpu.memory_space<vmem>> -> memref<1x128xi32, #tpu.memory_space<vmem>>
    %dma_wait3A_510 = tpu.memref_squeeze %dma_wait3A_509 : memref<1x128xi32, #tpu.memory_space<vmem>> -> memref<128xi32, #tpu.memory_space<vmem>>
    %dma_wait3A_511 = arith.constant 0 : i32
    %dma_wait3A_512 = arith.constant 0 : i32
    %dma_wait3A_513 = tpu.memref_slice %arg2[%dma_wait3A_511, %dma_wait3A_512] : memref<200000x16xf32, #tpu.memory_space<hbm>> -> memref<200000x16xf32, #tpu.memory_space<hbm>>
    tpu.wait_indirect_dma semaphore(%arg14 : memref<!tpu.dma_semaphore, #tpu.memory_space<semaphore_mem>>) src(%dma_wait3A_513 : memref<200000x16xf32, #tpu.memory_space<hbm>>) dst(%dma_wait3A_507 : memref<128x16xf32, #tpu.memory_space<vmem>>)
    %scan3A = arith.constant 0 : i32
    %scan3A_514 = arith.constant 0 : i32
    %scan3A_515 = arith.constant 196 : i32
    %scan3A_516 = arith.addi %scan3A_514, %scan3A_515 : i32
    %scan3A_517 = arith.constant 1 : i32
    scf.for %scan3A_527 = %scan3A_514 to %scan3A_516 step %scan3A_517  : i32 {
      %dma_start3A_528 = arith.constant 0 : i32
      %dma_start3A_529 = arith.constant 0 : i32
      %dma_start3A_530 = arith.constant 0 : i32
      %dma_start3A_531 = tpu.memref_slice %arg9[%dma_start3A_529, %dma_start3A_530] : memref<512x16xf32, #tpu.memory_space<vmem>> -> memref<128x16xf32, #tpu.memory_space<vmem>>
      %dma_start3A_532 = arith.constant 0 : i32
      %dma_start3A_533 = tpu.memref_slice %arg8[%dma_start3A_528, %dma_start3A_532] : memref<4x128xi32, #tpu.memory_space<vmem>> -> memref<1x128xi32, #tpu.memory_space<vmem>>
      %dma_start3A_534 = tpu.memref_squeeze %dma_start3A_533 : memref<1x128xi32, #tpu.memory_space<vmem>> -> memref<128xi32, #tpu.memory_space<vmem>>
      %dma_start3A_535 = arith.constant 0 : i32
      %dma_start3A_536 = arith.constant 0 : i32
      %dma_start3A_537 = tpu.memref_slice %arg13[%dma_start3A_535, %dma_start3A_536] : memref<104000x16xf32, #tpu.memory_space<vmem_shared>> -> memref<104000x16xf32, #tpu.memory_space<vmem_shared>>
      tpu.enqueue_indirect_dma source(%dma_start3A_531 : memref<128x16xf32, #tpu.memory_space<vmem>>) target(%dma_start3A_537 : memref<104000x16xf32, #tpu.memory_space<vmem_shared>>) offsets(%dma_start3A_534 : memref<128xi32, #tpu.memory_space<vmem>>) semaphore(%arg15 : memref<!tpu.dma_semaphore, #tpu.memory_space<semaphore_mem>>) {add = true}
      %dma_start3A_538 = arith.constant 1 : i32
      %dma_start3A_539 = arith.constant 128 : i32
      %dma_start3A_540 = arith.constant 0 : i32
      %dma_start3A_541 = tpu.memref_slice %arg9[%dma_start3A_539, %dma_start3A_540] : memref<512x16xf32, #tpu.memory_space<vmem>> -> memref<128x16xf32, #tpu.memory_space<vmem>>
      %dma_start3A_542 = arith.constant 0 : i32
      %dma_start3A_543 = tpu.memref_slice %arg8[%dma_start3A_538, %dma_start3A_542] : memref<4x128xi32, #tpu.memory_space<vmem>> -> memref<1x128xi32, #tpu.memory_space<vmem>>
      %dma_start3A_544 = tpu.memref_squeeze %dma_start3A_543 : memref<1x128xi32, #tpu.memory_space<vmem>> -> memref<128xi32, #tpu.memory_space<vmem>>
      %dma_start3A_545 = arith.constant 0 : i32
      %dma_start3A_546 = arith.constant 0 : i32
      %dma_start3A_547 = tpu.memref_slice %arg13[%dma_start3A_545, %dma_start3A_546] : memref<104000x16xf32, #tpu.memory_space<vmem_shared>> -> memref<104000x16xf32, #tpu.memory_space<vmem_shared>>
      tpu.enqueue_indirect_dma source(%dma_start3A_541 : memref<128x16xf32, #tpu.memory_space<vmem>>) target(%dma_start3A_547 : memref<104000x16xf32, #tpu.memory_space<vmem_shared>>) offsets(%dma_start3A_544 : memref<128xi32, #tpu.memory_space<vmem>>) semaphore(%arg15 : memref<!tpu.dma_semaphore, #tpu.memory_space<semaphore_mem>>) {add = true}
      %dma_start3A_548 = arith.constant 2 : i32
      %dma_start3A_549 = arith.constant 256 : i32
      %dma_start3A_550 = arith.constant 0 : i32
      %dma_start3A_551 = tpu.memref_slice %arg9[%dma_start3A_549, %dma_start3A_550] : memref<512x16xf32, #tpu.memory_space<vmem>> -> memref<128x16xf32, #tpu.memory_space<vmem>>
      %dma_start3A_552 = arith.constant 0 : i32
      %dma_start3A_553 = tpu.memref_slice %arg8[%dma_start3A_548, %dma_start3A_552] : memref<4x128xi32, #tpu.memory_space<vmem>> -> memref<1x128xi32, #tpu.memory_space<vmem>>
      %dma_start3A_554 = tpu.memref_squeeze %dma_start3A_553 : memref<1x128xi32, #tpu.memory_space<vmem>> -> memref<128xi32, #tpu.memory_space<vmem>>
      %dma_start3A_555 = arith.constant 0 : i32
      %dma_start3A_556 = arith.constant 0 : i32
      %dma_start3A_557 = tpu.memref_slice %arg13[%dma_start3A_555, %dma_start3A_556] : memref<104000x16xf32, #tpu.memory_space<vmem_shared>> -> memref<104000x16xf32, #tpu.memory_space<vmem_shared>>
      tpu.enqueue_indirect_dma source(%dma_start3A_551 : memref<128x16xf32, #tpu.memory_space<vmem>>) target(%dma_start3A_557 : memref<104000x16xf32, #tpu.memory_space<vmem_shared>>) offsets(%dma_start3A_554 : memref<128xi32, #tpu.memory_space<vmem>>) semaphore(%arg15 : memref<!tpu.dma_semaphore, #tpu.memory_space<semaphore_mem>>) {add = true}
      %dma_start3A_558 = arith.constant 3 : i32
      %dma_start3A_559 = arith.constant 384 : i32
      %dma_start3A_560 = arith.constant 0 : i32
      %dma_start3A_561 = tpu.memref_slice %arg9[%dma_start3A_559, %dma_start3A_560] : memref<512x16xf32, #tpu.memory_space<vmem>> -> memref<128x16xf32, #tpu.memory_space<vmem>>
      %dma_start3A_562 = arith.constant 0 : i32
      %dma_start3A_563 = tpu.memref_slice %arg8[%dma_start3A_558, %dma_start3A_562] : memref<4x128xi32, #tpu.memory_space<vmem>> -> memref<1x128xi32, #tpu.memory_space<vmem>>
      %dma_start3A_564 = tpu.memref_squeeze %dma_start3A_563 : memref<1x128xi32, #tpu.memory_space<vmem>> -> memref<128xi32, #tpu.memory_space<vmem>>
      %dma_start3A_565 = arith.constant 0 : i32
      %dma_start3A_566 = arith.constant 0 : i32
      %dma_start3A_567 = tpu.memref_slice %arg13[%dma_start3A_565, %dma_start3A_566] : memref<104000x16xf32, #tpu.memory_space<vmem_shared>> -> memref<104000x16xf32, #tpu.memory_space<vmem_shared>>
      tpu.enqueue_indirect_dma source(%dma_start3A_561 : memref<128x16xf32, #tpu.memory_space<vmem>>) target(%dma_start3A_567 : memref<104000x16xf32, #tpu.memory_space<vmem_shared>>) offsets(%dma_start3A_564 : memref<128xi32, #tpu.memory_space<vmem>>) semaphore(%arg15 : memref<!tpu.dma_semaphore, #tpu.memory_space<semaphore_mem>>) {add = true}
      %mul3A_568 = arith.constant 2 : i32
      %mul3A_569 = arith.muli %mul3A_568, %scan3A_527 : i32
      %add3A_570 = arith.constant 1 : i32
      %add3A_571 = arith.addi %mul3A_569, %add3A_570 : i32
      %mul3A_572 = arith.constant 1568 : i32
      %mul3A_573 = arith.muli %arg1, %mul3A_572 : i32
      %mul3A_574 = arith.constant 4 : i32
      %mul3A_575 = arith.muli %add3A_571, %mul3A_574 : i32
      %add3A_576 = arith.addi %mul3A_573, %mul3A_575 : i32
      %dma_start3A_577 = arith.constant 0 : i32
      %dma_start3A_578 = tpu.memref_slice %arg3[%add3A_576, %dma_start3A_577] : memref<25088x128xi32, #tpu.memory_space<hbm>> -> memref<4x128xi32, #tpu.memory_space<hbm>>
      %dma_start3A_579 = arith.constant 0 : i32
      %dma_start3A_580 = tpu.memref_slice %arg3[%add3A_576, %dma_start3A_579] : memref<25088x128xi32, #tpu.memory_space<hbm>> -> memref<4x128xi32, #tpu.memory_space<hbm>>
      tpu.enqueue_dma source(%dma_start3A_580 : memref<4x128xi32, #tpu.memory_space<hbm>>) target(%arg10 : memref<4x128xi32, #tpu.memory_space<vmem>>) target_semaphore(%arg19 : memref<!tpu.dma_semaphore, #tpu.memory_space<semaphore_mem>>)
      %dma_start3A_581 = arith.constant 0 : i32
      %dma_start3A_582 = tpu.memref_slice %arg4[%add3A_576, %dma_start3A_581] : memref<25088x128xi32, #tpu.memory_space<hbm>> -> memref<4x128xi32, #tpu.memory_space<hbm>>
      %dma_start3A_583 = arith.constant 0 : i32
      %dma_start3A_584 = tpu.memref_slice %arg4[%add3A_576, %dma_start3A_583] : memref<25088x128xi32, #tpu.memory_space<hbm>> -> memref<4x128xi32, #tpu.memory_space<hbm>>
      tpu.enqueue_dma source(%dma_start3A_584 : memref<4x128xi32, #tpu.memory_space<hbm>>) target(%arg11 : memref<4x128xi32, #tpu.memory_space<vmem>>) target_semaphore(%arg19 : memref<!tpu.dma_semaphore, #tpu.memory_space<semaphore_mem>>)
      %dma_wait3A_585 = arith.constant 0 : i32
      %dma_wait3A_586 = tpu.memref_slice %arg3[%add3A_576, %dma_wait3A_585] : memref<25088x128xi32, #tpu.memory_space<hbm>> -> memref<4x128xi32, #tpu.memory_space<hbm>>
      %dma_wait3A_587 = arith.constant 0 : i32
      %dma_wait3A_588 = tpu.memref_slice %arg3[%add3A_576, %dma_wait3A_587] : memref<25088x128xi32, #tpu.memory_space<hbm>> -> memref<4x128xi32, #tpu.memory_space<hbm>>
      tpu.wait_dma2 semaphore(%arg19 : memref<!tpu.dma_semaphore, #tpu.memory_space<semaphore_mem>>) src(%dma_wait3A_588 : memref<4x128xi32, #tpu.memory_space<hbm>>) dst(%arg10 : memref<4x128xi32, #tpu.memory_space<vmem>>)
      %dma_wait3A_589 = arith.constant 0 : i32
      %dma_wait3A_590 = tpu.memref_slice %arg4[%add3A_576, %dma_wait3A_589] : memref<25088x128xi32, #tpu.memory_space<hbm>> -> memref<4x128xi32, #tpu.memory_space<hbm>>
      %dma_wait3A_591 = arith.constant 0 : i32
      %dma_wait3A_592 = tpu.memref_slice %arg4[%add3A_576, %dma_wait3A_591] : memref<25088x128xi32, #tpu.memory_space<hbm>> -> memref<4x128xi32, #tpu.memory_space<hbm>>
      tpu.wait_dma2 semaphore(%arg19 : memref<!tpu.dma_semaphore, #tpu.memory_space<semaphore_mem>>) src(%dma_wait3A_592 : memref<4x128xi32, #tpu.memory_space<hbm>>) dst(%arg11 : memref<4x128xi32, #tpu.memory_space<vmem>>)
      %get3A_593 = arith.constant 0 : i32
      %get3A_594 = arith.index_cast %get3A_593 : i32 to index
      %get3A_595 = arith.constant 0 : index
      %get3A_596 = tpu.vector_load %arg10[%get3A_594, %get3A_595] {strides = array<i32>} : memref<4x128xi32, #tpu.memory_space<vmem>>, vector<1x16xi32>,
      %get3A_597 = vector.shape_cast %get3A_596 : vector<1x16xi32> to vector<16xi32>
      %add3A_598 = vector.broadcast %mul3A_2 : i32 to vector<16xi32>
      %add3A_599 = arith.addi %get3A_597, %add3A_598 : vector<16xi32>
      %swap3A_600 = arith.constant 0 : i32
      %swap3A_601 = arith.index_cast %swap3A_600 : i32 to index
      %swap3A_602 = arith.constant 0 : index
      %swap3A_603 = tpu.vector_load %arg10[%swap3A_601, %swap3A_602] {strides = array<i32>} : memref<4x128xi32, #tpu.memory_space<vmem>>, vector<1x16xi32>,
      %swap3A_604 = vector.shape_cast %swap3A_603 : vector<1x16xi32> to vector<16xi32>
      %swap3A_605 = vector.shape_cast %add3A_599 : vector<16xi32> to vector<1x16xi32>
      tpu.vector_store %arg10[%swap3A_601, %swap3A_602], %swap3A_605 {strides = array<i32>} : memref<4x128xi32, #tpu.memory_space<vmem>>, vector<1x16xi32>,
      %get3A_606 = arith.constant 0 : i32
      %get3A_607 = arith.index_cast %get3A_606 : i32 to index
      %get3A_608 = arith.constant 16 : index
      %get3A_609 = tpu.vector_load %arg10[%get3A_607, %get3A_608] {strides = array<i32>} : memref<4x128xi32, #tpu.memory_space<vmem>>, vector<1x16xi32>,
      %get3A_610 = vector.shape_cast %get3A_609 : vector<1x16xi32> to vector<16xi32>
      %add3A_611 = vector.broadcast %mul3A_2 : i32 to vector<16xi32>
      %add3A_612 = arith.addi %get3A_610, %add3A_611 : vector<16xi32>
      %swap3A_613 = arith.constant 0 : i32
      %swap3A_614 = arith.index_cast %swap3A_613 : i32 to index
      %swap3A_615 = arith.constant 16 : index
      %swap3A_616 = tpu.vector_load %arg10[%swap3A_614, %swap3A_615] {strides = array<i32>} : memref<4x128xi32, #tpu.memory_space<vmem>>, vector<1x16xi32>,
      %swap3A_617 = vector.shape_cast %swap3A_616 : vector<1x16xi32> to vector<16xi32>
      %swap3A_618 = vector.shape_cast %add3A_612 : vector<16xi32> to vector<1x16xi32>
      tpu.vector_store %arg10[%swap3A_614, %swap3A_615], %swap3A_618 {strides = array<i32>} : memref<4x128xi32, #tpu.memory_space<vmem>>, vector<1x16xi32>,
      %get3A_619 = arith.constant 0 : i32
      %get3A_620 = arith.index_cast %get3A_619 : i32 to index
      %get3A_621 = arith.constant 32 : index
      %get3A_622 = tpu.vector_load %arg10[%get3A_620, %get3A_621] {strides = array<i32>} : memref<4x128xi32, #tpu.memory_space<vmem>>, vector<1x16xi32>,
      %get3A_623 = vector.shape_cast %get3A_622 : vector<1x16xi32> to vector<16xi32>
      %add3A_624 = vector.broadcast %mul3A_2 : i32 to vector<16xi32>
      %add3A_625 = arith.addi %get3A_623, %add3A_624 : vector<16xi32>
      %swap3A_626 = arith.constant 0 : i32
      %swap3A_627 = arith.index_cast %swap3A_626 : i32 to index
      %swap3A_628 = arith.constant 32 : index
      %swap3A_629 = tpu.vector_load %arg10[%swap3A_627, %swap3A_628] {strides = array<i32>} : memref<4x128xi32, #tpu.memory_space<vmem>>, vector<1x16xi32>,
      %swap3A_630 = vector.shape_cast %swap3A_629 : vector<1x16xi32> to vector<16xi32>
      %swap3A_631 = vector.shape_cast %add3A_625 : vector<16xi32> to vector<1x16xi32>
      tpu.vector_store %arg10[%swap3A_627, %swap3A_628], %swap3A_631 {strides = array<i32>} : memref<4x128xi32, #tpu.memory_space<vmem>>, vector<1x16xi32>,
      %get3A_632 = arith.constant 0 : i32
      %get3A_633 = arith.index_cast %get3A_632 : i32 to index
      %get3A_634 = arith.constant 48 : index
      %get3A_635 = tpu.vector_load %arg10[%get3A_633, %get3A_634] {strides = array<i32>} : memref<4x128xi32, #tpu.memory_space<vmem>>, vector<1x16xi32>,
      %get3A_636 = vector.shape_cast %get3A_635 : vector<1x16xi32> to vector<16xi32>
      %add3A_637 = vector.broadcast %mul3A_2 : i32 to vector<16xi32>
      %add3A_638 = arith.addi %get3A_636, %add3A_637 : vector<16xi32>
      %swap3A_639 = arith.constant 0 : i32
      %swap3A_640 = arith.index_cast %swap3A_639 : i32 to index
      %swap3A_641 = arith.constant 48 : index
      %swap3A_642 = tpu.vector_load %arg10[%swap3A_640, %swap3A_641] {strides = array<i32>} : memref<4x128xi32, #tpu.memory_space<vmem>>, vector<1x16xi32>,
      %swap3A_643 = vector.shape_cast %swap3A_642 : vector<1x16xi32> to vector<16xi32>
      %swap3A_644 = vector.shape_cast %add3A_638 : vector<16xi32> to vector<1x16xi32>
      tpu.vector_store %arg10[%swap3A_640, %swap3A_641], %swap3A_644 {strides = array<i32>} : memref<4x128xi32, #tpu.memory_space<vmem>>, vector<1x16xi32>,
      %get3A_645 = arith.constant 0 : i32
      %get3A_646 = arith.index_cast %get3A_645 : i32 to index
      %get3A_647 = arith.constant 64 : index
      %get3A_648 = tpu.vector_load %arg10[%get3A_646, %get3A_647] {strides = array<i32>} : memref<4x128xi32, #tpu.memory_space<vmem>>, vector<1x16xi32>,
      %get3A_649 = vector.shape_cast %get3A_648 : vector<1x16xi32> to vector<16xi32>
      %add3A_650 = vector.broadcast %mul3A_2 : i32 to vector<16xi32>
      %add3A_651 = arith.addi %get3A_649, %add3A_650 : vector<16xi32>
      %swap3A_652 = arith.constant 0 : i32
      %swap3A_653 = arith.index_cast %swap3A_652 : i32 to index
      %swap3A_654 = arith.constant 64 : index
      %swap3A_655 = tpu.vector_load %arg10[%swap3A_653, %swap3A_654] {strides = array<i32>} : memref<4x128xi32, #tpu.memory_space<vmem>>, vector<1x16xi32>,
      %swap3A_656 = vector.shape_cast %swap3A_655 : vector<1x16xi32> to vector<16xi32>
      %swap3A_657 = vector.shape_cast %add3A_651 : vector<16xi32> to vector<1x16xi32>
      tpu.vector_store %arg10[%swap3A_653, %swap3A_654], %swap3A_657 {strides = array<i32>} : memref<4x128xi32, #tpu.memory_space<vmem>>, vector<1x16xi32>,
      %get3A_658 = arith.constant 0 : i32
      %get3A_659 = arith.index_cast %get3A_658 : i32 to index
      %get3A_660 = arith.constant 80 : index
      %get3A_661 = tpu.vector_load %arg10[%get3A_659, %get3A_660] {strides = array<i32>} : memref<4x128xi32, #tpu.memory_space<vmem>>, vector<1x16xi32>,
      %get3A_662 = vector.shape_cast %get3A_661 : vector<1x16xi32> to vector<16xi32>
      %add3A_663 = vector.broadcast %mul3A_2 : i32 to vector<16xi32>
      %add3A_664 = arith.addi %get3A_662, %add3A_663 : vector<16xi32>
      %swap3A_665 = arith.constant 0 : i32
      %swap3A_666 = arith.index_cast %swap3A_665 : i32 to index
      %swap3A_667 = arith.constant 80 : index
      %swap3A_668 = tpu.vector_load %arg10[%swap3A_666, %swap3A_667] {strides = array<i32>} : memref<4x128xi32, #tpu.memory_space<vmem>>, vector<1x16xi32>,
      %swap3A_669 = vector.shape_cast %swap3A_668 : vector<1x16xi32> to vector<16xi32>
      %swap3A_670 = vector.shape_cast %add3A_664 : vector<16xi32> to vector<1x16xi32>
      tpu.vector_store %arg10[%swap3A_666, %swap3A_667], %swap3A_670 {strides = array<i32>} : memref<4x128xi32, #tpu.memory_space<vmem>>, vector<1x16xi32>,
      %get3A_671 = arith.constant 0 : i32
      %get3A_672 = arith.index_cast %get3A_671 : i32 to index
      %get3A_673 = arith.constant 96 : index
      %get3A_674 = tpu.vector_load %arg10[%get3A_672, %get3A_673] {strides = array<i32>} : memref<4x128xi32, #tpu.memory_space<vmem>>, vector<1x16xi32>,
      %get3A_675 = vector.shape_cast %get3A_674 : vector<1x16xi32> to vector<16xi32>
      %add3A_676 = vector.broadcast %mul3A_2 : i32 to vector<16xi32>
      %add3A_677 = arith.addi %get3A_675, %add3A_676 : vector<16xi32>
      %swap3A_678 = arith.constant 0 : i32
      %swap3A_679 = arith.index_cast %swap3A_678 : i32 to index
      %swap3A_680 = arith.constant 96 : index
      %swap3A_681 = tpu.vector_load %arg10[%swap3A_679, %swap3A_680] {strides = array<i32>} : memref<4x128xi32, #tpu.memory_space<vmem>>, vector<1x16xi32>,
      %swap3A_682 = vector.shape_cast %swap3A_681 : vector<1x16xi32> to vector<16xi32>
      %swap3A_683 = vector.shape_cast %add3A_677 : vector<16xi32> to vector<1x16xi32>
      tpu.vector_store %arg10[%swap3A_679, %swap3A_680], %swap3A_683 {strides = array<i32>} : memref<4x128xi32, #tpu.memory_space<vmem>>, vector<1x16xi32>,
      %get3A_684 = arith.constant 0 : i32
      %get3A_685 = arith.index_cast %get3A_684 : i32 to index
      %get3A_686 = arith.constant 112 : index
      %get3A_687 = tpu.vector_load %arg10[%get3A_685, %get3A_686] {strides = array<i32>} : memref<4x128xi32, #tpu.memory_space<vmem>>, vector<1x16xi32>,
      %get3A_688 = vector.shape_cast %get3A_687 : vector<1x16xi32> to vector<16xi32>
      %add3A_689 = vector.broadcast %mul3A_2 : i32 to vector<16xi32>
      %add3A_690 = arith.addi %get3A_688, %add3A_689 : vector<16xi32>
      %swap3A_691 = arith.constant 0 : i32
      %swap3A_692 = arith.index_cast %swap3A_691 : i32 to index
      %swap3A_693 = arith.constant 112 : index
      %swap3A_694 = tpu.vector_load %arg10[%swap3A_692, %swap3A_693] {strides = array<i32>} : memref<4x128xi32, #tpu.memory_space<vmem>>, vector<1x16xi32>,
      %swap3A_695 = vector.shape_cast %swap3A_694 : vector<1x16xi32> to vector<16xi32>
      %swap3A_696 = vector.shape_cast %add3A_690 : vector<16xi32> to vector<1x16xi32>
      tpu.vector_store %arg10[%swap3A_692, %swap3A_693], %swap3A_696 {strides = array<i32>} : memref<4x128xi32, #tpu.memory_space<vmem>>, vector<1x16xi32>,
      %get3A_697 = arith.constant 1 : i32
      %get3A_698 = arith.index_cast %get3A_697 : i32 to index
      %get3A_699 = arith.constant 0 : index
      %get3A_700 = tpu.vector_load %arg10[%get3A_698, %get3A_699] {strides = array<i32>} : memref<4x128xi32, #tpu.memory_space<vmem>>, vector<1x16xi32>,
      %get3A_701 = vector.shape_cast %get3A_700 : vector<1x16xi32> to vector<16xi32>
      %add3A_702 = vector.broadcast %mul3A_2 : i32 to vector<16xi32>
      %add3A_703 = arith.addi %get3A_701, %add3A_702 : vector<16xi32>
      %swap3A_704 = arith.constant 1 : i32
      %swap3A_705 = arith.index_cast %swap3A_704 : i32 to index
      %swap3A_706 = arith.constant 0 : index
      %swap3A_707 = tpu.vector_load %arg10[%swap3A_705, %swap3A_706] {strides = array<i32>} : memref<4x128xi32, #tpu.memory_space<vmem>>, vector<1x16xi32>,
      %swap3A_708 = vector.shape_cast %swap3A_707 : vector<1x16xi32> to vector<16xi32>
      %swap3A_709 = vector.shape_cast %add3A_703 : vector<16xi32> to vector<1x16xi32>
      tpu.vector_store %arg10[%swap3A_705, %swap3A_706], %swap3A_709 {strides = array<i32>} : memref<4x128xi32, #tpu.memory_space<vmem>>, vector<1x16xi32>,
      %get3A_710 = arith.constant 1 : i32
      %get3A_711 = arith.index_cast %get3A_710 : i32 to index
      %get3A_712 = arith.constant 16 : index
      %get3A_713 = tpu.vector_load %arg10[%get3A_711, %get3A_712] {strides = array<i32>} : memref<4x128xi32, #tpu.memory_space<vmem>>, vector<1x16xi32>,
      %get3A_714 = vector.shape_cast %get3A_713 : vector<1x16xi32> to vector<16xi32>
      %add3A_715 = vector.broadcast %mul3A_2 : i32 to vector<16xi32>
      %add3A_716 = arith.addi %get3A_714, %add3A_715 : vector<16xi32>
      %swap3A_717 = arith.constant 1 : i32
      %swap3A_718 = arith.index_cast %swap3A_717 : i32 to index
      %swap3A_719 = arith.constant 16 : index
      %swap3A_720 = tpu.vector_load %arg10[%swap3A_718, %swap3A_719] {strides = array<i32>} : memref<4x128xi32, #tpu.memory_space<vmem>>, vector<1x16xi32>,
      %swap3A_721 = vector.shape_cast %swap3A_720 : vector<1x16xi32> to vector<16xi32>
      %swap3A_722 = vector.shape_cast %add3A_716 : vector<16xi32> to vector<1x16xi32>
      tpu.vector_store %arg10[%swap3A_718, %swap3A_719], %swap3A_722 {strides = array<i32>} : memref<4x128xi32, #tpu.memory_space<vmem>>, vector<1x16xi32>,
      %get3A_723 = arith.constant 1 : i32
      %get3A_724 = arith.index_cast %get3A_723 : i32 to index
      %get3A_725 = arith.constant 32 : index
      %get3A_726 = tpu.vector_load %arg10[%get3A_724, %get3A_725] {strides = array<i32>} : memref<4x128xi32, #tpu.memory_space<vmem>>, vector<1x16xi32>,
      %get3A_727 = vector.shape_cast %get3A_726 : vector<1x16xi32> to vector<16xi32>
      %add3A_728 = vector.broadcast %mul3A_2 : i32 to vector<16xi32>
      %add3A_729 = arith.addi %get3A_727, %add3A_728 : vector<16xi32>
      %swap3A_730 = arith.constant 1 : i32
      %swap3A_731 = arith.index_cast %swap3A_730 : i32 to index
      %swap3A_732 = arith.constant 32 : index
      %swap3A_733 = tpu.vector_load %arg10[%swap3A_731, %swap3A_732] {strides = array<i32>} : memref<4x128xi32, #tpu.memory_space<vmem>>, vector<1x16xi32>,
      %swap3A_734 = vector.shape_cast %swap3A_733 : vector<1x16xi32> to vector<16xi32>
      %swap3A_735 = vector.shape_cast %add3A_729 : vector<16xi32> to vector<1x16xi32>
      tpu.vector_store %arg10[%swap3A_731, %swap3A_732], %swap3A_735 {strides = array<i32>} : memref<4x128xi32, #tpu.memory_space<vmem>>, vector<1x16xi32>,
      %get3A_736 = arith.constant 1 : i32
      %get3A_737 = arith.index_cast %get3A_736 : i32 to index
      %get3A_738 = arith.constant 48 : index
      %get3A_739 = tpu.vector_load %arg10[%get3A_737, %get3A_738] {strides = array<i32>} : memref<4x128xi32, #tpu.memory_space<vmem>>, vector<1x16xi32>,
      %get3A_740 = vector.shape_cast %get3A_739 : vector<1x16xi32> to vector<16xi32>
      %add3A_741 = vector.broadcast %mul3A_2 : i32 to vector<16xi32>
      %add3A_742 = arith.addi %get3A_740, %add3A_741 : vector<16xi32>
      %swap3A_743 = arith.constant 1 : i32
      %swap3A_744 = arith.index_cast %swap3A_743 : i32 to index
      %swap3A_745 = arith.constant 48 : index
      %swap3A_746 = tpu.vector_load %arg10[%swap3A_744, %swap3A_745] {strides = array<i32>} : memref<4x128xi32, #tpu.memory_space<vmem>>, vector<1x16xi32>,
      %swap3A_747 = vector.shape_cast %swap3A_746 : vector<1x16xi32> to vector<16xi32>
      %swap3A_748 = vector.shape_cast %add3A_742 : vector<16xi32> to vector<1x16xi32>
      tpu.vector_store %arg10[%swap3A_744, %swap3A_745], %swap3A_748 {strides = array<i32>} : memref<4x128xi32, #tpu.memory_space<vmem>>, vector<1x16xi32>,
      %get3A_749 = arith.constant 1 : i32
      %get3A_750 = arith.index_cast %get3A_749 : i32 to index
      %get3A_751 = arith.constant 64 : index
      %get3A_752 = tpu.vector_load %arg10[%get3A_750, %get3A_751] {strides = array<i32>} : memref<4x128xi32, #tpu.memory_space<vmem>>, vector<1x16xi32>,
      %get3A_753 = vector.shape_cast %get3A_752 : vector<1x16xi32> to vector<16xi32>
      %add3A_754 = vector.broadcast %mul3A_2 : i32 to vector<16xi32>
      %add3A_755 = arith.addi %get3A_753, %add3A_754 : vector<16xi32>
      %swap3A_756 = arith.constant 1 : i32
      %swap3A_757 = arith.index_cast %swap3A_756 : i32 to index
      %swap3A_758 = arith.constant 64 : index
      %swap3A_759 = tpu.vector_load %arg10[%swap3A_757, %swap3A_758] {strides = array<i32>} : memref<4x128xi32, #tpu.memory_space<vmem>>, vector<1x16xi32>,
      %swap3A_760 = vector.shape_cast %swap3A_759 : vector<1x16xi32> to vector<16xi32>
      %swap3A_761 = vector.shape_cast %add3A_755 : vector<16xi32> to vector<1x16xi32>
      tpu.vector_store %arg10[%swap3A_757, %swap3A_758], %swap3A_761 {strides = array<i32>} : memref<4x128xi32, #tpu.memory_space<vmem>>, vector<1x16xi32>,
      %get3A_762 = arith.constant 1 : i32
      %get3A_763 = arith.index_cast %get3A_762 : i32 to index
      %get3A_764 = arith.constant 80 : index
      %get3A_765 = tpu.vector_load %arg10[%get3A_763, %get3A_764] {strides = array<i32>} : memref<4x128xi32, #tpu.memory_space<vmem>>, vector<1x16xi32>,
      %get3A_766 = vector.shape_cast %get3A_765 : vector<1x16xi32> to vector<16xi32>
      %add3A_767 = vector.broadcast %mul3A_2 : i32 to vector<16xi32>
      %add3A_768 = arith.addi %get3A_766, %add3A_767 : vector<16xi32>
      %swap3A_769 = arith.constant 1 : i32
      %swap3A_770 = arith.index_cast %swap3A_769 : i32 to index
      %swap3A_771 = arith.constant 80 : index
      %swap3A_772 = tpu.vector_load %arg10[%swap3A_770, %swap3A_771] {strides = array<i32>} : memref<4x128xi32, #tpu.memory_space<vmem>>, vector<1x16xi32>,
      %swap3A_773 = vector.shape_cast %swap3A_772 : vector<1x16xi32> to vector<16xi32>
      %swap3A_774 = vector.shape_cast %add3A_768 : vector<16xi32> to vector<1x16xi32>
      tpu.vector_store %arg10[%swap3A_770, %swap3A_771], %swap3A_774 {strides = array<i32>} : memref<4x128xi32, #tpu.memory_space<vmem>>, vector<1x16xi32>,
      %get3A_775 = arith.constant 1 : i32
      %get3A_776 = arith.index_cast %get3A_775 : i32 to index
      %get3A_777 = arith.constant 96 : index
      %get3A_778 = tpu.vector_load %arg10[%get3A_776, %get3A_777] {strides = array<i32>} : memref<4x128xi32, #tpu.memory_space<vmem>>, vector<1x16xi32>,
      %get3A_779 = vector.shape_cast %get3A_778 : vector<1x16xi32> to vector<16xi32>
      %add3A_780 = vector.broadcast %mul3A_2 : i32 to vector<16xi32>
      %add3A_781 = arith.addi %get3A_779, %add3A_780 : vector<16xi32>
      %swap3A_782 = arith.constant 1 : i32
      %swap3A_783 = arith.index_cast %swap3A_782 : i32 to index
      %swap3A_784 = arith.constant 96 : index
      %swap3A_785 = tpu.vector_load %arg10[%swap3A_783, %swap3A_784] {strides = array<i32>} : memref<4x128xi32, #tpu.memory_space<vmem>>, vector<1x16xi32>,
      %swap3A_786 = vector.shape_cast %swap3A_785 : vector<1x16xi32> to vector<16xi32>
      %swap3A_787 = vector.shape_cast %add3A_781 : vector<16xi32> to vector<1x16xi32>
      tpu.vector_store %arg10[%swap3A_783, %swap3A_784], %swap3A_787 {strides = array<i32>} : memref<4x128xi32, #tpu.memory_space<vmem>>, vector<1x16xi32>,
      %get3A_788 = arith.constant 1 : i32
      %get3A_789 = arith.index_cast %get3A_788 : i32 to index
      %get3A_790 = arith.constant 112 : index
      %get3A_791 = tpu.vector_load %arg10[%get3A_789, %get3A_790] {strides = array<i32>} : memref<4x128xi32, #tpu.memory_space<vmem>>, vector<1x16xi32>,
      %get3A_792 = vector.shape_cast %get3A_791 : vector<1x16xi32> to vector<16xi32>
      %add3A_793 = vector.broadcast %mul3A_2 : i32 to vector<16xi32>
      %add3A_794 = arith.addi %get3A_792, %add3A_793 : vector<16xi32>
      %swap3A_795 = arith.constant 1 : i32
      %swap3A_796 = arith.index_cast %swap3A_795 : i32 to index
      %swap3A_797 = arith.constant 112 : index
      %swap3A_798 = tpu.vector_load %arg10[%swap3A_796, %swap3A_797] {strides = array<i32>} : memref<4x128xi32, #tpu.memory_space<vmem>>, vector<1x16xi32>,
      %swap3A_799 = vector.shape_cast %swap3A_798 : vector<1x16xi32> to vector<16xi32>
      %swap3A_800 = vector.shape_cast %add3A_794 : vector<16xi32> to vector<1x16xi32>
      tpu.vector_store %arg10[%swap3A_796, %swap3A_797], %swap3A_800 {strides = array<i32>} : memref<4x128xi32, #tpu.memory_space<vmem>>, vector<1x16xi32>,
      %get3A_801 = arith.constant 2 : i32
      %get3A_802 = arith.index_cast %get3A_801 : i32 to index
      %get3A_803 = arith.constant 0 : index
      %get3A_804 = tpu.vector_load %arg10[%get3A_802, %get3A_803] {strides = array<i32>} : memref<4x128xi32, #tpu.memory_space<vmem>>, vector<1x16xi32>,
      %get3A_805 = vector.shape_cast %get3A_804 : vector<1x16xi32> to vector<16xi32>
      %add3A_806 = vector.broadcast %mul3A_2 : i32 to vector<16xi32>
      %add3A_807 = arith.addi %get3A_805, %add3A_806 : vector<16xi32>
      %swap3A_808 = arith.constant 2 : i32
      %swap3A_809 = arith.index_cast %swap3A_808 : i32 to index
      %swap3A_810 = arith.constant 0 : index
      %swap3A_811 = tpu.vector_load %arg10[%swap3A_809, %swap3A_810] {strides = array<i32>} : memref<4x128xi32, #tpu.memory_space<vmem>>, vector<1x16xi32>,
      %swap3A_812 = vector.shape_cast %swap3A_811 : vector<1x16xi32> to vector<16xi32>
      %swap3A_813 = vector.shape_cast %add3A_807 : vector<16xi32> to vector<1x16xi32>
      tpu.vector_store %arg10[%swap3A_809, %swap3A_810], %swap3A_813 {strides = array<i32>} : memref<4x128xi32, #tpu.memory_space<vmem>>, vector<1x16xi32>,
      %get3A_814 = arith.constant 2 : i32
      %get3A_815 = arith.index_cast %get3A_814 : i32 to index
      %get3A_816 = arith.constant 16 : index
      %get3A_817 = tpu.vector_load %arg10[%get3A_815, %get3A_816] {strides = array<i32>} : memref<4x128xi32, #tpu.memory_space<vmem>>, vector<1x16xi32>,
      %get3A_818 = vector.shape_cast %get3A_817 : vector<1x16xi32> to vector<16xi32>
      %add3A_819 = vector.broadcast %mul3A_2 : i32 to vector<16xi32>
      %add3A_820 = arith.addi %get3A_818, %add3A_819 : vector<16xi32>
      %swap3A_821 = arith.constant 2 : i32
      %swap3A_822 = arith.index_cast %swap3A_821 : i32 to index
      %swap3A_823 = arith.constant 16 : index
      %swap3A_824 = tpu.vector_load %arg10[%swap3A_822, %swap3A_823] {strides = array<i32>} : memref<4x128xi32, #tpu.memory_space<vmem>>, vector<1x16xi32>,
      %swap3A_825 = vector.shape_cast %swap3A_824 : vector<1x16xi32> to vector<16xi32>
      %swap3A_826 = vector.shape_cast %add3A_820 : vector<16xi32> to vector<1x16xi32>
      tpu.vector_store %arg10[%swap3A_822, %swap3A_823], %swap3A_826 {strides = array<i32>} : memref<4x128xi32, #tpu.memory_space<vmem>>, vector<1x16xi32>,
      %get3A_827 = arith.constant 2 : i32
      %get3A_828 = arith.index_cast %get3A_827 : i32 to index
      %get3A_829 = arith.constant 32 : index
      %get3A_830 = tpu.vector_load %arg10[%get3A_828, %get3A_829] {strides = array<i32>} : memref<4x128xi32, #tpu.memory_space<vmem>>, vector<1x16xi32>,
      %get3A_831 = vector.shape_cast %get3A_830 : vector<1x16xi32> to vector<16xi32>
      %add3A_832 = vector.broadcast %mul3A_2 : i32 to vector<16xi32>
      %add3A_833 = arith.addi %get3A_831, %add3A_832 : vector<16xi32>
      %swap3A_834 = arith.constant 2 : i32
      %swap3A_835 = arith.index_cast %swap3A_834 : i32 to index
      %swap3A_836 = arith.constant 32 : index
      %swap3A_837 = tpu.vector_load %arg10[%swap3A_835, %swap3A_836] {strides = array<i32>} : memref<4x128xi32, #tpu.memory_space<vmem>>, vector<1x16xi32>,
      %swap3A_838 = vector.shape_cast %swap3A_837 : vector<1x16xi32> to vector<16xi32>
      %swap3A_839 = vector.shape_cast %add3A_833 : vector<16xi32> to vector<1x16xi32>
      tpu.vector_store %arg10[%swap3A_835, %swap3A_836], %swap3A_839 {strides = array<i32>} : memref<4x128xi32, #tpu.memory_space<vmem>>, vector<1x16xi32>,
      %get3A_840 = arith.constant 2 : i32
      %get3A_841 = arith.index_cast %get3A_840 : i32 to index
      %get3A_842 = arith.constant 48 : index
      %get3A_843 = tpu.vector_load %arg10[%get3A_841, %get3A_842] {strides = array<i32>} : memref<4x128xi32, #tpu.memory_space<vmem>>, vector<1x16xi32>,
      %get3A_844 = vector.shape_cast %get3A_843 : vector<1x16xi32> to vector<16xi32>
      %add3A_845 = vector.broadcast %mul3A_2 : i32 to vector<16xi32>
      %add3A_846 = arith.addi %get3A_844, %add3A_845 : vector<16xi32>
      %swap3A_847 = arith.constant 2 : i32
      %swap3A_848 = arith.index_cast %swap3A_847 : i32 to index
      %swap3A_849 = arith.constant 48 : index
      %swap3A_850 = tpu.vector_load %arg10[%swap3A_848, %swap3A_849] {strides = array<i32>} : memref<4x128xi32, #tpu.memory_space<vmem>>, vector<1x16xi32>,
      %swap3A_851 = vector.shape_cast %swap3A_850 : vector<1x16xi32> to vector<16xi32>
      %swap3A_852 = vector.shape_cast %add3A_846 : vector<16xi32> to vector<1x16xi32>
      tpu.vector_store %arg10[%swap3A_848, %swap3A_849], %swap3A_852 {strides = array<i32>} : memref<4x128xi32, #tpu.memory_space<vmem>>, vector<1x16xi32>,
      %get3A_853 = arith.constant 2 : i32
      %get3A_854 = arith.index_cast %get3A_853 : i32 to index
      %get3A_855 = arith.constant 64 : index
      %get3A_856 = tpu.vector_load %arg10[%get3A_854, %get3A_855] {strides = array<i32>} : memref<4x128xi32, #tpu.memory_space<vmem>>, vector<1x16xi32>,
      %get3A_857 = vector.shape_cast %get3A_856 : vector<1x16xi32> to vector<16xi32>
      %add3A_858 = vector.broadcast %mul3A_2 : i32 to vector<16xi32>
      %add3A_859 = arith.addi %get3A_857, %add3A_858 : vector<16xi32>
      %swap3A_860 = arith.constant 2 : i32
      %swap3A_861 = arith.index_cast %swap3A_860 : i32 to index
      %swap3A_862 = arith.constant 64 : index
      %swap3A_863 = tpu.vector_load %arg10[%swap3A_861, %swap3A_862] {strides = array<i32>} : memref<4x128xi32, #tpu.memory_space<vmem>>, vector<1x16xi32>,
      %swap3A_864 = vector.shape_cast %swap3A_863 : vector<1x16xi32> to vector<16xi32>
      %swap3A_865 = vector.shape_cast %add3A_859 : vector<16xi32> to vector<1x16xi32>
      tpu.vector_store %arg10[%swap3A_861, %swap3A_862], %swap3A_865 {strides = array<i32>} : memref<4x128xi32, #tpu.memory_space<vmem>>, vector<1x16xi32>,
      %get3A_866 = arith.constant 2 : i32
      %get3A_867 = arith.index_cast %get3A_866 : i32 to index
      %get3A_868 = arith.constant 80 : index
      %get3A_869 = tpu.vector_load %arg10[%get3A_867, %get3A_868] {strides = array<i32>} : memref<4x128xi32, #tpu.memory_space<vmem>>, vector<1x16xi32>,
      %get3A_870 = vector.shape_cast %get3A_869 : vector<1x16xi32> to vector<16xi32>
      %add3A_871 = vector.broadcast %mul3A_2 : i32 to vector<16xi32>
      %add3A_872 = arith.addi %get3A_870, %add3A_871 : vector<16xi32>
      %swap3A_873 = arith.constant 2 : i32
      %swap3A_874 = arith.index_cast %swap3A_873 : i32 to index
      %swap3A_875 = arith.constant 80 : index
      %swap3A_876 = tpu.vector_load %arg10[%swap3A_874, %swap3A_875] {strides = array<i32>} : memref<4x128xi32, #tpu.memory_space<vmem>>, vector<1x16xi32>,
      %swap3A_877 = vector.shape_cast %swap3A_876 : vector<1x16xi32> to vector<16xi32>
      %swap3A_878 = vector.shape_cast %add3A_872 : vector<16xi32> to vector<1x16xi32>
      tpu.vector_store %arg10[%swap3A_874, %swap3A_875], %swap3A_878 {strides = array<i32>} : memref<4x128xi32, #tpu.memory_space<vmem>>, vector<1x16xi32>,
      %get3A_879 = arith.constant 2 : i32
      %get3A_880 = arith.index_cast %get3A_879 : i32 to index
      %get3A_881 = arith.constant 96 : index
      %get3A_882 = tpu.vector_load %arg10[%get3A_880, %get3A_881] {strides = array<i32>} : memref<4x128xi32, #tpu.memory_space<vmem>>, vector<1x16xi32>,
      %get3A_883 = vector.shape_cast %get3A_882 : vector<1x16xi32> to vector<16xi32>
      %add3A_884 = vector.broadcast %mul3A_2 : i32 to vector<16xi32>
      %add3A_885 = arith.addi %get3A_883, %add3A_884 : vector<16xi32>
      %swap3A_886 = arith.constant 2 : i32
      %swap3A_887 = arith.index_cast %swap3A_886 : i32 to index
      %swap3A_888 = arith.constant 96 : index
      %swap3A_889 = tpu.vector_load %arg10[%swap3A_887, %swap3A_888] {strides = array<i32>} : memref<4x128xi32, #tpu.memory_space<vmem>>, vector<1x16xi32>,
      %swap3A_890 = vector.shape_cast %swap3A_889 : vector<1x16xi32> to vector<16xi32>
      %swap3A_891 = vector.shape_cast %add3A_885 : vector<16xi32> to vector<1x16xi32>
      tpu.vector_store %arg10[%swap3A_887, %swap3A_888], %swap3A_891 {strides = array<i32>} : memref<4x128xi32, #tpu.memory_space<vmem>>, vector<1x16xi32>,
      %get3A_892 = arith.constant 2 : i32
      %get3A_893 = arith.index_cast %get3A_892 : i32 to index
      %get3A_894 = arith.constant 112 : index
      %get3A_895 = tpu.vector_load %arg10[%get3A_893, %get3A_894] {strides = array<i32>} : memref<4x128xi32, #tpu.memory_space<vmem>>, vector<1x16xi32>,
      %get3A_896 = vector.shape_cast %get3A_895 : vector<1x16xi32> to vector<16xi32>
      %add3A_897 = vector.broadcast %mul3A_2 : i32 to vector<16xi32>
      %add3A_898 = arith.addi %get3A_896, %add3A_897 : vector<16xi32>
      %swap3A_899 = arith.constant 2 : i32
      %swap3A_900 = arith.index_cast %swap3A_899 : i32 to index
      %swap3A_901 = arith.constant 112 : index
      %swap3A_902 = tpu.vector_load %arg10[%swap3A_900, %swap3A_901] {strides = array<i32>} : memref<4x128xi32, #tpu.memory_space<vmem>>, vector<1x16xi32>,
      %swap3A_903 = vector.shape_cast %swap3A_902 : vector<1x16xi32> to vector<16xi32>
      %swap3A_904 = vector.shape_cast %add3A_898 : vector<16xi32> to vector<1x16xi32>
      tpu.vector_store %arg10[%swap3A_900, %swap3A_901], %swap3A_904 {strides = array<i32>} : memref<4x128xi32, #tpu.memory_space<vmem>>, vector<1x16xi32>,
      %get3A_905 = arith.constant 3 : i32
      %get3A_906 = arith.index_cast %get3A_905 : i32 to index
      %get3A_907 = arith.constant 0 : index
      %get3A_908 = tpu.vector_load %arg10[%get3A_906, %get3A_907] {strides = array<i32>} : memref<4x128xi32, #tpu.memory_space<vmem>>, vector<1x16xi32>,
      %get3A_909 = vector.shape_cast %get3A_908 : vector<1x16xi32> to vector<16xi32>
      %add3A_910 = vector.broadcast %mul3A_2 : i32 to vector<16xi32>
      %add3A_911 = arith.addi %get3A_909, %add3A_910 : vector<16xi32>
      %swap3A_912 = arith.constant 3 : i32
      %swap3A_913 = arith.index_cast %swap3A_912 : i32 to index
      %swap3A_914 = arith.constant 0 : index
      %swap3A_915 = tpu.vector_load %arg10[%swap3A_913, %swap3A_914] {strides = array<i32>} : memref<4x128xi32, #tpu.memory_space<vmem>>, vector<1x16xi32>,
      %swap3A_916 = vector.shape_cast %swap3A_915 : vector<1x16xi32> to vector<16xi32>
      %swap3A_917 = vector.shape_cast %add3A_911 : vector<16xi32> to vector<1x16xi32>
      tpu.vector_store %arg10[%swap3A_913, %swap3A_914], %swap3A_917 {strides = array<i32>} : memref<4x128xi32, #tpu.memory_space<vmem>>, vector<1x16xi32>,
      %get3A_918 = arith.constant 3 : i32
      %get3A_919 = arith.index_cast %get3A_918 : i32 to index
      %get3A_920 = arith.constant 16 : index
      %get3A_921 = tpu.vector_load %arg10[%get3A_919, %get3A_920] {strides = array<i32>} : memref<4x128xi32, #tpu.memory_space<vmem>>, vector<1x16xi32>,
      %get3A_922 = vector.shape_cast %get3A_921 : vector<1x16xi32> to vector<16xi32>
      %add3A_923 = vector.broadcast %mul3A_2 : i32 to vector<16xi32>
      %add3A_924 = arith.addi %get3A_922, %add3A_923 : vector<16xi32>
      %swap3A_925 = arith.constant 3 : i32
      %swap3A_926 = arith.index_cast %swap3A_925 : i32 to index
      %swap3A_927 = arith.constant 16 : index
      %swap3A_928 = tpu.vector_load %arg10[%swap3A_926, %swap3A_927] {strides = array<i32>} : memref<4x128xi32, #tpu.memory_space<vmem>>, vector<1x16xi32>,
      %swap3A_929 = vector.shape_cast %swap3A_928 : vector<1x16xi32> to vector<16xi32>
      %swap3A_930 = vector.shape_cast %add3A_924 : vector<16xi32> to vector<1x16xi32>
      tpu.vector_store %arg10[%swap3A_926, %swap3A_927], %swap3A_930 {strides = array<i32>} : memref<4x128xi32, #tpu.memory_space<vmem>>, vector<1x16xi32>,
      %get3A_931 = arith.constant 3 : i32
      %get3A_932 = arith.index_cast %get3A_931 : i32 to index
      %get3A_933 = arith.constant 32 : index
      %get3A_934 = tpu.vector_load %arg10[%get3A_932, %get3A_933] {strides = array<i32>} : memref<4x128xi32, #tpu.memory_space<vmem>>, vector<1x16xi32>,
      %get3A_935 = vector.shape_cast %get3A_934 : vector<1x16xi32> to vector<16xi32>
      %add3A_936 = vector.broadcast %mul3A_2 : i32 to vector<16xi32>
      %add3A_937 = arith.addi %get3A_935, %add3A_936 : vector<16xi32>
      %swap3A_938 = arith.constant 3 : i32
      %swap3A_939 = arith.index_cast %swap3A_938 : i32 to index
      %swap3A_940 = arith.constant 32 : index
      %swap3A_941 = tpu.vector_load %arg10[%swap3A_939, %swap3A_940] {strides = array<i32>} : memref<4x128xi32, #tpu.memory_space<vmem>>, vector<1x16xi32>,
      %swap3A_942 = vector.shape_cast %swap3A_941 : vector<1x16xi32> to vector<16xi32>
      %swap3A_943 = vector.shape_cast %add3A_937 : vector<16xi32> to vector<1x16xi32>
      tpu.vector_store %arg10[%swap3A_939, %swap3A_940], %swap3A_943 {strides = array<i32>} : memref<4x128xi32, #tpu.memory_space<vmem>>, vector<1x16xi32>,
      %get3A_944 = arith.constant 3 : i32
      %get3A_945 = arith.index_cast %get3A_944 : i32 to index
      %get3A_946 = arith.constant 48 : index
      %get3A_947 = tpu.vector_load %arg10[%get3A_945, %get3A_946] {strides = array<i32>} : memref<4x128xi32, #tpu.memory_space<vmem>>, vector<1x16xi32>,
      %get3A_948 = vector.shape_cast %get3A_947 : vector<1x16xi32> to vector<16xi32>
      %add3A_949 = vector.broadcast %mul3A_2 : i32 to vector<16xi32>
      %add3A_950 = arith.addi %get3A_948, %add3A_949 : vector<16xi32>
      %swap3A_951 = arith.constant 3 : i32
      %swap3A_952 = arith.index_cast %swap3A_951 : i32 to index
      %swap3A_953 = arith.constant 48 : index
      %swap3A_954 = tpu.vector_load %arg10[%swap3A_952, %swap3A_953] {strides = array<i32>} : memref<4x128xi32, #tpu.memory_space<vmem>>, vector<1x16xi32>,
      %swap3A_955 = vector.shape_cast %swap3A_954 : vector<1x16xi32> to vector<16xi32>
      %swap3A_956 = vector.shape_cast %add3A_950 : vector<16xi32> to vector<1x16xi32>
      tpu.vector_store %arg10[%swap3A_952, %swap3A_953], %swap3A_956 {strides = array<i32>} : memref<4x128xi32, #tpu.memory_space<vmem>>, vector<1x16xi32>,
      %get3A_957 = arith.constant 3 : i32
      %get3A_958 = arith.index_cast %get3A_957 : i32 to index
      %get3A_959 = arith.constant 64 : index
      %get3A_960 = tpu.vector_load %arg10[%get3A_958, %get3A_959] {strides = array<i32>} : memref<4x128xi32, #tpu.memory_space<vmem>>, vector<1x16xi32>,
      %get3A_961 = vector.shape_cast %get3A_960 : vector<1x16xi32> to vector<16xi32>
      %add3A_962 = vector.broadcast %mul3A_2 : i32 to vector<16xi32>
      %add3A_963 = arith.addi %get3A_961, %add3A_962 : vector<16xi32>
      %swap3A_964 = arith.constant 3 : i32
      %swap3A_965 = arith.index_cast %swap3A_964 : i32 to index
      %swap3A_966 = arith.constant 64 : index
      %swap3A_967 = tpu.vector_load %arg10[%swap3A_965, %swap3A_966] {strides = array<i32>} : memref<4x128xi32, #tpu.memory_space<vmem>>, vector<1x16xi32>,
      %swap3A_968 = vector.shape_cast %swap3A_967 : vector<1x16xi32> to vector<16xi32>
      %swap3A_969 = vector.shape_cast %add3A_963 : vector<16xi32> to vector<1x16xi32>
      tpu.vector_store %arg10[%swap3A_965, %swap3A_966], %swap3A_969 {strides = array<i32>} : memref<4x128xi32, #tpu.memory_space<vmem>>, vector<1x16xi32>,
      %get3A_970 = arith.constant 3 : i32
      %get3A_971 = arith.index_cast %get3A_970 : i32 to index
      %get3A_972 = arith.constant 80 : index
      %get3A_973 = tpu.vector_load %arg10[%get3A_971, %get3A_972] {strides = array<i32>} : memref<4x128xi32, #tpu.memory_space<vmem>>, vector<1x16xi32>,
      %get3A_974 = vector.shape_cast %get3A_973 : vector<1x16xi32> to vector<16xi32>
      %add3A_975 = vector.broadcast %mul3A_2 : i32 to vector<16xi32>
      %add3A_976 = arith.addi %get3A_974, %add3A_975 : vector<16xi32>
      %swap3A_977 = arith.constant 3 : i32
      %swap3A_978 = arith.index_cast %swap3A_977 : i32 to index
      %swap3A_979 = arith.constant 80 : index
      %swap3A_980 = tpu.vector_load %arg10[%swap3A_978, %swap3A_979] {strides = array<i32>} : memref<4x128xi32, #tpu.memory_space<vmem>>, vector<1x16xi32>,
      %swap3A_981 = vector.shape_cast %swap3A_980 : vector<1x16xi32> to vector<16xi32>
      %swap3A_982 = vector.shape_cast %add3A_976 : vector<16xi32> to vector<1x16xi32>
      tpu.vector_store %arg10[%swap3A_978, %swap3A_979], %swap3A_982 {strides = array<i32>} : memref<4x128xi32, #tpu.memory_space<vmem>>, vector<1x16xi32>,
      %get3A_983 = arith.constant 3 : i32
      %get3A_984 = arith.index_cast %get3A_983 : i32 to index
      %get3A_985 = arith.constant 96 : index
      %get3A_986 = tpu.vector_load %arg10[%get3A_984, %get3A_985] {strides = array<i32>} : memref<4x128xi32, #tpu.memory_space<vmem>>, vector<1x16xi32>,
      %get3A_987 = vector.shape_cast %get3A_986 : vector<1x16xi32> to vector<16xi32>
      %add3A_988 = vector.broadcast %mul3A_2 : i32 to vector<16xi32>
      %add3A_989 = arith.addi %get3A_987, %add3A_988 : vector<16xi32>
      %swap3A_990 = arith.constant 3 : i32
      %swap3A_991 = arith.index_cast %swap3A_990 : i32 to index
      %swap3A_992 = arith.constant 96 : index
      %swap3A_993 = tpu.vector_load %arg10[%swap3A_991, %swap3A_992] {strides = array<i32>} : memref<4x128xi32, #tpu.memory_space<vmem>>, vector<1x16xi32>,
      %swap3A_994 = vector.shape_cast %swap3A_993 : vector<1x16xi32> to vector<16xi32>
      %swap3A_995 = vector.shape_cast %add3A_989 : vector<16xi32> to vector<1x16xi32>
      tpu.vector_store %arg10[%swap3A_991, %swap3A_992], %swap3A_995 {strides = array<i32>} : memref<4x128xi32, #tpu.memory_space<vmem>>, vector<1x16xi32>,
      %get3A_996 = arith.constant 3 : i32
      %get3A_997 = arith.index_cast %get3A_996 : i32 to index
      %get3A_998 = arith.constant 112 : index
      %get3A_999 = tpu.vector_load %arg10[%get3A_997, %get3A_998] {strides = array<i32>} : memref<4x128xi32, #tpu.memory_space<vmem>>, vector<1x16xi32>,
      %get3A_1000 = vector.shape_cast %get3A_999 : vector<1x16xi32> to vector<16xi32>
      %add3A_1001 = vector.broadcast %mul3A_2 : i32 to vector<16xi32>
      %add3A_1002 = arith.addi %get3A_1000, %add3A_1001 : vector<16xi32>
      %swap3A_1003 = arith.constant 3 : i32
      %swap3A_1004 = arith.index_cast %swap3A_1003 : i32 to index
      %swap3A_1005 = arith.constant 112 : index
      %swap3A_1006 = tpu.vector_load %arg10[%swap3A_1004, %swap3A_1005] {strides = array<i32>} : memref<4x128xi32, #tpu.memory_space<vmem>>, vector<1x16xi32>,
      %swap3A_1007 = vector.shape_cast %swap3A_1006 : vector<1x16xi32> to vector<16xi32>
      %swap3A_1008 = vector.shape_cast %add3A_1002 : vector<16xi32> to vector<1x16xi32>
      tpu.vector_store %arg10[%swap3A_1004, %swap3A_1005], %swap3A_1008 {strides = array<i32>} : memref<4x128xi32, #tpu.memory_space<vmem>>, vector<1x16xi32>,
      %dma_start3A_1009 = arith.constant 0 : i32
      %dma_start3A_1010 = arith.constant 0 : i32
      %dma_start3A_1011 = arith.constant 0 : i32
      %dma_start3A_1012 = tpu.memref_slice %arg12[%dma_start3A_1010, %dma_start3A_1011] : memref<512x16xf32, #tpu.memory_space<vmem>> -> memref<128x16xf32, #tpu.memory_space<vmem>>
      %dma_start3A_1013 = arith.constant 0 : i32
      %dma_start3A_1014 = tpu.memref_slice %arg10[%dma_start3A_1009, %dma_start3A_1013] : memref<4x128xi32, #tpu.memory_space<vmem>> -> memref<1x128xi32, #tpu.memory_space<vmem>>
      %dma_start3A_1015 = tpu.memref_squeeze %dma_start3A_1014 : memref<1x128xi32, #tpu.memory_space<vmem>> -> memref<128xi32, #tpu.memory_space<vmem>>
      %dma_start3A_1016 = arith.constant 0 : i32
      %dma_start3A_1017 = arith.constant 0 : i32
      %dma_start3A_1018 = tpu.memref_slice %arg2[%dma_start3A_1016, %dma_start3A_1017] : memref<200000x16xf32, #tpu.memory_space<hbm>> -> memref<200000x16xf32, #tpu.memory_space<hbm>>
      tpu.enqueue_indirect_dma source(%dma_start3A_1018 : memref<200000x16xf32, #tpu.memory_space<hbm>>) target(%dma_start3A_1012 : memref<128x16xf32, #tpu.memory_space<vmem>>) offsets(%dma_start3A_1015 : memref<128xi32, #tpu.memory_space<vmem>>) semaphore(%arg17 : memref<!tpu.dma_semaphore, #tpu.memory_space<semaphore_mem>>)
      %dma_start3A_1019 = arith.constant 1 : i32
      %dma_start3A_1020 = arith.constant 128 : i32
      %dma_start3A_1021 = arith.constant 0 : i32
      %dma_start3A_1022 = tpu.memref_slice %arg12[%dma_start3A_1020, %dma_start3A_1021] : memref<512x16xf32, #tpu.memory_space<vmem>> -> memref<128x16xf32, #tpu.memory_space<vmem>>
      %dma_start3A_1023 = arith.constant 0 : i32
      %dma_start3A_1024 = tpu.memref_slice %arg10[%dma_start3A_1019, %dma_start3A_1023] : memref<4x128xi32, #tpu.memory_space<vmem>> -> memref<1x128xi32, #tpu.memory_space<vmem>>
      %dma_start3A_1025 = tpu.memref_squeeze %dma_start3A_1024 : memref<1x128xi32, #tpu.memory_space<vmem>> -> memref<128xi32, #tpu.memory_space<vmem>>
      %dma_start3A_1026 = arith.constant 0 : i32
      %dma_start3A_1027 = arith.constant 0 : i32
      %dma_start3A_1028 = tpu.memref_slice %arg2[%dma_start3A_1026, %dma_start3A_1027] : memref<200000x16xf32, #tpu.memory_space<hbm>> -> memref<200000x16xf32, #tpu.memory_space<hbm>>
      tpu.enqueue_indirect_dma source(%dma_start3A_1028 : memref<200000x16xf32, #tpu.memory_space<hbm>>) target(%dma_start3A_1022 : memref<128x16xf32, #tpu.memory_space<vmem>>) offsets(%dma_start3A_1025 : memref<128xi32, #tpu.memory_space<vmem>>) semaphore(%arg17 : memref<!tpu.dma_semaphore, #tpu.memory_space<semaphore_mem>>)
      %dma_start3A_1029 = arith.constant 2 : i32
      %dma_start3A_1030 = arith.constant 256 : i32
      %dma_start3A_1031 = arith.constant 0 : i32
      %dma_start3A_1032 = tpu.memref_slice %arg12[%dma_start3A_1030, %dma_start3A_1031] : memref<512x16xf32, #tpu.memory_space<vmem>> -> memref<128x16xf32, #tpu.memory_space<vmem>>
      %dma_start3A_1033 = arith.constant 0 : i32
      %dma_start3A_1034 = tpu.memref_slice %arg10[%dma_start3A_1029, %dma_start3A_1033] : memref<4x128xi32, #tpu.memory_space<vmem>> -> memref<1x128xi32, #tpu.memory_space<vmem>>
      %dma_start3A_1035 = tpu.memref_squeeze %dma_start3A_1034 : memref<1x128xi32, #tpu.memory_space<vmem>> -> memref<128xi32, #tpu.memory_space<vmem>>
      %dma_start3A_1036 = arith.constant 0 : i32
      %dma_start3A_1037 = arith.constant 0 : i32
      %dma_start3A_1038 = tpu.memref_slice %arg2[%dma_start3A_1036, %dma_start3A_1037] : memref<200000x16xf32, #tpu.memory_space<hbm>> -> memref<200000x16xf32, #tpu.memory_space<hbm>>
      tpu.enqueue_indirect_dma source(%dma_start3A_1038 : memref<200000x16xf32, #tpu.memory_space<hbm>>) target(%dma_start3A_1032 : memref<128x16xf32, #tpu.memory_space<vmem>>) offsets(%dma_start3A_1035 : memref<128xi32, #tpu.memory_space<vmem>>) semaphore(%arg17 : memref<!tpu.dma_semaphore, #tpu.memory_space<semaphore_mem>>)
      %dma_start3A_1039 = arith.constant 3 : i32
      %dma_start3A_1040 = arith.constant 384 : i32
      %dma_start3A_1041 = arith.constant 0 : i32
      %dma_start3A_1042 = tpu.memref_slice %arg12[%dma_start3A_1040, %dma_start3A_1041] : memref<512x16xf32, #tpu.memory_space<vmem>> -> memref<128x16xf32, #tpu.memory_space<vmem>>
      %dma_start3A_1043 = arith.constant 0 : i32
      %dma_start3A_1044 = tpu.memref_slice %arg10[%dma_start3A_1039, %dma_start3A_1043] : memref<4x128xi32, #tpu.memory_space<vmem>> -> memref<1x128xi32, #tpu.memory_space<vmem>>
      %dma_start3A_1045 = tpu.memref_squeeze %dma_start3A_1044 : memref<1x128xi32, #tpu.memory_space<vmem>> -> memref<128xi32, #tpu.memory_space<vmem>>
      %dma_start3A_1046 = arith.constant 0 : i32
      %dma_start3A_1047 = arith.constant 0 : i32
      %dma_start3A_1048 = tpu.memref_slice %arg2[%dma_start3A_1046, %dma_start3A_1047] : memref<200000x16xf32, #tpu.memory_space<hbm>> -> memref<200000x16xf32, #tpu.memory_space<hbm>>
      tpu.enqueue_indirect_dma source(%dma_start3A_1048 : memref<200000x16xf32, #tpu.memory_space<hbm>>) target(%dma_start3A_1042 : memref<128x16xf32, #tpu.memory_space<vmem>>) offsets(%dma_start3A_1045 : memref<128xi32, #tpu.memory_space<vmem>>) semaphore(%arg17 : memref<!tpu.dma_semaphore, #tpu.memory_space<semaphore_mem>>)
      %dma_wait3A_1049 = arith.constant 0 : i32
      %dma_wait3A_1050 = arith.constant 0 : i32
      %dma_wait3A_1051 = arith.constant 0 : i32
      %dma_wait3A_1052 = tpu.memref_slice %arg9[%dma_wait3A_1050, %dma_wait3A_1051] : memref<512x16xf32, #tpu.memory_space<vmem>> -> memref<128x16xf32, #tpu.memory_space<vmem>>
      %dma_wait3A_1053 = arith.constant 0 : i32
      %dma_wait3A_1054 = tpu.memref_slice %arg8[%dma_wait3A_1049, %dma_wait3A_1053] : memref<4x128xi32, #tpu.memory_space<vmem>> -> memref<1x128xi32, #tpu.memory_space<vmem>>
      %dma_wait3A_1055 = tpu.memref_squeeze %dma_wait3A_1054 : memref<1x128xi32, #tpu.memory_space<vmem>> -> memref<128xi32, #tpu.memory_space<vmem>>
      %dma_wait3A_1056 = arith.constant 0 : i32
      %dma_wait3A_1057 = arith.constant 0 : i32
      %dma_wait3A_1058 = tpu.memref_slice %arg13[%dma_wait3A_1056, %dma_wait3A_1057] : memref<104000x16xf32, #tpu.memory_space<vmem_shared>> -> memref<104000x16xf32, #tpu.memory_space<vmem_shared>>
      tpu.wait_indirect_dma semaphore(%arg15 : memref<!tpu.dma_semaphore, #tpu.memory_space<semaphore_mem>>) src(%dma_wait3A_1052 : memref<128x16xf32, #tpu.memory_space<vmem>>) dst(%dma_wait3A_1058 : memref<104000x16xf32, #tpu.memory_space<vmem_shared>>)
      %dma_wait3A_1059 = arith.constant 1 : i32
      %dma_wait3A_1060 = arith.constant 128 : i32
      %dma_wait3A_1061 = arith.constant 0 : i32
      %dma_wait3A_1062 = tpu.memref_slice %arg9[%dma_wait3A_1060, %dma_wait3A_1061] : memref<512x16xf32, #tpu.memory_space<vmem>> -> memref<128x16xf32, #tpu.memory_space<vmem>>
      %dma_wait3A_1063 = arith.constant 0 : i32
      %dma_wait3A_1064 = tpu.memref_slice %arg8[%dma_wait3A_1059, %dma_wait3A_1063] : memref<4x128xi32, #tpu.memory_space<vmem>> -> memref<1x128xi32, #tpu.memory_space<vmem>>
      %dma_wait3A_1065 = tpu.memref_squeeze %dma_wait3A_1064 : memref<1x128xi32, #tpu.memory_space<vmem>> -> memref<128xi32, #tpu.memory_space<vmem>>
      %dma_wait3A_1066 = arith.constant 0 : i32
      %dma_wait3A_1067 = arith.constant 0 : i32
      %dma_wait3A_1068 = tpu.memref_slice %arg13[%dma_wait3A_1066, %dma_wait3A_1067] : memref<104000x16xf32, #tpu.memory_space<vmem_shared>> -> memref<104000x16xf32, #tpu.memory_space<vmem_shared>>
      tpu.wait_indirect_dma semaphore(%arg15 : memref<!tpu.dma_semaphore, #tpu.memory_space<semaphore_mem>>) src(%dma_wait3A_1062 : memref<128x16xf32, #tpu.memory_space<vmem>>) dst(%dma_wait3A_1068 : memref<104000x16xf32, #tpu.memory_space<vmem_shared>>)
      %dma_wait3A_1069 = arith.constant 2 : i32
      %dma_wait3A_1070 = arith.constant 256 : i32
      %dma_wait3A_1071 = arith.constant 0 : i32
      %dma_wait3A_1072 = tpu.memref_slice %arg9[%dma_wait3A_1070, %dma_wait3A_1071] : memref<512x16xf32, #tpu.memory_space<vmem>> -> memref<128x16xf32, #tpu.memory_space<vmem>>
      %dma_wait3A_1073 = arith.constant 0 : i32
      %dma_wait3A_1074 = tpu.memref_slice %arg8[%dma_wait3A_1069, %dma_wait3A_1073] : memref<4x128xi32, #tpu.memory_space<vmem>> -> memref<1x128xi32, #tpu.memory_space<vmem>>
      %dma_wait3A_1075 = tpu.memref_squeeze %dma_wait3A_1074 : memref<1x128xi32, #tpu.memory_space<vmem>> -> memref<128xi32, #tpu.memory_space<vmem>>
      %dma_wait3A_1076 = arith.constant 0 : i32
      %dma_wait3A_1077 = arith.constant 0 : i32
      %dma_wait3A_1078 = tpu.memref_slice %arg13[%dma_wait3A_1076, %dma_wait3A_1077] : memref<104000x16xf32, #tpu.memory_space<vmem_shared>> -> memref<104000x16xf32, #tpu.memory_space<vmem_shared>>
      tpu.wait_indirect_dma semaphore(%arg15 : memref<!tpu.dma_semaphore, #tpu.memory_space<semaphore_mem>>) src(%dma_wait3A_1072 : memref<128x16xf32, #tpu.memory_space<vmem>>) dst(%dma_wait3A_1078 : memref<104000x16xf32, #tpu.memory_space<vmem_shared>>)
      %dma_wait3A_1079 = arith.constant 3 : i32
      %dma_wait3A_1080 = arith.constant 384 : i32
      %dma_wait3A_1081 = arith.constant 0 : i32
      %dma_wait3A_1082 = tpu.memref_slice %arg9[%dma_wait3A_1080, %dma_wait3A_1081] : memref<512x16xf32, #tpu.memory_space<vmem>> -> memref<128x16xf32, #tpu.memory_space<vmem>>
      %dma_wait3A_1083 = arith.constant 0 : i32
      %dma_wait3A_1084 = tpu.memref_slice %arg8[%dma_wait3A_1079, %dma_wait3A_1083] : memref<4x128xi32, #tpu.memory_space<vmem>> -> memref<1x128xi32, #tpu.memory_space<vmem>>
      %dma_wait3A_1085 = tpu.memref_squeeze %dma_wait3A_1084 : memref<1x128xi32, #tpu.memory_space<vmem>> -> memref<128xi32, #tpu.memory_space<vmem>>
      %dma_wait3A_1086 = arith.constant 0 : i32
      %dma_wait3A_1087 = arith.constant 0 : i32
      %dma_wait3A_1088 = tpu.memref_slice %arg13[%dma_wait3A_1086, %dma_wait3A_1087] : memref<104000x16xf32, #tpu.memory_space<vmem_shared>> -> memref<104000x16xf32, #tpu.memory_space<vmem_shared>>
      tpu.wait_indirect_dma semaphore(%arg15 : memref<!tpu.dma_semaphore, #tpu.memory_space<semaphore_mem>>) src(%dma_wait3A_1082 : memref<128x16xf32, #tpu.memory_space<vmem>>) dst(%dma_wait3A_1088 : memref<104000x16xf32, #tpu.memory_space<vmem_shared>>)
      %add3A_1089 = arith.constant 1 : i32
      %add3A_1090 = arith.addi %scan3A_527, %add3A_1089 : i32
      %lt3A = arith.constant 196 : i32
      %lt3A_1091 = arith.cmpi slt, %add3A_1090, %lt3A : i32
      %convert_element_type3A = arith.extui %lt3A_1091 : i1 to i32
      %cond3A = arith.constant 0 : i32
      %cond3A_1092 = arith.constant 1 : i32
      %cond3A_1093 = arith.constant 2 : i32
      %cond3A_1094 = arith.constant 3 : i32
      %cond3A_1095 = arith.constant 0 : i32
      %cond3A_1096 = arith.cmpi ne, %convert_element_type3A, %cond3A_1095 : i32
      scf.if %cond3A_1096 {
        %mul3A_1107 = arith.constant 2 : i32
        %mul3A_1108 = arith.muli %mul3A_1107, %scan3A_527 : i32
        %add3A_1109 = arith.constant 2 : i32
        %add3A_1110 = arith.addi %mul3A_1108, %add3A_1109 : i32
        %mul3A_1111 = arith.constant 1568 : i32
        %mul3A_1112 = arith.muli %arg1, %mul3A_1111 : i32
        %mul3A_1113 = arith.constant 4 : i32
        %mul3A_1114 = arith.muli %add3A_1110, %mul3A_1113 : i32
        %add3A_1115 = arith.addi %mul3A_1112, %mul3A_1114 : i32
        %dma_start3A_1116 = arith.constant 0 : i32
        %dma_start3A_1117 = tpu.memref_slice %arg3[%add3A_1115, %dma_start3A_1116] : memref<25088x128xi32, #tpu.memory_space<hbm>> -> memref<4x128xi32, #tpu.memory_space<hbm>>
        %dma_start3A_1118 = arith.constant 0 : i32
        %dma_start3A_1119 = tpu.memref_slice %arg3[%add3A_1115, %dma_start3A_1118] : memref<25088x128xi32, #tpu.memory_space<hbm>> -> memref<4x128xi32, #tpu.memory_space<hbm>>
        tpu.enqueue_dma source(%dma_start3A_1119 : memref<4x128xi32, #tpu.memory_space<hbm>>) target(%arg7 : memref<4x128xi32, #tpu.memory_space<vmem>>) target_semaphore(%arg16 : memref<!tpu.dma_semaphore, #tpu.memory_space<semaphore_mem>>)
        %dma_start3A_1120 = arith.constant 0 : i32
        %dma_start3A_1121 = tpu.memref_slice %arg4[%add3A_1115, %dma_start3A_1120] : memref<25088x128xi32, #tpu.memory_space<hbm>> -> memref<4x128xi32, #tpu.memory_space<hbm>>
        %dma_start3A_1122 = arith.constant 0 : i32
        %dma_start3A_1123 = tpu.memref_slice %arg4[%add3A_1115, %dma_start3A_1122] : memref<25088x128xi32, #tpu.memory_space<hbm>> -> memref<4x128xi32, #tpu.memory_space<hbm>>
        tpu.enqueue_dma source(%dma_start3A_1123 : memref<4x128xi32, #tpu.memory_space<hbm>>) target(%arg8 : memref<4x128xi32, #tpu.memory_space<vmem>>) target_semaphore(%arg16 : memref<!tpu.dma_semaphore, #tpu.memory_space<semaphore_mem>>)
        %dma_wait3A_1124 = arith.constant 0 : i32
        %dma_wait3A_1125 = tpu.memref_slice %arg3[%add3A_1115, %dma_wait3A_1124] : memref<25088x128xi32, #tpu.memory_space<hbm>> -> memref<4x128xi32, #tpu.memory_space<hbm>>
        %dma_wait3A_1126 = arith.constant 0 : i32
        %dma_wait3A_1127 = tpu.memref_slice %arg3[%add3A_1115, %dma_wait3A_1126] : memref<25088x128xi32, #tpu.memory_space<hbm>> -> memref<4x128xi32, #tpu.memory_space<hbm>>
        tpu.wait_dma2 semaphore(%arg16 : memref<!tpu.dma_semaphore, #tpu.memory_space<semaphore_mem>>) src(%dma_wait3A_1127 : memref<4x128xi32, #tpu.memory_space<hbm>>) dst(%arg7 : memref<4x128xi32, #tpu.memory_space<vmem>>)
        %dma_wait3A_1128 = arith.constant 0 : i32
        %dma_wait3A_1129 = tpu.memref_slice %arg4[%add3A_1115, %dma_wait3A_1128] : memref<25088x128xi32, #tpu.memory_space<hbm>> -> memref<4x128xi32, #tpu.memory_space<hbm>>
        %dma_wait3A_1130 = arith.constant 0 : i32
        %dma_wait3A_1131 = tpu.memref_slice %arg4[%add3A_1115, %dma_wait3A_1130] : memref<25088x128xi32, #tpu.memory_space<hbm>> -> memref<4x128xi32, #tpu.memory_space<hbm>>
        tpu.wait_dma2 semaphore(%arg16 : memref<!tpu.dma_semaphore, #tpu.memory_space<semaphore_mem>>) src(%dma_wait3A_1131 : memref<4x128xi32, #tpu.memory_space<hbm>>) dst(%arg8 : memref<4x128xi32, #tpu.memory_space<vmem>>)
        %get3A_1132 = arith.constant 0 : i32
        %get3A_1133 = arith.index_cast %get3A_1132 : i32 to index
        %get3A_1134 = arith.constant 0 : index
        %get3A_1135 = tpu.vector_load %arg7[%get3A_1133, %get3A_1134] {strides = array<i32>} : memref<4x128xi32, #tpu.memory_space<vmem>>, vector<1x16xi32>,
        %get3A_1136 = vector.shape_cast %get3A_1135 : vector<1x16xi32> to vector<16xi32>
        %add3A_1137 = vector.broadcast %mul3A_2 : i32 to vector<16xi32>
        %add3A_1138 = arith.addi %get3A_1136, %add3A_1137 : vector<16xi32>
        %swap3A_1139 = arith.constant 0 : i32
        %swap3A_1140 = arith.index_cast %swap3A_1139 : i32 to index
        %swap3A_1141 = arith.constant 0 : index
        %swap3A_1142 = tpu.vector_load %arg7[%swap3A_1140, %swap3A_1141] {strides = array<i32>} : memref<4x128xi32, #tpu.memory_space<vmem>>, vector<1x16xi32>,
        %swap3A_1143 = vector.shape_cast %swap3A_1142 : vector<1x16xi32> to vector<16xi32>
        %swap3A_1144 = vector.shape_cast %add3A_1138 : vector<16xi32> to vector<1x16xi32>
        tpu.vector_store %arg7[%swap3A_1140, %swap3A_1141], %swap3A_1144 {strides = array<i32>} : memref<4x128xi32, #tpu.memory_space<vmem>>, vector<1x16xi32>,
        %get3A_1145 = arith.constant 0 : i32
        %get3A_1146 = arith.index_cast %get3A_1145 : i32 to index
        %get3A_1147 = arith.constant 16 : index
        %get3A_1148 = tpu.vector_load %arg7[%get3A_1146, %get3A_1147] {strides = array<i32>} : memref<4x128xi32, #tpu.memory_space<vmem>>, vector<1x16xi32>,
        %get3A_1149 = vector.shape_cast %get3A_1148 : vector<1x16xi32> to vector<16xi32>
        %add3A_1150 = vector.broadcast %mul3A_2 : i32 to vector<16xi32>
        %add3A_1151 = arith.addi %get3A_1149, %add3A_1150 : vector<16xi32>
        %swap3A_1152 = arith.constant 0 : i32
        %swap3A_1153 = arith.index_cast %swap3A_1152 : i32 to index
        %swap3A_1154 = arith.constant 16 : index
        %swap3A_1155 = tpu.vector_load %arg7[%swap3A_1153, %swap3A_1154] {strides = array<i32>} : memref<4x128xi32, #tpu.memory_space<vmem>>, vector<1x16xi32>,
        %swap3A_1156 = vector.shape_cast %swap3A_1155 : vector<1x16xi32> to vector<16xi32>
        %swap3A_1157 = vector.shape_cast %add3A_1151 : vector<16xi32> to vector<1x16xi32>
        tpu.vector_store %arg7[%swap3A_1153, %swap3A_1154], %swap3A_1157 {strides = array<i32>} : memref<4x128xi32, #tpu.memory_space<vmem>>, vector<1x16xi32>,
        %get3A_1158 = arith.constant 0 : i32
        %get3A_1159 = arith.index_cast %get3A_1158 : i32 to index
        %get3A_1160 = arith.constant 32 : index
        %get3A_1161 = tpu.vector_load %arg7[%get3A_1159, %get3A_1160] {strides = array<i32>} : memref<4x128xi32, #tpu.memory_space<vmem>>, vector<1x16xi32>,
        %get3A_1162 = vector.shape_cast %get3A_1161 : vector<1x16xi32> to vector<16xi32>
        %add3A_1163 = vector.broadcast %mul3A_2 : i32 to vector<16xi32>
        %add3A_1164 = arith.addi %get3A_1162, %add3A_1163 : vector<16xi32>
        %swap3A_1165 = arith.constant 0 : i32
        %swap3A_1166 = arith.index_cast %swap3A_1165 : i32 to index
        %swap3A_1167 = arith.constant 32 : index
        %swap3A_1168 = tpu.vector_load %arg7[%swap3A_1166, %swap3A_1167] {strides = array<i32>} : memref<4x128xi32, #tpu.memory_space<vmem>>, vector<1x16xi32>,
        %swap3A_1169 = vector.shape_cast %swap3A_1168 : vector<1x16xi32> to vector<16xi32>
        %swap3A_1170 = vector.shape_cast %add3A_1164 : vector<16xi32> to vector<1x16xi32>
        tpu.vector_store %arg7[%swap3A_1166, %swap3A_1167], %swap3A_1170 {strides = array<i32>} : memref<4x128xi32, #tpu.memory_space<vmem>>, vector<1x16xi32>,
        %get3A_1171 = arith.constant 0 : i32
        %get3A_1172 = arith.index_cast %get3A_1171 : i32 to index
        %get3A_1173 = arith.constant 48 : index
        %get3A_1174 = tpu.vector_load %arg7[%get3A_1172, %get3A_1173] {strides = array<i32>} : memref<4x128xi32, #tpu.memory_space<vmem>>, vector<1x16xi32>,
        %get3A_1175 = vector.shape_cast %get3A_1174 : vector<1x16xi32> to vector<16xi32>
        %add3A_1176 = vector.broadcast %mul3A_2 : i32 to vector<16xi32>
        %add3A_1177 = arith.addi %get3A_1175, %add3A_1176 : vector<16xi32>
        %swap3A_1178 = arith.constant 0 : i32
        %swap3A_1179 = arith.index_cast %swap3A_1178 : i32 to index
        %swap3A_1180 = arith.constant 48 : index
        %swap3A_1181 = tpu.vector_load %arg7[%swap3A_1179, %swap3A_1180] {strides = array<i32>} : memref<4x128xi32, #tpu.memory_space<vmem>>, vector<1x16xi32>,
        %swap3A_1182 = vector.shape_cast %swap3A_1181 : vector<1x16xi32> to vector<16xi32>
        %swap3A_1183 = vector.shape_cast %add3A_1177 : vector<16xi32> to vector<1x16xi32>
        tpu.vector_store %arg7[%swap3A_1179, %swap3A_1180], %swap3A_1183 {strides = array<i32>} : memref<4x128xi32, #tpu.memory_space<vmem>>, vector<1x16xi32>,
        %get3A_1184 = arith.constant 0 : i32
        %get3A_1185 = arith.index_cast %get3A_1184 : i32 to index
        %get3A_1186 = arith.constant 64 : index
        %get3A_1187 = tpu.vector_load %arg7[%get3A_1185, %get3A_1186] {strides = array<i32>} : memref<4x128xi32, #tpu.memory_space<vmem>>, vector<1x16xi32>,
        %get3A_1188 = vector.shape_cast %get3A_1187 : vector<1x16xi32> to vector<16xi32>
        %add3A_1189 = vector.broadcast %mul3A_2 : i32 to vector<16xi32>
        %add3A_1190 = arith.addi %get3A_1188, %add3A_1189 : vector<16xi32>
        %swap3A_1191 = arith.constant 0 : i32
        %swap3A_1192 = arith.index_cast %swap3A_1191 : i32 to index
        %swap3A_1193 = arith.constant 64 : index
        %swap3A_1194 = tpu.vector_load %arg7[%swap3A_1192, %swap3A_1193] {strides = array<i32>} : memref<4x128xi32, #tpu.memory_space<vmem>>, vector<1x16xi32>,
        %swap3A_1195 = vector.shape_cast %swap3A_1194 : vector<1x16xi32> to vector<16xi32>
        %swap3A_1196 = vector.shape_cast %add3A_1190 : vector<16xi32> to vector<1x16xi32>
        tpu.vector_store %arg7[%swap3A_1192, %swap3A_1193], %swap3A_1196 {strides = array<i32>} : memref<4x128xi32, #tpu.memory_space<vmem>>, vector<1x16xi32>,
        %get3A_1197 = arith.constant 0 : i32
        %get3A_1198 = arith.index_cast %get3A_1197 : i32 to index
        %get3A_1199 = arith.constant 80 : index
        %get3A_1200 = tpu.vector_load %arg7[%get3A_1198, %get3A_1199] {strides = array<i32>} : memref<4x128xi32, #tpu.memory_space<vmem>>, vector<1x16xi32>,
        %get3A_1201 = vector.shape_cast %get3A_1200 : vector<1x16xi32> to vector<16xi32>
        %add3A_1202 = vector.broadcast %mul3A_2 : i32 to vector<16xi32>
        %add3A_1203 = arith.addi %get3A_1201, %add3A_1202 : vector<16xi32>
        %swap3A_1204 = arith.constant 0 : i32
        %swap3A_1205 = arith.index_cast %swap3A_1204 : i32 to index
        %swap3A_1206 = arith.constant 80 : index
        %swap3A_1207 = tpu.vector_load %arg7[%swap3A_1205, %swap3A_1206] {strides = array<i32>} : memref<4x128xi32, #tpu.memory_space<vmem>>, vector<1x16xi32>,
        %swap3A_1208 = vector.shape_cast %swap3A_1207 : vector<1x16xi32> to vector<16xi32>
        %swap3A_1209 = vector.shape_cast %add3A_1203 : vector<16xi32> to vector<1x16xi32>
        tpu.vector_store %arg7[%swap3A_1205, %swap3A_1206], %swap3A_1209 {strides = array<i32>} : memref<4x128xi32, #tpu.memory_space<vmem>>, vector<1x16xi32>,
        %get3A_1210 = arith.constant 0 : i32
        %get3A_1211 = arith.index_cast %get3A_1210 : i32 to index
        %get3A_1212 = arith.constant 96 : index
        %get3A_1213 = tpu.vector_load %arg7[%get3A_1211, %get3A_1212] {strides = array<i32>} : memref<4x128xi32, #tpu.memory_space<vmem>>, vector<1x16xi32>,
        %get3A_1214 = vector.shape_cast %get3A_1213 : vector<1x16xi32> to vector<16xi32>
        %add3A_1215 = vector.broadcast %mul3A_2 : i32 to vector<16xi32>
        %add3A_1216 = arith.addi %get3A_1214, %add3A_1215 : vector<16xi32>
        %swap3A_1217 = arith.constant 0 : i32
        %swap3A_1218 = arith.index_cast %swap3A_1217 : i32 to index
        %swap3A_1219 = arith.constant 96 : index
        %swap3A_1220 = tpu.vector_load %arg7[%swap3A_1218, %swap3A_1219] {strides = array<i32>} : memref<4x128xi32, #tpu.memory_space<vmem>>, vector<1x16xi32>,
        %swap3A_1221 = vector.shape_cast %swap3A_1220 : vector<1x16xi32> to vector<16xi32>
        %swap3A_1222 = vector.shape_cast %add3A_1216 : vector<16xi32> to vector<1x16xi32>
        tpu.vector_store %arg7[%swap3A_1218, %swap3A_1219], %swap3A_1222 {strides = array<i32>} : memref<4x128xi32, #tpu.memory_space<vmem>>, vector<1x16xi32>,
        %get3A_1223 = arith.constant 0 : i32
        %get3A_1224 = arith.index_cast %get3A_1223 : i32 to index
        %get3A_1225 = arith.constant 112 : index
        %get3A_1226 = tpu.vector_load %arg7[%get3A_1224, %get3A_1225] {strides = array<i32>} : memref<4x128xi32, #tpu.memory_space<vmem>>, vector<1x16xi32>,
        %get3A_1227 = vector.shape_cast %get3A_1226 : vector<1x16xi32> to vector<16xi32>
        %add3A_1228 = vector.broadcast %mul3A_2 : i32 to vector<16xi32>
        %add3A_1229 = arith.addi %get3A_1227, %add3A_1228 : vector<16xi32>
        %swap3A_1230 = arith.constant 0 : i32
        %swap3A_1231 = arith.index_cast %swap3A_1230 : i32 to index
        %swap3A_1232 = arith.constant 112 : index
        %swap3A_1233 = tpu.vector_load %arg7[%swap3A_1231, %swap3A_1232] {strides = array<i32>} : memref<4x128xi32, #tpu.memory_space<vmem>>, vector<1x16xi32>,
        %swap3A_1234 = vector.shape_cast %swap3A_1233 : vector<1x16xi32> to vector<16xi32>
        %swap3A_1235 = vector.shape_cast %add3A_1229 : vector<16xi32> to vector<1x16xi32>
        tpu.vector_store %arg7[%swap3A_1231, %swap3A_1232], %swap3A_1235 {strides = array<i32>} : memref<4x128xi32, #tpu.memory_space<vmem>>, vector<1x16xi32>,
        %get3A_1236 = arith.constant 1 : i32
        %get3A_1237 = arith.index_cast %get3A_1236 : i32 to index
        %get3A_1238 = arith.constant 0 : index
        %get3A_1239 = tpu.vector_load %arg7[%get3A_1237, %get3A_1238] {strides = array<i32>} : memref<4x128xi32, #tpu.memory_space<vmem>>, vector<1x16xi32>,
        %get3A_1240 = vector.shape_cast %get3A_1239 : vector<1x16xi32> to vector<16xi32>
        %add3A_1241 = vector.broadcast %mul3A_2 : i32 to vector<16xi32>
        %add3A_1242 = arith.addi %get3A_1240, %add3A_1241 : vector<16xi32>
        %swap3A_1243 = arith.constant 1 : i32
        %swap3A_1244 = arith.index_cast %swap3A_1243 : i32 to index
        %swap3A_1245 = arith.constant 0 : index
        %swap3A_1246 = tpu.vector_load %arg7[%swap3A_1244, %swap3A_1245] {strides = array<i32>} : memref<4x128xi32, #tpu.memory_space<vmem>>, vector<1x16xi32>,
        %swap3A_1247 = vector.shape_cast %swap3A_1246 : vector<1x16xi32> to vector<16xi32>
        %swap3A_1248 = vector.shape_cast %add3A_1242 : vector<16xi32> to vector<1x16xi32>
        tpu.vector_store %arg7[%swap3A_1244, %swap3A_1245], %swap3A_1248 {strides = array<i32>} : memref<4x128xi32, #tpu.memory_space<vmem>>, vector<1x16xi32>,
        %get3A_1249 = arith.constant 1 : i32
        %get3A_1250 = arith.index_cast %get3A_1249 : i32 to index
        %get3A_1251 = arith.constant 16 : index
        %get3A_1252 = tpu.vector_load %arg7[%get3A_1250, %get3A_1251] {strides = array<i32>} : memref<4x128xi32, #tpu.memory_space<vmem>>, vector<1x16xi32>,
        %get3A_1253 = vector.shape_cast %get3A_1252 : vector<1x16xi32> to vector<16xi32>
        %add3A_1254 = vector.broadcast %mul3A_2 : i32 to vector<16xi32>
        %add3A_1255 = arith.addi %get3A_1253, %add3A_1254 : vector<16xi32>
        %swap3A_1256 = arith.constant 1 : i32
        %swap3A_1257 = arith.index_cast %swap3A_1256 : i32 to index
        %swap3A_1258 = arith.constant 16 : index
        %swap3A_1259 = tpu.vector_load %arg7[%swap3A_1257, %swap3A_1258] {strides = array<i32>} : memref<4x128xi32, #tpu.memory_space<vmem>>, vector<1x16xi32>,
        %swap3A_1260 = vector.shape_cast %swap3A_1259 : vector<1x16xi32> to vector<16xi32>
        %swap3A_1261 = vector.shape_cast %add3A_1255 : vector<16xi32> to vector<1x16xi32>
        tpu.vector_store %arg7[%swap3A_1257, %swap3A_1258], %swap3A_1261 {strides = array<i32>} : memref<4x128xi32, #tpu.memory_space<vmem>>, vector<1x16xi32>,
        %get3A_1262 = arith.constant 1 : i32
        %get3A_1263 = arith.index_cast %get3A_1262 : i32 to index
        %get3A_1264 = arith.constant 32 : index
        %get3A_1265 = tpu.vector_load %arg7[%get3A_1263, %get3A_1264] {strides = array<i32>} : memref<4x128xi32, #tpu.memory_space<vmem>>, vector<1x16xi32>,
        %get3A_1266 = vector.shape_cast %get3A_1265 : vector<1x16xi32> to vector<16xi32>
        %add3A_1267 = vector.broadcast %mul3A_2 : i32 to vector<16xi32>
        %add3A_1268 = arith.addi %get3A_1266, %add3A_1267 : vector<16xi32>
        %swap3A_1269 = arith.constant 1 : i32
        %swap3A_1270 = arith.index_cast %swap3A_1269 : i32 to index
        %swap3A_1271 = arith.constant 32 : index
        %swap3A_1272 = tpu.vector_load %arg7[%swap3A_1270, %swap3A_1271] {strides = array<i32>} : memref<4x128xi32, #tpu.memory_space<vmem>>, vector<1x16xi32>,
        %swap3A_1273 = vector.shape_cast %swap3A_1272 : vector<1x16xi32> to vector<16xi32>
        %swap3A_1274 = vector.shape_cast %add3A_1268 : vector<16xi32> to vector<1x16xi32>
        tpu.vector_store %arg7[%swap3A_1270, %swap3A_1271], %swap3A_1274 {strides = array<i32>} : memref<4x128xi32, #tpu.memory_space<vmem>>, vector<1x16xi32>,
        %get3A_1275 = arith.constant 1 : i32
        %get3A_1276 = arith.index_cast %get3A_1275 : i32 to index
        %get3A_1277 = arith.constant 48 : index
        %get3A_1278 = tpu.vector_load %arg7[%get3A_1276, %get3A_1277] {strides = array<i32>} : memref<4x128xi32, #tpu.memory_space<vmem>>, vector<1x16xi32>,
        %get3A_1279 = vector.shape_cast %get3A_1278 : vector<1x16xi32> to vector<16xi32>
        %add3A_1280 = vector.broadcast %mul3A_2 : i32 to vector<16xi32>
        %add3A_1281 = arith.addi %get3A_1279, %add3A_1280 : vector<16xi32>
        %swap3A_1282 = arith.constant 1 : i32
        %swap3A_1283 = arith.index_cast %swap3A_1282 : i32 to index
        %swap3A_1284 = arith.constant 48 : index
        %swap3A_1285 = tpu.vector_load %arg7[%swap3A_1283, %swap3A_1284] {strides = array<i32>} : memref<4x128xi32, #tpu.memory_space<vmem>>, vector<1x16xi32>,
        %swap3A_1286 = vector.shape_cast %swap3A_1285 : vector<1x16xi32> to vector<16xi32>
        %swap3A_1287 = vector.shape_cast %add3A_1281 : vector<16xi32> to vector<1x16xi32>
        tpu.vector_store %arg7[%swap3A_1283, %swap3A_1284], %swap3A_1287 {strides = array<i32>} : memref<4x128xi32, #tpu.memory_space<vmem>>, vector<1x16xi32>,
        %get3A_1288 = arith.constant 1 : i32
        %get3A_1289 = arith.index_cast %get3A_1288 : i32 to index
        %get3A_1290 = arith.constant 64 : index
        %get3A_1291 = tpu.vector_load %arg7[%get3A_1289, %get3A_1290] {strides = array<i32>} : memref<4x128xi32, #tpu.memory_space<vmem>>, vector<1x16xi32>,
        %get3A_1292 = vector.shape_cast %get3A_1291 : vector<1x16xi32> to vector<16xi32>
        %add3A_1293 = vector.broadcast %mul3A_2 : i32 to vector<16xi32>
        %add3A_1294 = arith.addi %get3A_1292, %add3A_1293 : vector<16xi32>
        %swap3A_1295 = arith.constant 1 : i32
        %swap3A_1296 = arith.index_cast %swap3A_1295 : i32 to index
        %swap3A_1297 = arith.constant 64 : index
        %swap3A_1298 = tpu.vector_load %arg7[%swap3A_1296, %swap3A_1297] {strides = array<i32>} : memref<4x128xi32, #tpu.memory_space<vmem>>, vector<1x16xi32>,
        %swap3A_1299 = vector.shape_cast %swap3A_1298 : vector<1x16xi32> to vector<16xi32>
        %swap3A_1300 = vector.shape_cast %add3A_1294 : vector<16xi32> to vector<1x16xi32>
        tpu.vector_store %arg7[%swap3A_1296, %swap3A_1297], %swap3A_1300 {strides = array<i32>} : memref<4x128xi32, #tpu.memory_space<vmem>>, vector<1x16xi32>,
        %get3A_1301 = arith.constant 1 : i32
        %get3A_1302 = arith.index_cast %get3A_1301 : i32 to index
        %get3A_1303 = arith.constant 80 : index
        %get3A_1304 = tpu.vector_load %arg7[%get3A_1302, %get3A_1303] {strides = array<i32>} : memref<4x128xi32, #tpu.memory_space<vmem>>, vector<1x16xi32>,
        %get3A_1305 = vector.shape_cast %get3A_1304 : vector<1x16xi32> to vector<16xi32>
        %add3A_1306 = vector.broadcast %mul3A_2 : i32 to vector<16xi32>
        %add3A_1307 = arith.addi %get3A_1305, %add3A_1306 : vector<16xi32>
        %swap3A_1308 = arith.constant 1 : i32
        %swap3A_1309 = arith.index_cast %swap3A_1308 : i32 to index
        %swap3A_1310 = arith.constant 80 : index
        %swap3A_1311 = tpu.vector_load %arg7[%swap3A_1309, %swap3A_1310] {strides = array<i32>} : memref<4x128xi32, #tpu.memory_space<vmem>>, vector<1x16xi32>,
        %swap3A_1312 = vector.shape_cast %swap3A_1311 : vector<1x16xi32> to vector<16xi32>
        %swap3A_1313 = vector.shape_cast %add3A_1307 : vector<16xi32> to vector<1x16xi32>
        tpu.vector_store %arg7[%swap3A_1309, %swap3A_1310], %swap3A_1313 {strides = array<i32>} : memref<4x128xi32, #tpu.memory_space<vmem>>, vector<1x16xi32>,
        %get3A_1314 = arith.constant 1 : i32
        %get3A_1315 = arith.index_cast %get3A_1314 : i32 to index
        %get3A_1316 = arith.constant 96 : index
        %get3A_1317 = tpu.vector_load %arg7[%get3A_1315, %get3A_1316] {strides = array<i32>} : memref<4x128xi32, #tpu.memory_space<vmem>>, vector<1x16xi32>,
        %get3A_1318 = vector.shape_cast %get3A_1317 : vector<1x16xi32> to vector<16xi32>
        %add3A_1319 = vector.broadcast %mul3A_2 : i32 to vector<16xi32>
        %add3A_1320 = arith.addi %get3A_1318, %add3A_1319 : vector<16xi32>
        %swap3A_1321 = arith.constant 1 : i32
        %swap3A_1322 = arith.index_cast %swap3A_1321 : i32 to index
        %swap3A_1323 = arith.constant 96 : index
        %swap3A_1324 = tpu.vector_load %arg7[%swap3A_1322, %swap3A_1323] {strides = array<i32>} : memref<4x128xi32, #tpu.memory_space<vmem>>, vector<1x16xi32>,
        %swap3A_1325 = vector.shape_cast %swap3A_1324 : vector<1x16xi32> to vector<16xi32>
        %swap3A_1326 = vector.shape_cast %add3A_1320 : vector<16xi32> to vector<1x16xi32>
        tpu.vector_store %arg7[%swap3A_1322, %swap3A_1323], %swap3A_1326 {strides = array<i32>} : memref<4x128xi32, #tpu.memory_space<vmem>>, vector<1x16xi32>,
        %get3A_1327 = arith.constant 1 : i32
        %get3A_1328 = arith.index_cast %get3A_1327 : i32 to index
        %get3A_1329 = arith.constant 112 : index
        %get3A_1330 = tpu.vector_load %arg7[%get3A_1328, %get3A_1329] {strides = array<i32>} : memref<4x128xi32, #tpu.memory_space<vmem>>, vector<1x16xi32>,
        %get3A_1331 = vector.shape_cast %get3A_1330 : vector<1x16xi32> to vector<16xi32>
        %add3A_1332 = vector.broadcast %mul3A_2 : i32 to vector<16xi32>
        %add3A_1333 = arith.addi %get3A_1331, %add3A_1332 : vector<16xi32>
        %swap3A_1334 = arith.constant 1 : i32
        %swap3A_1335 = arith.index_cast %swap3A_1334 : i32 to index
        %swap3A_1336 = arith.constant 112 : index
        %swap3A_1337 = tpu.vector_load %arg7[%swap3A_1335, %swap3A_1336] {strides = array<i32>} : memref<4x128xi32, #tpu.memory_space<vmem>>, vector<1x16xi32>,
        %swap3A_1338 = vector.shape_cast %swap3A_1337 : vector<1x16xi32> to vector<16xi32>
        %swap3A_1339 = vector.shape_cast %add3A_1333 : vector<16xi32> to vector<1x16xi32>
        tpu.vector_store %arg7[%swap3A_1335, %swap3A_1336], %swap3A_1339 {strides = array<i32>} : memref<4x128xi32, #tpu.memory_space<vmem>>, vector<1x16xi32>,
        %get3A_1340 = arith.constant 2 : i32
        %get3A_1341 = arith.index_cast %get3A_1340 : i32 to index
        %get3A_1342 = arith.constant 0 : index
        %get3A_1343 = tpu.vector_load %arg7[%get3A_1341, %get3A_1342] {strides = array<i32>} : memref<4x128xi32, #tpu.memory_space<vmem>>, vector<1x16xi32>,
        %get3A_1344 = vector.shape_cast %get3A_1343 : vector<1x16xi32> to vector<16xi32>
        %add3A_1345 = vector.broadcast %mul3A_2 : i32 to vector<16xi32>
        %add3A_1346 = arith.addi %get3A_1344, %add3A_1345 : vector<16xi32>
        %swap3A_1347 = arith.constant 2 : i32
        %swap3A_1348 = arith.index_cast %swap3A_1347 : i32 to index
        %swap3A_1349 = arith.constant 0 : index
        %swap3A_1350 = tpu.vector_load %arg7[%swap3A_1348, %swap3A_1349] {strides = array<i32>} : memref<4x128xi32, #tpu.memory_space<vmem>>, vector<1x16xi32>,
        %swap3A_1351 = vector.shape_cast %swap3A_1350 : vector<1x16xi32> to vector<16xi32>
        %swap3A_1352 = vector.shape_cast %add3A_1346 : vector<16xi32> to vector<1x16xi32>
        tpu.vector_store %arg7[%swap3A_1348, %swap3A_1349], %swap3A_1352 {strides = array<i32>} : memref<4x128xi32, #tpu.memory_space<vmem>>, vector<1x16xi32>,
        %get3A_1353 = arith.constant 2 : i32
        %get3A_1354 = arith.index_cast %get3A_1353 : i32 to index
        %get3A_1355 = arith.constant 16 : index
        %get3A_1356 = tpu.vector_load %arg7[%get3A_1354, %get3A_1355] {strides = array<i32>} : memref<4x128xi32, #tpu.memory_space<vmem>>, vector<1x16xi32>,
        %get3A_1357 = vector.shape_cast %get3A_1356 : vector<1x16xi32> to vector<16xi32>
        %add3A_1358 = vector.broadcast %mul3A_2 : i32 to vector<16xi32>
        %add3A_1359 = arith.addi %get3A_1357, %add3A_1358 : vector<16xi32>
        %swap3A_1360 = arith.constant 2 : i32
        %swap3A_1361 = arith.index_cast %swap3A_1360 : i32 to index
        %swap3A_1362 = arith.constant 16 : index
        %swap3A_1363 = tpu.vector_load %arg7[%swap3A_1361, %swap3A_1362] {strides = array<i32>} : memref<4x128xi32, #tpu.memory_space<vmem>>, vector<1x16xi32>,
        %swap3A_1364 = vector.shape_cast %swap3A_1363 : vector<1x16xi32> to vector<16xi32>
        %swap3A_1365 = vector.shape_cast %add3A_1359 : vector<16xi32> to vector<1x16xi32>
        tpu.vector_store %arg7[%swap3A_1361, %swap3A_1362], %swap3A_1365 {strides = array<i32>} : memref<4x128xi32, #tpu.memory_space<vmem>>, vector<1x16xi32>,
        %get3A_1366 = arith.constant 2 : i32
        %get3A_1367 = arith.index_cast %get3A_1366 : i32 to index
        %get3A_1368 = arith.constant 32 : index
        %get3A_1369 = tpu.vector_load %arg7[%get3A_1367, %get3A_1368] {strides = array<i32>} : memref<4x128xi32, #tpu.memory_space<vmem>>, vector<1x16xi32>,
        %get3A_1370 = vector.shape_cast %get3A_1369 : vector<1x16xi32> to vector<16xi32>
        %add3A_1371 = vector.broadcast %mul3A_2 : i32 to vector<16xi32>
        %add3A_1372 = arith.addi %get3A_1370, %add3A_1371 : vector<16xi32>
        %swap3A_1373 = arith.constant 2 : i32
        %swap3A_1374 = arith.index_cast %swap3A_1373 : i32 to index
        %swap3A_1375 = arith.constant 32 : index
        %swap3A_1376 = tpu.vector_load %arg7[%swap3A_1374, %swap3A_1375] {strides = array<i32>} : memref<4x128xi32, #tpu.memory_space<vmem>>, vector<1x16xi32>,
        %swap3A_1377 = vector.shape_cast %swap3A_1376 : vector<1x16xi32> to vector<16xi32>
        %swap3A_1378 = vector.shape_cast %add3A_1372 : vector<16xi32> to vector<1x16xi32>
        tpu.vector_store %arg7[%swap3A_1374, %swap3A_1375], %swap3A_1378 {strides = array<i32>} : memref<4x128xi32, #tpu.memory_space<vmem>>, vector<1x16xi32>,
        %get3A_1379 = arith.constant 2 : i32
        %get3A_1380 = arith.index_cast %get3A_1379 : i32 to index
        %get3A_1381 = arith.constant 48 : index
        %get3A_1382 = tpu.vector_load %arg7[%get3A_1380, %get3A_1381] {strides = array<i32>} : memref<4x128xi32, #tpu.memory_space<vmem>>, vector<1x16xi32>,
        %get3A_1383 = vector.shape_cast %get3A_1382 : vector<1x16xi32> to vector<16xi32>
        %add3A_1384 = vector.broadcast %mul3A_2 : i32 to vector<16xi32>
        %add3A_1385 = arith.addi %get3A_1383, %add3A_1384 : vector<16xi32>
        %swap3A_1386 = arith.constant 2 : i32
        %swap3A_1387 = arith.index_cast %swap3A_1386 : i32 to index
        %swap3A_1388 = arith.constant 48 : index
        %swap3A_1389 = tpu.vector_load %arg7[%swap3A_1387, %swap3A_1388] {strides = array<i32>} : memref<4x128xi32, #tpu.memory_space<vmem>>, vector<1x16xi32>,
        %swap3A_1390 = vector.shape_cast %swap3A_1389 : vector<1x16xi32> to vector<16xi32>
        %swap3A_1391 = vector.shape_cast %add3A_1385 : vector<16xi32> to vector<1x16xi32>
        tpu.vector_store %arg7[%swap3A_1387, %swap3A_1388], %swap3A_1391 {strides = array<i32>} : memref<4x128xi32, #tpu.memory_space<vmem>>, vector<1x16xi32>,
        %get3A_1392 = arith.constant 2 : i32
        %get3A_1393 = arith.index_cast %get3A_1392 : i32 to index
        %get3A_1394 = arith.constant 64 : index
        %get3A_1395 = tpu.vector_load %arg7[%get3A_1393, %get3A_1394] {strides = array<i32>} : memref<4x128xi32, #tpu.memory_space<vmem>>, vector<1x16xi32>,
        %get3A_1396 = vector.shape_cast %get3A_1395 : vector<1x16xi32> to vector<16xi32>
        %add3A_1397 = vector.broadcast %mul3A_2 : i32 to vector<16xi32>
        %add3A_1398 = arith.addi %get3A_1396, %add3A_1397 : vector<16xi32>
        %swap3A_1399 = arith.constant 2 : i32
        %swap3A_1400 = arith.index_cast %swap3A_1399 : i32 to index
        %swap3A_1401 = arith.constant 64 : index
        %swap3A_1402 = tpu.vector_load %arg7[%swap3A_1400, %swap3A_1401] {strides = array<i32>} : memref<4x128xi32, #tpu.memory_space<vmem>>, vector<1x16xi32>,
        %swap3A_1403 = vector.shape_cast %swap3A_1402 : vector<1x16xi32> to vector<16xi32>
        %swap3A_1404 = vector.shape_cast %add3A_1398 : vector<16xi32> to vector<1x16xi32>
        tpu.vector_store %arg7[%swap3A_1400, %swap3A_1401], %swap3A_1404 {strides = array<i32>} : memref<4x128xi32, #tpu.memory_space<vmem>>, vector<1x16xi32>,
        %get3A_1405 = arith.constant 2 : i32
        %get3A_1406 = arith.index_cast %get3A_1405 : i32 to index
        %get3A_1407 = arith.constant 80 : index
        %get3A_1408 = tpu.vector_load %arg7[%get3A_1406, %get3A_1407] {strides = array<i32>} : memref<4x128xi32, #tpu.memory_space<vmem>>, vector<1x16xi32>,
        %get3A_1409 = vector.shape_cast %get3A_1408 : vector<1x16xi32> to vector<16xi32>
        %add3A_1410 = vector.broadcast %mul3A_2 : i32 to vector<16xi32>
        %add3A_1411 = arith.addi %get3A_1409, %add3A_1410 : vector<16xi32>
        %swap3A_1412 = arith.constant 2 : i32
        %swap3A_1413 = arith.index_cast %swap3A_1412 : i32 to index
        %swap3A_1414 = arith.constant 80 : index
        %swap3A_1415 = tpu.vector_load %arg7[%swap3A_1413, %swap3A_1414] {strides = array<i32>} : memref<4x128xi32, #tpu.memory_space<vmem>>, vector<1x16xi32>,
        %swap3A_1416 = vector.shape_cast %swap3A_1415 : vector<1x16xi32> to vector<16xi32>
        %swap3A_1417 = vector.shape_cast %add3A_1411 : vector<16xi32> to vector<1x16xi32>
        tpu.vector_store %arg7[%swap3A_1413, %swap3A_1414], %swap3A_1417 {strides = array<i32>} : memref<4x128xi32, #tpu.memory_space<vmem>>, vector<1x16xi32>,
        %get3A_1418 = arith.constant 2 : i32
        %get3A_1419 = arith.index_cast %get3A_1418 : i32 to index
        %get3A_1420 = arith.constant 96 : index
        %get3A_1421 = tpu.vector_load %arg7[%get3A_1419, %get3A_1420] {strides = array<i32>} : memref<4x128xi32, #tpu.memory_space<vmem>>, vector<1x16xi32>,
        %get3A_1422 = vector.shape_cast %get3A_1421 : vector<1x16xi32> to vector<16xi32>
        %add3A_1423 = vector.broadcast %mul3A_2 : i32 to vector<16xi32>
        %add3A_1424 = arith.addi %get3A_1422, %add3A_1423 : vector<16xi32>
        %swap3A_1425 = arith.constant 2 : i32
        %swap3A_1426 = arith.index_cast %swap3A_1425 : i32 to index
        %swap3A_1427 = arith.constant 96 : index
        %swap3A_1428 = tpu.vector_load %arg7[%swap3A_1426, %swap3A_1427] {strides = array<i32>} : memref<4x128xi32, #tpu.memory_space<vmem>>, vector<1x16xi32>,
        %swap3A_1429 = vector.shape_cast %swap3A_1428 : vector<1x16xi32> to vector<16xi32>
        %swap3A_1430 = vector.shape_cast %add3A_1424 : vector<16xi32> to vector<1x16xi32>
        tpu.vector_store %arg7[%swap3A_1426, %swap3A_1427], %swap3A_1430 {strides = array<i32>} : memref<4x128xi32, #tpu.memory_space<vmem>>, vector<1x16xi32>,
        %get3A_1431 = arith.constant 2 : i32
        %get3A_1432 = arith.index_cast %get3A_1431 : i32 to index
        %get3A_1433 = arith.constant 112 : index
        %get3A_1434 = tpu.vector_load %arg7[%get3A_1432, %get3A_1433] {strides = array<i32>} : memref<4x128xi32, #tpu.memory_space<vmem>>, vector<1x16xi32>,
        %get3A_1435 = vector.shape_cast %get3A_1434 : vector<1x16xi32> to vector<16xi32>
        %add3A_1436 = vector.broadcast %mul3A_2 : i32 to vector<16xi32>
        %add3A_1437 = arith.addi %get3A_1435, %add3A_1436 : vector<16xi32>
        %swap3A_1438 = arith.constant 2 : i32
        %swap3A_1439 = arith.index_cast %swap3A_1438 : i32 to index
        %swap3A_1440 = arith.constant 112 : index
        %swap3A_1441 = tpu.vector_load %arg7[%swap3A_1439, %swap3A_1440] {strides = array<i32>} : memref<4x128xi32, #tpu.memory_space<vmem>>, vector<1x16xi32>,
        %swap3A_1442 = vector.shape_cast %swap3A_1441 : vector<1x16xi32> to vector<16xi32>
        %swap3A_1443 = vector.shape_cast %add3A_1437 : vector<16xi32> to vector<1x16xi32>
        tpu.vector_store %arg7[%swap3A_1439, %swap3A_1440], %swap3A_1443 {strides = array<i32>} : memref<4x128xi32, #tpu.memory_space<vmem>>, vector<1x16xi32>,
        %get3A_1444 = arith.constant 3 : i32
        %get3A_1445 = arith.index_cast %get3A_1444 : i32 to index
        %get3A_1446 = arith.constant 0 : index
        %get3A_1447 = tpu.vector_load %arg7[%get3A_1445, %get3A_1446] {strides = array<i32>} : memref<4x128xi32, #tpu.memory_space<vmem>>, vector<1x16xi32>,
        %get3A_1448 = vector.shape_cast %get3A_1447 : vector<1x16xi32> to vector<16xi32>
        %add3A_1449 = vector.broadcast %mul3A_2 : i32 to vector<16xi32>
        %add3A_1450 = arith.addi %get3A_1448, %add3A_1449 : vector<16xi32>
        %swap3A_1451 = arith.constant 3 : i32
        %swap3A_1452 = arith.index_cast %swap3A_1451 : i32 to index
        %swap3A_1453 = arith.constant 0 : index
        %swap3A_1454 = tpu.vector_load %arg7[%swap3A_1452, %swap3A_1453] {strides = array<i32>} : memref<4x128xi32, #tpu.memory_space<vmem>>, vector<1x16xi32>,
        %swap3A_1455 = vector.shape_cast %swap3A_1454 : vector<1x16xi32> to vector<16xi32>
        %swap3A_1456 = vector.shape_cast %add3A_1450 : vector<16xi32> to vector<1x16xi32>
        tpu.vector_store %arg7[%swap3A_1452, %swap3A_1453], %swap3A_1456 {strides = array<i32>} : memref<4x128xi32, #tpu.memory_space<vmem>>, vector<1x16xi32>,
        %get3A_1457 = arith.constant 3 : i32
        %get3A_1458 = arith.index_cast %get3A_1457 : i32 to index
        %get3A_1459 = arith.constant 16 : index
        %get3A_1460 = tpu.vector_load %arg7[%get3A_1458, %get3A_1459] {strides = array<i32>} : memref<4x128xi32, #tpu.memory_space<vmem>>, vector<1x16xi32>,
        %get3A_1461 = vector.shape_cast %get3A_1460 : vector<1x16xi32> to vector<16xi32>
        %add3A_1462 = vector.broadcast %mul3A_2 : i32 to vector<16xi32>
        %add3A_1463 = arith.addi %get3A_1461, %add3A_1462 : vector<16xi32>
        %swap3A_1464 = arith.constant 3 : i32
        %swap3A_1465 = arith.index_cast %swap3A_1464 : i32 to index
        %swap3A_1466 = arith.constant 16 : index
        %swap3A_1467 = tpu.vector_load %arg7[%swap3A_1465, %swap3A_1466] {strides = array<i32>} : memref<4x128xi32, #tpu.memory_space<vmem>>, vector<1x16xi32>,
        %swap3A_1468 = vector.shape_cast %swap3A_1467 : vector<1x16xi32> to vector<16xi32>
        %swap3A_1469 = vector.shape_cast %add3A_1463 : vector<16xi32> to vector<1x16xi32>
        tpu.vector_store %arg7[%swap3A_1465, %swap3A_1466], %swap3A_1469 {strides = array<i32>} : memref<4x128xi32, #tpu.memory_space<vmem>>, vector<1x16xi32>,
        %get3A_1470 = arith.constant 3 : i32
        %get3A_1471 = arith.index_cast %get3A_1470 : i32 to index
        %get3A_1472 = arith.constant 32 : index
        %get3A_1473 = tpu.vector_load %arg7[%get3A_1471, %get3A_1472] {strides = array<i32>} : memref<4x128xi32, #tpu.memory_space<vmem>>, vector<1x16xi32>,
        %get3A_1474 = vector.shape_cast %get3A_1473 : vector<1x16xi32> to vector<16xi32>
        %add3A_1475 = vector.broadcast %mul3A_2 : i32 to vector<16xi32>
        %add3A_1476 = arith.addi %get3A_1474, %add3A_1475 : vector<16xi32>
        %swap3A_1477 = arith.constant 3 : i32
        %swap3A_1478 = arith.index_cast %swap3A_1477 : i32 to index
        %swap3A_1479 = arith.constant 32 : index
        %swap3A_1480 = tpu.vector_load %arg7[%swap3A_1478, %swap3A_1479] {strides = array<i32>} : memref<4x128xi32, #tpu.memory_space<vmem>>, vector<1x16xi32>,
        %swap3A_1481 = vector.shape_cast %swap3A_1480 : vector<1x16xi32> to vector<16xi32>
        %swap3A_1482 = vector.shape_cast %add3A_1476 : vector<16xi32> to vector<1x16xi32>
        tpu.vector_store %arg7[%swap3A_1478, %swap3A_1479], %swap3A_1482 {strides = array<i32>} : memref<4x128xi32, #tpu.memory_space<vmem>>, vector<1x16xi32>,
        %get3A_1483 = arith.constant 3 : i32
        %get3A_1484 = arith.index_cast %get3A_1483 : i32 to index
        %get3A_1485 = arith.constant 48 : index
        %get3A_1486 = tpu.vector_load %arg7[%get3A_1484, %get3A_1485] {strides = array<i32>} : memref<4x128xi32, #tpu.memory_space<vmem>>, vector<1x16xi32>,
        %get3A_1487 = vector.shape_cast %get3A_1486 : vector<1x16xi32> to vector<16xi32>
        %add3A_1488 = vector.broadcast %mul3A_2 : i32 to vector<16xi32>
        %add3A_1489 = arith.addi %get3A_1487, %add3A_1488 : vector<16xi32>
        %swap3A_1490 = arith.constant 3 : i32
        %swap3A_1491 = arith.index_cast %swap3A_1490 : i32 to index
        %swap3A_1492 = arith.constant 48 : index
        %swap3A_1493 = tpu.vector_load %arg7[%swap3A_1491, %swap3A_1492] {strides = array<i32>} : memref<4x128xi32, #tpu.memory_space<vmem>>, vector<1x16xi32>,
        %swap3A_1494 = vector.shape_cast %swap3A_1493 : vector<1x16xi32> to vector<16xi32>
        %swap3A_1495 = vector.shape_cast %add3A_1489 : vector<16xi32> to vector<1x16xi32>
        tpu.vector_store %arg7[%swap3A_1491, %swap3A_1492], %swap3A_1495 {strides = array<i32>} : memref<4x128xi32, #tpu.memory_space<vmem>>, vector<1x16xi32>,
        %get3A_1496 = arith.constant 3 : i32
        %get3A_1497 = arith.index_cast %get3A_1496 : i32 to index
        %get3A_1498 = arith.constant 64 : index
        %get3A_1499 = tpu.vector_load %arg7[%get3A_1497, %get3A_1498] {strides = array<i32>} : memref<4x128xi32, #tpu.memory_space<vmem>>, vector<1x16xi32>,
        %get3A_1500 = vector.shape_cast %get3A_1499 : vector<1x16xi32> to vector<16xi32>
        %add3A_1501 = vector.broadcast %mul3A_2 : i32 to vector<16xi32>
        %add3A_1502 = arith.addi %get3A_1500, %add3A_1501 : vector<16xi32>
        %swap3A_1503 = arith.constant 3 : i32
        %swap3A_1504 = arith.index_cast %swap3A_1503 : i32 to index
        %swap3A_1505 = arith.constant 64 : index
        %swap3A_1506 = tpu.vector_load %arg7[%swap3A_1504, %swap3A_1505] {strides = array<i32>} : memref<4x128xi32, #tpu.memory_space<vmem>>, vector<1x16xi32>,
        %swap3A_1507 = vector.shape_cast %swap3A_1506 : vector<1x16xi32> to vector<16xi32>
        %swap3A_1508 = vector.shape_cast %add3A_1502 : vector<16xi32> to vector<1x16xi32>
        tpu.vector_store %arg7[%swap3A_1504, %swap3A_1505], %swap3A_1508 {strides = array<i32>} : memref<4x128xi32, #tpu.memory_space<vmem>>, vector<1x16xi32>,
        %get3A_1509 = arith.constant 3 : i32
        %get3A_1510 = arith.index_cast %get3A_1509 : i32 to index
        %get3A_1511 = arith.constant 80 : index
        %get3A_1512 = tpu.vector_load %arg7[%get3A_1510, %get3A_1511] {strides = array<i32>} : memref<4x128xi32, #tpu.memory_space<vmem>>, vector<1x16xi32>,
        %get3A_1513 = vector.shape_cast %get3A_1512 : vector<1x16xi32> to vector<16xi32>
        %add3A_1514 = vector.broadcast %mul3A_2 : i32 to vector<16xi32>
        %add3A_1515 = arith.addi %get3A_1513, %add3A_1514 : vector<16xi32>
        %swap3A_1516 = arith.constant 3 : i32
        %swap3A_1517 = arith.index_cast %swap3A_1516 : i32 to index
        %swap3A_1518 = arith.constant 80 : index
        %swap3A_1519 = tpu.vector_load %arg7[%swap3A_1517, %swap3A_1518] {strides = array<i32>} : memref<4x128xi32, #tpu.memory_space<vmem>>, vector<1x16xi32>,
        %swap3A_1520 = vector.shape_cast %swap3A_1519 : vector<1x16xi32> to vector<16xi32>
        %swap3A_1521 = vector.shape_cast %add3A_1515 : vector<16xi32> to vector<1x16xi32>
        tpu.vector_store %arg7[%swap3A_1517, %swap3A_1518], %swap3A_1521 {strides = array<i32>} : memref<4x128xi32, #tpu.memory_space<vmem>>, vector<1x16xi32>,
        %get3A_1522 = arith.constant 3 : i32
        %get3A_1523 = arith.index_cast %get3A_1522 : i32 to index
        %get3A_1524 = arith.constant 96 : index
        %get3A_1525 = tpu.vector_load %arg7[%get3A_1523, %get3A_1524] {strides = array<i32>} : memref<4x128xi32, #tpu.memory_space<vmem>>, vector<1x16xi32>,
        %get3A_1526 = vector.shape_cast %get3A_1525 : vector<1x16xi32> to vector<16xi32>
        %add3A_1527 = vector.broadcast %mul3A_2 : i32 to vector<16xi32>
        %add3A_1528 = arith.addi %get3A_1526, %add3A_1527 : vector<16xi32>
        %swap3A_1529 = arith.constant 3 : i32
        %swap3A_1530 = arith.index_cast %swap3A_1529 : i32 to index
        %swap3A_1531 = arith.constant 96 : index
        %swap3A_1532 = tpu.vector_load %arg7[%swap3A_1530, %swap3A_1531] {strides = array<i32>} : memref<4x128xi32, #tpu.memory_space<vmem>>, vector<1x16xi32>,
        %swap3A_1533 = vector.shape_cast %swap3A_1532 : vector<1x16xi32> to vector<16xi32>
        %swap3A_1534 = vector.shape_cast %add3A_1528 : vector<16xi32> to vector<1x16xi32>
        tpu.vector_store %arg7[%swap3A_1530, %swap3A_1531], %swap3A_1534 {strides = array<i32>} : memref<4x128xi32, #tpu.memory_space<vmem>>, vector<1x16xi32>,
        %get3A_1535 = arith.constant 3 : i32
        %get3A_1536 = arith.index_cast %get3A_1535 : i32 to index
        %get3A_1537 = arith.constant 112 : index
        %get3A_1538 = tpu.vector_load %arg7[%get3A_1536, %get3A_1537] {strides = array<i32>} : memref<4x128xi32, #tpu.memory_space<vmem>>, vector<1x16xi32>,
        %get3A_1539 = vector.shape_cast %get3A_1538 : vector<1x16xi32> to vector<16xi32>
        %add3A_1540 = vector.broadcast %mul3A_2 : i32 to vector<16xi32>
        %add3A_1541 = arith.addi %get3A_1539, %add3A_1540 : vector<16xi32>
        %swap3A_1542 = arith.constant 3 : i32
        %swap3A_1543 = arith.index_cast %swap3A_1542 : i32 to index
        %swap3A_1544 = arith.constant 112 : index
        %swap3A_1545 = tpu.vector_load %arg7[%swap3A_1543, %swap3A_1544] {strides = array<i32>} : memref<4x128xi32, #tpu.memory_space<vmem>>, vector<1x16xi32>,
        %swap3A_1546 = vector.shape_cast %swap3A_1545 : vector<1x16xi32> to vector<16xi32>
        %swap3A_1547 = vector.shape_cast %add3A_1541 : vector<16xi32> to vector<1x16xi32>
        tpu.vector_store %arg7[%swap3A_1543, %swap3A_1544], %swap3A_1547 {strides = array<i32>} : memref<4x128xi32, #tpu.memory_space<vmem>>, vector<1x16xi32>,
        %dma_start3A_1548 = arith.constant 0 : i32
        %dma_start3A_1549 = arith.constant 0 : i32
        %dma_start3A_1550 = arith.constant 0 : i32
        %dma_start3A_1551 = tpu.memref_slice %arg9[%dma_start3A_1549, %dma_start3A_1550] : memref<512x16xf32, #tpu.memory_space<vmem>> -> memref<128x16xf32, #tpu.memory_space<vmem>>
        %dma_start3A_1552 = arith.constant 0 : i32
        %dma_start3A_1553 = tpu.memref_slice %arg7[%dma_start3A_1548, %dma_start3A_1552] : memref<4x128xi32, #tpu.memory_space<vmem>> -> memref<1x128xi32, #tpu.memory_space<vmem>>
        %dma_start3A_1554 = tpu.memref_squeeze %dma_start3A_1553 : memref<1x128xi32, #tpu.memory_space<vmem>> -> memref<128xi32, #tpu.memory_space<vmem>>
        %dma_start3A_1555 = arith.constant 0 : i32
        %dma_start3A_1556 = arith.constant 0 : i32
        %dma_start3A_1557 = tpu.memref_slice %arg2[%dma_start3A_1555, %dma_start3A_1556] : memref<200000x16xf32, #tpu.memory_space<hbm>> -> memref<200000x16xf32, #tpu.memory_space<hbm>>
        tpu.enqueue_indirect_dma source(%dma_start3A_1557 : memref<200000x16xf32, #tpu.memory_space<hbm>>) target(%dma_start3A_1551 : memref<128x16xf32, #tpu.memory_space<vmem>>) offsets(%dma_start3A_1554 : memref<128xi32, #tpu.memory_space<vmem>>) semaphore(%arg14 : memref<!tpu.dma_semaphore, #tpu.memory_space<semaphore_mem>>)
        %dma_start3A_1558 = arith.constant 1 : i32
        %dma_start3A_1559 = arith.constant 128 : i32
        %dma_start3A_1560 = arith.constant 0 : i32
        %dma_start3A_1561 = tpu.memref_slice %arg9[%dma_start3A_1559, %dma_start3A_1560] : memref<512x16xf32, #tpu.memory_space<vmem>> -> memref<128x16xf32, #tpu.memory_space<vmem>>
        %dma_start3A_1562 = arith.constant 0 : i32
        %dma_start3A_1563 = tpu.memref_slice %arg7[%dma_start3A_1558, %dma_start3A_1562] : memref<4x128xi32, #tpu.memory_space<vmem>> -> memref<1x128xi32, #tpu.memory_space<vmem>>
        %dma_start3A_1564 = tpu.memref_squeeze %dma_start3A_1563 : memref<1x128xi32, #tpu.memory_space<vmem>> -> memref<128xi32, #tpu.memory_space<vmem>>
        %dma_start3A_1565 = arith.constant 0 : i32
        %dma_start3A_1566 = arith.constant 0 : i32
        %dma_start3A_1567 = tpu.memref_slice %arg2[%dma_start3A_1565, %dma_start3A_1566] : memref<200000x16xf32, #tpu.memory_space<hbm>> -> memref<200000x16xf32, #tpu.memory_space<hbm>>
        tpu.enqueue_indirect_dma source(%dma_start3A_1567 : memref<200000x16xf32, #tpu.memory_space<hbm>>) target(%dma_start3A_1561 : memref<128x16xf32, #tpu.memory_space<vmem>>) offsets(%dma_start3A_1564 : memref<128xi32, #tpu.memory_space<vmem>>) semaphore(%arg14 : memref<!tpu.dma_semaphore, #tpu.memory_space<semaphore_mem>>)
        %dma_start3A_1568 = arith.constant 2 : i32
        %dma_start3A_1569 = arith.constant 256 : i32
        %dma_start3A_1570 = arith.constant 0 : i32
        %dma_start3A_1571 = tpu.memref_slice %arg9[%dma_start3A_1569, %dma_start3A_1570] : memref<512x16xf32, #tpu.memory_space<vmem>> -> memref<128x16xf32, #tpu.memory_space<vmem>>
        %dma_start3A_1572 = arith.constant 0 : i32
        %dma_start3A_1573 = tpu.memref_slice %arg7[%dma_start3A_1568, %dma_start3A_1572] : memref<4x128xi32, #tpu.memory_space<vmem>> -> memref<1x128xi32, #tpu.memory_space<vmem>>
        %dma_start3A_1574 = tpu.memref_squeeze %dma_start3A_1573 : memref<1x128xi32, #tpu.memory_space<vmem>> -> memref<128xi32, #tpu.memory_space<vmem>>
        %dma_start3A_1575 = arith.constant 0 : i32
        %dma_start3A_1576 = arith.constant 0 : i32
        %dma_start3A_1577 = tpu.memref_slice %arg2[%dma_start3A_1575, %dma_start3A_1576] : memref<200000x16xf32, #tpu.memory_space<hbm>> -> memref<200000x16xf32, #tpu.memory_space<hbm>>
        tpu.enqueue_indirect_dma source(%dma_start3A_1577 : memref<200000x16xf32, #tpu.memory_space<hbm>>) target(%dma_start3A_1571 : memref<128x16xf32, #tpu.memory_space<vmem>>) offsets(%dma_start3A_1574 : memref<128xi32, #tpu.memory_space<vmem>>) semaphore(%arg14 : memref<!tpu.dma_semaphore, #tpu.memory_space<semaphore_mem>>)
        %dma_start3A_1578 = arith.constant 3 : i32
        %dma_start3A_1579 = arith.constant 384 : i32
        %dma_start3A_1580 = arith.constant 0 : i32
        %dma_start3A_1581 = tpu.memref_slice %arg9[%dma_start3A_1579, %dma_start3A_1580] : memref<512x16xf32, #tpu.memory_space<vmem>> -> memref<128x16xf32, #tpu.memory_space<vmem>>
        %dma_start3A_1582 = arith.constant 0 : i32
        %dma_start3A_1583 = tpu.memref_slice %arg7[%dma_start3A_1578, %dma_start3A_1582] : memref<4x128xi32, #tpu.memory_space<vmem>> -> memref<1x128xi32, #tpu.memory_space<vmem>>
        %dma_start3A_1584 = tpu.memref_squeeze %dma_start3A_1583 : memref<1x128xi32, #tpu.memory_space<vmem>> -> memref<128xi32, #tpu.memory_space<vmem>>
        %dma_start3A_1585 = arith.constant 0 : i32
        %dma_start3A_1586 = arith.constant 0 : i32
        %dma_start3A_1587 = tpu.memref_slice %arg2[%dma_start3A_1585, %dma_start3A_1586] : memref<200000x16xf32, #tpu.memory_space<hbm>> -> memref<200000x16xf32, #tpu.memory_space<hbm>>
        tpu.enqueue_indirect_dma source(%dma_start3A_1587 : memref<200000x16xf32, #tpu.memory_space<hbm>>) target(%dma_start3A_1581 : memref<128x16xf32, #tpu.memory_space<vmem>>) offsets(%dma_start3A_1584 : memref<128xi32, #tpu.memory_space<vmem>>) semaphore(%arg14 : memref<!tpu.dma_semaphore, #tpu.memory_space<semaphore_mem>>)
        %dma_wait3A_1588 = arith.constant 0 : i32
        %dma_wait3A_1589 = arith.constant 0 : i32
        %dma_wait3A_1590 = tpu.memref_slice %arg12[%dma_wait3A_1588, %dma_wait3A_1589] : memref<512x16xf32, #tpu.memory_space<vmem>> -> memref<128x16xf32, #tpu.memory_space<vmem>>
        %dma_wait3A_1591 = arith.constant 0 : i32
        %dma_wait3A_1592 = tpu.memref_slice %arg10[%cond3A, %dma_wait3A_1591] : memref<4x128xi32, #tpu.memory_space<vmem>> -> memref<1x128xi32, #tpu.memory_space<vmem>>
        %dma_wait3A_1593 = tpu.memref_squeeze %dma_wait3A_1592 : memref<1x128xi32, #tpu.memory_space<vmem>> -> memref<128xi32, #tpu.memory_space<vmem>>
        %dma_wait3A_1594 = arith.constant 0 : i32
        %dma_wait3A_1595 = arith.constant 0 : i32
        %dma_wait3A_1596 = tpu.memref_slice %arg2[%dma_wait3A_1594, %dma_wait3A_1595] : memref<200000x16xf32, #tpu.memory_space<hbm>> -> memref<200000x16xf32, #tpu.memory_space<hbm>>
        tpu.wait_indirect_dma semaphore(%arg17 : memref<!tpu.dma_semaphore, #tpu.memory_space<semaphore_mem>>) src(%dma_wait3A_1596 : memref<200000x16xf32, #tpu.memory_space<hbm>>) dst(%dma_wait3A_1590 : memref<128x16xf32, #tpu.memory_space<vmem>>)
        %dma_wait3A_1597 = arith.constant 128 : i32
        %dma_wait3A_1598 = arith.constant 0 : i32
        %dma_wait3A_1599 = tpu.memref_slice %arg12[%dma_wait3A_1597, %dma_wait3A_1598] : memref<512x16xf32, #tpu.memory_space<vmem>> -> memref<128x16xf32, #tpu.memory_space<vmem>>
        %dma_wait3A_1600 = arith.constant 0 : i32
        %dma_wait3A_1601 = tpu.memref_slice %arg10[%cond3A_1092, %dma_wait3A_1600] : memref<4x128xi32, #tpu.memory_space<vmem>> -> memref<1x128xi32, #tpu.memory_space<vmem>>
        %dma_wait3A_1602 = tpu.memref_squeeze %dma_wait3A_1601 : memref<1x128xi32, #tpu.memory_space<vmem>> -> memref<128xi32, #tpu.memory_space<vmem>>
        %dma_wait3A_1603 = arith.constant 0 : i32
        %dma_wait3A_1604 = arith.constant 0 : i32
        %dma_wait3A_1605 = tpu.memref_slice %arg2[%dma_wait3A_1603, %dma_wait3A_1604] : memref<200000x16xf32, #tpu.memory_space<hbm>> -> memref<200000x16xf32, #tpu.memory_space<hbm>>
        tpu.wait_indirect_dma semaphore(%arg17 : memref<!tpu.dma_semaphore, #tpu.memory_space<semaphore_mem>>) src(%dma_wait3A_1605 : memref<200000x16xf32, #tpu.memory_space<hbm>>) dst(%dma_wait3A_1599 : memref<128x16xf32, #tpu.memory_space<vmem>>)
        %dma_wait3A_1606 = arith.constant 256 : i32
        %dma_wait3A_1607 = arith.constant 0 : i32
        %dma_wait3A_1608 = tpu.memref_slice %arg12[%dma_wait3A_1606, %dma_wait3A_1607] : memref<512x16xf32, #tpu.memory_space<vmem>> -> memref<128x16xf32, #tpu.memory_space<vmem>>
        %dma_wait3A_1609 = arith.constant 0 : i32
        %dma_wait3A_1610 = tpu.memref_slice %arg10[%cond3A_1093, %dma_wait3A_1609] : memref<4x128xi32, #tpu.memory_space<vmem>> -> memref<1x128xi32, #tpu.memory_space<vmem>>
        %dma_wait3A_1611 = tpu.memref_squeeze %dma_wait3A_1610 : memref<1x128xi32, #tpu.memory_space<vmem>> -> memref<128xi32, #tpu.memory_space<vmem>>
        %dma_wait3A_1612 = arith.constant 0 : i32
        %dma_wait3A_1613 = arith.constant 0 : i32
        %dma_wait3A_1614 = tpu.memref_slice %arg2[%dma_wait3A_1612, %dma_wait3A_1613] : memref<200000x16xf32, #tpu.memory_space<hbm>> -> memref<200000x16xf32, #tpu.memory_space<hbm>>
        tpu.wait_indirect_dma semaphore(%arg17 : memref<!tpu.dma_semaphore, #tpu.memory_space<semaphore_mem>>) src(%dma_wait3A_1614 : memref<200000x16xf32, #tpu.memory_space<hbm>>) dst(%dma_wait3A_1608 : memref<128x16xf32, #tpu.memory_space<vmem>>)
        %dma_wait3A_1615 = arith.constant 384 : i32
        %dma_wait3A_1616 = arith.constant 0 : i32
        %dma_wait3A_1617 = tpu.memref_slice %arg12[%dma_wait3A_1615, %dma_wait3A_1616] : memref<512x16xf32, #tpu.memory_space<vmem>> -> memref<128x16xf32, #tpu.memory_space<vmem>>
        %dma_wait3A_1618 = arith.constant 0 : i32
        %dma_wait3A_1619 = tpu.memref_slice %arg10[%cond3A_1094, %dma_wait3A_1618] : memref<4x128xi32, #tpu.memory_space<vmem>> -> memref<1x128xi32, #tpu.memory_space<vmem>>
        %dma_wait3A_1620 = tpu.memref_squeeze %dma_wait3A_1619 : memref<1x128xi32, #tpu.memory_space<vmem>> -> memref<128xi32, #tpu.memory_space<vmem>>
        %dma_wait3A_1621 = arith.constant 0 : i32
        %dma_wait3A_1622 = arith.constant 0 : i32
        %dma_wait3A_1623 = tpu.memref_slice %arg2[%dma_wait3A_1621, %dma_wait3A_1622] : memref<200000x16xf32, #tpu.memory_space<hbm>> -> memref<200000x16xf32, #tpu.memory_space<hbm>>
        tpu.wait_indirect_dma semaphore(%arg17 : memref<!tpu.dma_semaphore, #tpu.memory_space<semaphore_mem>>) src(%dma_wait3A_1623 : memref<200000x16xf32, #tpu.memory_space<hbm>>) dst(%dma_wait3A_1617 : memref<128x16xf32, #tpu.memory_space<vmem>>)
        %dma_start3A_1624 = arith.constant 0 : i32
        %dma_start3A_1625 = arith.constant 0 : i32
        %dma_start3A_1626 = arith.constant 0 : i32
        %dma_start3A_1627 = tpu.memref_slice %arg12[%dma_start3A_1625, %dma_start3A_1626] : memref<512x16xf32, #tpu.memory_space<vmem>> -> memref<128x16xf32, #tpu.memory_space<vmem>>
        %dma_start3A_1628 = arith.constant 0 : i32
        %dma_start3A_1629 = tpu.memref_slice %arg11[%dma_start3A_1624, %dma_start3A_1628] : memref<4x128xi32, #tpu.memory_space<vmem>> -> memref<1x128xi32, #tpu.memory_space<vmem>>
        %dma_start3A_1630 = tpu.memref_squeeze %dma_start3A_1629 : memref<1x128xi32, #tpu.memory_space<vmem>> -> memref<128xi32, #tpu.memory_space<vmem>>
        %dma_start3A_1631 = arith.constant 0 : i32
        %dma_start3A_1632 = arith.constant 0 : i32
        %dma_start3A_1633 = tpu.memref_slice %arg13[%dma_start3A_1631, %dma_start3A_1632] : memref<104000x16xf32, #tpu.memory_space<vmem_shared>> -> memref<104000x16xf32, #tpu.memory_space<vmem_shared>>
        tpu.enqueue_indirect_dma source(%dma_start3A_1627 : memref<128x16xf32, #tpu.memory_space<vmem>>) target(%dma_start3A_1633 : memref<104000x16xf32, #tpu.memory_space<vmem_shared>>) offsets(%dma_start3A_1630 : memref<128xi32, #tpu.memory_space<vmem>>) semaphore(%arg18 : memref<!tpu.dma_semaphore, #tpu.memory_space<semaphore_mem>>) {add = true}
        %dma_start3A_1634 = arith.constant 1 : i32
        %dma_start3A_1635 = arith.constant 128 : i32
        %dma_start3A_1636 = arith.constant 0 : i32
        %dma_start3A_1637 = tpu.memref_slice %arg12[%dma_start3A_1635, %dma_start3A_1636] : memref<512x16xf32, #tpu.memory_space<vmem>> -> memref<128x16xf32, #tpu.memory_space<vmem>>
        %dma_start3A_1638 = arith.constant 0 : i32
        %dma_start3A_1639 = tpu.memref_slice %arg11[%dma_start3A_1634, %dma_start3A_1638] : memref<4x128xi32, #tpu.memory_space<vmem>> -> memref<1x128xi32, #tpu.memory_space<vmem>>
        %dma_start3A_1640 = tpu.memref_squeeze %dma_start3A_1639 : memref<1x128xi32, #tpu.memory_space<vmem>> -> memref<128xi32, #tpu.memory_space<vmem>>
        %dma_start3A_1641 = arith.constant 0 : i32
        %dma_start3A_1642 = arith.constant 0 : i32
        %dma_start3A_1643 = tpu.memref_slice %arg13[%dma_start3A_1641, %dma_start3A_1642] : memref<104000x16xf32, #tpu.memory_space<vmem_shared>> -> memref<104000x16xf32, #tpu.memory_space<vmem_shared>>
        tpu.enqueue_indirect_dma source(%dma_start3A_1637 : memref<128x16xf32, #tpu.memory_space<vmem>>) target(%dma_start3A_1643 : memref<104000x16xf32, #tpu.memory_space<vmem_shared>>) offsets(%dma_start3A_1640 : memref<128xi32, #tpu.memory_space<vmem>>) semaphore(%arg18 : memref<!tpu.dma_semaphore, #tpu.memory_space<semaphore_mem>>) {add = true}
        %dma_start3A_1644 = arith.constant 2 : i32
        %dma_start3A_1645 = arith.constant 256 : i32
        %dma_start3A_1646 = arith.constant 0 : i32
        %dma_start3A_1647 = tpu.memref_slice %arg12[%dma_start3A_1645, %dma_start3A_1646] : memref<512x16xf32, #tpu.memory_space<vmem>> -> memref<128x16xf32, #tpu.memory_space<vmem>>
        %dma_start3A_1648 = arith.constant 0 : i32
        %dma_start3A_1649 = tpu.memref_slice %arg11[%dma_start3A_1644, %dma_start3A_1648] : memref<4x128xi32, #tpu.memory_space<vmem>> -> memref<1x128xi32, #tpu.memory_space<vmem>>
        %dma_start3A_1650 = tpu.memref_squeeze %dma_start3A_1649 : memref<1x128xi32, #tpu.memory_space<vmem>> -> memref<128xi32, #tpu.memory_space<vmem>>
        %dma_start3A_1651 = arith.constant 0 : i32
        %dma_start3A_1652 = arith.constant 0 : i32
        %dma_start3A_1653 = tpu.memref_slice %arg13[%dma_start3A_1651, %dma_start3A_1652] : memref<104000x16xf32, #tpu.memory_space<vmem_shared>> -> memref<104000x16xf32, #tpu.memory_space<vmem_shared>>
        tpu.enqueue_indirect_dma source(%dma_start3A_1647 : memref<128x16xf32, #tpu.memory_space<vmem>>) target(%dma_start3A_1653 : memref<104000x16xf32, #tpu.memory_space<vmem_shared>>) offsets(%dma_start3A_1650 : memref<128xi32, #tpu.memory_space<vmem>>) semaphore(%arg18 : memref<!tpu.dma_semaphore, #tpu.memory_space<semaphore_mem>>) {add = true}
        %dma_start3A_1654 = arith.constant 3 : i32
        %dma_start3A_1655 = arith.constant 384 : i32
        %dma_start3A_1656 = arith.constant 0 : i32
        %dma_start3A_1657 = tpu.memref_slice %arg12[%dma_start3A_1655, %dma_start3A_1656] : memref<512x16xf32, #tpu.memory_space<vmem>> -> memref<128x16xf32, #tpu.memory_space<vmem>>
        %dma_start3A_1658 = arith.constant 0 : i32
        %dma_start3A_1659 = tpu.memref_slice %arg11[%dma_start3A_1654, %dma_start3A_1658] : memref<4x128xi32, #tpu.memory_space<vmem>> -> memref<1x128xi32, #tpu.memory_space<vmem>>
        %dma_start3A_1660 = tpu.memref_squeeze %dma_start3A_1659 : memref<1x128xi32, #tpu.memory_space<vmem>> -> memref<128xi32, #tpu.memory_space<vmem>>
        %dma_start3A_1661 = arith.constant 0 : i32
        %dma_start3A_1662 = arith.constant 0 : i32
        %dma_start3A_1663 = tpu.memref_slice %arg13[%dma_start3A_1661, %dma_start3A_1662] : memref<104000x16xf32, #tpu.memory_space<vmem_shared>> -> memref<104000x16xf32, #tpu.memory_space<vmem_shared>>
        tpu.enqueue_indirect_dma source(%dma_start3A_1657 : memref<128x16xf32, #tpu.memory_space<vmem>>) target(%dma_start3A_1663 : memref<104000x16xf32, #tpu.memory_space<vmem_shared>>) offsets(%dma_start3A_1660 : memref<128xi32, #tpu.memory_space<vmem>>) semaphore(%arg18 : memref<!tpu.dma_semaphore, #tpu.memory_space<semaphore_mem>>) {add = true}
        %dma_wait3A_1664 = arith.constant 0 : i32
        %dma_wait3A_1665 = arith.constant 0 : i32
        %dma_wait3A_1666 = arith.constant 0 : i32
        %dma_wait3A_1667 = tpu.memref_slice %arg12[%dma_wait3A_1665, %dma_wait3A_1666] : memref<512x16xf32, #tpu.memory_space<vmem>> -> memref<128x16xf32, #tpu.memory_space<vmem>>
        %dma_wait3A_1668 = arith.constant 0 : i32
        %dma_wait3A_1669 = tpu.memref_slice %arg11[%dma_wait3A_1664, %dma_wait3A_1668] : memref<4x128xi32, #tpu.memory_space<vmem>> -> memref<1x128xi32, #tpu.memory_space<vmem>>
        %dma_wait3A_1670 = tpu.memref_squeeze %dma_wait3A_1669 : memref<1x128xi32, #tpu.memory_space<vmem>> -> memref<128xi32, #tpu.memory_space<vmem>>
        %dma_wait3A_1671 = arith.constant 0 : i32
        %dma_wait3A_1672 = arith.constant 0 : i32
        %dma_wait3A_1673 = tpu.memref_slice %arg13[%dma_wait3A_1671, %dma_wait3A_1672] : memref<104000x16xf32, #tpu.memory_space<vmem_shared>> -> memref<104000x16xf32, #tpu.memory_space<vmem_shared>>
        tpu.wait_indirect_dma semaphore(%arg18 : memref<!tpu.dma_semaphore, #tpu.memory_space<semaphore_mem>>) src(%dma_wait3A_1667 : memref<128x16xf32, #tpu.memory_space<vmem>>) dst(%dma_wait3A_1673 : memref<104000x16xf32, #tpu.memory_space<vmem_shared>>)
        %dma_wait3A_1674 = arith.constant 1 : i32
        %dma_wait3A_1675 = arith.constant 128 : i32
        %dma_wait3A_1676 = arith.constant 0 : i32
        %dma_wait3A_1677 = tpu.memref_slice %arg12[%dma_wait3A_1675, %dma_wait3A_1676] : memref<512x16xf32, #tpu.memory_space<vmem>> -> memref<128x16xf32, #tpu.memory_space<vmem>>
        %dma_wait3A_1678 = arith.constant 0 : i32
        %dma_wait3A_1679 = tpu.memref_slice %arg11[%dma_wait3A_1674, %dma_wait3A_1678] : memref<4x128xi32, #tpu.memory_space<vmem>> -> memref<1x128xi32, #tpu.memory_space<vmem>>
        %dma_wait3A_1680 = tpu.memref_squeeze %dma_wait3A_1679 : memref<1x128xi32, #tpu.memory_space<vmem>> -> memref<128xi32, #tpu.memory_space<vmem>>
        %dma_wait3A_1681 = arith.constant 0 : i32
        %dma_wait3A_1682 = arith.constant 0 : i32
        %dma_wait3A_1683 = tpu.memref_slice %arg13[%dma_wait3A_1681, %dma_wait3A_1682] : memref<104000x16xf32, #tpu.memory_space<vmem_shared>> -> memref<104000x16xf32, #tpu.memory_space<vmem_shared>>
        tpu.wait_indirect_dma semaphore(%arg18 : memref<!tpu.dma_semaphore, #tpu.memory_space<semaphore_mem>>) src(%dma_wait3A_1677 : memref<128x16xf32, #tpu.memory_space<vmem>>) dst(%dma_wait3A_1683 : memref<104000x16xf32, #tpu.memory_space<vmem_shared>>)
        %dma_wait3A_1684 = arith.constant 2 : i32
        %dma_wait3A_1685 = arith.constant 256 : i32
        %dma_wait3A_1686 = arith.constant 0 : i32
        %dma_wait3A_1687 = tpu.memref_slice %arg12[%dma_wait3A_1685, %dma_wait3A_1686] : memref<512x16xf32, #tpu.memory_space<vmem>> -> memref<128x16xf32, #tpu.memory_space<vmem>>
        %dma_wait3A_1688 = arith.constant 0 : i32
        %dma_wait3A_1689 = tpu.memref_slice %arg11[%dma_wait3A_1684, %dma_wait3A_1688] : memref<4x128xi32, #tpu.memory_space<vmem>> -> memref<1x128xi32, #tpu.memory_space<vmem>>
        %dma_wait3A_1690 = tpu.memref_squeeze %dma_wait3A_1689 : memref<1x128xi32, #tpu.memory_space<vmem>> -> memref<128xi32, #tpu.memory_space<vmem>>
        %dma_wait3A_1691 = arith.constant 0 : i32
        %dma_wait3A_1692 = arith.constant 0 : i32
        %dma_wait3A_1693 = tpu.memref_slice %arg13[%dma_wait3A_1691, %dma_wait3A_1692] : memref<104000x16xf32, #tpu.memory_space<vmem_shared>> -> memref<104000x16xf32, #tpu.memory_space<vmem_shared>>
        tpu.wait_indirect_dma semaphore(%arg18 : memref<!tpu.dma_semaphore, #tpu.memory_space<semaphore_mem>>) src(%dma_wait3A_1687 : memref<128x16xf32, #tpu.memory_space<vmem>>) dst(%dma_wait3A_1693 : memref<104000x16xf32, #tpu.memory_space<vmem_shared>>)
        %dma_wait3A_1694 = arith.constant 3 : i32
        %dma_wait3A_1695 = arith.constant 384 : i32
        %dma_wait3A_1696 = arith.constant 0 : i32
        %dma_wait3A_1697 = tpu.memref_slice %arg12[%dma_wait3A_1695, %dma_wait3A_1696] : memref<512x16xf32, #tpu.memory_space<vmem>> -> memref<128x16xf32, #tpu.memory_space<vmem>>
        %dma_wait3A_1698 = arith.constant 0 : i32
        %dma_wait3A_1699 = tpu.memref_slice %arg11[%dma_wait3A_1694, %dma_wait3A_1698] : memref<4x128xi32, #tpu.memory_space<vmem>> -> memref<1x128xi32, #tpu.memory_space<vmem>>
        %dma_wait3A_1700 = tpu.memref_squeeze %dma_wait3A_1699 : memref<1x128xi32, #tpu.memory_space<vmem>> -> memref<128xi32, #tpu.memory_space<vmem>>
        %dma_wait3A_1701 = arith.constant 0 : i32
        %dma_wait3A_1702 = arith.constant 0 : i32
        %dma_wait3A_1703 = tpu.memref_slice %arg13[%dma_wait3A_1701, %dma_wait3A_1702] : memref<104000x16xf32, #tpu.memory_space<vmem_shared>> -> memref<104000x16xf32, #tpu.memory_space<vmem_shared>>
        tpu.wait_indirect_dma semaphore(%arg18 : memref<!tpu.dma_semaphore, #tpu.memory_space<semaphore_mem>>) src(%dma_wait3A_1697 : memref<128x16xf32, #tpu.memory_space<vmem>>) dst(%dma_wait3A_1703 : memref<104000x16xf32, #tpu.memory_space<vmem_shared>>)
        %dma_wait3A_1704 = arith.constant 0 : i32
        %dma_wait3A_1705 = arith.constant 0 : i32
        %dma_wait3A_1706 = arith.constant 0 : i32
        %dma_wait3A_1707 = tpu.memref_slice %arg9[%dma_wait3A_1705, %dma_wait3A_1706] : memref<512x16xf32, #tpu.memory_space<vmem>> -> memref<128x16xf32, #tpu.memory_space<vmem>>
        %dma_wait3A_1708 = arith.constant 0 : i32
        %dma_wait3A_1709 = tpu.memref_slice %arg7[%dma_wait3A_1704, %dma_wait3A_1708] : memref<4x128xi32, #tpu.memory_space<vmem>> -> memref<1x128xi32, #tpu.memory_space<vmem>>
        %dma_wait3A_1710 = tpu.memref_squeeze %dma_wait3A_1709 : memref<1x128xi32, #tpu.memory_space<vmem>> -> memref<128xi32, #tpu.memory_space<vmem>>
        %dma_wait3A_1711 = arith.constant 0 : i32
        %dma_wait3A_1712 = arith.constant 0 : i32
        %dma_wait3A_1713 = tpu.memref_slice %arg2[%dma_wait3A_1711, %dma_wait3A_1712] : memref<200000x16xf32, #tpu.memory_space<hbm>> -> memref<200000x16xf32, #tpu.memory_space<hbm>>
        tpu.wait_indirect_dma semaphore(%arg14 : memref<!tpu.dma_semaphore, #tpu.memory_space<semaphore_mem>>) src(%dma_wait3A_1713 : memref<200000x16xf32, #tpu.memory_space<hbm>>) dst(%dma_wait3A_1707 : memref<128x16xf32, #tpu.memory_space<vmem>>)
        %dma_wait3A_1714 = arith.constant 1 : i32
        %dma_wait3A_1715 = arith.constant 128 : i32
        %dma_wait3A_1716 = arith.constant 0 : i32
        %dma_wait3A_1717 = tpu.memref_slice %arg9[%dma_wait3A_1715, %dma_wait3A_1716] : memref<512x16xf32, #tpu.memory_space<vmem>> -> memref<128x16xf32, #tpu.memory_space<vmem>>
        %dma_wait3A_1718 = arith.constant 0 : i32
        %dma_wait3A_1719 = tpu.memref_slice %arg7[%dma_wait3A_1714, %dma_wait3A_1718] : memref<4x128xi32, #tpu.memory_space<vmem>> -> memref<1x128xi32, #tpu.memory_space<vmem>>
        %dma_wait3A_1720 = tpu.memref_squeeze %dma_wait3A_1719 : memref<1x128xi32, #tpu.memory_space<vmem>> -> memref<128xi32, #tpu.memory_space<vmem>>
        %dma_wait3A_1721 = arith.constant 0 : i32
        %dma_wait3A_1722 = arith.constant 0 : i32
        %dma_wait3A_1723 = tpu.memref_slice %arg2[%dma_wait3A_1721, %dma_wait3A_1722] : memref<200000x16xf32, #tpu.memory_space<hbm>> -> memref<200000x16xf32, #tpu.memory_space<hbm>>
        tpu.wait_indirect_dma semaphore(%arg14 : memref<!tpu.dma_semaphore, #tpu.memory_space<semaphore_mem>>) src(%dma_wait3A_1723 : memref<200000x16xf32, #tpu.memory_space<hbm>>) dst(%dma_wait3A_1717 : memref<128x16xf32, #tpu.memory_space<vmem>>)
        %dma_wait3A_1724 = arith.constant 2 : i32
        %dma_wait3A_1725 = arith.constant 256 : i32
        %dma_wait3A_1726 = arith.constant 0 : i32
        %dma_wait3A_1727 = tpu.memref_slice %arg9[%dma_wait3A_1725, %dma_wait3A_1726] : memref<512x16xf32, #tpu.memory_space<vmem>> -> memref<128x16xf32, #tpu.memory_space<vmem>>
        %dma_wait3A_1728 = arith.constant 0 : i32
        %dma_wait3A_1729 = tpu.memref_slice %arg7[%dma_wait3A_1724, %dma_wait3A_1728] : memref<4x128xi32, #tpu.memory_space<vmem>> -> memref<1x128xi32, #tpu.memory_space<vmem>>
        %dma_wait3A_1730 = tpu.memref_squeeze %dma_wait3A_1729 : memref<1x128xi32, #tpu.memory_space<vmem>> -> memref<128xi32, #tpu.memory_space<vmem>>
        %dma_wait3A_1731 = arith.constant 0 : i32
        %dma_wait3A_1732 = arith.constant 0 : i32
        %dma_wait3A_1733 = tpu.memref_slice %arg2[%dma_wait3A_1731, %dma_wait3A_1732] : memref<200000x16xf32, #tpu.memory_space<hbm>> -> memref<200000x16xf32, #tpu.memory_space<hbm>>
        tpu.wait_indirect_dma semaphore(%arg14 : memref<!tpu.dma_semaphore, #tpu.memory_space<semaphore_mem>>) src(%dma_wait3A_1733 : memref<200000x16xf32, #tpu.memory_space<hbm>>) dst(%dma_wait3A_1727 : memref<128x16xf32, #tpu.memory_space<vmem>>)
        %dma_wait3A_1734 = arith.constant 3 : i32
        %dma_wait3A_1735 = arith.constant 384 : i32
        %dma_wait3A_1736 = arith.constant 0 : i32
        %dma_wait3A_1737 = tpu.memref_slice %arg9[%dma_wait3A_1735, %dma_wait3A_1736] : memref<512x16xf32, #tpu.memory_space<vmem>> -> memref<128x16xf32, #tpu.memory_space<vmem>>
        %dma_wait3A_1738 = arith.constant 0 : i32
        %dma_wait3A_1739 = tpu.memref_slice %arg7[%dma_wait3A_1734, %dma_wait3A_1738] : memref<4x128xi32, #tpu.memory_space<vmem>> -> memref<1x128xi32, #tpu.memory_space<vmem>>
        %dma_wait3A_1740 = tpu.memref_squeeze %dma_wait3A_1739 : memref<1x128xi32, #tpu.memory_space<vmem>> -> memref<128xi32, #tpu.memory_space<vmem>>
        %dma_wait3A_1741 = arith.constant 0 : i32
        %dma_wait3A_1742 = arith.constant 0 : i32
        %dma_wait3A_1743 = tpu.memref_slice %arg2[%dma_wait3A_1741, %dma_wait3A_1742] : memref<200000x16xf32, #tpu.memory_space<hbm>> -> memref<200000x16xf32, #tpu.memory_space<hbm>>
        tpu.wait_indirect_dma semaphore(%arg14 : memref<!tpu.dma_semaphore, #tpu.memory_space<semaphore_mem>>) src(%dma_wait3A_1743 : memref<200000x16xf32, #tpu.memory_space<hbm>>) dst(%dma_wait3A_1737 : memref<128x16xf32, #tpu.memory_space<vmem>>)
      } else {
      }
      %add3A_1097 = arith.constant 1 : i32
      %add3A_1098 = arith.addi %scan3A_527, %add3A_1097 : i32
      %ge3A = arith.constant 196 : i32
      %ge3A_1099 = arith.cmpi sge, %add3A_1098, %ge3A : i32
      %convert_element_type3A_1100 = arith.extui %ge3A_1099 : i1 to i32
      %cond3A_1101 = arith.constant 0 : i32
      %cond3A_1102 = arith.constant 1 : i32
      %cond3A_1103 = arith.constant 2 : i32
      %cond3A_1104 = arith.constant 3 : i32
      %cond3A_1105 = arith.constant 0 : i32
      %cond3A_1106 = arith.cmpi ne, %convert_element_type3A_1100, %cond3A_1105 : i32
      scf.if %cond3A_1106 {
        %dma_wait3A_1107 = arith.constant 0 : i32
        %dma_wait3A_1108 = arith.constant 0 : i32
        %dma_wait3A_1109 = tpu.memref_slice %arg12[%dma_wait3A_1107, %dma_wait3A_1108] : memref<512x16xf32, #tpu.memory_space<vmem>> -> memref<128x16xf32, #tpu.memory_space<vmem>>
        %dma_wait3A_1110 = arith.constant 0 : i32
        %dma_wait3A_1111 = tpu.memref_slice %arg10[%cond3A_1101, %dma_wait3A_1110] : memref<4x128xi32, #tpu.memory_space<vmem>> -> memref<1x128xi32, #tpu.memory_space<vmem>>
        %dma_wait3A_1112 = tpu.memref_squeeze %dma_wait3A_1111 : memref<1x128xi32, #tpu.memory_space<vmem>> -> memref<128xi32, #tpu.memory_space<vmem>>
        %dma_wait3A_1113 = arith.constant 0 : i32
        %dma_wait3A_1114 = arith.constant 0 : i32
        %dma_wait3A_1115 = tpu.memref_slice %arg2[%dma_wait3A_1113, %dma_wait3A_1114] : memref<200000x16xf32, #tpu.memory_space<hbm>> -> memref<200000x16xf32, #tpu.memory_space<hbm>>
        tpu.wait_indirect_dma semaphore(%arg17 : memref<!tpu.dma_semaphore, #tpu.memory_space<semaphore_mem>>) src(%dma_wait3A_1115 : memref<200000x16xf32, #tpu.memory_space<hbm>>) dst(%dma_wait3A_1109 : memref<128x16xf32, #tpu.memory_space<vmem>>)
        %dma_wait3A_1116 = arith.constant 128 : i32
        %dma_wait3A_1117 = arith.constant 0 : i32
        %dma_wait3A_1118 = tpu.memref_slice %arg12[%dma_wait3A_1116, %dma_wait3A_1117] : memref<512x16xf32, #tpu.memory_space<vmem>> -> memref<128x16xf32, #tpu.memory_space<vmem>>
        %dma_wait3A_1119 = arith.constant 0 : i32
        %dma_wait3A_1120 = tpu.memref_slice %arg10[%cond3A_1102, %dma_wait3A_1119] : memref<4x128xi32, #tpu.memory_space<vmem>> -> memref<1x128xi32, #tpu.memory_space<vmem>>
        %dma_wait3A_1121 = tpu.memref_squeeze %dma_wait3A_1120 : memref<1x128xi32, #tpu.memory_space<vmem>> -> memref<128xi32, #tpu.memory_space<vmem>>
        %dma_wait3A_1122 = arith.constant 0 : i32
        %dma_wait3A_1123 = arith.constant 0 : i32
        %dma_wait3A_1124 = tpu.memref_slice %arg2[%dma_wait3A_1122, %dma_wait3A_1123] : memref<200000x16xf32, #tpu.memory_space<hbm>> -> memref<200000x16xf32, #tpu.memory_space<hbm>>
        tpu.wait_indirect_dma semaphore(%arg17 : memref<!tpu.dma_semaphore, #tpu.memory_space<semaphore_mem>>) src(%dma_wait3A_1124 : memref<200000x16xf32, #tpu.memory_space<hbm>>) dst(%dma_wait3A_1118 : memref<128x16xf32, #tpu.memory_space<vmem>>)
        %dma_wait3A_1125 = arith.constant 256 : i32
        %dma_wait3A_1126 = arith.constant 0 : i32
        %dma_wait3A_1127 = tpu.memref_slice %arg12[%dma_wait3A_1125, %dma_wait3A_1126] : memref<512x16xf32, #tpu.memory_space<vmem>> -> memref<128x16xf32, #tpu.memory_space<vmem>>
        %dma_wait3A_1128 = arith.constant 0 : i32
        %dma_wait3A_1129 = tpu.memref_slice %arg10[%cond3A_1103, %dma_wait3A_1128] : memref<4x128xi32, #tpu.memory_space<vmem>> -> memref<1x128xi32, #tpu.memory_space<vmem>>
        %dma_wait3A_1130 = tpu.memref_squeeze %dma_wait3A_1129 : memref<1x128xi32, #tpu.memory_space<vmem>> -> memref<128xi32, #tpu.memory_space<vmem>>
        %dma_wait3A_1131 = arith.constant 0 : i32
        %dma_wait3A_1132 = arith.constant 0 : i32
        %dma_wait3A_1133 = tpu.memref_slice %arg2[%dma_wait3A_1131, %dma_wait3A_1132] : memref<200000x16xf32, #tpu.memory_space<hbm>> -> memref<200000x16xf32, #tpu.memory_space<hbm>>
        tpu.wait_indirect_dma semaphore(%arg17 : memref<!tpu.dma_semaphore, #tpu.memory_space<semaphore_mem>>) src(%dma_wait3A_1133 : memref<200000x16xf32, #tpu.memory_space<hbm>>) dst(%dma_wait3A_1127 : memref<128x16xf32, #tpu.memory_space<vmem>>)
        %dma_wait3A_1134 = arith.constant 384 : i32
        %dma_wait3A_1135 = arith.constant 0 : i32
        %dma_wait3A_1136 = tpu.memref_slice %arg12[%dma_wait3A_1134, %dma_wait3A_1135] : memref<512x16xf32, #tpu.memory_space<vmem>> -> memref<128x16xf32, #tpu.memory_space<vmem>>
        %dma_wait3A_1137 = arith.constant 0 : i32
        %dma_wait3A_1138 = tpu.memref_slice %arg10[%cond3A_1104, %dma_wait3A_1137] : memref<4x128xi32, #tpu.memory_space<vmem>> -> memref<1x128xi32, #tpu.memory_space<vmem>>
        %dma_wait3A_1139 = tpu.memref_squeeze %dma_wait3A_1138 : memref<1x128xi32, #tpu.memory_space<vmem>> -> memref<128xi32, #tpu.memory_space<vmem>>
        %dma_wait3A_1140 = arith.constant 0 : i32
        %dma_wait3A_1141 = arith.constant 0 : i32
        %dma_wait3A_1142 = tpu.memref_slice %arg2[%dma_wait3A_1140, %dma_wait3A_1141] : memref<200000x16xf32, #tpu.memory_space<hbm>> -> memref<200000x16xf32, #tpu.memory_space<hbm>>
        tpu.wait_indirect_dma semaphore(%arg17 : memref<!tpu.dma_semaphore, #tpu.memory_space<semaphore_mem>>) src(%dma_wait3A_1142 : memref<200000x16xf32, #tpu.memory_space<hbm>>) dst(%dma_wait3A_1136 : memref<128x16xf32, #tpu.memory_space<vmem>>)
        %dma_start3A_1143 = arith.constant 0 : i32
        %dma_start3A_1144 = arith.constant 0 : i32
        %dma_start3A_1145 = arith.constant 0 : i32
        %dma_start3A_1146 = tpu.memref_slice %arg12[%dma_start3A_1144, %dma_start3A_1145] : memref<512x16xf32, #tpu.memory_space<vmem>> -> memref<128x16xf32, #tpu.memory_space<vmem>>
        %dma_start3A_1147 = arith.constant 0 : i32
        %dma_start3A_1148 = tpu.memref_slice %arg11[%dma_start3A_1143, %dma_start3A_1147] : memref<4x128xi32, #tpu.memory_space<vmem>> -> memref<1x128xi32, #tpu.memory_space<vmem>>
        %dma_start3A_1149 = tpu.memref_squeeze %dma_start3A_1148 : memref<1x128xi32, #tpu.memory_space<vmem>> -> memref<128xi32, #tpu.memory_space<vmem>>
        %dma_start3A_1150 = arith.constant 0 : i32
        %dma_start3A_1151 = arith.constant 0 : i32
        %dma_start3A_1152 = tpu.memref_slice %arg13[%dma_start3A_1150, %dma_start3A_1151] : memref<104000x16xf32, #tpu.memory_space<vmem_shared>> -> memref<104000x16xf32, #tpu.memory_space<vmem_shared>>
        tpu.enqueue_indirect_dma source(%dma_start3A_1146 : memref<128x16xf32, #tpu.memory_space<vmem>>) target(%dma_start3A_1152 : memref<104000x16xf32, #tpu.memory_space<vmem_shared>>) offsets(%dma_start3A_1149 : memref<128xi32, #tpu.memory_space<vmem>>) semaphore(%arg18 : memref<!tpu.dma_semaphore, #tpu.memory_space<semaphore_mem>>) {add = true}
        %dma_start3A_1153 = arith.constant 1 : i32
        %dma_start3A_1154 = arith.constant 128 : i32
        %dma_start3A_1155 = arith.constant 0 : i32
        %dma_start3A_1156 = tpu.memref_slice %arg12[%dma_start3A_1154, %dma_start3A_1155] : memref<512x16xf32, #tpu.memory_space<vmem>> -> memref<128x16xf32, #tpu.memory_space<vmem>>
        %dma_start3A_1157 = arith.constant 0 : i32
        %dma_start3A_1158 = tpu.memref_slice %arg11[%dma_start3A_1153, %dma_start3A_1157] : memref<4x128xi32, #tpu.memory_space<vmem>> -> memref<1x128xi32, #tpu.memory_space<vmem>>
        %dma_start3A_1159 = tpu.memref_squeeze %dma_start3A_1158 : memref<1x128xi32, #tpu.memory_space<vmem>> -> memref<128xi32, #tpu.memory_space<vmem>>
        %dma_start3A_1160 = arith.constant 0 : i32
        %dma_start3A_1161 = arith.constant 0 : i32
        %dma_start3A_1162 = tpu.memref_slice %arg13[%dma_start3A_1160, %dma_start3A_1161] : memref<104000x16xf32, #tpu.memory_space<vmem_shared>> -> memref<104000x16xf32, #tpu.memory_space<vmem_shared>>
        tpu.enqueue_indirect_dma source(%dma_start3A_1156 : memref<128x16xf32, #tpu.memory_space<vmem>>) target(%dma_start3A_1162 : memref<104000x16xf32, #tpu.memory_space<vmem_shared>>) offsets(%dma_start3A_1159 : memref<128xi32, #tpu.memory_space<vmem>>) semaphore(%arg18 : memref<!tpu.dma_semaphore, #tpu.memory_space<semaphore_mem>>) {add = true}
        %dma_start3A_1163 = arith.constant 2 : i32
        %dma_start3A_1164 = arith.constant 256 : i32
        %dma_start3A_1165 = arith.constant 0 : i32
        %dma_start3A_1166 = tpu.memref_slice %arg12[%dma_start3A_1164, %dma_start3A_1165] : memref<512x16xf32, #tpu.memory_space<vmem>> -> memref<128x16xf32, #tpu.memory_space<vmem>>
        %dma_start3A_1167 = arith.constant 0 : i32
        %dma_start3A_1168 = tpu.memref_slice %arg11[%dma_start3A_1163, %dma_start3A_1167] : memref<4x128xi32, #tpu.memory_space<vmem>> -> memref<1x128xi32, #tpu.memory_space<vmem>>
        %dma_start3A_1169 = tpu.memref_squeeze %dma_start3A_1168 : memref<1x128xi32, #tpu.memory_space<vmem>> -> memref<128xi32, #tpu.memory_space<vmem>>
        %dma_start3A_1170 = arith.constant 0 : i32
        %dma_start3A_1171 = arith.constant 0 : i32
        %dma_start3A_1172 = tpu.memref_slice %arg13[%dma_start3A_1170, %dma_start3A_1171] : memref<104000x16xf32, #tpu.memory_space<vmem_shared>> -> memref<104000x16xf32, #tpu.memory_space<vmem_shared>>
        tpu.enqueue_indirect_dma source(%dma_start3A_1166 : memref<128x16xf32, #tpu.memory_space<vmem>>) target(%dma_start3A_1172 : memref<104000x16xf32, #tpu.memory_space<vmem_shared>>) offsets(%dma_start3A_1169 : memref<128xi32, #tpu.memory_space<vmem>>) semaphore(%arg18 : memref<!tpu.dma_semaphore, #tpu.memory_space<semaphore_mem>>) {add = true}
        %dma_start3A_1173 = arith.constant 3 : i32
        %dma_start3A_1174 = arith.constant 384 : i32
        %dma_start3A_1175 = arith.constant 0 : i32
        %dma_start3A_1176 = tpu.memref_slice %arg12[%dma_start3A_1174, %dma_start3A_1175] : memref<512x16xf32, #tpu.memory_space<vmem>> -> memref<128x16xf32, #tpu.memory_space<vmem>>
        %dma_start3A_1177 = arith.constant 0 : i32
        %dma_start3A_1178 = tpu.memref_slice %arg11[%dma_start3A_1173, %dma_start3A_1177] : memref<4x128xi32, #tpu.memory_space<vmem>> -> memref<1x128xi32, #tpu.memory_space<vmem>>
        %dma_start3A_1179 = tpu.memref_squeeze %dma_start3A_1178 : memref<1x128xi32, #tpu.memory_space<vmem>> -> memref<128xi32, #tpu.memory_space<vmem>>
        %dma_start3A_1180 = arith.constant 0 : i32
        %dma_start3A_1181 = arith.constant 0 : i32
        %dma_start3A_1182 = tpu.memref_slice %arg13[%dma_start3A_1180, %dma_start3A_1181] : memref<104000x16xf32, #tpu.memory_space<vmem_shared>> -> memref<104000x16xf32, #tpu.memory_space<vmem_shared>>
        tpu.enqueue_indirect_dma source(%dma_start3A_1176 : memref<128x16xf32, #tpu.memory_space<vmem>>) target(%dma_start3A_1182 : memref<104000x16xf32, #tpu.memory_space<vmem_shared>>) offsets(%dma_start3A_1179 : memref<128xi32, #tpu.memory_space<vmem>>) semaphore(%arg18 : memref<!tpu.dma_semaphore, #tpu.memory_space<semaphore_mem>>) {add = true}
        %dma_wait3A_1183 = arith.constant 0 : i32
        %dma_wait3A_1184 = arith.constant 0 : i32
        %dma_wait3A_1185 = arith.constant 0 : i32
        %dma_wait3A_1186 = tpu.memref_slice %arg12[%dma_wait3A_1184, %dma_wait3A_1185] : memref<512x16xf32, #tpu.memory_space<vmem>> -> memref<128x16xf32, #tpu.memory_space<vmem>>
        %dma_wait3A_1187 = arith.constant 0 : i32
        %dma_wait3A_1188 = tpu.memref_slice %arg11[%dma_wait3A_1183, %dma_wait3A_1187] : memref<4x128xi32, #tpu.memory_space<vmem>> -> memref<1x128xi32, #tpu.memory_space<vmem>>
        %dma_wait3A_1189 = tpu.memref_squeeze %dma_wait3A_1188 : memref<1x128xi32, #tpu.memory_space<vmem>> -> memref<128xi32, #tpu.memory_space<vmem>>
        %dma_wait3A_1190 = arith.constant 0 : i32
        %dma_wait3A_1191 = arith.constant 0 : i32
        %dma_wait3A_1192 = tpu.memref_slice %arg13[%dma_wait3A_1190, %dma_wait3A_1191] : memref<104000x16xf32, #tpu.memory_space<vmem_shared>> -> memref<104000x16xf32, #tpu.memory_space<vmem_shared>>
        tpu.wait_indirect_dma semaphore(%arg18 : memref<!tpu.dma_semaphore, #tpu.memory_space<semaphore_mem>>) src(%dma_wait3A_1186 : memref<128x16xf32, #tpu.memory_space<vmem>>) dst(%dma_wait3A_1192 : memref<104000x16xf32, #tpu.memory_space<vmem_shared>>)
        %dma_wait3A_1193 = arith.constant 1 : i32
        %dma_wait3A_1194 = arith.constant 128 : i32
        %dma_wait3A_1195 = arith.constant 0 : i32
        %dma_wait3A_1196 = tpu.memref_slice %arg12[%dma_wait3A_1194, %dma_wait3A_1195] : memref<512x16xf32, #tpu.memory_space<vmem>> -> memref<128x16xf32, #tpu.memory_space<vmem>>
        %dma_wait3A_1197 = arith.constant 0 : i32
        %dma_wait3A_1198 = tpu.memref_slice %arg11[%dma_wait3A_1193, %dma_wait3A_1197] : memref<4x128xi32, #tpu.memory_space<vmem>> -> memref<1x128xi32, #tpu.memory_space<vmem>>
        %dma_wait3A_1199 = tpu.memref_squeeze %dma_wait3A_1198 : memref<1x128xi32, #tpu.memory_space<vmem>> -> memref<128xi32, #tpu.memory_space<vmem>>
        %dma_wait3A_1200 = arith.constant 0 : i32
        %dma_wait3A_1201 = arith.constant 0 : i32
        %dma_wait3A_1202 = tpu.memref_slice %arg13[%dma_wait3A_1200, %dma_wait3A_1201] : memref<104000x16xf32, #tpu.memory_space<vmem_shared>> -> memref<104000x16xf32, #tpu.memory_space<vmem_shared>>
        tpu.wait_indirect_dma semaphore(%arg18 : memref<!tpu.dma_semaphore, #tpu.memory_space<semaphore_mem>>) src(%dma_wait3A_1196 : memref<128x16xf32, #tpu.memory_space<vmem>>) dst(%dma_wait3A_1202 : memref<104000x16xf32, #tpu.memory_space<vmem_shared>>)
        %dma_wait3A_1203 = arith.constant 2 : i32
        %dma_wait3A_1204 = arith.constant 256 : i32
        %dma_wait3A_1205 = arith.constant 0 : i32
        %dma_wait3A_1206 = tpu.memref_slice %arg12[%dma_wait3A_1204, %dma_wait3A_1205] : memref<512x16xf32, #tpu.memory_space<vmem>> -> memref<128x16xf32, #tpu.memory_space<vmem>>
        %dma_wait3A_1207 = arith.constant 0 : i32
        %dma_wait3A_1208 = tpu.memref_slice %arg11[%dma_wait3A_1203, %dma_wait3A_1207] : memref<4x128xi32, #tpu.memory_space<vmem>> -> memref<1x128xi32, #tpu.memory_space<vmem>>
        %dma_wait3A_1209 = tpu.memref_squeeze %dma_wait3A_1208 : memref<1x128xi32, #tpu.memory_space<vmem>> -> memref<128xi32, #tpu.memory_space<vmem>>
        %dma_wait3A_1210 = arith.constant 0 : i32
        %dma_wait3A_1211 = arith.constant 0 : i32
        %dma_wait3A_1212 = tpu.memref_slice %arg13[%dma_wait3A_1210, %dma_wait3A_1211] : memref<104000x16xf32, #tpu.memory_space<vmem_shared>> -> memref<104000x16xf32, #tpu.memory_space<vmem_shared>>
        tpu.wait_indirect_dma semaphore(%arg18 : memref<!tpu.dma_semaphore, #tpu.memory_space<semaphore_mem>>) src(%dma_wait3A_1206 : memref<128x16xf32, #tpu.memory_space<vmem>>) dst(%dma_wait3A_1212 : memref<104000x16xf32, #tpu.memory_space<vmem_shared>>)
        %dma_wait3A_1213 = arith.constant 3 : i32
        %dma_wait3A_1214 = arith.constant 384 : i32
        %dma_wait3A_1215 = arith.constant 0 : i32
        %dma_wait3A_1216 = tpu.memref_slice %arg12[%dma_wait3A_1214, %dma_wait3A_1215] : memref<512x16xf32, #tpu.memory_space<vmem>> -> memref<128x16xf32, #tpu.memory_space<vmem>>
        %dma_wait3A_1217 = arith.constant 0 : i32
        %dma_wait3A_1218 = tpu.memref_slice %arg11[%dma_wait3A_1213, %dma_wait3A_1217] : memref<4x128xi32, #tpu.memory_space<vmem>> -> memref<1x128xi32, #tpu.memory_space<vmem>>
        %dma_wait3A_1219 = tpu.memref_squeeze %dma_wait3A_1218 : memref<1x128xi32, #tpu.memory_space<vmem>> -> memref<128xi32, #tpu.memory_space<vmem>>
        %dma_wait3A_1220 = arith.constant 0 : i32
        %dma_wait3A_1221 = arith.constant 0 : i32
        %dma_wait3A_1222 = tpu.memref_slice %arg13[%dma_wait3A_1220, %dma_wait3A_1221] : memref<104000x16xf32, #tpu.memory_space<vmem_shared>> -> memref<104000x16xf32, #tpu.memory_space<vmem_shared>>
        tpu.wait_indirect_dma semaphore(%arg18 : memref<!tpu.dma_semaphore, #tpu.memory_space<semaphore_mem>>) src(%dma_wait3A_1216 : memref<128x16xf32, #tpu.memory_space<vmem>>) dst(%dma_wait3A_1222 : memref<104000x16xf32, #tpu.memory_space<vmem_shared>>)
      } else {
      }
    }
    %scan3A_518 = arith.constant 196 : i32
    %barrier3A_519 = arith.constant 0 : index
    tpu.barrier barrier_id(%barrier3A_519)
    %mul3A_520 = arith.constant 6500 : i32
    %mul3A_521 = arith.muli %arg1, %mul3A_520 : i32
    %mul3A_522 = arith.constant 104000 : i32
    %mul3A_523 = arith.muli %arg0, %mul3A_522 : i32
    %mul3A_524 = arith.constant 6500 : i32
    %mul3A_525 = arith.muli %arg1, %mul3A_524 : i32
    %add3A_526 = arith.addi %mul3A_523, %mul3A_525 : i32
    "tpu.region"() ({
      %run_scoped3A = tpu.sem_alloc : memref<!tpu.dma_semaphore, #tpu.memory_space<semaphore_mem>>
      %dma_start3A_527 = arith.constant 0 : i32
      %dma_start3A_528 = tpu.memref_slice %arg6[%add3A_526, %dma_start3A_527] : memref<208000x16xf32, #tpu.memory_space<hbm>> -> memref<6500x16xf32, #tpu.memory_space<hbm>>
      %dma_start3A_529 = arith.constant 0 : i32
      %dma_start3A_530 = tpu.memref_slice %arg13[%mul3A_521, %dma_start3A_529] : memref<104000x16xf32, #tpu.memory_space<vmem_shared>> -> memref<6500x16xf32, #tpu.memory_space<vmem_shared>>
      tpu.enqueue_dma source(%dma_start3A_530 : memref<6500x16xf32, #tpu.memory_space<vmem_shared>>) target(%dma_start3A_528 : memref<6500x16xf32, #tpu.memory_space<hbm>>) target_semaphore(%run_scoped3A : memref<!tpu.dma_semaphore, #tpu.memory_space<semaphore_mem>>)
      %dma_wait3A_531 = arith.constant 0 : i32
      %dma_wait3A_532 = tpu.memref_slice %arg6[%add3A_526, %dma_wait3A_531] : memref<208000x16xf32, #tpu.memory_space<hbm>> -> memref<6500x16xf32, #tpu.memory_space<hbm>>
      %dma_wait3A_533 = arith.constant 0 : i32
      %dma_wait3A_534 = tpu.memref_slice %arg13[%mul3A_521, %dma_wait3A_533] : memref<104000x16xf32, #tpu.memory_space<vmem_shared>> -> memref<6500x16xf32, #tpu.memory_space<vmem_shared>>
      tpu.wait_dma2 semaphore(%run_scoped3A : memref<!tpu.dma_semaphore, #tpu.memory_space<semaphore_mem>>) src(%dma_wait3A_534 : memref<6500x16xf32, #tpu.memory_space<vmem_shared>>) dst(%dma_wait3A_532 : memref<6500x16xf32, #tpu.memory_space<hbm>>)
      tpu.yield
    }) : () -> ()
    return
  }
}

#map = affine_map<(d0, d1) -> (0, 0)>
module attributes {stable_mosaic.version = 14 : i64} {
  func.func @_deg_body(%arg0: i32, %arg1: i32, %arg2: memref<25088x128xi32, #tpu.memory_space<hbm>>, %arg3: memref<128x8xf32, #tpu.memory_space<hbm>>, %arg4: memref<6500x8xf32, #tpu.memory_space<hbm>>, %arg5: memref<208000x8xf32, #tpu.memory_space<hbm>>, %arg6: memref<4x128xi32, #tpu.memory_space<vmem>>, %arg7: memref<128x8xf32, #tpu.memory_space<vmem>>, %arg8: memref<104000x8xf32, #tpu.memory_space<vmem_shared>>, %arg9: memref<!tpu.dma_semaphore, #tpu.memory_space<semaphore_mem>>) attributes {dimension_semantics = [#tpu.dimension_semantics<core_parallel>, #tpu.dimension_semantics<subcore_parallel>], iteration_bounds = array<i64: 2, 16>, scalar_prefetch = 0 : i64, scratch_operands = 4 : i64, tpu.core_type = #tpu.core_type<sc_vector_subcore>, window_params = [{transform_indices = #map}, {transform_indices = #map}, {transform_indices = #map}, {transform_indices = #map}]} {
    %mul3A = arith.constant 16 : i32
    %mul3A_0 = arith.muli %arg0, %mul3A : i32
    %add3A = arith.addi %mul3A_0, %arg1 : i32
    %mul3A_1 = arith.constant 6500 : i32
    %mul3A_2 = arith.muli %arg1, %mul3A_1 : i32
    "tpu.region"() ({
      %run_scoped3A = tpu.sem_alloc : memref<!tpu.dma_semaphore, #tpu.memory_space<semaphore_mem>>
      %dma_start3A = arith.constant 0 : i32
      %dma_start3A_16 = tpu.memref_slice %arg8[%mul3A_2, %dma_start3A] : memref<104000x8xf32, #tpu.memory_space<vmem_shared>> -> memref<6500x8xf32, #tpu.memory_space<vmem_shared>>
      %dma_start3A_17 = arith.constant 0 : i32
      %dma_start3A_18 = arith.constant 0 : i32
      %dma_start3A_19 = tpu.memref_slice %arg4[%dma_start3A_17, %dma_start3A_18] : memref<6500x8xf32, #tpu.memory_space<hbm>> -> memref<6500x8xf32, #tpu.memory_space<hbm>>
      tpu.enqueue_dma source(%dma_start3A_19 : memref<6500x8xf32, #tpu.memory_space<hbm>>) target(%dma_start3A_16 : memref<6500x8xf32, #tpu.memory_space<vmem_shared>>) target_semaphore(%run_scoped3A : memref<!tpu.dma_semaphore, #tpu.memory_space<semaphore_mem>>)
      %dma_wait3A = arith.constant 0 : i32
      %dma_wait3A_20 = tpu.memref_slice %arg8[%mul3A_2, %dma_wait3A] : memref<104000x8xf32, #tpu.memory_space<vmem_shared>> -> memref<6500x8xf32, #tpu.memory_space<vmem_shared>>
      %dma_wait3A_21 = arith.constant 0 : i32
      %dma_wait3A_22 = arith.constant 0 : i32
      %dma_wait3A_23 = tpu.memref_slice %arg4[%dma_wait3A_21, %dma_wait3A_22] : memref<6500x8xf32, #tpu.memory_space<hbm>> -> memref<6500x8xf32, #tpu.memory_space<hbm>>
      tpu.wait_dma2 semaphore(%run_scoped3A : memref<!tpu.dma_semaphore, #tpu.memory_space<semaphore_mem>>) src(%dma_wait3A_23 : memref<6500x8xf32, #tpu.memory_space<hbm>>) dst(%dma_wait3A_20 : memref<6500x8xf32, #tpu.memory_space<vmem_shared>>)
      tpu.yield
    }) : () -> ()
    "tpu.region"() ({
      %run_scoped3A = tpu.sem_alloc : memref<!tpu.dma_semaphore, #tpu.memory_space<semaphore_mem>>
      tpu.enqueue_dma source(%arg3 : memref<128x8xf32, #tpu.memory_space<hbm>>) target(%arg7 : memref<128x8xf32, #tpu.memory_space<vmem>>) target_semaphore(%run_scoped3A : memref<!tpu.dma_semaphore, #tpu.memory_space<semaphore_mem>>)
      tpu.wait_dma2 semaphore(%run_scoped3A : memref<!tpu.dma_semaphore, #tpu.memory_space<semaphore_mem>>) src(%arg3 : memref<128x8xf32, #tpu.memory_space<hbm>>) dst(%arg7 : memref<128x8xf32, #tpu.memory_space<vmem>>)
      tpu.yield
    }) : () -> ()
    %barrier3A = arith.constant 0 : index
    tpu.barrier barrier_id(%barrier3A)
    %scan3A = arith.constant 0 : i32
    %scan3A_3 = arith.constant 0 : i32
    %scan3A_4 = arith.constant 196 : i32
    %scan3A_5 = arith.addi %scan3A_3, %scan3A_4 : i32
    %scan3A_6 = arith.constant 1 : i32
    scf.for %scan3A_16 = %scan3A_3 to %scan3A_5 step %scan3A_6  : i32 {
      %mul3A_17 = arith.constant 784 : i32
      %mul3A_18 = arith.muli %add3A, %mul3A_17 : i32
      %mul3A_19 = arith.constant 4 : i32
      %mul3A_20 = arith.muli %scan3A_16, %mul3A_19 : i32
      %add3A_21 = arith.addi %mul3A_18, %mul3A_20 : i32
      "tpu.region"() ({
        %run_scoped3A = tpu.sem_alloc : memref<!tpu.dma_semaphore, #tpu.memory_space<semaphore_mem>>
        %dma_start3A_76 = arith.constant 0 : i32
        %dma_start3A_77 = tpu.memref_slice %arg2[%add3A_21, %dma_start3A_76] : memref<25088x128xi32, #tpu.memory_space<hbm>> -> memref<4x128xi32, #tpu.memory_space<hbm>>
        %dma_start3A_78 = arith.constant 0 : i32
        %dma_start3A_79 = tpu.memref_slice %arg2[%add3A_21, %dma_start3A_78] : memref<25088x128xi32, #tpu.memory_space<hbm>> -> memref<4x128xi32, #tpu.memory_space<hbm>>
        tpu.enqueue_dma source(%dma_start3A_79 : memref<4x128xi32, #tpu.memory_space<hbm>>) target(%arg6 : memref<4x128xi32, #tpu.memory_space<vmem>>) target_semaphore(%run_scoped3A : memref<!tpu.dma_semaphore, #tpu.memory_space<semaphore_mem>>)
        %dma_wait3A_80 = arith.constant 0 : i32
        %dma_wait3A_81 = tpu.memref_slice %arg2[%add3A_21, %dma_wait3A_80] : memref<25088x128xi32, #tpu.memory_space<hbm>> -> memref<4x128xi32, #tpu.memory_space<hbm>>
        %dma_wait3A_82 = arith.constant 0 : i32
        %dma_wait3A_83 = tpu.memref_slice %arg2[%add3A_21, %dma_wait3A_82] : memref<25088x128xi32, #tpu.memory_space<hbm>> -> memref<4x128xi32, #tpu.memory_space<hbm>>
        tpu.wait_dma2 semaphore(%run_scoped3A : memref<!tpu.dma_semaphore, #tpu.memory_space<semaphore_mem>>) src(%dma_wait3A_83 : memref<4x128xi32, #tpu.memory_space<hbm>>) dst(%arg6 : memref<4x128xi32, #tpu.memory_space<vmem>>)
        tpu.yield
      }) : () -> ()
      %dma_start3A = arith.constant 0 : i32
      %dma_start3A_22 = arith.constant 0 : i32
      %dma_start3A_23 = tpu.memref_slice %arg6[%dma_start3A, %dma_start3A_22] : memref<4x128xi32, #tpu.memory_space<vmem>> -> memref<1x128xi32, #tpu.memory_space<vmem>>
      %dma_start3A_24 = tpu.memref_squeeze %dma_start3A_23 : memref<1x128xi32, #tpu.memory_space<vmem>> -> memref<128xi32, #tpu.memory_space<vmem>>
      %dma_start3A_25 = arith.constant 0 : i32
      %dma_start3A_26 = arith.constant 0 : i32
      %dma_start3A_27 = tpu.memref_slice %arg8[%dma_start3A_25, %dma_start3A_26] : memref<104000x8xf32, #tpu.memory_space<vmem_shared>> -> memref<104000x8xf32, #tpu.memory_space<vmem_shared>>
      tpu.enqueue_indirect_dma source(%arg7 : memref<128x8xf32, #tpu.memory_space<vmem>>) target(%dma_start3A_27 : memref<104000x8xf32, #tpu.memory_space<vmem_shared>>) offsets(%dma_start3A_24 : memref<128xi32, #tpu.memory_space<vmem>>) semaphore(%arg9 : memref<!tpu.dma_semaphore, #tpu.memory_space<semaphore_mem>>) {add = true}
      %dma_start3A_28 = arith.constant 1 : i32
      %dma_start3A_29 = arith.constant 0 : i32
      %dma_start3A_30 = tpu.memref_slice %arg6[%dma_start3A_28, %dma_start3A_29] : memref<4x128xi32, #tpu.memory_space<vmem>> -> memref<1x128xi32, #tpu.memory_space<vmem>>
      %dma_start3A_31 = tpu.memref_squeeze %dma_start3A_30 : memref<1x128xi32, #tpu.memory_space<vmem>> -> memref<128xi32, #tpu.memory_space<vmem>>
      %dma_start3A_32 = arith.constant 0 : i32
      %dma_start3A_33 = arith.constant 0 : i32
      %dma_start3A_34 = tpu.memref_slice %arg8[%dma_start3A_32, %dma_start3A_33] : memref<104000x8xf32, #tpu.memory_space<vmem_shared>> -> memref<104000x8xf32, #tpu.memory_space<vmem_shared>>
      tpu.enqueue_indirect_dma source(%arg7 : memref<128x8xf32, #tpu.memory_space<vmem>>) target(%dma_start3A_34 : memref<104000x8xf32, #tpu.memory_space<vmem_shared>>) offsets(%dma_start3A_31 : memref<128xi32, #tpu.memory_space<vmem>>) semaphore(%arg9 : memref<!tpu.dma_semaphore, #tpu.memory_space<semaphore_mem>>) {add = true}
      %dma_start3A_35 = arith.constant 2 : i32
      %dma_start3A_36 = arith.constant 0 : i32
      %dma_start3A_37 = tpu.memref_slice %arg6[%dma_start3A_35, %dma_start3A_36] : memref<4x128xi32, #tpu.memory_space<vmem>> -> memref<1x128xi32, #tpu.memory_space<vmem>>
      %dma_start3A_38 = tpu.memref_squeeze %dma_start3A_37 : memref<1x128xi32, #tpu.memory_space<vmem>> -> memref<128xi32, #tpu.memory_space<vmem>>
      %dma_start3A_39 = arith.constant 0 : i32
      %dma_start3A_40 = arith.constant 0 : i32
      %dma_start3A_41 = tpu.memref_slice %arg8[%dma_start3A_39, %dma_start3A_40] : memref<104000x8xf32, #tpu.memory_space<vmem_shared>> -> memref<104000x8xf32, #tpu.memory_space<vmem_shared>>
      tpu.enqueue_indirect_dma source(%arg7 : memref<128x8xf32, #tpu.memory_space<vmem>>) target(%dma_start3A_41 : memref<104000x8xf32, #tpu.memory_space<vmem_shared>>) offsets(%dma_start3A_38 : memref<128xi32, #tpu.memory_space<vmem>>) semaphore(%arg9 : memref<!tpu.dma_semaphore, #tpu.memory_space<semaphore_mem>>) {add = true}
      %dma_start3A_42 = arith.constant 3 : i32
      %dma_start3A_43 = arith.constant 0 : i32
      %dma_start3A_44 = tpu.memref_slice %arg6[%dma_start3A_42, %dma_start3A_43] : memref<4x128xi32, #tpu.memory_space<vmem>> -> memref<1x128xi32, #tpu.memory_space<vmem>>
      %dma_start3A_45 = tpu.memref_squeeze %dma_start3A_44 : memref<1x128xi32, #tpu.memory_space<vmem>> -> memref<128xi32, #tpu.memory_space<vmem>>
      %dma_start3A_46 = arith.constant 0 : i32
      %dma_start3A_47 = arith.constant 0 : i32
      %dma_start3A_48 = tpu.memref_slice %arg8[%dma_start3A_46, %dma_start3A_47] : memref<104000x8xf32, #tpu.memory_space<vmem_shared>> -> memref<104000x8xf32, #tpu.memory_space<vmem_shared>>
      tpu.enqueue_indirect_dma source(%arg7 : memref<128x8xf32, #tpu.memory_space<vmem>>) target(%dma_start3A_48 : memref<104000x8xf32, #tpu.memory_space<vmem_shared>>) offsets(%dma_start3A_45 : memref<128xi32, #tpu.memory_space<vmem>>) semaphore(%arg9 : memref<!tpu.dma_semaphore, #tpu.memory_space<semaphore_mem>>) {add = true}
      %dma_wait3A = arith.constant 0 : i32
      %dma_wait3A_49 = arith.constant 0 : i32
      %dma_wait3A_50 = tpu.memref_slice %arg6[%dma_wait3A, %dma_wait3A_49] : memref<4x128xi32, #tpu.memory_space<vmem>> -> memref<1x128xi32, #tpu.memory_space<vmem>>
      %dma_wait3A_51 = tpu.memref_squeeze %dma_wait3A_50 : memref<1x128xi32, #tpu.memory_space<vmem>> -> memref<128xi32, #tpu.memory_space<vmem>>
      %dma_wait3A_52 = arith.constant 0 : i32
      %dma_wait3A_53 = arith.constant 0 : i32
      %dma_wait3A_54 = tpu.memref_slice %arg8[%dma_wait3A_52, %dma_wait3A_53] : memref<104000x8xf32, #tpu.memory_space<vmem_shared>> -> memref<104000x8xf32, #tpu.memory_space<vmem_shared>>
      tpu.wait_indirect_dma semaphore(%arg9 : memref<!tpu.dma_semaphore, #tpu.memory_space<semaphore_mem>>) src(%arg7 : memref<128x8xf32, #tpu.memory_space<vmem>>) dst(%dma_wait3A_54 : memref<104000x8xf32, #tpu.memory_space<vmem_shared>>)
      %dma_wait3A_55 = arith.constant 1 : i32
      %dma_wait3A_56 = arith.constant 0 : i32
      %dma_wait3A_57 = tpu.memref_slice %arg6[%dma_wait3A_55, %dma_wait3A_56] : memref<4x128xi32, #tpu.memory_space<vmem>> -> memref<1x128xi32, #tpu.memory_space<vmem>>
      %dma_wait3A_58 = tpu.memref_squeeze %dma_wait3A_57 : memref<1x128xi32, #tpu.memory_space<vmem>> -> memref<128xi32, #tpu.memory_space<vmem>>
      %dma_wait3A_59 = arith.constant 0 : i32
      %dma_wait3A_60 = arith.constant 0 : i32
      %dma_wait3A_61 = tpu.memref_slice %arg8[%dma_wait3A_59, %dma_wait3A_60] : memref<104000x8xf32, #tpu.memory_space<vmem_shared>> -> memref<104000x8xf32, #tpu.memory_space<vmem_shared>>
      tpu.wait_indirect_dma semaphore(%arg9 : memref<!tpu.dma_semaphore, #tpu.memory_space<semaphore_mem>>) src(%arg7 : memref<128x8xf32, #tpu.memory_space<vmem>>) dst(%dma_wait3A_61 : memref<104000x8xf32, #tpu.memory_space<vmem_shared>>)
      %dma_wait3A_62 = arith.constant 2 : i32
      %dma_wait3A_63 = arith.constant 0 : i32
      %dma_wait3A_64 = tpu.memref_slice %arg6[%dma_wait3A_62, %dma_wait3A_63] : memref<4x128xi32, #tpu.memory_space<vmem>> -> memref<1x128xi32, #tpu.memory_space<vmem>>
      %dma_wait3A_65 = tpu.memref_squeeze %dma_wait3A_64 : memref<1x128xi32, #tpu.memory_space<vmem>> -> memref<128xi32, #tpu.memory_space<vmem>>
      %dma_wait3A_66 = arith.constant 0 : i32
      %dma_wait3A_67 = arith.constant 0 : i32
      %dma_wait3A_68 = tpu.memref_slice %arg8[%dma_wait3A_66, %dma_wait3A_67] : memref<104000x8xf32, #tpu.memory_space<vmem_shared>> -> memref<104000x8xf32, #tpu.memory_space<vmem_shared>>
      tpu.wait_indirect_dma semaphore(%arg9 : memref<!tpu.dma_semaphore, #tpu.memory_space<semaphore_mem>>) src(%arg7 : memref<128x8xf32, #tpu.memory_space<vmem>>) dst(%dma_wait3A_68 : memref<104000x8xf32, #tpu.memory_space<vmem_shared>>)
      %dma_wait3A_69 = arith.constant 3 : i32
      %dma_wait3A_70 = arith.constant 0 : i32
      %dma_wait3A_71 = tpu.memref_slice %arg6[%dma_wait3A_69, %dma_wait3A_70] : memref<4x128xi32, #tpu.memory_space<vmem>> -> memref<1x128xi32, #tpu.memory_space<vmem>>
      %dma_wait3A_72 = tpu.memref_squeeze %dma_wait3A_71 : memref<1x128xi32, #tpu.memory_space<vmem>> -> memref<128xi32, #tpu.memory_space<vmem>>
      %dma_wait3A_73 = arith.constant 0 : i32
      %dma_wait3A_74 = arith.constant 0 : i32
      %dma_wait3A_75 = tpu.memref_slice %arg8[%dma_wait3A_73, %dma_wait3A_74] : memref<104000x8xf32, #tpu.memory_space<vmem_shared>> -> memref<104000x8xf32, #tpu.memory_space<vmem_shared>>
      tpu.wait_indirect_dma semaphore(%arg9 : memref<!tpu.dma_semaphore, #tpu.memory_space<semaphore_mem>>) src(%arg7 : memref<128x8xf32, #tpu.memory_space<vmem>>) dst(%dma_wait3A_75 : memref<104000x8xf32, #tpu.memory_space<vmem_shared>>)
    }
    %scan3A_7 = arith.constant 196 : i32
    %barrier3A_8 = arith.constant 0 : index
    tpu.barrier barrier_id(%barrier3A_8)
    %mul3A_9 = arith.constant 6500 : i32
    %mul3A_10 = arith.muli %arg1, %mul3A_9 : i32
    %mul3A_11 = arith.constant 104000 : i32
    %mul3A_12 = arith.muli %arg0, %mul3A_11 : i32
    %mul3A_13 = arith.constant 6500 : i32
    %mul3A_14 = arith.muli %arg1, %mul3A_13 : i32
    %add3A_15 = arith.addi %mul3A_12, %mul3A_14 : i32
    "tpu.region"() ({
      %run_scoped3A = tpu.sem_alloc : memref<!tpu.dma_semaphore, #tpu.memory_space<semaphore_mem>>
      %dma_start3A = arith.constant 0 : i32
      %dma_start3A_16 = tpu.memref_slice %arg5[%add3A_15, %dma_start3A] : memref<208000x8xf32, #tpu.memory_space<hbm>> -> memref<6500x8xf32, #tpu.memory_space<hbm>>
      %dma_start3A_17 = arith.constant 0 : i32
      %dma_start3A_18 = tpu.memref_slice %arg8[%mul3A_10, %dma_start3A_17] : memref<104000x8xf32, #tpu.memory_space<vmem_shared>> -> memref<6500x8xf32, #tpu.memory_space<vmem_shared>>
      tpu.enqueue_dma source(%dma_start3A_18 : memref<6500x8xf32, #tpu.memory_space<vmem_shared>>) target(%dma_start3A_16 : memref<6500x8xf32, #tpu.memory_space<hbm>>) target_semaphore(%run_scoped3A : memref<!tpu.dma_semaphore, #tpu.memory_space<semaphore_mem>>)
      %dma_wait3A = arith.constant 0 : i32
      %dma_wait3A_19 = tpu.memref_slice %arg5[%add3A_15, %dma_wait3A] : memref<208000x8xf32, #tpu.memory_space<hbm>> -> memref<6500x8xf32, #tpu.memory_space<hbm>>
      %dma_wait3A_20 = arith.constant 0 : i32
      %dma_wait3A_21 = tpu.memref_slice %arg8[%mul3A_10, %dma_wait3A_20] : memref<104000x8xf32, #tpu.memory_space<vmem_shared>> -> memref<6500x8xf32, #tpu.memory_space<vmem_shared>>
      tpu.wait_dma2 semaphore(%run_scoped3A : memref<!tpu.dma_semaphore, #tpu.memory_space<semaphore_mem>>) src(%dma_wait3A_21 : memref<6500x8xf32, #tpu.memory_space<vmem_shared>>) dst(%dma_wait3A_19 : memref<6500x8xf32, #tpu.memory_space<hbm>>)
      tpu.yield
    }) : () -> ()
    return
  }
}

module attributes {stable_mosaic.version = 14 : i64} {
  func.func @_front_body(%arg0: i32, %arg1: i32, %arg2: memref<2000x13xf32, #tpu.memory_space<vmem>>, %arg3: memref<2000x1xi32, #tpu.memory_space<vmem>>, %arg4: memref<1x13x16xf32, #tpu.memory_space<vmem>>, %arg5: memref<1x64x16xf32, #tpu.memory_space<vmem>>, %arg6: memref<2000x16xf32, #tpu.memory_space<vmem>>) attributes {dimension_semantics = [#tpu.dimension_semantics<arbitrary>, #tpu.dimension_semantics<arbitrary>], iteration_bounds = array<i64: 2, 50>, scalar_prefetch = 0 : i64, scratch_operands = 0 : i64, tpu.core_type = #tpu.core_type<tc>, window_params = [{transform_indices = @transform_0, window_bounds = array<i64: 2000, 13>}, {transform_indices = @transform_1, window_bounds = array<i64: 2000, 1>}, {transform_indices = @transform_2, window_bounds = array<i64: 1, 13, 16>}, {transform_indices = @transform_3, window_bounds = array<i64: 1, 64, 16>}, {transform_indices = @transform_4, window_bounds = array<i64: 2000, 16>}]} {
    %get3A = arith.constant 0 : index
    %get3A_0 = arith.constant 0 : index
    %get3A_1 = vector.load %arg2[%get3A, %get3A_0] : memref<2000x13xf32, #tpu.memory_space<vmem>>, vector<2000x13xf32>
    %get3A_2 = arith.constant 0 : index
    %get3A_3 = arith.constant 0 : index
    %get3A_4 = vector.load %arg3[%get3A_2, %get3A_3] : memref<2000x1xi32, #tpu.memory_space<vmem>>, vector<2000x1xi32>
    %iota3A = tpu.iota {dimensions = array<i32: 1>} : vector<1x64xi32>
    %eq3A = vector.broadcast %get3A_4 : vector<2000x1xi32> to vector<2000x64xi32>
    %eq3A_5 = vector.broadcast %iota3A : vector<1x64xi32> to vector<2000x64xi32>
    %eq3A_6 = arith.cmpi eq, %eq3A, %eq3A_5 : vector<2000x64xi32>
    %convert_element_type3A = arith.extui %eq3A_6 : vector<2000x64xi1> to vector<2000x64xi32>
    %convert_element_type3A_7 = arith.sitofp %convert_element_type3A : vector<2000x64xi32> to vector<2000x64xf32>
    %get3A_8 = arith.constant 0 : index
    %get3A_9 = arith.constant 0 : index
    %get3A_10 = arith.constant 0 : index
    %get3A_11 = vector.load %arg4[%get3A_8, %get3A_9, %get3A_10] : memref<1x13x16xf32, #tpu.memory_space<vmem>>, vector<1x13x16xf32>
    %get3A_12 = vector.shape_cast %get3A_11 : vector<1x13x16xf32> to vector<13x16xf32>
    %dot_general3A = arith.constant dense<0.000000e+00> : vector<2000x16xf32>
    %dot_general3A_13 = tpu.matmul %get3A_1, %get3A_12, %dot_general3A {dimension_numbers = #tpu.dot_dimension_numbers<[1], [0], [0], [1], [0, 0, 1, 1], [], []>, transpose_lhs_hint = false} : vector<2000x13xf32>, vector<13x16xf32>, vector<2000x16xf32> -> vector<2000x16xf32>
    %get3A_14 = arith.constant 0 : index
    %get3A_15 = arith.constant 0 : index
    %get3A_16 = arith.constant 0 : index
    %get3A_17 = vector.load %arg5[%get3A_14, %get3A_15, %get3A_16] : memref<1x64x16xf32, #tpu.memory_space<vmem>>, vector<1x64x16xf32>
    %get3A_18 = vector.shape_cast %get3A_17 : vector<1x64x16xf32> to vector<64x16xf32>
    %dot_general3A_19 = arith.constant dense<0.000000e+00> : vector<2000x16xf32>
    %dot_general3A_20 = tpu.matmul %convert_element_type3A_7, %get3A_18, %dot_general3A_19 {dimension_numbers = #tpu.dot_dimension_numbers<[1], [0], [0], [1], [0, 0, 1, 1], [], []>, transpose_lhs_hint = false} : vector<2000x64xf32>, vector<64x16xf32>, vector<2000x16xf32> -> vector<2000x16xf32>
    %add3A = arith.addf %dot_general3A_13, %dot_general3A_20 : vector<2000x16xf32>
    %swap3A = arith.constant 0 : index
    %swap3A_21 = arith.constant 0 : index
    %swap3A_22 = vector.load %arg6[%swap3A, %swap3A_21] : memref<2000x16xf32, #tpu.memory_space<vmem>>, vector<2000x16xf32>
    tpu.vector_store %arg6[%swap3A, %swap3A_21], %add3A {strides = array<i32>} : memref<2000x16xf32, #tpu.memory_space<vmem>>, vector<2000x16xf32>,
    return
  }
  func.func @transform_0(%arg0: i32, %arg1: i32) -> (i32, i32) {
    %c0_i32 = arith.constant 0 : i32
    %c0_i32_0 = arith.constant 0 : i32
    return %arg1, %c0_i32 : i32, i32
  }
  func.func @transform_1(%arg0: i32, %arg1: i32) -> (i32, i32) {
    %c0_i32 = arith.constant 0 : i32
    %c0_i32_0 = arith.constant 0 : i32
    return %arg1, %c0_i32 : i32, i32
  }
  func.func @transform_2(%arg0: i32, %arg1: i32) -> (i32, i32, i32) {
    %c0_i32 = arith.constant 0 : i32
    %c0_i32_0 = arith.constant 0 : i32
    %c0_i32_1 = arith.constant 0 : i32
    return %arg0, %c0_i32, %c0_i32_0 : i32, i32, i32
  }
  func.func @transform_3(%arg0: i32, %arg1: i32) -> (i32, i32, i32) {
    %c0_i32 = arith.constant 0 : i32
    %c0_i32_0 = arith.constant 0 : i32
    %c0_i32_1 = arith.constant 0 : i32
    return %arg0, %c0_i32, %c0_i32_0 : i32, i32, i32
  }
  func.func @transform_4(%arg0: i32, %arg1: i32) -> (i32, i32) {
    %mul3A = arith.constant 50 : i32
    %mul3A_0 = arith.muli %arg0, %mul3A : i32
    %add3A = arith.addi %mul3A_0, %arg1 : i32
    %c0_i32 = arith.constant 0 : i32
    %c0_i32_1 = arith.constant 0 : i32
    return %add3A, %c0_i32 : i32, i32
  }
}

module attributes {stable_mosaic.version = 14 : i64} {
  func.func @_mid_body(%arg0: i32, %arg1: i32, %arg2: memref<2000x16xf32, #tpu.memory_space<vmem>>, %arg3: memref<2000x16xf32, #tpu.memory_space<vmem>>, %arg4: memref<2000x8xf32, #tpu.memory_space<vmem>>, %arg5: memref<2000x8xf32, #tpu.memory_space<vmem>>, %arg6: memref<1x32xf32, #tpu.memory_space<vmem>>, %arg7: memref<1x32x16xf32, #tpu.memory_space<vmem>>, %arg8: memref<2000x16xf32, #tpu.memory_space<vmem>>) attributes {dimension_semantics = [#tpu.dimension_semantics<arbitrary>, #tpu.dimension_semantics<arbitrary>], iteration_bounds = array<i64: 2, 50>, scalar_prefetch = 0 : i64, scratch_operands = 0 : i64, tpu.core_type = #tpu.core_type<tc>, window_params = [{transform_indices = @transform_0, window_bounds = array<i64: 2000, 16>}, {transform_indices = @transform_1, window_bounds = array<i64: 2000, 16>}, {transform_indices = @transform_2, window_bounds = array<i64: 2000, 8>}, {transform_indices = @transform_3, window_bounds = array<i64: 2000, 8>}, {pipeline_mode = #tpu.pipeline_mode<synchronous>, transform_indices = @transform_4, window_bounds = array<i64: 1, 32>}, {transform_indices = @transform_5, window_bounds = array<i64: 1, 32, 16>}, {transform_indices = @transform_6, window_bounds = array<i64: 2000, 16>}]} {
    %get3A = arith.constant 0 : index
    %get3A_0 = arith.constant 0 : index
    %get3A_1 = vector.load %arg2[%get3A, %get3A_0] : memref<2000x16xf32, #tpu.memory_space<vmem>>, vector<2000x16xf32>
    %get3A_2 = arith.constant 0 : index
    %get3A_3 = arith.constant 0 : index
    %get3A_4 = vector.load %arg3[%get3A_2, %get3A_3] : memref<2000x16xf32, #tpu.memory_space<vmem>>, vector<2000x16xf32>
    %concatenate3A = tpu.concatenate %get3A_1, %get3A_4 in 1 : vector<2000x16xf32>, vector<2000x16xf32> -> vector<2000x32xf32>
    %get3A_5 = arith.constant 0 : index
    %get3A_6 = arith.constant 0 : index
    %get3A_7 = vector.load %arg4[%get3A_5, %get3A_6] : memref<2000x8xf32, #tpu.memory_space<vmem>>, vector<2000x8xf32>
    %slice3A = vector.extract_strided_slice %get3A_7 {offsets = [0, 0], sizes = [2000, 1], strides = [1, 1]} : vector<2000x8xf32> to vector<2000x1xf32>
    %get3A_8 = arith.constant 0 : index
    %get3A_9 = arith.constant 0 : index
    %get3A_10 = vector.load %arg5[%get3A_8, %get3A_9] : memref<2000x8xf32, #tpu.memory_space<vmem>>, vector<2000x8xf32>
    %slice3A_11 = vector.extract_strided_slice %get3A_10 {offsets = [0, 0], sizes = [2000, 1], strides = [1, 1]} : vector<2000x8xf32> to vector<2000x1xf32>
    %add3A = arith.addf %slice3A, %slice3A_11 : vector<2000x1xf32>
    %max3A = arith.constant 1.000000e+00 : f32
    %max3A_12 = vector.broadcast %max3A : f32 to vector<2000x1xf32>
    %max3A_13 = arith.maximumf %add3A, %max3A_12 : vector<2000x1xf32>
    %div3A = vector.broadcast %max3A_13 : vector<2000x1xf32> to vector<2000x32xf32>
    %div3A_14 = arith.divf %concatenate3A, %div3A : vector<2000x32xf32>
    %get3A_15 = arith.constant 0 : index
    %get3A_16 = arith.constant 0 : index
    %get3A_17 = vector.load %arg6[%get3A_15, %get3A_16] : memref<1x32xf32, #tpu.memory_space<vmem>>, vector<1x32xf32>
    %add3A_18 = vector.broadcast %get3A_17 : vector<1x32xf32> to vector<2000x32xf32>
    %add3A_19 = arith.addf %div3A_14, %add3A_18 : vector<2000x32xf32>
    %gt3A = arith.constant 0.000000e+00 : f32
    %gt3A_20 = vector.broadcast %gt3A : f32 to vector<2000x32xf32>
    %gt3A_21 = arith.cmpf ogt, %add3A_19, %gt3A_20 : vector<2000x32xf32>
    %mul3A = arith.constant 0.00999999977 : f32
    %mul3A_22 = vector.broadcast %mul3A : f32 to vector<2000x32xf32>
    %mul3A_23 = arith.mulf %mul3A_22, %add3A_19 : vector<2000x32xf32>
    %select_n3A = arith.select %gt3A_21, %add3A_19, %mul3A_23 : vector<2000x32xi1>, vector<2000x32xf32>
    %get3A_24 = arith.constant 0 : index
    %get3A_25 = arith.constant 0 : index
    %get3A_26 = arith.constant 0 : index
    %get3A_27 = vector.load %arg7[%get3A_24, %get3A_25, %get3A_26] : memref<1x32x16xf32, #tpu.memory_space<vmem>>, vector<1x32x16xf32>
    %get3A_28 = vector.shape_cast %get3A_27 : vector<1x32x16xf32> to vector<32x16xf32>
    %dot_general3A = arith.constant dense<0.000000e+00> : vector<2000x16xf32>
    %dot_general3A_29 = tpu.matmul %select_n3A, %get3A_28, %dot_general3A {dimension_numbers = #tpu.dot_dimension_numbers<[1], [0], [0], [1], [0, 0, 1, 1], [], []>, transpose_lhs_hint = false} : vector<2000x32xf32>, vector<32x16xf32>, vector<2000x16xf32> -> vector<2000x16xf32>
    %swap3A = arith.constant 0 : index
    %swap3A_30 = arith.constant 0 : index
    %swap3A_31 = vector.load %arg8[%swap3A, %swap3A_30] : memref<2000x16xf32, #tpu.memory_space<vmem>>, vector<2000x16xf32>
    tpu.vector_store %arg8[%swap3A, %swap3A_30], %dot_general3A_29 {strides = array<i32>} : memref<2000x16xf32, #tpu.memory_space<vmem>>, vector<2000x16xf32>,
    return
  }
  func.func @transform_0(%arg0: i32, %arg1: i32) -> (i32, i32) {
    %c0_i32 = arith.constant 0 : i32
    %c0_i32_0 = arith.constant 0 : i32
    return %arg1, %c0_i32 : i32, i32
  }
  func.func @transform_1(%arg0: i32, %arg1: i32) -> (i32, i32) {
    %add3A = arith.constant 52 : i32
    %add3A_0 = arith.addi %arg1, %add3A : i32
    %c0_i32 = arith.constant 0 : i32
    %c0_i32_1 = arith.constant 0 : i32
    return %add3A_0, %c0_i32 : i32, i32
  }
  func.func @transform_2(%arg0: i32, %arg1: i32) -> (i32, i32) {
    %c0_i32 = arith.constant 0 : i32
    %c0_i32_0 = arith.constant 0 : i32
    return %arg1, %c0_i32 : i32, i32
  }
  func.func @transform_3(%arg0: i32, %arg1: i32) -> (i32, i32) {
    %add3A = arith.constant 52 : i32
    %add3A_0 = arith.addi %arg1, %add3A : i32
    %c0_i32 = arith.constant 0 : i32
    %c0_i32_1 = arith.constant 0 : i32
    return %add3A_0, %c0_i32 : i32, i32
  }
  func.func @transform_4(%arg0: i32, %arg1: i32) -> (i32, i32) {
    %c0_i32 = arith.constant 0 : i32
    %c0_i32_0 = arith.constant 0 : i32
    %c0_i32_1 = arith.constant 0 : i32
    return %c0_i32, %c0_i32_0 : i32, i32
  }
  func.func @transform_5(%arg0: i32, %arg1: i32) -> (i32, i32, i32) {
    %c0_i32 = arith.constant 0 : i32
    %c0_i32_0 = arith.constant 0 : i32
    %c0_i32_1 = arith.constant 0 : i32
    return %arg0, %c0_i32, %c0_i32_0 : i32, i32, i32
  }
  func.func @transform_6(%arg0: i32, %arg1: i32) -> (i32, i32) {
    %mul3A = arith.constant 50 : i32
    %mul3A_0 = arith.muli %arg0, %mul3A : i32
    %add3A = arith.addi %mul3A_0, %arg1 : i32
    %c0_i32 = arith.constant 0 : i32
    %c0_i32_1 = arith.constant 0 : i32
    return %add3A, %c0_i32 : i32, i32
  }
}

module attributes {stable_mosaic.version = 14 : i64} {
  func.func @_head_body(%arg0: i32, %arg1: memref<2000x16xf32, #tpu.memory_space<vmem>>, %arg2: memref<2000x16xf32, #tpu.memory_space<vmem>>, %arg3: memref<2000x8xf32, #tpu.memory_space<vmem>>, %arg4: memref<2000x8xf32, #tpu.memory_space<vmem>>, %arg5: memref<2000x1xi32, #tpu.memory_space<vmem>>, %arg6: memref<1x32xf32, #tpu.memory_space<vmem>>, %arg7: memref<32x32xf32, #tpu.memory_space<vmem>>, %arg8: memref<1x32xf32, #tpu.memory_space<vmem>>, %arg9: memref<32x32xf32, #tpu.memory_space<vmem>>, %arg10: memref<1x32xf32, #tpu.memory_space<vmem>>, %arg11: memref<32x1xf32, #tpu.memory_space<vmem>>, %arg12: memref<1x1xf32, #tpu.memory_space<vmem>>, %arg13: memref<2000x1xf32, #tpu.memory_space<vmem>>, %arg14: memref<1x1xf32, #tpu.memory_space<smem>>, %arg15: memref<1x1xf32, #tpu.memory_space<smem>>, %arg16: memref<1xf32, #tpu.memory_space<smem>>, %arg17: memref<1xf32, #tpu.memory_space<smem>>) attributes {dimension_semantics = [#tpu.dimension_semantics<arbitrary>], iteration_bounds = array<i64: 50>, scalar_prefetch = 0 : i64, scratch_operands = 2 : i64, tpu.core_type = #tpu.core_type<tc>, window_params = [{transform_indices = @transform_0, window_bounds = array<i64: 2000, 16>}, {transform_indices = @transform_1, window_bounds = array<i64: 2000, 16>}, {transform_indices = @transform_2, window_bounds = array<i64: 2000, 8>}, {transform_indices = @transform_3, window_bounds = array<i64: 2000, 8>}, {transform_indices = @transform_4, window_bounds = array<i64: 2000, 1>}, {pipeline_mode = #tpu.pipeline_mode<synchronous>, transform_indices = @transform_5, window_bounds = array<i64: 1, 32>}, {pipeline_mode = #tpu.pipeline_mode<synchronous>, transform_indices = @transform_6, window_bounds = array<i64: 32, 32>}, {pipeline_mode = #tpu.pipeline_mode<synchronous>, transform_indices = @transform_7, window_bounds = array<i64: 1, 32>}, {pipeline_mode = #tpu.pipeline_mode<synchronous>, transform_indices = @transform_8, window_bounds = array<i64: 32, 32>}, {pipeline_mode = #tpu.pipeline_mode<synchronous>, transform_indices = @transform_9, window_bounds = array<i64: 1, 32>}, {pipeline_mode = #tpu.pipeline_mode<synchronous>, transform_indices = @transform_10, window_bounds = array<i64: 32, 1>}, {pipeline_mode = #tpu.pipeline_mode<synchronous>, transform_indices = @transform_11, window_bounds = array<i64: 1, 1>}, {transform_indices = @transform_12, window_bounds = array<i64: 2000, 1>}, {transform_indices = @transform_13, window_bounds = array<i64: 1, 1>}, {transform_indices = @transform_14, window_bounds = array<i64: 1, 1>}]} {
    %eq3A = arith.constant 0 : i32
    %eq3A_0 = arith.cmpi eq, %arg0, %eq3A : i32
    %convert_element_type3A = arith.extui %eq3A_0 : i1 to i32
    %cond3A = arith.constant 0 : i32
    %cond3A_1 = arith.cmpi ne, %convert_element_type3A, %cond3A : i32
    scf.if %cond3A_1 {
      %swap3A_107 = arith.constant 0xFF800000 : f32
      %swap3A_108 = arith.constant 0 : index
      %swap3A_109 = memref.load %arg16[%swap3A_108] : memref<1xf32, #tpu.memory_space<smem>>
      memref.store %swap3A_107, %arg16[%swap3A_108] : memref<1xf32, #tpu.memory_space<smem>>
      %swap3A_110 = arith.constant 0.000000e+00 : f32
      %swap3A_111 = arith.constant 0 : index
      %swap3A_112 = memref.load %arg17[%swap3A_111] : memref<1xf32, #tpu.memory_space<smem>>
      memref.store %swap3A_110, %arg17[%swap3A_111] : memref<1xf32, #tpu.memory_space<smem>>
    } else {
    }
    %get3A = arith.constant 0 : index
    %get3A_2 = arith.constant 0 : index
    %get3A_3 = vector.load %arg1[%get3A, %get3A_2] : memref<2000x16xf32, #tpu.memory_space<vmem>>, vector<2000x16xf32>
    %get3A_4 = arith.constant 0 : index
    %get3A_5 = arith.constant 0 : index
    %get3A_6 = vector.load %arg2[%get3A_4, %get3A_5] : memref<2000x16xf32, #tpu.memory_space<vmem>>, vector<2000x16xf32>
    %concatenate3A = tpu.concatenate %get3A_3, %get3A_6 in 1 : vector<2000x16xf32>, vector<2000x16xf32> -> vector<2000x32xf32>
    %get3A_7 = arith.constant 0 : index
    %get3A_8 = arith.constant 0 : index
    %get3A_9 = vector.load %arg3[%get3A_7, %get3A_8] : memref<2000x8xf32, #tpu.memory_space<vmem>>, vector<2000x8xf32>
    %slice3A = vector.extract_strided_slice %get3A_9 {offsets = [0, 0], sizes = [2000, 1], strides = [1, 1]} : vector<2000x8xf32> to vector<2000x1xf32>
    %get3A_10 = arith.constant 0 : index
    %get3A_11 = arith.constant 0 : index
    %get3A_12 = vector.load %arg4[%get3A_10, %get3A_11] : memref<2000x8xf32, #tpu.memory_space<vmem>>, vector<2000x8xf32>
    %slice3A_13 = vector.extract_strided_slice %get3A_12 {offsets = [0, 0], sizes = [2000, 1], strides = [1, 1]} : vector<2000x8xf32> to vector<2000x1xf32>
    %add3A = arith.addf %slice3A, %slice3A_13 : vector<2000x1xf32>
    %max3A = arith.constant 1.000000e+00 : f32
    %max3A_14 = vector.broadcast %max3A : f32 to vector<2000x1xf32>
    %max3A_15 = arith.maximumf %add3A, %max3A_14 : vector<2000x1xf32>
    %div3A = vector.broadcast %max3A_15 : vector<2000x1xf32> to vector<2000x32xf32>
    %div3A_16 = arith.divf %concatenate3A, %div3A : vector<2000x32xf32>
    %get3A_17 = arith.constant 0 : index
    %get3A_18 = arith.constant 0 : index
    %get3A_19 = vector.load %arg6[%get3A_17, %get3A_18] : memref<1x32xf32, #tpu.memory_space<vmem>>, vector<1x32xf32>
    %add3A_20 = vector.broadcast %get3A_19 : vector<1x32xf32> to vector<2000x32xf32>
    %add3A_21 = arith.addf %div3A_16, %add3A_20 : vector<2000x32xf32>
    %get3A_22 = arith.constant 0 : index
    %get3A_23 = arith.constant 0 : index
    %get3A_24 = vector.load %arg7[%get3A_22, %get3A_23] : memref<32x32xf32, #tpu.memory_space<vmem>>, vector<32x32xf32>
    %dot_general3A = arith.constant dense<0.000000e+00> : vector<2000x32xf32>
    %dot_general3A_25 = tpu.matmul %add3A_21, %get3A_24, %dot_general3A {dimension_numbers = #tpu.dot_dimension_numbers<[1], [0], [0], [1], [0, 0, 1, 1], [], []>, transpose_lhs_hint = false} : vector<2000x32xf32>, vector<32x32xf32>, vector<2000x32xf32> -> vector<2000x32xf32>
    %get3A_26 = arith.constant 0 : index
    %get3A_27 = arith.constant 0 : index
    %get3A_28 = vector.load %arg8[%get3A_26, %get3A_27] : memref<1x32xf32, #tpu.memory_space<vmem>>, vector<1x32xf32>
    %add3A_29 = vector.broadcast %get3A_28 : vector<1x32xf32> to vector<2000x32xf32>
    %add3A_30 = arith.addf %dot_general3A_25, %add3A_29 : vector<2000x32xf32>
    %gt3A = arith.constant 0.000000e+00 : f32
    %gt3A_31 = vector.broadcast %gt3A : f32 to vector<2000x32xf32>
    %gt3A_32 = arith.cmpf ogt, %add3A_30, %gt3A_31 : vector<2000x32xf32>
    %mul3A = arith.constant 0.00999999977 : f32
    %mul3A_33 = vector.broadcast %mul3A : f32 to vector<2000x32xf32>
    %mul3A_34 = arith.mulf %mul3A_33, %add3A_30 : vector<2000x32xf32>
    %select_n3A = arith.select %gt3A_32, %add3A_30, %mul3A_34 : vector<2000x32xi1>, vector<2000x32xf32>
    %get3A_35 = arith.constant 0 : index
    %get3A_36 = arith.constant 0 : index
    %get3A_37 = vector.load %arg9[%get3A_35, %get3A_36] : memref<32x32xf32, #tpu.memory_space<vmem>>, vector<32x32xf32>
    %dot_general3A_38 = arith.constant dense<0.000000e+00> : vector<2000x32xf32>
    %dot_general3A_39 = tpu.matmul %select_n3A, %get3A_37, %dot_general3A_38 {dimension_numbers = #tpu.dot_dimension_numbers<[1], [0], [0], [1], [0, 0, 1, 1], [], []>, transpose_lhs_hint = false} : vector<2000x32xf32>, vector<32x32xf32>, vector<2000x32xf32> -> vector<2000x32xf32>
    %get3A_40 = arith.constant 0 : index
    %get3A_41 = arith.constant 0 : index
    %get3A_42 = vector.load %arg10[%get3A_40, %get3A_41] : memref<1x32xf32, #tpu.memory_space<vmem>>, vector<1x32xf32>
    %add3A_43 = vector.broadcast %get3A_42 : vector<1x32xf32> to vector<2000x32xf32>
    %add3A_44 = arith.addf %dot_general3A_39, %add3A_43 : vector<2000x32xf32>
    %gt3A_45 = arith.constant 0.000000e+00 : f32
    %gt3A_46 = vector.broadcast %gt3A_45 : f32 to vector<2000x32xf32>
    %gt3A_47 = arith.cmpf ogt, %add3A_44, %gt3A_46 : vector<2000x32xf32>
    %mul3A_48 = arith.constant 0.00999999977 : f32
    %mul3A_49 = vector.broadcast %mul3A_48 : f32 to vector<2000x32xf32>
    %mul3A_50 = arith.mulf %mul3A_49, %add3A_44 : vector<2000x32xf32>
    %select_n3A_51 = arith.select %gt3A_47, %add3A_44, %mul3A_50 : vector<2000x32xi1>, vector<2000x32xf32>
    %get3A_52 = arith.constant 0 : index
    %get3A_53 = arith.constant 0 : index
    %get3A_54 = vector.load %arg11[%get3A_52, %get3A_53] : memref<32x1xf32, #tpu.memory_space<vmem>>, vector<32x1xf32>
    %dot_general3A_55 = arith.constant dense<0.000000e+00> : vector<2000x1xf32>
    %dot_general3A_56 = tpu.matmul %select_n3A_51, %get3A_54, %dot_general3A_55 {dimension_numbers = #tpu.dot_dimension_numbers<[1], [0], [0], [1], [0, 0, 1, 1], [], []>, transpose_lhs_hint = false} : vector<2000x32xf32>, vector<32x1xf32>, vector<2000x1xf32> -> vector<2000x1xf32>
    %get3A_57 = arith.constant 0 : index
    %get3A_58 = arith.constant 0 : index
    %get3A_59 = vector.load %arg12[%get3A_57, %get3A_58] : memref<1x1xf32, #tpu.memory_space<vmem>>, vector<1x1xf32>
    %add3A_60 = vector.broadcast %get3A_59 : vector<1x1xf32> to vector<2000x1xf32>
    %add3A_61 = arith.addf %dot_general3A_56, %add3A_60 : vector<2000x1xf32>
    %get3A_62 = arith.constant 0 : index
    %get3A_63 = arith.constant 0 : index
    %get3A_64 = vector.load %arg5[%get3A_62, %get3A_63] : memref<2000x1xi32, #tpu.memory_space<vmem>>, vector<2000x1xi32>
    %get3A_65 = arith.constant dense<0> : vector<2000x1xi32>
    %get3A_66 = arith.cmpi ne, %get3A_64, %get3A_65 : vector<2000x1xi32>
    %jit3A = arith.constant 0xFF800000 : f32
    %broadcast_in_dim3A = vector.broadcast %jit3A : f32 to vector<2000x1xf32>
    %select_n3A_67 = arith.select %get3A_66, %add3A_61, %broadcast_in_dim3A : vector<2000x1xi1>, vector<2000x1xf32>
    %swap3A = arith.constant 0 : index
    %swap3A_68 = arith.constant 0 : index
    %swap3A_69 = vector.load %arg13[%swap3A, %swap3A_68] : memref<2000x1xf32, #tpu.memory_space<vmem>>, vector<2000x1xf32>
    tpu.vector_store %arg13[%swap3A, %swap3A_68], %select_n3A_67 {strides = array<i32>} : memref<2000x1xf32, #tpu.memory_space<vmem>>, vector<2000x1xf32>,
    %reduce_max3A = vector.shape_cast %select_n3A_67 : vector<2000x1xf32> to vector<1x2000x1xf32>
    %reduce_max3A_70 = arith.constant dense<0xFF800000> : vector<1xf32>
    %reduce_max3A_71 = vector.multi_reduction <maximumf>, %reduce_max3A, %reduce_max3A_70 [1, 2] : vector<1x2000x1xf32> to vector<1xf32>
    %reduce_max3A_72 = vector.shape_cast %reduce_max3A_71 : vector<1xf32> to vector<1x1x1xf32>
    %reduce_max3A_73 = vector.extract %reduce_max3A_72[0, 0, 0] : f32 from vector<1x1x1xf32>
    %get3A_74 = arith.constant 0 : index
    %get3A_75 = memref.load %arg16[%get3A_74] : memref<1xf32, #tpu.memory_space<smem>>
    %max3A_76 = arith.maximumf %get3A_75, %reduce_max3A_73 : f32
    %eq3A_77 = arith.constant 0xFF800000 : f32
    %eq3A_78 = arith.cmpf oeq, %max3A_76, %eq3A_77 : f32
    %sub3A = arith.subf %get3A_75, %max3A_76 : f32
    %exp3A = math.exp %sub3A : f32
    %jit3A_79 = arith.constant 0.000000e+00 : f32
    %select_n3A_80 = arith.select %eq3A_78, %jit3A_79, %exp3A : f32
    %eq3A_81 = arith.constant 0xFF800000 : f32
    %eq3A_82 = vector.broadcast %eq3A_81 : f32 to vector<2000x1xf32>
    %eq3A_83 = arith.cmpf oeq, %select_n3A_67, %eq3A_82 : vector<2000x1xf32>
    %sub3A_84 = vector.broadcast %max3A_76 : f32 to vector<2000x1xf32>
    %sub3A_85 = arith.subf %select_n3A_67, %sub3A_84 : vector<2000x1xf32>
    %exp3A_86 = math.exp %sub3A_85 : vector<2000x1xf32>
    %jit3A_87 = arith.constant 0.000000e+00 : f32
    %broadcast_in_dim3A_88 = vector.broadcast %jit3A_87 : f32 to vector<2000x1xf32>
    %select_n3A_89 = arith.select %eq3A_83, %broadcast_in_dim3A_88, %exp3A_86 : vector<2000x1xi1>, vector<2000x1xf32>
    %reduce_sum3A = vector.shape_cast %select_n3A_89 : vector<2000x1xf32> to vector<1x2000x1xf32>
    %reduce_sum3A_90 = arith.constant dense<0.000000e+00> : vector<1xf32>
    %reduce_sum3A_91 = vector.multi_reduction <add>, %reduce_sum3A, %reduce_sum3A_90 [1, 2] : vector<1x2000x1xf32> to vector<1xf32>
    %reduce_sum3A_92 = vector.shape_cast %reduce_sum3A_91 : vector<1xf32> to vector<1x1x1xf32>
    %reduce_sum3A_93 = vector.extract %reduce_sum3A_92[0, 0, 0] : f32 from vector<1x1x1xf32>
    %get3A_94 = arith.constant 0 : index
    %get3A_95 = memref.load %arg17[%get3A_94] : memref<1xf32, #tpu.memory_space<smem>>
    %mul3A_96 = arith.mulf %get3A_95, %select_n3A_80 : f32
    %add3A_97 = arith.addf %mul3A_96, %reduce_sum3A_93 : f32
    %swap3A_98 = arith.constant 0 : index
    %swap3A_99 = memref.load %arg17[%swap3A_98] : memref<1xf32, #tpu.memory_space<smem>>
    memref.store %add3A_97, %arg17[%swap3A_98] : memref<1xf32, #tpu.memory_space<smem>>
    %swap3A_100 = arith.constant 0 : index
    %swap3A_101 = memref.load %arg16[%swap3A_100] : memref<1xf32, #tpu.memory_space<smem>>
    memref.store %max3A_76, %arg16[%swap3A_100] : memref<1xf32, #tpu.memory_space<smem>>
    %eq3A_102 = arith.constant 49 : i32
    %eq3A_103 = arith.cmpi eq, %arg0, %eq3A_102 : i32
    %convert_element_type3A_104 = arith.extui %eq3A_103 : i1 to i32
    %cond3A_105 = arith.constant 0 : i32
    %cond3A_106 = arith.cmpi ne, %convert_element_type3A_104, %cond3A_105 : i32
    scf.if %cond3A_106 {
      %get3A_107 = arith.constant 0 : index
      %get3A_108 = memref.load %arg16[%get3A_107] : memref<1xf32, #tpu.memory_space<smem>>
      %swap3A_109 = arith.constant 0 : index
      %swap3A_110 = arith.constant 0 : index
      %swap3A_111 = memref.load %arg14[%swap3A_109, %swap3A_110] : memref<1x1xf32, #tpu.memory_space<smem>>
      memref.store %get3A_108, %arg14[%swap3A_109, %swap3A_110] : memref<1x1xf32, #tpu.memory_space<smem>>
      %get3A_112 = arith.constant 0 : index
      %get3A_113 = memref.load %arg17[%get3A_112] : memref<1xf32, #tpu.memory_space<smem>>
      %swap3A_114 = arith.constant 0 : index
      %swap3A_115 = arith.constant 0 : index
      %swap3A_116 = memref.load %arg15[%swap3A_114, %swap3A_115] : memref<1x1xf32, #tpu.memory_space<smem>>
      memref.store %get3A_113, %arg15[%swap3A_114, %swap3A_115] : memref<1x1xf32, #tpu.memory_space<smem>>
    } else {
    }
    return
  }
  func.func @transform_0(%arg0: i32) -> (i32, i32) {
    %c0_i32 = arith.constant 0 : i32
    %c0_i32_0 = arith.constant 0 : i32
    return %arg0, %c0_i32 : i32, i32
  }
  func.func @transform_1(%arg0: i32) -> (i32, i32) {
    %add3A = arith.constant 52 : i32
    %add3A_0 = arith.addi %arg0, %add3A : i32
    %c0_i32 = arith.constant 0 : i32
    %c0_i32_1 = arith.constant 0 : i32
    return %add3A_0, %c0_i32 : i32, i32
  }
  func.func @transform_2(%arg0: i32) -> (i32, i32) {
    %c0_i32 = arith.constant 0 : i32
    %c0_i32_0 = arith.constant 0 : i32
    return %arg0, %c0_i32 : i32, i32
  }
  func.func @transform_3(%arg0: i32) -> (i32, i32) {
    %add3A = arith.constant 52 : i32
    %add3A_0 = arith.addi %arg0, %add3A : i32
    %c0_i32 = arith.constant 0 : i32
    %c0_i32_1 = arith.constant 0 : i32
    return %add3A_0, %c0_i32 : i32, i32
  }
  func.func @transform_4(%arg0: i32) -> (i32, i32) {
    %c0_i32 = arith.constant 0 : i32
    %c0_i32_0 = arith.constant 0 : i32
    return %arg0, %c0_i32 : i32, i32
  }
  func.func @transform_5(%arg0: i32) -> (i32, i32) {
    %c0_i32 = arith.constant 0 : i32
    %c0_i32_0 = arith.constant 0 : i32
    %c0_i32_1 = arith.constant 0 : i32
    return %c0_i32, %c0_i32_0 : i32, i32
  }
  func.func @transform_6(%arg0: i32) -> (i32, i32) {
    %c0_i32 = arith.constant 0 : i32
    %c0_i32_0 = arith.constant 0 : i32
    %c0_i32_1 = arith.constant 0 : i32
    return %c0_i32, %c0_i32_0 : i32, i32
  }
  func.func @transform_7(%arg0: i32) -> (i32, i32) {
    %c0_i32 = arith.constant 0 : i32
    %c0_i32_0 = arith.constant 0 : i32
    %c0_i32_1 = arith.constant 0 : i32
    return %c0_i32, %c0_i32_0 : i32, i32
  }
  func.func @transform_8(%arg0: i32) -> (i32, i32) {
    %c0_i32 = arith.constant 0 : i32
    %c0_i32_0 = arith.constant 0 : i32
    %c0_i32_1 = arith.constant 0 : i32
    return %c0_i32, %c0_i32_0 : i32, i32
  }
  func.func @transform_9(%arg0: i32) -> (i32, i32) {
    %c0_i32 = arith.constant 0 : i32
    %c0_i32_0 = arith.constant 0 : i32
    %c0_i32_1 = arith.constant 0 : i32
    return %c0_i32, %c0_i32_0 : i32, i32
  }
  func.func @transform_10(%arg0: i32) -> (i32, i32) {
    %c0_i32 = arith.constant 0 : i32
    %c0_i32_0 = arith.constant 0 : i32
    %c0_i32_1 = arith.constant 0 : i32
    return %c0_i32, %c0_i32_0 : i32, i32
  }
  func.func @transform_11(%arg0: i32) -> (i32, i32) {
    %c0_i32 = arith.constant 0 : i32
    %c0_i32_0 = arith.constant 0 : i32
    %c0_i32_1 = arith.constant 0 : i32
    return %c0_i32, %c0_i32_0 : i32, i32
  }
  func.func @transform_12(%arg0: i32) -> (i32, i32) {
    %c0_i32 = arith.constant 0 : i32
    %c0_i32_0 = arith.constant 0 : i32
    return %arg0, %c0_i32 : i32, i32
  }
  func.func @transform_13(%arg0: i32) -> (i32, i32) {
    %c0_i32 = arith.constant 0 : i32
    %c0_i32_0 = arith.constant 0 : i32
    %c0_i32_1 = arith.constant 0 : i32
    return %c0_i32, %c0_i32_0 : i32, i32
  }
  func.func @transform_14(%arg0: i32) -> (i32, i32) {
    %c0_i32 = arith.constant 0 : i32
    %c0_i32_0 = arith.constant 0 : i32
    %c0_i32_1 = arith.constant 0 : i32
    return %c0_i32, %c0_i32_0 : i32, i32
  }
}

module attributes {stable_mosaic.version = 14 : i64} {
  func.func @_norm_body(%arg0: i32, %arg1: memref<2000x1xf32, #tpu.memory_space<vmem>>, %arg2: memref<1x1xf32, #tpu.memory_space<smem>>, %arg3: memref<1x1xf32, #tpu.memory_space<smem>>, %arg4: memref<2000x1xf32, #tpu.memory_space<vmem>>) attributes {dimension_semantics = [#tpu.dimension_semantics<arbitrary>], iteration_bounds = array<i64: 50>, scalar_prefetch = 0 : i64, scratch_operands = 0 : i64, tpu.core_type = #tpu.core_type<tc>, window_params = [{transform_indices = @transform_0, window_bounds = array<i64: 2000, 1>}, {transform_indices = @transform_1, window_bounds = array<i64: 1, 1>}, {transform_indices = @transform_2, window_bounds = array<i64: 1, 1>}, {transform_indices = @transform_3, window_bounds = array<i64: 2000, 1>}]} {
    %get3A = arith.constant 0 : index
    %get3A_0 = arith.constant 0 : index
    %get3A_1 = vector.load %arg1[%get3A, %get3A_0] : memref<2000x1xf32, #tpu.memory_space<vmem>>, vector<2000x1xf32>
    %get3A_2 = arith.constant 0 : index
    %get3A_3 = arith.constant 0 : index
    %get3A_4 = memref.load %arg2[%get3A_2, %get3A_3] : memref<1x1xf32, #tpu.memory_space<smem>>
    %get3A_5 = arith.constant 0 : index
    %get3A_6 = arith.constant 0 : index
    %get3A_7 = memref.load %arg3[%get3A_5, %get3A_6] : memref<1x1xf32, #tpu.memory_space<smem>>
    %eq3A = arith.constant 0xFF800000 : f32
    %eq3A_8 = vector.broadcast %eq3A : f32 to vector<2000x1xf32>
    %eq3A_9 = arith.cmpf oeq, %get3A_1, %eq3A_8 : vector<2000x1xf32>
    %sub3A = vector.broadcast %get3A_4 : f32 to vector<2000x1xf32>
    %sub3A_10 = arith.subf %get3A_1, %sub3A : vector<2000x1xf32>
    %exp3A = math.exp %sub3A_10 : vector<2000x1xf32>
    %jit3A = arith.constant 0.000000e+00 : f32
    %broadcast_in_dim3A = vector.broadcast %jit3A : f32 to vector<2000x1xf32>
    %select_n3A = arith.select %eq3A_9, %broadcast_in_dim3A, %exp3A : vector<2000x1xi1>, vector<2000x1xf32>
    %div3A = vector.broadcast %get3A_7 : f32 to vector<2000x1xf32>
    %div3A_11 = arith.divf %select_n3A, %div3A : vector<2000x1xf32>
    %swap3A = arith.constant 0 : index
    %swap3A_12 = arith.constant 0 : index
    %swap3A_13 = vector.load %arg4[%swap3A, %swap3A_12] : memref<2000x1xf32, #tpu.memory_space<vmem>>, vector<2000x1xf32>
    tpu.vector_store %arg4[%swap3A, %swap3A_12], %div3A_11 {strides = array<i32>} : memref<2000x1xf32, #tpu.memory_space<vmem>>, vector<2000x1xf32>,
    return
  }
  func.func @transform_0(%arg0: i32) -> (i32, i32) {
    %c0_i32 = arith.constant 0 : i32
    %c0_i32_0 = arith.constant 0 : i32
    return %arg0, %c0_i32 : i32, i32
  }
  func.func @transform_1(%arg0: i32) -> (i32, i32) {
    %c0_i32 = arith.constant 0 : i32
    %c0_i32_0 = arith.constant 0 : i32
    %c0_i32_1 = arith.constant 0 : i32
    return %c0_i32, %c0_i32_0 : i32, i32
  }
  func.func @transform_2(%arg0: i32) -> (i32, i32) {
    %c0_i32 = arith.constant 0 : i32
    %c0_i32_0 = arith.constant 0 : i32
    %c0_i32_1 = arith.constant 0 : i32
    return %c0_i32, %c0_i32_0 : i32, i32
  }
  func.func @transform_3(%arg0: i32) -> (i32, i32) {
    %c0_i32 = arith.constant 0 : i32
    %c0_i32_0 = arith.constant 0 : i32
    return %arg0, %c0_i32 : i32, i32
  }
}

</mosaic_0001>

<sc_bundles>
// kernel: kernel.12.cloned.1.call-start
scs
__scs_entry_jumppad:
0x0: {  	(pc) =	sbr.rel $0x88, $3  }
0x1: {  	(tag) =	ssettag $0x0;
	lr =	simm.s32 $0x1  }
0x2: {  	[smem:$0x3F92] =	sst lr;
	_ =	strace $0xD0000000  }
0x3: {  	_ = 	snop  }
0x4: {  	_ = 	snop  }
0x5: {  	_ = 	snop  }
0x6: {  	_ = 	snop  }
0x7: {  	_ = 	snop  }
__scs_overlays_trampoline_lowered:
0x8: {  	[smem:$0x3FA1] =	sst s0  }
0x9: {  	[smem:$0x3FA2] =	sst s1  }
0xa: {  	[smem:$0x3FA3] =	sst s2  }
0xb: {  	[smem:$0x3FA4] =	sst s3  }
0xc: {  	[smem:$0x3FA5] =	sst s4  }
0xd: {  	[smem:$0x3FA6] =	sst s5  }
0xe: {  	[smem:$0x3FA7] =	sst s6  }
0xf: {  	[smem:$0x3FA8] =	sst s7  }
0x10: {  	[smem:$0x3FA9] =	sst s8  }
0x11: {  	[smem:$0x3FAA] =	sst s9;
	s0 =	simm.s32 @!p0 $0x0  }
0x12: {  	s1 =	sld [smem:$0x3F90];
	s0 =	simm.s32 @p0 $0x1  }
0x13: {  	[smem:$0x3FAB] =	sst s0;
	s0 =	simm.s32 @!p1 $0x0  }
0x14: {  	s2 =	sld [smem:$0x3F8F];
	s0 =	simm.s32 @p1 $0x1  }
0x15: {  	[smem:$0x3FAC] =	sst s0;
	s0 =	simm.s32 @!p2 $0x0  }
0x16: {  	s3 =	sld [smem:$0x3FDB];
	s0 =	simm.s32 @p2 $0x1  }
0x17: {  	s4 =	simm.s32 $0x1BF5;
	[smem:$0x3FAE] =	sst s0  }
0x18: {  	s0 =	sld [smem:$0x3F91];
	_ =	swait.ge [sflag:s4], $0x0  }
0x19: {  	s7 =	sld [smem:$0x3F92]  }
0x1a: {  	s8 =	sadd.s32 $0xFFFFE003, lr  }
0x1b: {  	s9 =	sadd.s32 $0xFFFFFEF7, lr;
	s5 =	simm.s32 $0xFFFFFFFF;
	p2 =	slt.u32 s8, $0xFFFFF086  }
0x1c: {  	p1 =	slt.u32 s9, $0xF7A;
	s5 =	simm.s32 @!p2 $0x0  }
0x1d: {  	s5 =	simm.s32 @p1 $0x1;
	p0 =	seq.s32 s7, s2  }
0x1e: {  	s7 =	smul.u32 @!p0 $0xF7A, s2;
	p2 =	seq.s32 @!p0 s5, $0x0  }
0x1f: {  	s9 =	smul.u32 $0xF7A, s1;
	s8 =	simm.s32 @!p0 $0x1BF5;
	p2 =	por !p2, p0  }
0x20: {  	[sflag:s8] =	ssyncset.s32 @!p0 $0xFFFFF086;
	s6 =	sadd.s32 @!p0 s3, s7;
	s7 =	simm.s32 @!p0 $0x108  }
0x21: {  	s3 =	sadd.s32 s3, s9;
	s6 =	sadd.s32 @!p0 $0x88, s6;
	s7 =	simm.s32 @p2 $0x1082  }
0x22: {  	[simem:s7], [sflag:s8] =	dma.local @!p0 [hbm:s6], $0xF7A  }
0x23: {  	s9 =	sor.u32 $0xD0000000, s2;
	s6 =	simm.s32 $0x108;
	_ =	swait.ge @!p0 [sflag:s8], $0x0  }
0x24: {  	s3 =	sadd.s32 $0x88, s3;
	s6 =	simm.s32 @!p1 $0x1082;
	[sflag:s4] =	ssyncset.s32 $0xFFFFF086  }
0x25: {  	[simem:s6], [sflag:s4] =	dma.local [hbm:s3], $0xF7A  }
0x26: {  	[smem:$0x3F92] =	sst s1;
	(tag) =	ssettag s2;
	_ =	strace s9  }
0x27: {  	s1 =	sld [smem:$0x3FA2]  }
0x28: {  	s2 =	sld [smem:$0x3FA3]  }
0x29: {  	s4 =	sld [smem:$0x3FA5]  }
0x2a: {  	p0 =	seq.s32 s5, $0x0;
	s5 =	sld [smem:$0x3FA6]  }
0x2b: {  	s6 =	sld [smem:$0x3FA7]  }
0x2c: {  	s7 =	sld [smem:$0x3FA8]  }
0x2d: {  	s3 =	simm.s32 $0x108;
	s8 =	sld [smem:$0x3FA9]  }
0x2e: {  	s3 =	simm.s32 @!p0 $0x1082;
	s9 =	sld [smem:$0x3FAA]  }
0x2f: {  	lr =	sadd.s32 s0, s3;
	s0 =	sld [smem:$0x3FA1]  }
0x30: {  	s3 =	sld [smem:$0x3FA4]  }
0x31: {  	[smem:$0x3FAD] =	sst s10  }
0x32: {  	s10 =	sld [smem:$0x3FAB];
	_ =	sdelay $0x3  }
0x33: {  	p0 =	seq.s32 s10, $0x1;
	s10 =	sld [smem:$0x3FAD];
	_ =	sdelay $0x3  }
0x34: {  	[smem:$0x3FAD] =	sst s10  }
0x35: {  	s10 =	sld [smem:$0x3FAC];
	_ =	sdelay $0x3  }
0x36: {  	p1 =	seq.s32 s10, $0x1;
	s10 =	sld [smem:$0x3FAD];
	_ =	sdelay $0x3  }
0x37: {  	[smem:$0x3FAD] =	sst s10  }
0x38: {  	s10 =	sld [smem:$0x3FAE]  }
0x39: {  	_ = 	snop;
	(pc) =	sbr.ind lr, $3  }
0x3a: {  	_ = 	snop  }
0x3b: {  	_ = 	snop  }
0x3c: {  	p2 =	seq.s32 s10, $0x1;
	s10 =	sld [smem:$0x3FAD]  }
0x3d: {  	_ =	shalt  }
0x3e: {  	_ =	shalt  }
0x3f: {  	_ =	shalt  }
0x40: {  	_ =	shalt  }
0x41: {  	_ =	shalt  }
0x42: {  	_ =	shalt  }
0x43: {  	_ =	shalt  }
0x44: {  	_ =	shalt  }
0x45: {  	_ =	shalt  }
0x46: {  	_ =	shalt  }
0x47: {  	_ =	shalt  }
0x48: {  	_ =	shalt  }
0x49: {  	_ =	shalt  }
0x4a: {  	_ =	shalt  }
0x4b: {  	_ =	shalt  }
0x4c: {  	_ =	shalt  }
0x4d: {  	_ =	shalt  }
0x4e: {  	_ =	shalt  }
0x4f: {  	_ =	shalt  }
0x50: {  	_ =	shalt  }
0x51: {  	_ =	shalt  }
0x52: {  	_ =	shalt  }
0x53: {  	_ =	shalt  }
0x54: {  	_ =	shalt  }
0x55: {  	_ =	shalt  }
0x56: {  	_ =	shalt  }
0x57: {  	_ =	shalt  }
0x58: {  	_ =	shalt  }
0x59: {  	_ =	shalt  }
0x5a: {  	_ =	shalt  }
0x5b: {  	_ =	shalt  }
0x5c: {  	_ =	shalt  }
0x5d: {  	_ =	shalt  }
0x5e: {  	_ =	shalt  }
0x5f: {  	_ =	shalt  }
0x60: {  	_ =	shalt  }
0x61: {  	_ =	shalt  }
0x62: {  	_ =	shalt  }
0x63: {  	_ =	shalt  }
0x64: {  	_ =	shalt  }
0x65: {  	_ =	shalt  }
0x66: {  	_ =	shalt  }
0x67: {  	_ =	shalt  }
0x68: {  	_ =	shalt  }
0x69: {  	_ =	shalt  }
0x6a: {  	_ =	shalt  }
0x6b: {  	_ =	shalt  }
0x6c: {  	_ =	shalt  }
0x6d: {  	_ =	shalt  }
0x6e: {  	_ =	shalt  }
0x6f: {  	_ =	shalt  }
0x70: {  	_ =	shalt  }
0x71: {  	_ =	shalt  }
0x72: {  	_ =	shalt  }
0x73: {  	_ =	shalt  }
0x74: {  	_ =	shalt  }
0x75: {  	_ =	shalt  }
0x76: {  	_ =	shalt  }
0x77: {  	_ =	shalt  }
0x78: {  	_ =	shalt  }
0x79: {  	_ =	shalt  }
0x7a: {  	_ =	shalt  }
0x7b: {  	_ =	shalt  }
0x7c: {  	_ =	shalt  }
0x7d: {  	_ =	shalt  }
0x7e: {  	_ =	shalt  }
0x7f: {  	_ =	shalt  }
0x80: {  	_ =	shalt  }
0x81: {  	_ =	shalt  }
0x82: {  	_ =	shalt  }
0x83: {  	_ =	shalt  }
0x84: {  	_ =	shalt  }
0x85: {  	_ =	shalt  }
0x86: {  	_ =	shalt  }
0x87: {  	_ =	shalt  }
.Lfunc_end0:
.L_simem_size_0:
called_computation.1_lowered:
.L_overlay_start_0:
0x88: {  	s2 =	sld [smem:$0x3FD9]  }
0x89: {  	s3 =	sld [smem:$0x3FFE];
	_ =	sdelay $0x1  }
0x8a: {  	s1 =	srdreg.scid  }
0x8b: {  	s0 =	sand.u32 $0x1, s1  }
0x8c: {  	s16 =	sshll.u32 s0, $0xA;
	s2 =	sadd.s32 s3, s2  }
0x8d: {  	s2 =	sadd.s32 s2, s16  }
0x8e: {  	[smem:$0x3FB9] =	sst s2  }
0x8f: {  	_ = 	snop  }
0x90: {  	(tm) =	ssettm $0x1  }
0x91: {  	s17 =	sld [smem:$0x3FFB];
	_ =	sdelay $0x3  }
0x92: {  	_ =	strace s17  }
0x93: {  	s2 =	sld [smem:$0x3FFC];
	_ =	sdelay $0x3  }
0x94: {  	_ =	strace s2  }
0x95: {  	s2 =	sld [smem:$0x3FFD];
	_ =	sdelay $0x3  }
0x96: {  	_ =	strace s2  }
0x97: {  	_ =	strace $0x8FFFFFFF  }
0x98: {  	s18 =	sld [smem:$0x3FDB];
	_ =	sdelay $0x1  }
0x99: {  	s19 =	simm.s32 $_scs_section_size  }
0x9a: {  	s4 =	simm.s32 $_size__tile_overlayer_lowered;
	s5 =	simm.s32 $_tile_overlayer_lowered  }
0x9b: {  	s22 =	simm.s32 $0x1BFF;
	s21 =	sshll.u32 s5, $0x1;
	s2 =	sadd.s32 s19, s18  }
0x9c: {  	s6 =	simm.s32 $0x0;
	s20 =	sshll.u32 s4, $0x1;
	s4 =	sadd.s32 s21, s2  }
0x9d: {  	[timem:s6], [sflag:s22] =	dma.local [hbm:s4], s20  }
0x9e: {  	_ =	swait.ge [sflag:s22], s20  }
0x9f: {  	s3 =	ssub.s32 $0x0, s20;
	[sflag:s22] =	ssyncset.done $0x0  }
0xa0: {  	[sflag:s22] =	ssyncadd.s32 s3;
	_ =	sdelay $0x1  }
0xa1: {  	s23 =	simm.s32 $0x1B8B  }
0xa2: {  	_ =	swait.ge [sflag:s23], $0x1  }
0xa3: {  	[sflag:s23] =	ssyncset.done $0x0  }
0xa4: {  	s25 =	simm.s32 $0x1B8E;
	s24 =	sld [smem:$0x3FFE];
	[sflag:s23] =	ssyncadd.s32 $0xFFFFFFFF  }
0xa5: {  	s26 =	simm.s32 $execute0_lowered;
	[smem:$0x3FD2] =	sst s25  }
0xa6: {  	s4 =	sshll.u32 s26, $0x1;
	_ =	strace $0x80000046;
	[dreg:$0x1] =	wrdreg $0xFFFFFFFF  }
0xa7: {  	s28 =	simm.s32 $_size_execute0_lowered;
	s2 =	sadd.s32 s2, s4;
	[dreg:$0x0] =	wrdreg $0x0  }
0xa8: {  	s4 =	sshll.u32 s28, $0x1;
	[dreg:$0x2] =	wrdreg s2  }
0xa9: {  	[dreg:$0x3] =	wrdreg s4  }
0xaa: {  	[dreg:$0x4] =	wrdreg $0xC0  }
0xab: {  	_ =	task [dreg:s6], $0x5FFFF  }
0xac: {  	[dreg:$0x1] =	wrdreg $0xFFFFFFFF  }
0xad: {  	[dreg:$0x0] =	wrdreg $0x60  }
0xae: {  	[dreg:$0x2] =	wrdreg s24  }
0xaf: {  	[dreg:$0x3] =	wrdreg $0x48000  }
0xb0: {  	[dreg:$0x4] =	wrdreg $0xA  }
0xb1: {  	_ =	task.clear_ibuf [dreg:s6], $0x5FFFF;
	_ =	strace $0x90000046  }
0xb2: {  	s29 =	simm.s32 $0xA;
	_ =	strace $0x80000048  }
0xb3: {  	_ =	swait.ge [sflag:s29], $0x1  }
0xb4: {  	[sflag:s29] =	ssyncadd.s32 $0xFFFFFFFF  }
0xb5: {  	_ =	strace $0x90000048  }
0xb6: {  	_ =	sfence  }
0xb7: {  	s30 =	sld [smem:$0x0];
	_ =	sdelay $0x2  }
0xb8: {  	s31 =	sshll.u32 s1, $0xD;
	s1 =	sshrl.u32 s1, $0x2  }
0xb9: {  	s3 =	sand.u32 $0x4000, s31;
	s1 =	sadd.s32 s1, s30  }
0xba: {  	s0 =	sor.u32 s3, s0;
	s1 =	sshll.u32 s1, $0x11  }
0xbb: {  	s0 =	sor.u32 s1, s0  }
0xbc: {  	s0 =	sadd.s32 $0x8F2B, s0  }
0xbd: {  	[sflag:s0] =	ssyncadd.remote.s32 $0x1  }
0xbe: {  	_ =	sfence.sel $0xFFFF  }
0xbf: {  	[dreg:$0x0] =	wrdreg $0xFFFFFFFF;
	(pc) =	sbr.abs _section_cstart, $3  }
0xc0: {  	[dreg:$0x1] =	wrdreg $0xFFFFFFFF  }
0xc1: {  	_ =	task.clear_ibuf [dreg:s6], $0x2FFFF;
	_ =	strace $0x9FFFFFFF  }
0xc2: {  	(tm) =	ssettm $0x7FFFFFFF  }
0xc3: {  	_ =	shalt  }
tec
execute0_lowered:
.L_overlay_start_1:
0x0: {  	(tag) =	ssettag $0x1  }
0x1: {  	s0 =	rddreg [dreg:$0x0]  }
0x2: {  	s2 =	rddreg [dreg:$0x1]  }
0x3: {  	s9 =	stileid.u32;
	s4 =	srdreg.scid  }
0x4: {  	s3 =	simm.s32 $0x0;
	s13 =	simm.s32 $0x200;
	s14 =	simm.s32 $0x3  }
0x5: {  	s15 =	simm.s32 $0x80;
	s16 =	simm.s32 $0x400;
	s17 =	simm.s32 $0xC00  }
0x6: {  	s19 =	simm.s32 $0x1400;
	s20 =	simm.s32 $0x180;
	s28 =	simm.s32 $0x2600  }
0x7: {  	s29 =	simm.s32 $0x6;
	s30 =	simm.s32 $0x2800;
	s11 =	simm.s32 $0x4  }
0x8: {  	s12 =	simm.s32 $0x2680;
	s1 =	smul.u32 $0x6200, s9;
	s5 =	sand.u32 $0x1, s4  }
0x9: {  	s6 =	smul.u32 $0x32C8, s9;
	[smem:$0x7FF] =	sst s3;
	s4 =	sadd.s32 $0x2A00, s0  }
0xa: {  	s8 =	smul.u32 $0x65900, s9;
	s10 =	sadd.s32 $0x128600, s0;
	s24 =	sshll.u32 s9, $0x6  }
0xb: {  	s7 =	smul.u32 $0x32C80, s5;
	_ =	strace $0x80000047;
	s21 =	ssub.s32 $0x2, s5  }
0xc: {  	[dreg:$0x3] =	wrdreg s10;
	s31 =	sor.u32 $0x1C07, s24;
	s18 =	smul.u32 $0x186A0, s5  }
0xd: {  	s5 =	simm.s32 $0x3800;
	s10 =	simm.s32 $0x4000;
	s24 =	simm.s32 $0x2780  }
0xe: {  	s1 =	sadd.s32 s1, s0;
	s22 =	sshrl.u32 s21, $0x1;
	s23 =	sshrl.u32 s8, $0x2  }
0xf: {  	[dreg:$0x4] =	wrdreg s31;
	s6 =	sadd.s32 s6, s7;
	s25 =	sadd.s32 s23, s2  }
0x10: {  	s7 =	sadd.s32 $0xC6600, s1;
	s8 =	sadd.s32 $0x64600, s1;
	s23 =	simm.s32 $0x2700  }
0x11: {  	v0 =	vmov s18;
	s18 =	simm.s32 $0x7;
	s1 =	simm.s32 $0x0;
	s0 =	sadd.s32 s6, s0  }
.Ltmp0:
0x12: {  	s6 =	ssub.s32 s21, s22;
	s9 =	sshrl.u32 s25, $0x3;
	(pc) =	sbr.rel .LBB2_1-.Ltmp0, $4  }
0x13: {  	s21 =	simm.s32 $0x1C00;
	s22 =	simm.s32 $0x1;
	[dreg:$0x8] =	wrdreg s1  }
0x14: {  	s25 =	simm.s32 $0x5;
	s0 =	sadd.s32 $0x12BA00, s0;
	[dreg:$0x7] =	wrdreg s9  }
0x15: {  	s26 =	smax.u32 s6, $0x1;
	s6 =	simm.s32 $0x2;
	[dreg:$0x5] =	wrdreg s0  }
0x16: {  	[dreg:$0x6] =	wrdreg s26;
	s26 =	simm.s32 $0x2400;
	s0 =	simm.s32 $0x3000  }
.LBB2_3:
0x17: {  	_ =	swait.ge [sflag:s11], $0x800  }
0x18: {  	[sflag:s11] =	ssyncset.done $0x0  }
0x19: {  	[sflag:s11] =	ssyncadd.s32 $0xFFFFF800  }
0x1a: {  	_ =	swait.ge [sflag:s11], $0x800  }
0x1b: {  	[sflag:s11] =	ssyncset.done $0x0  }
0x1c: {  	[sflag:s11] =	ssyncadd.s32 $0xFFFFF800  }
0x1d: {  	_ =	swait.ge [sflag:s11], $0x800  }
0x1e: {  	[sflag:s11] =	ssyncset.done $0x0  }
0x1f: {  	[sflag:s11] =	ssyncadd.s32 $0xFFFFF800  }
0x20: {  	_ =	swait.ge [sflag:s11], $0x800  }
0x21: {  	[sflag:s11] =	ssyncset.done $0x0  }
0x22: {  	[sflag:s11] =	ssyncadd.s32 $0xFFFFF800  }
0x23: {  	[spmem:s2] =	stream.indirect.scatter.add.f32 [tilespmem:s30], [sflag:$0x5], $0x10, s28, s15, $0xb8;
	[tilespmem:$0x1DE40] =	vst v63  }
0x24: {  	_ = 	snop  }
0x25: {  	[spmem:s2] =	stream.indirect.scatter.add.f32 [tilespmem:s0], [sflag:$0x5], $0x10, s12, s15, $0xb8;
	[tilespmem:$0x1DE40] =	vst v63  }
0x26: {  	_ = 	snop  }
0x27: {  	[spmem:s2] =	stream.indirect.scatter.add.f32 [tilespmem:s5], [sflag:$0x5], $0x10, s23, s15, $0xb8;
	[tilespmem:$0x1DE40] =	vst v63  }
0x28: {  	_ = 	snop  }
0x29: {  	[spmem:s2] =	stream.indirect.scatter.add.f32 [tilespmem:s10], [sflag:$0x5], $0x10, s24, s15, $0xb8;
	[tilespmem:$0x1DE40] =	vst v63  }
0x2a: {  	_ =	swait.ge [sflag:s25], $0x800  }
0x2b: {  	[sflag:s25] =	ssyncset.done $0x0  }
0x2c: {  	[sflag:s25] =	ssyncadd.s32 $0xFFFFF800  }
0x2d: {  	_ =	swait.ge [sflag:s25], $0x800  }
0x2e: {  	[sflag:s25] =	ssyncset.done $0x0  }
0x2f: {  	[sflag:s25] =	ssyncadd.s32 $0xFFFFF800  }
0x30: {  	_ =	swait.ge [sflag:s25], $0x800  }
0x31: {  	[sflag:s25] =	ssyncset.done $0x0  }
0x32: {  	[sflag:s25] =	ssyncadd.s32 $0xFFFFF800  }
0x33: {  	_ =	swait.ge [sflag:s25], $0x800  }
0x34: {  	[sflag:s25] =	ssyncset.done $0x0  }
0x35: {  	[sflag:s25] =	ssyncadd.s32 $0xFFFFF800  }
.LBB2_5:
0x36: {  	[bflag:$0x0] =	sbarrier.arrive $0xFFFF  }
0x37: {  	s31 =	rddreg [dreg:$0x4]  }
0x38: {  	s1 =	rddreg [dreg:$0x5]  }
0x39: {  	s18 =	simm.s32 $0x7;
	s9 =	rddreg [dreg:$0x7]  }
0x3a: {  	[hbm:s1], [sflag:s31] =	dma.local [spmem:s9], $0x32C8  }
0x3b: {  	_ =	swait.ge [sflag:s18], $0x32C8  }
0x3c: {  	s20 =	rddreg [dreg:$0x8]  }
0x3d: {  	s1 =	rddreg [dreg:$0x6];
	s20 =	sadd.s32 $0x1, s20  }
0x3e: {  	p0 =	sne.s32 s20, s1  }
.Ltmp1:
0x3f: {  	_ = 	snop;
	(pc) =	sbr.rel @!p0 .LBB2_6-.Ltmp1, $3  }
0x40: {  	_ =	sdelay $0x1  }
0x41: {  	[sflag:s18] =	ssyncset.done $0x0  }
0x42: {  	[sflag:s18] =	ssyncadd.s32 $0xFFFFCD38;
	[dreg:$0x8] =	wrdreg s20;
	s20 =	simm.s32 $0x180  }
.LBB2_1:
0x43: {  	s1 =	rddreg [dreg:$0x3]  }
0x44: {  	[spmem:s9], [sflag:s31] =	dma.local [hbm:s1], $0x32C8  }
0x45: {  	_ =	swait.ge [sflag:s18], $0x32C8  }
0x46: {  	[sflag:s18] =	ssyncset.done $0x0  }
0x47: {  	[sflag:s18] =	ssyncadd.s32 $0xFFFFCD38  }
0x48: {  	[bflag:$0x0] =	sbarrier.arrive $0xFFFF  }
0x49: {  	[tilespmem:s3], [sflag:$0x3] =	stream.linear.gather [hbm4b:s7+s3], $0x200, $0x38;
	[tilespmem:$0x1DE40] =	vst v63  }
0x4a: {  	_ = 	snop  }
0x4b: {  	[tilespmem:s13], [sflag:$0x3] =	stream.linear.gather [hbm4b:s8+s3], $0x200, $0x38;
	[tilespmem:$0x1DE40] =	vst v63  }
0x4c: {  	_ =	swait.ge [sflag:s14], $0x200  }
0x4d: {  	[sflag:s14] =	ssyncset.done $0x0  }
0x4e: {  	[sflag:s14] =	ssyncadd.s32 $0xFFFFFE00  }
0x4f: {  	_ =	swait.ge [sflag:s14], $0x200  }
0x50: {  	[sflag:s14] =	ssyncset.done $0x0  }
0x51: {  	[sflag:s14] =	ssyncadd.s32 $0xFFFFFE00  }
0x52: {  	v1 =	vld [tilespmem:$0x0]  }
0x53: {  	v2 =	vld [tilespmem:$0x10]  }
0x54: {  	v3 =	vld [tilespmem:$0x20]  }
0x55: {  	v4 =	vld [tilespmem:$0x30]  }
0x56: {  	v5 =	vld [tilespmem:$0x40]  }
0x57: {  	v6 =	vld [tilespmem:$0x50];
	v1 =	vadd.s32 v0, v1  }
0x58: {  	[tilespmem:$0x0] =	vst v1;
	v1 =	vadd.s32 v0, v2;
	v2 =	vld [tilespmem:$0x60]  }
0x59: {  	[tilespmem:$0x10] =	vst v1;
	v1 =	vadd.s32 v0, v3;
	v3 =	vld [tilespmem:$0x70]  }
0x5a: {  	v49 =	vld [tilespmem:$0x80];
	[tilespmem:$0x20] =	vst v1;
	v1 =	vadd.s32 v0, v4  }
0x5b: {  	v50 =	vld [tilespmem:$0x90];
	[tilespmem:$0x30] =	vst v1;
	v1 =	vadd.s32 v0, v5  }
0x5c: {  	v51 =	vld [tilespmem:$0xA0];
	[tilespmem:$0x40] =	vst v1;
	v1 =	vadd.s32 v0, v6  }
0x5d: {  	[tilespmem:$0x50] =	vst v1;
	v1 =	vadd.s32 v0, v2;
	v2 =	vld [tilespmem:$0xB0]  }
0x5e: {  	[tilespmem:$0x60] =	vst v1;
	v1 =	vadd.s32 v0, v3;
	v3 =	vld [tilespmem:$0xC0]  }
0x5f: {  	v52 =	vld [tilespmem:$0xD0];
	[tilespmem:$0x70] =	vst v1;
	v1 =	vadd.s32 v0, v49  }
0x60: {  	v53 =	vld [tilespmem:$0xE0];
	[tilespmem:$0x80] =	vst v1;
	v1 =	vadd.s32 v0, v50  }
0x61: {  	v54 =	vld [tilespmem:$0xF0];
	[tilespmem:$0x90] =	vst v1;
	v1 =	vadd.s32 v0, v51  }
0x62: {  	[tilespmem:$0xA0] =	vst v1;
	v1 =	vadd.s32 v0, v2;
	v2 =	vld [tilespmem:$0x100]  }
0x63: {  	[tilespmem:$0xB0] =	vst v1;
	v1 =	vadd.s32 v0, v3;
	v3 =	vld [tilespmem:$0x110]  }
0x64: {  	v55 =	vld [tilespmem:$0x120];
	[tilespmem:$0xC0] =	vst v1;
	v1 =	vadd.s32 v0, v52  }
0x65: {  	v56 =	vld [tilespmem:$0x130];
	[tilespmem:$0xD0] =	vst v1;
	v1 =	vadd.s32 v0, v53  }
0x66: {  	v57 =	vld [tilespmem:$0x140];
	[tilespmem:$0xE0] =	vst v1;
	v1 =	vadd.s32 v0, v54  }
0x67: {  	[tilespmem:$0xF0] =	vst v1;
	v1 =	vadd.s32 v0, v2;
	v2 =	vld [tilespmem:$0x150]  }
0x68: {  	[tilespmem:$0x100] =	vst v1;
	v1 =	vadd.s32 v0, v3;
	v3 =	vld [tilespmem:$0x160]  }
0x69: {  	v58 =	vld [tilespmem:$0x170];
	[tilespmem:$0x110] =	vst v1;
	v1 =	vadd.s32 v0, v55  }
0x6a: {  	v59 =	vld [tilespmem:$0x180];
	[tilespmem:$0x120] =	vst v1;
	v1 =	vadd.s32 v0, v56  }
0x6b: {  	v60 =	vld [tilespmem:$0x190];
	[tilespmem:$0x130] =	vst v1;
	v1 =	vadd.s32 v0, v57  }
0x6c: {  	[tilespmem:$0x140] =	vst v1;
	v1 =	vadd.s32 v0, v2;
	v2 =	vld [tilespmem:$0x1A0]  }
0x6d: {  	[tilespmem:$0x150] =	vst v1;
	v1 =	vadd.s32 v0, v3;
	v3 =	vld [tilespmem:$0x1B0]  }
0x6e: {  	v61 =	vld [tilespmem:$0x1C0];
	[tilespmem:$0x160] =	vst v1;
	v1 =	vadd.s32 v0, v58  }
0x6f: {  	v62 =	vld [tilespmem:$0x1D0];
	[tilespmem:$0x170] =	vst v1;
	v1 =	vadd.s32 v0, v59  }
0x70: {  	v63 =	vld [tilespmem:$0x1E0];
	[tilespmem:$0x180] =	vst v1;
	v1 =	vadd.s32 v0, v60  }
0x71: {  	[tilespmem:$0x190] =	vst v1;
	v1 =	vadd.s32 v0, v2;
	v2 =	vld [tilespmem:$0x1F0]  }
0x72: {  	[tilespmem:$0x1A0] =	vst v1;
	v1 =	vadd.s32 v0, v3  }
0x73: {  	[tilespmem:$0x1B0] =	vst v1;
	v1 =	vadd.s32 v0, v61  }
0x74: {  	[tilespmem:$0x1C0] =	vst v1;
	v1 =	vadd.s32 v0, v62  }
0x75: {  	[tilespmem:$0x1D0] =	vst v1;
	v1 =	vadd.s32 v0, v63  }
0x76: {  	[tilespmem:$0x1E0] =	vst v1;
	v1 =	vadd.s32 v0, v2  }
0x77: {  	[tilespmem:$0x1F0] =	vst v1  }
0x78: {  	[tilespmem:s16], [sflag:$0x1] =	stream.indirect.gather [hbm4b:s4+s15], $0x10, s3, s15, $0xb8;
	[tilespmem:$0x1DE40] =	vst v63  }
0x79: {  	_ = 	snop  }
0x7a: {  	[tilespmem:s17], [sflag:$0x1] =	stream.indirect.gather [hbm4b:s4+s15], $0x10, s15, s15, $0xb8;
	[tilespmem:$0x1DE40] =	vst v63  }
0x7b: {  	s18 =	simm.s32 $0x100  }
0x7c: {  	[tilespmem:s19], [sflag:$0x1] =	stream.indirect.gather [hbm4b:s4+s15], $0x10, s18, s15, $0xb8;
	[tilespmem:$0x1DE40] =	vst v63  }
0x7d: {  	_ = 	snop  }
0x7e: {  	[tilespmem:s21], [sflag:$0x1] =	stream.indirect.gather [hbm4b:s4+s15], $0x10, s20, s15, $0xb8;
	[tilespmem:$0x1DE40] =	vst v63  }
0x7f: {  	_ =	swait.ge [sflag:s22], $0x800  }
0x80: {  	[sflag:s22] =	ssyncset.done $0x0  }
0x81: {  	[sflag:s22] =	ssyncadd.s32 $0xFFFFF800  }
0x82: {  	_ =	swait.ge [sflag:s22], $0x800  }
0x83: {  	[sflag:s22] =	ssyncset.done $0x0  }
0x84: {  	[sflag:s22] =	ssyncadd.s32 $0xFFFFF800  }
0x85: {  	_ =	swait.ge [sflag:s22], $0x800  }
0x86: {  	[sflag:s22] =	ssyncset.done $0x0  }
0x87: {  	[sflag:s22] =	ssyncadd.s32 $0xFFFFF800  }
0x88: {  	_ =	swait.ge [sflag:s22], $0x800  }
0x89: {  	[sflag:s22] =	ssyncset.done $0x0  }
0x8a: {  	s31 =	simm.s32 $0x0;
	[sflag:s22] =	ssyncadd.s32 $0xFFFFF800  }
.LBB2_2:
0x8b: {  	[spmem:s2] =	stream.indirect.scatter.add.f32 [tilespmem:s16], [sflag:$0x2], $0x10, s13, s15, $0xb8;
	[tilespmem:$0x1DE40] =	vst v63  }
0x8c: {  	s1 =	simm.s32 $0x280  }
0x8d: {  	[spmem:s2] =	stream.indirect.scatter.add.f32 [tilespmem:s17], [sflag:$0x2], $0x10, s1, s15, $0xb8;
	[tilespmem:$0x1DE40] =	vst v63  }
0x8e: {  	s9 =	simm.s32 $0x300  }
0x8f: {  	[spmem:s2] =	stream.indirect.scatter.add.f32 [tilespmem:s19], [sflag:$0x2], $0x10, s9, s15, $0xb8;
	[tilespmem:$0x1DE40] =	vst v63  }
0x90: {  	s18 =	simm.s32 $0x380;
	s1 =	sadd.s32 s31, s7  }
0x91: {  	[spmem:s2] =	stream.indirect.scatter.add.f32 [tilespmem:s21], [sflag:$0x2], $0x10, s18, s15, $0xb8;
	[tilespmem:$0x1DE40] =	vst v63  }
0x92: {  	s18 =	sadd.s32 $0x40, s1  }
0x93: {  	[tilespmem:s26], [sflag:$0x6] =	stream.linear.gather [hbm4b:s18+s3], $0x200, $0x38;
	[tilespmem:$0x1DE40] =	vst v63  }
0x94: {  	s18 =	sadd.s32 s31, s8  }
0x95: {  	s9 =	sadd.s32 $0x40, s18  }
0x96: {  	[tilespmem:s28], [sflag:$0x6] =	stream.linear.gather [hbm4b:s9+s3], $0x200, $0x38;
	[tilespmem:$0x1DE40] =	vst v63  }
0x97: {  	_ =	swait.ge [sflag:s29], $0x200  }
0x98: {  	[sflag:s29] =	ssyncset.done $0x0  }
0x99: {  	[sflag:s29] =	ssyncadd.s32 $0xFFFFFE00  }
0x9a: {  	_ =	swait.ge [sflag:s29], $0x200  }
0x9b: {  	[sflag:s29] =	ssyncset.done $0x0  }
0x9c: {  	[sflag:s29] =	ssyncadd.s32 $0xFFFFFE00  }
0x9d: {  	v1 =	vld [tilespmem:$0x2400]  }
0x9e: {  	v2 =	vld [tilespmem:$0x2410]  }
0x9f: {  	v3 =	vld [tilespmem:$0x2420]  }
0xa0: {  	v4 =	vld [tilespmem:$0x2430]  }
0xa1: {  	v5 =	vld [tilespmem:$0x2440]  }
0xa2: {  	v6 =	vld [tilespmem:$0x2450];
	v1 =	vadd.s32 v0, v1  }
0xa3: {  	[tilespmem:$0x2400] =	vst v1;
	v1 =	vadd.s32 v0, v2;
	v2 =	vld [tilespmem:$0x2460]  }
0xa4: {  	[tilespmem:$0x2410] =	vst v1;
	v1 =	vadd.s32 v0, v3;
	v3 =	vld [tilespmem:$0x2470]  }
0xa5: {  	v49 =	vld [tilespmem:$0x2480];
	[tilespmem:$0x2420] =	vst v1;
	v1 =	vadd.s32 v0, v4  }
0xa6: {  	v50 =	vld [tilespmem:$0x2490];
	[tilespmem:$0x2430] =	vst v1;
	v1 =	vadd.s32 v0, v5  }
0xa7: {  	v51 =	vld [tilespmem:$0x24A0];
	[tilespmem:$0x2440] =	vst v1;
	v1 =	vadd.s32 v0, v6  }
0xa8: {  	[tilespmem:$0x2450] =	vst v1;
	v1 =	vadd.s32 v0, v2;
	v2 =	vld [tilespmem:$0x24B0]  }
0xa9: {  	[tilespmem:$0x2460] =	vst v1;
	v1 =	vadd.s32 v0, v3;
	v3 =	vld [tilespmem:$0x24C0]  }
0xaa: {  	v52 =	vld [tilespmem:$0x24D0];
	[tilespmem:$0x2470] =	vst v1;
	v1 =	vadd.s32 v0, v49  }
0xab: {  	v53 =	vld [tilespmem:$0x24E0];
	[tilespmem:$0x2480] =	vst v1;
	v1 =	vadd.s32 v0, v50  }
0xac: {  	v54 =	vld [tilespmem:$0x24F0];
	[tilespmem:$0x2490] =	vst v1;
	v1 =	vadd.s32 v0, v51  }
0xad: {  	[tilespmem:$0x24A0] =	vst v1;
	v1 =	vadd.s32 v0, v2;
	v2 =	vld [tilespmem:$0x2500]  }
0xae: {  	[tilespmem:$0x24B0] =	vst v1;
	v1 =	vadd.s32 v0, v3;
	v3 =	vld [tilespmem:$0x2510]  }
0xaf: {  	v55 =	vld [tilespmem:$0x2520];
	[tilespmem:$0x24C0] =	vst v1;
	v1 =	vadd.s32 v0, v52  }
0xb0: {  	v56 =	vld [tilespmem:$0x2530];
	[tilespmem:$0x24D0] =	vst v1;
	v1 =	vadd.s32 v0, v53  }
0xb1: {  	v57 =	vld [tilespmem:$0x2540];
	[tilespmem:$0x24E0] =	vst v1;
	v1 =	vadd.s32 v0, v54  }
0xb2: {  	[tilespmem:$0x24F0] =	vst v1;
	v1 =	vadd.s32 v0, v2;
	v2 =	vld [tilespmem:$0x2550]  }
0xb3: {  	[tilespmem:$0x2500] =	vst v1;
	v1 =	vadd.s32 v0, v3;
	v3 =	vld [tilespmem:$0x2560]  }
0xb4: {  	v58 =	vld [tilespmem:$0x2570];
	[tilespmem:$0x2510] =	vst v1;
	v1 =	vadd.s32 v0, v55  }
0xb5: {  	v59 =	vld [tilespmem:$0x2580];
	[tilespmem:$0x2520] =	vst v1;
	v1 =	vadd.s32 v0, v56  }
0xb6: {  	v60 =	vld [tilespmem:$0x2590];
	[tilespmem:$0x2530] =	vst v1;
	v1 =	vadd.s32 v0, v57  }
0xb7: {  	[tilespmem:$0x2540] =	vst v1;
	v1 =	vadd.s32 v0, v2;
	v2 =	vld [tilespmem:$0x25A0]  }
0xb8: {  	[tilespmem:$0x2550] =	vst v1;
	v1 =	vadd.s32 v0, v3;
	v3 =	vld [tilespmem:$0x25B0]  }
0xb9: {  	v61 =	vld [tilespmem:$0x25C0];
	[tilespmem:$0x2560] =	vst v1;
	v1 =	vadd.s32 v0, v58  }
0xba: {  	v62 =	vld [tilespmem:$0x25D0];
	[tilespmem:$0x2570] =	vst v1;
	v1 =	vadd.s32 v0, v59  }
0xbb: {  	v63 =	vld [tilespmem:$0x25E0];
	[tilespmem:$0x2580] =	vst v1;
	v1 =	vadd.s32 v0, v60  }
0xbc: {  	[tilespmem:$0x2590] =	vst v1;
	v1 =	vadd.s32 v0, v2;
	v2 =	vld [tilespmem:$0x25F0]  }
0xbd: {  	[tilespmem:$0x25A0] =	vst v1;
	v1 =	vadd.s32 v0, v3  }
0xbe: {  	[tilespmem:$0x25B0] =	vst v1;
	v1 =	vadd.s32 v0, v61  }
0xbf: {  	[tilespmem:$0x25C0] =	vst v1;
	v1 =	vadd.s32 v0, v62  }
0xc0: {  	[tilespmem:$0x25D0] =	vst v1;
	v1 =	vadd.s32 v0, v63  }
0xc1: {  	[tilespmem:$0x25E0] =	vst v1;
	v1 =	vadd.s32 v0, v2  }
0xc2: {  	[tilespmem:$0x25F0] =	vst v1  }
0xc3: {  	[tilespmem:s30], [sflag:$0x4] =	stream.indirect.gather [hbm4b:s4+s15], $0x10, s26, s15, $0xb8;
	[tilespmem:$0x1DE40] =	vst v63  }
0xc4: {  	s9 =	simm.s32 $0x2480  }
0xc5: {  	[tilespmem:s0], [sflag:$0x4] =	stream.indirect.gather [hbm4b:s4+s15], $0x10, s9, s15, $0xb8;
	[tilespmem:$0x1DE40] =	vst v63  }
0xc6: {  	s9 =	simm.s32 $0x2500  }
0xc7: {  	[tilespmem:s5], [sflag:$0x4] =	stream.indirect.gather [hbm4b:s4+s15], $0x10, s9, s15, $0xb8;
	[tilespmem:$0x1DE40] =	vst v63  }
0xc8: {  	s9 =	simm.s32 $0x2580  }
0xc9: {  	[tilespmem:s10], [sflag:$0x4] =	stream.indirect.gather [hbm4b:s4+s15], $0x10, s9, s15, $0xb8;
	[tilespmem:$0x1DE40] =	vst v63  }
0xca: {  	_ =	swait.ge [sflag:s6], $0x800  }
0xcb: {  	[sflag:s6] =	ssyncset.done $0x0  }
0xcc: {  	[sflag:s6] =	ssyncadd.s32 $0xFFFFF800  }
0xcd: {  	_ =	swait.ge [sflag:s6], $0x800  }
0xce: {  	[sflag:s6] =	ssyncset.done $0x0  }
0xcf: {  	[sflag:s6] =	ssyncadd.s32 $0xFFFFF800  }
0xd0: {  	p0 =	sne.s32 s31, $0x6180;
	_ =	swait.ge [sflag:s6], $0x800  }
.Ltmp2:
0xd1: {  	[sflag:s6] =	ssyncset.done $0x0;
	(pc) =	sbr.rel @!p0 .LBB2_3-.Ltmp2, $4  }
0xd2: {  	[sflag:s6] =	ssyncadd.s32 $0xFFFFF800  }
0xd3: {  	_ =	swait.ge [sflag:s6], $0x800  }
0xd4: {  	[sflag:s6] =	ssyncset.done $0x0  }
0xd5: {  	[sflag:s6] =	ssyncadd.s32 $0xFFFFF800  }
0xd6: {  	s1 =	sadd.s32 $0x80, s1  }
0xd7: {  	[tilespmem:s3], [sflag:$0x3] =	stream.linear.gather [hbm4b:s1+s3], $0x200, $0x38;
	[tilespmem:$0x1DE40] =	vst v63  }
0xd8: {  	s9 =	sadd.s32 $0x80, s18  }
0xd9: {  	[tilespmem:s13], [sflag:$0x3] =	stream.linear.gather [hbm4b:s9+s3], $0x200, $0x38;
	[tilespmem:$0x1DE40] =	vst v63  }
0xda: {  	_ =	swait.ge [sflag:s14], $0x200  }
0xdb: {  	[sflag:s14] =	ssyncset.done $0x0  }
0xdc: {  	[sflag:s14] =	ssyncadd.s32 $0xFFFFFE00  }
0xdd: {  	_ =	swait.ge [sflag:s14], $0x200  }
0xde: {  	[sflag:s14] =	ssyncset.done $0x0  }
0xdf: {  	[sflag:s14] =	ssyncadd.s32 $0xFFFFFE00  }
0xe0: {  	v1 =	vld [tilespmem:$0x0]  }
0xe1: {  	v2 =	vld [tilespmem:$0x10]  }
0xe2: {  	v3 =	vld [tilespmem:$0x20]  }
0xe3: {  	v4 =	vld [tilespmem:$0x30]  }
0xe4: {  	v5 =	vld [tilespmem:$0x40]  }
0xe5: {  	v6 =	vld [tilespmem:$0x50];
	v1 =	vadd.s32 v0, v1  }
0xe6: {  	[tilespmem:$0x0] =	vst v1;
	v1 =	vadd.s32 v0, v2;
	v2 =	vld [tilespmem:$0x60]  }
0xe7: {  	[tilespmem:$0x10] =	vst v1;
	v1 =	vadd.s32 v0, v3;
	v3 =	vld [tilespmem:$0x70]  }
0xe8: {  	v49 =	vld [tilespmem:$0x80];
	[tilespmem:$0x20] =	vst v1;
	v1 =	vadd.s32 v0, v4  }
0xe9: {  	v50 =	vld [tilespmem:$0x90];
	[tilespmem:$0x30] =	vst v1;
	v1 =	vadd.s32 v0, v5  }
0xea: {  	v51 =	vld [tilespmem:$0xA0];
	[tilespmem:$0x40] =	vst v1;
	v1 =	vadd.s32 v0, v6  }
0xeb: {  	[tilespmem:$0x50] =	vst v1;
	v1 =	vadd.s32 v0, v2;
	v2 =	vld [tilespmem:$0xB0]  }
0xec: {  	[tilespmem:$0x60] =	vst v1;
	v1 =	vadd.s32 v0, v3;
	v3 =	vld [tilespmem:$0xC0]  }
0xed: {  	v52 =	vld [tilespmem:$0xD0];
	[tilespmem:$0x70] =	vst v1;
	v1 =	vadd.s32 v0, v49  }
0xee: {  	v53 =	vld [tilespmem:$0xE0];
	[tilespmem:$0x80] =	vst v1;
	v1 =	vadd.s32 v0, v50  }
0xef: {  	v54 =	vld [tilespmem:$0xF0];
	[tilespmem:$0x90] =	vst v1;
	v1 =	vadd.s32 v0, v51  }
0xf0: {  	[tilespmem:$0xA0] =	vst v1;
	v1 =	vadd.s32 v0, v2;
	v2 =	vld [tilespmem:$0x100]  }
0xf1: {  	[tilespmem:$0xB0] =	vst v1;
	v1 =	vadd.s32 v0, v3;
	v3 =	vld [tilespmem:$0x110]  }
0xf2: {  	v55 =	vld [tilespmem:$0x120];
	[tilespmem:$0xC0] =	vst v1;
	v1 =	vadd.s32 v0, v52  }
0xf3: {  	v56 =	vld [tilespmem:$0x130];
	[tilespmem:$0xD0] =	vst v1;
	v1 =	vadd.s32 v0, v53  }
0xf4: {  	v57 =	vld [tilespmem:$0x140];
	[tilespmem:$0xE0] =	vst v1;
	v1 =	vadd.s32 v0, v54  }
0xf5: {  	[tilespmem:$0xF0] =	vst v1;
	v1 =	vadd.s32 v0, v2;
	v2 =	vld [tilespmem:$0x150]  }
0xf6: {  	[tilespmem:$0x100] =	vst v1;
	v1 =	vadd.s32 v0, v3;
	v3 =	vld [tilespmem:$0x160]  }
0xf7: {  	v58 =	vld [tilespmem:$0x170];
	[tilespmem:$0x110] =	vst v1;
	v1 =	vadd.s32 v0, v55  }
0xf8: {  	v59 =	vld [tilespmem:$0x180];
	[tilespmem:$0x120] =	vst v1;
	v1 =	vadd.s32 v0, v56  }
0xf9: {  	v60 =	vld [tilespmem:$0x190];
	[tilespmem:$0x130] =	vst v1;
	v1 =	vadd.s32 v0, v57  }
0xfa: {  	[tilespmem:$0x140] =	vst v1;
	v1 =	vadd.s32 v0, v2;
	v2 =	vld [tilespmem:$0x1A0]  }
0xfb: {  	[tilespmem:$0x150] =	vst v1;
	v1 =	vadd.s32 v0, v3;
	v3 =	vld [tilespmem:$0x1B0]  }
0xfc: {  	v61 =	vld [tilespmem:$0x1C0];
	[tilespmem:$0x160] =	vst v1;
	v1 =	vadd.s32 v0, v58  }
0xfd: {  	v62 =	vld [tilespmem:$0x1D0];
	[tilespmem:$0x170] =	vst v1;
	v1 =	vadd.s32 v0, v59  }
0xfe: {  	v63 =	vld [tilespmem:$0x1E0];
	[tilespmem:$0x180] =	vst v1;
	v1 =	vadd.s32 v0, v60  }
0xff: {  	[tilespmem:$0x190] =	vst v1;
	v1 =	vadd.s32 v0, v2;
	v2 =	vld [tilespmem:$0x1F0]  }
0x100: {  	[tilespmem:$0x1A0] =	vst v1;
	v1 =	vadd.s32 v0, v3  }
0x101: {  	[tilespmem:$0x1B0] =	vst v1;
	v1 =	vadd.s32 v0, v61  }
0x102: {  	[tilespmem:$0x1C0] =	vst v1;
	v1 =	vadd.s32 v0, v62  }
0x103: {  	[tilespmem:$0x1D0] =	vst v1;
	v1 =	vadd.s32 v0, v63  }
0x104: {  	[tilespmem:$0x1E0] =	vst v1;
	v1 =	vadd.s32 v0, v2  }
0x105: {  	[tilespmem:$0x1F0] =	vst v1  }
0x106: {  	[tilespmem:s16], [sflag:$0x1] =	stream.indirect.gather [hbm4b:s4+s15], $0x10, s3, s15, $0xb8;
	[tilespmem:$0x1DE40] =	vst v63  }
0x107: {  	_ = 	snop  }
0x108: {  	[tilespmem:s17], [sflag:$0x1] =	stream.indirect.gather [hbm4b:s4+s15], $0x10, s15, s15, $0xb8;
	[tilespmem:$0x1DE40] =	vst v63  }
0x109: {  	s18 =	simm.s32 $0x100  }
0x10a: {  	[tilespmem:s19], [sflag:$0x1] =	stream.indirect.gather [hbm4b:s4+s15], $0x10, s18, s15, $0xb8;
	[tilespmem:$0x1DE40] =	vst v63  }
0x10b: {  	_ = 	snop  }
0x10c: {  	[tilespmem:s21], [sflag:$0x1] =	stream.indirect.gather [hbm4b:s4+s15], $0x10, s20, s15, $0xb8;
	[tilespmem:$0x1DE40] =	vst v63  }
0x10d: {  	_ =	swait.ge [sflag:s11], $0x800  }
0x10e: {  	[sflag:s11] =	ssyncset.done $0x0  }
0x10f: {  	[sflag:s11] =	ssyncadd.s32 $0xFFFFF800  }
0x110: {  	_ =	swait.ge [sflag:s11], $0x800  }
0x111: {  	[sflag:s11] =	ssyncset.done $0x0  }
0x112: {  	[sflag:s11] =	ssyncadd.s32 $0xFFFFF800  }
0x113: {  	_ =	swait.ge [sflag:s11], $0x800  }
0x114: {  	[sflag:s11] =	ssyncset.done $0x0  }
0x115: {  	[sflag:s11] =	ssyncadd.s32 $0xFFFFF800  }
0x116: {  	_ =	swait.ge [sflag:s11], $0x800  }
0x117: {  	[sflag:s11] =	ssyncset.done $0x0  }
0x118: {  	[sflag:s11] =	ssyncadd.s32 $0xFFFFF800  }
0x119: {  	[spmem:s2] =	stream.indirect.scatter.add.f32 [tilespmem:s30], [sflag:$0x5], $0x10, s28, s15, $0xb8;
	[tilespmem:$0x1DE40] =	vst v63  }
0x11a: {  	_ = 	snop  }
0x11b: {  	[spmem:s2] =	stream.indirect.scatter.add.f32 [tilespmem:s0], [sflag:$0x5], $0x10, s12, s15, $0xb8;
	[tilespmem:$0x1DE40] =	vst v63  }
0x11c: {  	_ = 	snop  }
0x11d: {  	[spmem:s2] =	stream.indirect.scatter.add.f32 [tilespmem:s5], [sflag:$0x5], $0x10, s23, s15, $0xb8;
	[tilespmem:$0x1DE40] =	vst v63  }
0x11e: {  	_ = 	snop  }
0x11f: {  	[spmem:s2] =	stream.indirect.scatter.add.f32 [tilespmem:s10], [sflag:$0x5], $0x10, s24, s15, $0xb8;
	[tilespmem:$0x1DE40] =	vst v63  }
0x120: {  	_ =	swait.ge [sflag:s25], $0x800  }
0x121: {  	[sflag:s25] =	ssyncset.done $0x0  }
0x122: {  	[sflag:s25] =	ssyncadd.s32 $0xFFFFF800  }
0x123: {  	_ =	swait.ge [sflag:s25], $0x800  }
0x124: {  	[sflag:s25] =	ssyncset.done $0x0  }
0x125: {  	[sflag:s25] =	ssyncadd.s32 $0xFFFFF800  }
0x126: {  	_ =	swait.ge [sflag:s25], $0x800  }
0x127: {  	[sflag:s25] =	ssyncset.done $0x0  }
0x128: {  	[sflag:s25] =	ssyncadd.s32 $0xFFFFF800  }
0x129: {  	_ =	swait.ge [sflag:s25], $0x800  }
0x12a: {  	[sflag:s25] =	ssyncset.done $0x0  }
0x12b: {  	[sflag:s25] =	ssyncadd.s32 $0xFFFFF800  }
0x12c: {  	_ =	swait.ge [sflag:s22], $0x800  }
0x12d: {  	[sflag:s22] =	ssyncset.done $0x0  }
0x12e: {  	[sflag:s22] =	ssyncadd.s32 $0xFFFFF800  }
0x12f: {  	_ =	swait.ge [sflag:s22], $0x800  }
0x130: {  	[sflag:s22] =	ssyncset.done $0x0  }
0x131: {  	s31 =	sadd.s32 $0x80, s31;
	[sflag:s22] =	ssyncadd.s32 $0xFFFFF800  }
0x132: {  	p0 =	sne.s32 s31, $0x6200;
	_ =	swait.ge [sflag:s22], $0x800  }
.Ltmp3:
0x133: {  	[sflag:s22] =	ssyncset.done $0x0;
	(pc) =	sbr.rel @p0 .LBB2_2-.Ltmp3, $4  }
.Ltmp4:
0x134: {  	[sflag:s22] =	ssyncadd.s32 $0xFFFFF800;
	(pc) =	sbr.rel @!p0 .LBB2_5-.Ltmp4, $4  }
0x135: {  	_ =	swait.ge [sflag:s22], $0x800  }
0x136: {  	[sflag:s22] =	ssyncset.done $0x0  }
0x137: {  	[sflag:s22] =	ssyncadd.s32 $0xFFFFF800  }
0x138: {  	_ = 	snop  }
.LBB2_6:
0x139: {  	_ =	sfence.sel $0x180000  }
0x13a: {  	[bflag:$0x0] =	sbarrier.arrive $0xFFFF  }
0x13b: {  	_ =	strace $0x90000047  }
0x13c: {  	s0 =	stileid.u32;
	[bflag:$0x2] =	sbarrier.arrive $0xFFFF  }
0x13d: {  	p0 =	sne.s32 s0, $0x0;
	s0 =	rddreg [dreg:$0x2]  }
0x13e: {  	s0 =	sadd.s32 @!p0 $0x100000, s0  }
0x13f: {  	[sflag:s0] =	ssyncadd.tile.s32 @!p0 $0x1;
	_ =	shalt  }
.Lfunc_end2:
_tile_overlayer_lowered:
.L_overlay_start_2:
0x140: {  	(tag) =	ssettag $0x2  }
0x141: {  	s0 =	rddreg [dreg:$0x0];
	s2 =	stileid.u32  }
0x142: {  	s1 =	rddreg [dreg:$0x1];
	p0 =	sne.s32 s2, $0x0  }
0x143: {  	s3 =	rddreg [dreg:$0x2];
	[bflag:$0x3] =	sbarrier.arrive $0xFFFF;
	s2 =	simm.s32 @!p0 $0x1C07  }
0x144: {  	[timem:s3], [sflag:s2] =	dma.local @!p0 [hbm:s0], s1  }
0x145: {  	s0 =	simm.s32 @!p0 $0x7  }
0x146: {  	_ =	swait.ge @!p0 [sflag:s0], s1  }
0x147: {  	s1 =	ssub.s32 @!p0 $0x0, s1;
	[sflag:s0] =	ssyncset.done @!p0 $0x0  }
0x148: {  	[sflag:s0] =	ssyncadd.s32 @!p0 s1  }
0x149: {  	[bflag:$0x3] =	sbarrier.arrive $0xFFFF  }
0x14a: {  	_ =	shalt  }

// kernel: kernel.15.cloned.1.call-start
scs
__scs_entry_jumppad:
0x0: {  	(pc) =	sbr.rel $0x88, $3  }
0x1: {  	(tag) =	ssettag $0x0;
	lr =	simm.s32 $0x1  }
0x2: {  	[smem:$0x3F92] =	sst lr;
	_ =	strace $0xD0000000  }
0x3: {  	_ = 	snop  }
0x4: {  	_ = 	snop  }
0x5: {  	_ = 	snop  }
0x6: {  	_ = 	snop  }
0x7: {  	_ = 	snop  }
__scs_overlays_trampoline_lowered:
0x8: {  	[smem:$0x3FA1] =	sst s0  }
0x9: {  	[smem:$0x3FA2] =	sst s1  }
0xa: {  	[smem:$0x3FA3] =	sst s2  }
0xb: {  	[smem:$0x3FA4] =	sst s3  }
0xc: {  	[smem:$0x3FA5] =	sst s4  }
0xd: {  	[smem:$0x3FA6] =	sst s5  }
0xe: {  	[smem:$0x3FA7] =	sst s6  }
0xf: {  	[smem:$0x3FA8] =	sst s7  }
0x10: {  	[smem:$0x3FA9] =	sst s8  }
0x11: {  	[smem:$0x3FAA] =	sst s9;
	s0 =	simm.s32 @!p0 $0x0  }
0x12: {  	s1 =	sld [smem:$0x3F90];
	s0 =	simm.s32 @p0 $0x1  }
0x13: {  	[smem:$0x3FAB] =	sst s0;
	s0 =	simm.s32 @!p1 $0x0  }
0x14: {  	s2 =	sld [smem:$0x3F8F];
	s0 =	simm.s32 @p1 $0x1  }
0x15: {  	[smem:$0x3FAC] =	sst s0;
	s0 =	simm.s32 @!p2 $0x0  }
0x16: {  	s3 =	sld [smem:$0x3FDB];
	s0 =	simm.s32 @p2 $0x1  }
0x17: {  	s4 =	simm.s32 $0x1BF5;
	[smem:$0x3FAE] =	sst s0  }
0x18: {  	s0 =	sld [smem:$0x3F91];
	_ =	swait.ge [sflag:s4], $0x0  }
0x19: {  	s7 =	sld [smem:$0x3F92]  }
0x1a: {  	s8 =	sadd.s32 $0xFFFFE003, lr  }
0x1b: {  	s9 =	sadd.s32 $0xFFFFFEF7, lr;
	s5 =	simm.s32 $0xFFFFFFFF;
	p2 =	slt.u32 s8, $0xFFFFF086  }
0x1c: {  	p1 =	slt.u32 s9, $0xF7A;
	s5 =	simm.s32 @!p2 $0x0  }
0x1d: {  	s5 =	simm.s32 @p1 $0x1;
	p0 =	seq.s32 s7, s2  }
0x1e: {  	s7 =	smul.u32 @!p0 $0xF7A, s2;
	p2 =	seq.s32 @!p0 s5, $0x0  }
0x1f: {  	s9 =	smul.u32 $0xF7A, s1;
	s8 =	simm.s32 @!p0 $0x1BF5;
	p2 =	por !p2, p0  }
0x20: {  	[sflag:s8] =	ssyncset.s32 @!p0 $0xFFFFF086;
	s6 =	sadd.s32 @!p0 s3, s7;
	s7 =	simm.s32 @!p0 $0x108  }
0x21: {  	s3 =	sadd.s32 s3, s9;
	s6 =	sadd.s32 @!p0 $0x88, s6;
	s7 =	simm.s32 @p2 $0x1082  }
0x22: {  	[simem:s7], [sflag:s8] =	dma.local @!p0 [hbm:s6], $0xF7A  }
0x23: {  	s9 =	sor.u32 $0xD0000000, s2;
	s6 =	simm.s32 $0x108;
	_ =	swait.ge @!p0 [sflag:s8], $0x0  }
0x24: {  	s3 =	sadd.s32 $0x88, s3;
	s6 =	simm.s32 @!p1 $0x1082;
	[sflag:s4] =	ssyncset.s32 $0xFFFFF086  }
0x25: {  	[simem:s6], [sflag:s4] =	dma.local [hbm:s3], $0xF7A  }
0x26: {  	[smem:$0x3F92] =	sst s1;
	(tag) =	ssettag s2;
	_ =	strace s9  }
0x27: {  	s1 =	sld [smem:$0x3FA2]  }
0x28: {  	s2 =	sld [smem:$0x3FA3]  }
0x29: {  	s4 =	sld [smem:$0x3FA5]  }
0x2a: {  	p0 =	seq.s32 s5, $0x0;
	s5 =	sld [smem:$0x3FA6]  }
0x2b: {  	s6 =	sld [smem:$0x3FA7]  }
0x2c: {  	s7 =	sld [smem:$0x3FA8]  }
0x2d: {  	s3 =	simm.s32 $0x108;
	s8 =	sld [smem:$0x3FA9]  }
0x2e: {  	s3 =	simm.s32 @!p0 $0x1082;
	s9 =	sld [smem:$0x3FAA]  }
0x2f: {  	lr =	sadd.s32 s0, s3;
	s0 =	sld [smem:$0x3FA1]  }
0x30: {  	s3 =	sld [smem:$0x3FA4]  }
0x31: {  	[smem:$0x3FAD] =	sst s10  }
0x32: {  	s10 =	sld [smem:$0x3FAB];
	_ =	sdelay $0x3  }
0x33: {  	p0 =	seq.s32 s10, $0x1;
	s10 =	sld [smem:$0x3FAD];
	_ =	sdelay $0x3  }
0x34: {  	[smem:$0x3FAD] =	sst s10  }
0x35: {  	s10 =	sld [smem:$0x3FAC];
	_ =	sdelay $0x3  }
0x36: {  	p1 =	seq.s32 s10, $0x1;
	s10 =	sld [smem:$0x3FAD];
	_ =	sdelay $0x3  }
0x37: {  	[smem:$0x3FAD] =	sst s10  }
0x38: {  	s10 =	sld [smem:$0x3FAE]  }
0x39: {  	_ = 	snop;
	(pc) =	sbr.ind lr, $3  }
0x3a: {  	_ = 	snop  }
0x3b: {  	_ = 	snop  }
0x3c: {  	p2 =	seq.s32 s10, $0x1;
	s10 =	sld [smem:$0x3FAD]  }
0x3d: {  	_ =	shalt  }
0x3e: {  	_ =	shalt  }
0x3f: {  	_ =	shalt  }
0x40: {  	_ =	shalt  }
0x41: {  	_ =	shalt  }
0x42: {  	_ =	shalt  }
0x43: {  	_ =	shalt  }
0x44: {  	_ =	shalt  }
0x45: {  	_ =	shalt  }
0x46: {  	_ =	shalt  }
0x47: {  	_ =	shalt  }
0x48: {  	_ =	shalt  }
0x49: {  	_ =	shalt  }
0x4a: {  	_ =	shalt  }
0x4b: {  	_ =	shalt  }
0x4c: {  	_ =	shalt  }
0x4d: {  	_ =	shalt  }
0x4e: {  	_ =	shalt  }
0x4f: {  	_ =	shalt  }
0x50: {  	_ =	shalt  }
0x51: {  	_ =	shalt  }
0x52: {  	_ =	shalt  }
0x53: {  	_ =	shalt  }
0x54: {  	_ =	shalt  }
0x55: {  	_ =	shalt  }
0x56: {  	_ =	shalt  }
0x57: {  	_ =	shalt  }
0x58: {  	_ =	shalt  }
0x59: {  	_ =	shalt  }
0x5a: {  	_ =	shalt  }
0x5b: {  	_ =	shalt  }
0x5c: {  	_ =	shalt  }
0x5d: {  	_ =	shalt  }
0x5e: {  	_ =	shalt  }
0x5f: {  	_ =	shalt  }
0x60: {  	_ =	shalt  }
0x61: {  	_ =	shalt  }
0x62: {  	_ =	shalt  }
0x63: {  	_ =	shalt  }
0x64: {  	_ =	shalt  }
0x65: {  	_ =	shalt  }
0x66: {  	_ =	shalt  }
0x67: {  	_ =	shalt  }
0x68: {  	_ =	shalt  }
0x69: {  	_ =	shalt  }
0x6a: {  	_ =	shalt  }
0x6b: {  	_ =	shalt  }
0x6c: {  	_ =	shalt  }
0x6d: {  	_ =	shalt  }
0x6e: {  	_ =	shalt  }
0x6f: {  	_ =	shalt  }
0x70: {  	_ =	shalt  }
0x71: {  	_ =	shalt  }
0x72: {  	_ =	shalt  }
0x73: {  	_ =	shalt  }
0x74: {  	_ =	shalt  }
0x75: {  	_ =	shalt  }
0x76: {  	_ =	shalt  }
0x77: {  	_ =	shalt  }
0x78: {  	_ =	shalt  }
0x79: {  	_ =	shalt  }
0x7a: {  	_ =	shalt  }
0x7b: {  	_ =	shalt  }
0x7c: {  	_ =	shalt  }
0x7d: {  	_ =	shalt  }
0x7e: {  	_ =	shalt  }
0x7f: {  	_ =	shalt  }
0x80: {  	_ =	shalt  }
0x81: {  	_ =	shalt  }
0x82: {  	_ =	shalt  }
0x83: {  	_ =	shalt  }
0x84: {  	_ =	shalt  }
0x85: {  	_ =	shalt  }
0x86: {  	_ =	shalt  }
0x87: {  	_ =	shalt  }
.Lfunc_end0:
.L_simem_size_0:
called_computation.2_lowered:
.L_overlay_start_0:
0x88: {  	s2 =	sld [smem:$0x3FD9]  }
0x89: {  	s3 =	sld [smem:$0x3FFE];
	_ =	sdelay $0x1  }
0x8a: {  	s1 =	srdreg.scid  }
0x8b: {  	s0 =	sand.u32 $0x1, s1  }
0x8c: {  	s16 =	sshll.u32 s0, $0xA;
	s2 =	sadd.s32 s3, s2  }
0x8d: {  	s2 =	sadd.s32 s2, s16  }
0x8e: {  	[smem:$0x3FB9] =	sst s2  }
0x8f: {  	_ = 	snop  }
0x90: {  	(tm) =	ssettm $0x1  }
0x91: {  	s17 =	sld [smem:$0x3FFB];
	_ =	sdelay $0x3  }
0x92: {  	_ =	strace s17  }
0x93: {  	s2 =	sld [smem:$0x3FFC];
	_ =	sdelay $0x3  }
0x94: {  	_ =	strace s2  }
0x95: {  	s2 =	sld [smem:$0x3FFD];
	_ =	sdelay $0x3  }
0x96: {  	_ =	strace s2  }
0x97: {  	_ =	strace $0x8FFFFFFF  }
0x98: {  	s18 =	sld [smem:$0x3FDB];
	_ =	sdelay $0x1  }
0x99: {  	s19 =	simm.s32 $_scs_section_size  }
0x9a: {  	s4 =	simm.s32 $_size__tile_overlayer_lowered;
	s5 =	simm.s32 $_tile_overlayer_lowered  }
0x9b: {  	s22 =	simm.s32 $0x1BFF;
	s21 =	sshll.u32 s5, $0x1;
	s2 =	sadd.s32 s19, s18  }
0x9c: {  	s6 =	simm.s32 $0x0;
	s20 =	sshll.u32 s4, $0x1;
	s4 =	sadd.s32 s21, s2  }
0x9d: {  	[timem:s6], [sflag:s22] =	dma.local [hbm:s4], s20  }
0x9e: {  	_ =	swait.ge [sflag:s22], s20  }
0x9f: {  	s3 =	ssub.s32 $0x0, s20;
	[sflag:s22] =	ssyncset.done $0x0  }
0xa0: {  	[sflag:s22] =	ssyncadd.s32 s3;
	_ =	sdelay $0x1  }
0xa1: {  	s23 =	simm.s32 $0x1B8B  }
0xa2: {  	_ =	swait.ge [sflag:s23], $0x1  }
0xa3: {  	[sflag:s23] =	ssyncset.done $0x0  }
0xa4: {  	s25 =	simm.s32 $0x1B8E;
	s24 =	sld [smem:$0x3FFE];
	[sflag:s23] =	ssyncadd.s32 $0xFFFFFFFF  }
0xa5: {  	s26 =	simm.s32 $execute0_lowered;
	[smem:$0x3FD2] =	sst s25  }
0xa6: {  	s4 =	sshll.u32 s26, $0x1;
	_ =	strace $0x8000004C;
	[dreg:$0x1] =	wrdreg $0xFFFFFFFF  }
0xa7: {  	s28 =	simm.s32 $_size_execute0_lowered;
	s2 =	sadd.s32 s2, s4;
	[dreg:$0x0] =	wrdreg $0x0  }
0xa8: {  	s4 =	sshll.u32 s28, $0x1;
	[dreg:$0x2] =	wrdreg s2  }
0xa9: {  	[dreg:$0x3] =	wrdreg s4  }
0xaa: {  	[dreg:$0x4] =	wrdreg $0xC0  }
0xab: {  	_ =	task [dreg:s6], $0x5FFFF  }
0xac: {  	[dreg:$0x1] =	wrdreg $0xFFFFFFFF  }
0xad: {  	[dreg:$0x0] =	wrdreg $0x60  }
0xae: {  	[dreg:$0x2] =	wrdreg s24  }
0xaf: {  	[dreg:$0x3] =	wrdreg $0x48000  }
0xb0: {  	[dreg:$0x4] =	wrdreg $0x9  }
0xb1: {  	_ =	task.clear_ibuf [dreg:s6], $0x5FFFF;
	_ =	strace $0x9000004C  }
0xb2: {  	s29 =	simm.s32 $0x9;
	_ =	strace $0x8000004E  }
0xb3: {  	_ =	swait.ge [sflag:s29], $0x1  }
0xb4: {  	[sflag:s29] =	ssyncadd.s32 $0xFFFFFFFF  }
0xb5: {  	_ =	strace $0x9000004E  }
0xb6: {  	_ =	sfence  }
0xb7: {  	s30 =	sld [smem:$0x0];
	_ =	sdelay $0x2  }
0xb8: {  	s31 =	sshll.u32 s1, $0xD;
	s1 =	sshrl.u32 s1, $0x2  }
0xb9: {  	s3 =	sand.u32 $0x4000, s31;
	s1 =	sadd.s32 s1, s30  }
0xba: {  	s0 =	sor.u32 s3, s0;
	s1 =	sshll.u32 s1, $0x11  }
0xbb: {  	s0 =	sor.u32 s1, s0  }
0xbc: {  	s0 =	sadd.s32 $0x8F2B, s0  }
0xbd: {  	[sflag:s0] =	ssyncadd.remote.s32 $0x1  }
0xbe: {  	_ =	sfence.sel $0xFFFF  }
0xbf: {  	[dreg:$0x0] =	wrdreg $0xFFFFFFFF;
	(pc) =	sbr.abs _section_cstart, $3  }
0xc0: {  	[dreg:$0x1] =	wrdreg $0xFFFFFFFF  }
0xc1: {  	_ =	task.clear_ibuf [dreg:s6], $0x2FFFF;
	_ =	strace $0x9FFFFFFF  }
0xc2: {  	(tm) =	ssettm $0x7FFFFFFF  }
0xc3: {  	_ =	shalt  }
tec
execute0_lowered:
.L_overlay_start_1:
0x0: {  	(tag) =	ssettag $0x1  }
0x1: {  	s0 =	rddreg [dreg:$0x0]  }
0x2: {  	s2 =	rddreg [dreg:$0x1]  }
0x3: {  	s9 =	stileid.u32;
	s4 =	srdreg.scid  }
0x4: {  	s3 =	simm.s32 $0x0;
	s13 =	simm.s32 $0x200;
	s14 =	simm.s32 $0x3  }
0x5: {  	s15 =	simm.s32 $0x80;
	s16 =	simm.s32 $0x400;
	s17 =	simm.s32 $0xC00  }
0x6: {  	s19 =	simm.s32 $0x1400;
	s20 =	simm.s32 $0x180;
	s28 =	simm.s32 $0x2600  }
0x7: {  	s29 =	simm.s32 $0x6;
	s30 =	simm.s32 $0x2800;
	s11 =	simm.s32 $0x4  }
0x8: {  	s12 =	simm.s32 $0x2680;
	s1 =	smul.u32 $0x6200, s9;
	s5 =	sand.u32 $0x1, s4  }
0x9: {  	s6 =	smul.u32 $0x32C8, s9;
	[smem:$0x7FF] =	sst s3;
	s4 =	sadd.s32 $0x2A00, s0  }
0xa: {  	s8 =	smul.u32 $0x65900, s9;
	s10 =	sadd.s32 $0x128600, s0;
	s24 =	sshll.u32 s9, $0x6  }
0xb: {  	s7 =	smul.u32 $0x32C80, s5;
	_ =	strace $0x8000004D;
	s21 =	ssub.s32 $0x2, s5  }
0xc: {  	[dreg:$0x3] =	wrdreg s10;
	s31 =	sor.u32 $0x1C07, s24;
	s18 =	smul.u32 $0x186A0, s5  }
0xd: {  	s5 =	simm.s32 $0x3800;
	s10 =	simm.s32 $0x4000;
	s24 =	simm.s32 $0x2780  }
0xe: {  	s1 =	sadd.s32 s1, s0;
	s22 =	sshrl.u32 s21, $0x1;
	s23 =	sshrl.u32 s8, $0x2  }
0xf: {  	[dreg:$0x4] =	wrdreg s31;
	s6 =	sadd.s32 s6, s7;
	s25 =	sadd.s32 s23, s2  }
0x10: {  	s7 =	sadd.s32 $0xC6600, s1;
	s8 =	sadd.s32 $0x64600, s1;
	s23 =	simm.s32 $0x2700  }
0x11: {  	v0 =	vmov s18;
	s18 =	simm.s32 $0x7;
	s1 =	simm.s32 $0x0;
	s0 =	sadd.s32 s6, s0  }
.Ltmp0:
0x12: {  	s6 =	ssub.s32 s21, s22;
	s9 =	sshrl.u32 s25, $0x3;
	(pc) =	sbr.rel .LBB2_1-.Ltmp0, $4  }
0x13: {  	s21 =	simm.s32 $0x1C00;
	s22 =	simm.s32 $0x1;
	[dreg:$0x8] =	wrdreg s1  }
0x14: {  	s25 =	simm.s32 $0x5;
	s0 =	sadd.s32 $0x12BA00, s0;
	[dreg:$0x7] =	wrdreg s9  }
0x15: {  	s26 =	smax.u32 s6, $0x1;
	s6 =	simm.s32 $0x2;
	[dreg:$0x5] =	wrdreg s0  }
0x16: {  	[dreg:$0x6] =	wrdreg s26;
	s26 =	simm.s32 $0x2400;
	s0 =	simm.s32 $0x3000  }
.LBB2_3:
0x17: {  	_ =	swait.ge [sflag:s11], $0x800  }
0x18: {  	[sflag:s11] =	ssyncset.done $0x0  }
0x19: {  	[sflag:s11] =	ssyncadd.s32 $0xFFFFF800  }
0x1a: {  	_ =	swait.ge [sflag:s11], $0x800  }
0x1b: {  	[sflag:s11] =	ssyncset.done $0x0  }
0x1c: {  	[sflag:s11] =	ssyncadd.s32 $0xFFFFF800  }
0x1d: {  	_ =	swait.ge [sflag:s11], $0x800  }
0x1e: {  	[sflag:s11] =	ssyncset.done $0x0  }
0x1f: {  	[sflag:s11] =	ssyncadd.s32 $0xFFFFF800  }
0x20: {  	_ =	swait.ge [sflag:s11], $0x800  }
0x21: {  	[sflag:s11] =	ssyncset.done $0x0  }
0x22: {  	[sflag:s11] =	ssyncadd.s32 $0xFFFFF800  }
0x23: {  	[spmem:s2] =	stream.indirect.scatter.add.f32 [tilespmem:s30], [sflag:$0x5], $0x10, s28, s15, $0xb8;
	[tilespmem:$0x1DE40] =	vst v63  }
0x24: {  	_ = 	snop  }
0x25: {  	[spmem:s2] =	stream.indirect.scatter.add.f32 [tilespmem:s0], [sflag:$0x5], $0x10, s12, s15, $0xb8;
	[tilespmem:$0x1DE40] =	vst v63  }
0x26: {  	_ = 	snop  }
0x27: {  	[spmem:s2] =	stream.indirect.scatter.add.f32 [tilespmem:s5], [sflag:$0x5], $0x10, s23, s15, $0xb8;
	[tilespmem:$0x1DE40] =	vst v63  }
0x28: {  	_ = 	snop  }
0x29: {  	[spmem:s2] =	stream.indirect.scatter.add.f32 [tilespmem:s10], [sflag:$0x5], $0x10, s24, s15, $0xb8;
	[tilespmem:$0x1DE40] =	vst v63  }
0x2a: {  	_ =	swait.ge [sflag:s25], $0x800  }
0x2b: {  	[sflag:s25] =	ssyncset.done $0x0  }
0x2c: {  	[sflag:s25] =	ssyncadd.s32 $0xFFFFF800  }
0x2d: {  	_ =	swait.ge [sflag:s25], $0x800  }
0x2e: {  	[sflag:s25] =	ssyncset.done $0x0  }
0x2f: {  	[sflag:s25] =	ssyncadd.s32 $0xFFFFF800  }
0x30: {  	_ =	swait.ge [sflag:s25], $0x800  }
0x31: {  	[sflag:s25] =	ssyncset.done $0x0  }
0x32: {  	[sflag:s25] =	ssyncadd.s32 $0xFFFFF800  }
0x33: {  	_ =	swait.ge [sflag:s25], $0x800  }
0x34: {  	[sflag:s25] =	ssyncset.done $0x0  }
0x35: {  	[sflag:s25] =	ssyncadd.s32 $0xFFFFF800  }
.LBB2_5:
0x36: {  	[bflag:$0x0] =	sbarrier.arrive $0xFFFF  }
0x37: {  	s31 =	rddreg [dreg:$0x4]  }
0x38: {  	s1 =	rddreg [dreg:$0x5]  }
0x39: {  	s18 =	simm.s32 $0x7;
	s9 =	rddreg [dreg:$0x7]  }
0x3a: {  	[hbm:s1], [sflag:s31] =	dma.local [spmem:s9], $0x32C8  }
0x3b: {  	_ =	swait.ge [sflag:s18], $0x32C8  }
0x3c: {  	s20 =	rddreg [dreg:$0x8]  }
0x3d: {  	s1 =	rddreg [dreg:$0x6];
	s20 =	sadd.s32 $0x1, s20  }
0x3e: {  	p0 =	sne.s32 s20, s1  }
.Ltmp1:
0x3f: {  	_ = 	snop;
	(pc) =	sbr.rel @!p0 .LBB2_6-.Ltmp1, $3  }
0x40: {  	_ =	sdelay $0x1  }
0x41: {  	[sflag:s18] =	ssyncset.done $0x0  }
0x42: {  	[sflag:s18] =	ssyncadd.s32 $0xFFFFCD38;
	[dreg:$0x8] =	wrdreg s20;
	s20 =	simm.s32 $0x180  }
.LBB2_1:
0x43: {  	s1 =	rddreg [dreg:$0x3]  }
0x44: {  	[spmem:s9], [sflag:s31] =	dma.local [hbm:s1], $0x32C8  }
0x45: {  	_ =	swait.ge [sflag:s18], $0x32C8  }
0x46: {  	[sflag:s18] =	ssyncset.done $0x0  }
0x47: {  	[sflag:s18] =	ssyncadd.s32 $0xFFFFCD38  }
0x48: {  	[bflag:$0x0] =	sbarrier.arrive $0xFFFF  }
0x49: {  	[tilespmem:s3], [sflag:$0x3] =	stream.linear.gather [hbm4b:s7+s3], $0x200, $0x38;
	[tilespmem:$0x1DE40] =	vst v63  }
0x4a: {  	_ = 	snop  }
0x4b: {  	[tilespmem:s13], [sflag:$0x3] =	stream.linear.gather [hbm4b:s8+s3], $0x200, $0x38;
	[tilespmem:$0x1DE40] =	vst v63  }
0x4c: {  	_ =	swait.ge [sflag:s14], $0x200  }
0x4d: {  	[sflag:s14] =	ssyncset.done $0x0  }
0x4e: {  	[sflag:s14] =	ssyncadd.s32 $0xFFFFFE00  }
0x4f: {  	_ =	swait.ge [sflag:s14], $0x200  }
0x50: {  	[sflag:s14] =	ssyncset.done $0x0  }
0x51: {  	[sflag:s14] =	ssyncadd.s32 $0xFFFFFE00  }
0x52: {  	v1 =	vld [tilespmem:$0x0]  }
0x53: {  	v2 =	vld [tilespmem:$0x10]  }
0x54: {  	v3 =	vld [tilespmem:$0x20]  }
0x55: {  	v4 =	vld [tilespmem:$0x30]  }
0x56: {  	v5 =	vld [tilespmem:$0x40]  }
0x57: {  	v6 =	vld [tilespmem:$0x50];
	v1 =	vadd.s32 v0, v1  }
0x58: {  	[tilespmem:$0x0] =	vst v1;
	v1 =	vadd.s32 v0, v2;
	v2 =	vld [tilespmem:$0x60]  }
0x59: {  	[tilespmem:$0x10] =	vst v1;
	v1 =	vadd.s32 v0, v3;
	v3 =	vld [tilespmem:$0x70]  }
0x5a: {  	v49 =	vld [tilespmem:$0x80];
	[tilespmem:$0x20] =	vst v1;
	v1 =	vadd.s32 v0, v4  }
0x5b: {  	v50 =	vld [tilespmem:$0x90];
	[tilespmem:$0x30] =	vst v1;
	v1 =	vadd.s32 v0, v5  }
0x5c: {  	v51 =	vld [tilespmem:$0xA0];
	[tilespmem:$0x40] =	vst v1;
	v1 =	vadd.s32 v0, v6  }
0x5d: {  	[tilespmem:$0x50] =	vst v1;
	v1 =	vadd.s32 v0, v2;
	v2 =	vld [tilespmem:$0xB0]  }
0x5e: {  	[tilespmem:$0x60] =	vst v1;
	v1 =	vadd.s32 v0, v3;
	v3 =	vld [tilespmem:$0xC0]  }
0x5f: {  	v52 =	vld [tilespmem:$0xD0];
	[tilespmem:$0x70] =	vst v1;
	v1 =	vadd.s32 v0, v49  }
0x60: {  	v53 =	vld [tilespmem:$0xE0];
	[tilespmem:$0x80] =	vst v1;
	v1 =	vadd.s32 v0, v50  }
0x61: {  	v54 =	vld [tilespmem:$0xF0];
	[tilespmem:$0x90] =	vst v1;
	v1 =	vadd.s32 v0, v51  }
0x62: {  	[tilespmem:$0xA0] =	vst v1;
	v1 =	vadd.s32 v0, v2;
	v2 =	vld [tilespmem:$0x100]  }
0x63: {  	[tilespmem:$0xB0] =	vst v1;
	v1 =	vadd.s32 v0, v3;
	v3 =	vld [tilespmem:$0x110]  }
0x64: {  	v55 =	vld [tilespmem:$0x120];
	[tilespmem:$0xC0] =	vst v1;
	v1 =	vadd.s32 v0, v52  }
0x65: {  	v56 =	vld [tilespmem:$0x130];
	[tilespmem:$0xD0] =	vst v1;
	v1 =	vadd.s32 v0, v53  }
0x66: {  	v57 =	vld [tilespmem:$0x140];
	[tilespmem:$0xE0] =	vst v1;
	v1 =	vadd.s32 v0, v54  }
0x67: {  	[tilespmem:$0xF0] =	vst v1;
	v1 =	vadd.s32 v0, v2;
	v2 =	vld [tilespmem:$0x150]  }
0x68: {  	[tilespmem:$0x100] =	vst v1;
	v1 =	vadd.s32 v0, v3;
	v3 =	vld [tilespmem:$0x160]  }
0x69: {  	v58 =	vld [tilespmem:$0x170];
	[tilespmem:$0x110] =	vst v1;
	v1 =	vadd.s32 v0, v55  }
0x6a: {  	v59 =	vld [tilespmem:$0x180];
	[tilespmem:$0x120] =	vst v1;
	v1 =	vadd.s32 v0, v56  }
0x6b: {  	v60 =	vld [tilespmem:$0x190];
	[tilespmem:$0x130] =	vst v1;
	v1 =	vadd.s32 v0, v57  }
0x6c: {  	[tilespmem:$0x140] =	vst v1;
	v1 =	vadd.s32 v0, v2;
	v2 =	vld [tilespmem:$0x1A0]  }
0x6d: {  	[tilespmem:$0x150] =	vst v1;
	v1 =	vadd.s32 v0, v3;
	v3 =	vld [tilespmem:$0x1B0]  }
0x6e: {  	v61 =	vld [tilespmem:$0x1C0];
	[tilespmem:$0x160] =	vst v1;
	v1 =	vadd.s32 v0, v58  }
0x6f: {  	v62 =	vld [tilespmem:$0x1D0];
	[tilespmem:$0x170] =	vst v1;
	v1 =	vadd.s32 v0, v59  }
0x70: {  	v63 =	vld [tilespmem:$0x1E0];
	[tilespmem:$0x180] =	vst v1;
	v1 =	vadd.s32 v0, v60  }
0x71: {  	[tilespmem:$0x190] =	vst v1;
	v1 =	vadd.s32 v0, v2;
	v2 =	vld [tilespmem:$0x1F0]  }
0x72: {  	[tilespmem:$0x1A0] =	vst v1;
	v1 =	vadd.s32 v0, v3  }
0x73: {  	[tilespmem:$0x1B0] =	vst v1;
	v1 =	vadd.s32 v0, v61  }
0x74: {  	[tilespmem:$0x1C0] =	vst v1;
	v1 =	vadd.s32 v0, v62  }
0x75: {  	[tilespmem:$0x1D0] =	vst v1;
	v1 =	vadd.s32 v0, v63  }
0x76: {  	[tilespmem:$0x1E0] =	vst v1;
	v1 =	vadd.s32 v0, v2  }
0x77: {  	[tilespmem:$0x1F0] =	vst v1  }
0x78: {  	[tilespmem:s16], [sflag:$0x1] =	stream.indirect.gather [hbm4b:s4+s15], $0x10, s3, s15, $0xb8;
	[tilespmem:$0x1DE40] =	vst v63  }
0x79: {  	_ = 	snop  }
0x7a: {  	[tilespmem:s17], [sflag:$0x1] =	stream.indirect.gather [hbm4b:s4+s15], $0x10, s15, s15, $0xb8;
	[tilespmem:$0x1DE40] =	vst v63  }
0x7b: {  	s18 =	simm.s32 $0x100  }
0x7c: {  	[tilespmem:s19], [sflag:$0x1] =	stream.indirect.gather [hbm4b:s4+s15], $0x10, s18, s15, $0xb8;
	[tilespmem:$0x1DE40] =	vst v63  }
0x7d: {  	_ = 	snop  }
0x7e: {  	[tilespmem:s21], [sflag:$0x1] =	stream.indirect.gather [hbm4b:s4+s15], $0x10, s20, s15, $0xb8;
	[tilespmem:$0x1DE40] =	vst v63  }
0x7f: {  	_ =	swait.ge [sflag:s22], $0x800  }
0x80: {  	[sflag:s22] =	ssyncset.done $0x0  }
0x81: {  	[sflag:s22] =	ssyncadd.s32 $0xFFFFF800  }
0x82: {  	_ =	swait.ge [sflag:s22], $0x800  }
0x83: {  	[sflag:s22] =	ssyncset.done $0x0  }
0x84: {  	[sflag:s22] =	ssyncadd.s32 $0xFFFFF800  }
0x85: {  	_ =	swait.ge [sflag:s22], $0x800  }
0x86: {  	[sflag:s22] =	ssyncset.done $0x0  }
0x87: {  	[sflag:s22] =	ssyncadd.s32 $0xFFFFF800  }
0x88: {  	_ =	swait.ge [sflag:s22], $0x800  }
0x89: {  	[sflag:s22] =	ssyncset.done $0x0  }
0x8a: {  	s31 =	simm.s32 $0x0;
	[sflag:s22] =	ssyncadd.s32 $0xFFFFF800  }
.LBB2_2:
0x8b: {  	[spmem:s2] =	stream.indirect.scatter.add.f32 [tilespmem:s16], [sflag:$0x2], $0x10, s13, s15, $0xb8;
	[tilespmem:$0x1DE40] =	vst v63  }
0x8c: {  	s1 =	simm.s32 $0x280  }
0x8d: {  	[spmem:s2] =	stream.indirect.scatter.add.f32 [tilespmem:s17], [sflag:$0x2], $0x10, s1, s15, $0xb8;
	[tilespmem:$0x1DE40] =	vst v63  }
0x8e: {  	s9 =	simm.s32 $0x300  }
0x8f: {  	[spmem:s2] =	stream.indirect.scatter.add.f32 [tilespmem:s19], [sflag:$0x2], $0x10, s9, s15, $0xb8;
	[tilespmem:$0x1DE40] =	vst v63  }
0x90: {  	s18 =	simm.s32 $0x380;
	s1 =	sadd.s32 s31, s7  }
0x91: {  	[spmem:s2] =	stream.indirect.scatter.add.f32 [tilespmem:s21], [sflag:$0x2], $0x10, s18, s15, $0xb8;
	[tilespmem:$0x1DE40] =	vst v63  }
0x92: {  	s18 =	sadd.s32 $0x40, s1  }
0x93: {  	[tilespmem:s26], [sflag:$0x6] =	stream.linear.gather [hbm4b:s18+s3], $0x200, $0x38;
	[tilespmem:$0x1DE40] =	vst v63  }
0x94: {  	s18 =	sadd.s32 s31, s8  }
0x95: {  	s9 =	sadd.s32 $0x40, s18  }
0x96: {  	[tilespmem:s28], [sflag:$0x6] =	stream.linear.gather [hbm4b:s9+s3], $0x200, $0x38;
	[tilespmem:$0x1DE40] =	vst v63  }
0x97: {  	_ =	swait.ge [sflag:s29], $0x200  }
0x98: {  	[sflag:s29] =	ssyncset.done $0x0  }
0x99: {  	[sflag:s29] =	ssyncadd.s32 $0xFFFFFE00  }
0x9a: {  	_ =	swait.ge [sflag:s29], $0x200  }
0x9b: {  	[sflag:s29] =	ssyncset.done $0x0  }
0x9c: {  	[sflag:s29] =	ssyncadd.s32 $0xFFFFFE00  }
0x9d: {  	v1 =	vld [tilespmem:$0x2400]  }
0x9e: {  	v2 =	vld [tilespmem:$0x2410]  }
0x9f: {  	v3 =	vld [tilespmem:$0x2420]  }
0xa0: {  	v4 =	vld [tilespmem:$0x2430]  }
0xa1: {  	v5 =	vld [tilespmem:$0x2440]  }
0xa2: {  	v6 =	vld [tilespmem:$0x2450];
	v1 =	vadd.s32 v0, v1  }
0xa3: {  	[tilespmem:$0x2400] =	vst v1;
	v1 =	vadd.s32 v0, v2;
	v2 =	vld [tilespmem:$0x2460]  }
0xa4: {  	[tilespmem:$0x2410] =	vst v1;
	v1 =	vadd.s32 v0, v3;
	v3 =	vld [tilespmem:$0x2470]  }
0xa5: {  	v49 =	vld [tilespmem:$0x2480];
	[tilespmem:$0x2420] =	vst v1;
	v1 =	vadd.s32 v0, v4  }
0xa6: {  	v50 =	vld [tilespmem:$0x2490];
	[tilespmem:$0x2430] =	vst v1;
	v1 =	vadd.s32 v0, v5  }
0xa7: {  	v51 =	vld [tilespmem:$0x24A0];
	[tilespmem:$0x2440] =	vst v1;
	v1 =	vadd.s32 v0, v6  }
0xa8: {  	[tilespmem:$0x2450] =	vst v1;
	v1 =	vadd.s32 v0, v2;
	v2 =	vld [tilespmem:$0x24B0]  }
0xa9: {  	[tilespmem:$0x2460] =	vst v1;
	v1 =	vadd.s32 v0, v3;
	v3 =	vld [tilespmem:$0x24C0]  }
0xaa: {  	v52 =	vld [tilespmem:$0x24D0];
	[tilespmem:$0x2470] =	vst v1;
	v1 =	vadd.s32 v0, v49  }
0xab: {  	v53 =	vld [tilespmem:$0x24E0];
	[tilespmem:$0x2480] =	vst v1;
	v1 =	vadd.s32 v0, v50  }
0xac: {  	v54 =	vld [tilespmem:$0x24F0];
	[tilespmem:$0x2490] =	vst v1;
	v1 =	vadd.s32 v0, v51  }
0xad: {  	[tilespmem:$0x24A0] =	vst v1;
	v1 =	vadd.s32 v0, v2;
	v2 =	vld [tilespmem:$0x2500]  }
0xae: {  	[tilespmem:$0x24B0] =	vst v1;
	v1 =	vadd.s32 v0, v3;
	v3 =	vld [tilespmem:$0x2510]  }
0xaf: {  	v55 =	vld [tilespmem:$0x2520];
	[tilespmem:$0x24C0] =	vst v1;
	v1 =	vadd.s32 v0, v52  }
0xb0: {  	v56 =	vld [tilespmem:$0x2530];
	[tilespmem:$0x24D0] =	vst v1;
	v1 =	vadd.s32 v0, v53  }
0xb1: {  	v57 =	vld [tilespmem:$0x2540];
	[tilespmem:$0x24E0] =	vst v1;
	v1 =	vadd.s32 v0, v54  }
0xb2: {  	[tilespmem:$0x24F0] =	vst v1;
	v1 =	vadd.s32 v0, v2;
	v2 =	vld [tilespmem:$0x2550]  }
0xb3: {  	[tilespmem:$0x2500] =	vst v1;
	v1 =	vadd.s32 v0, v3;
	v3 =	vld [tilespmem:$0x2560]  }
0xb4: {  	v58 =	vld [tilespmem:$0x2570];
	[tilespmem:$0x2510] =	vst v1;
	v1 =	vadd.s32 v0, v55  }
0xb5: {  	v59 =	vld [tilespmem:$0x2580];
	[tilespmem:$0x2520] =	vst v1;
	v1 =	vadd.s32 v0, v56  }
0xb6: {  	v60 =	vld [tilespmem:$0x2590];
	[tilespmem:$0x2530] =	vst v1;
	v1 =	vadd.s32 v0, v57  }
0xb7: {  	[tilespmem:$0x2540] =	vst v1;
	v1 =	vadd.s32 v0, v2;
	v2 =	vld [tilespmem:$0x25A0]  }
0xb8: {  	[tilespmem:$0x2550] =	vst v1;
	v1 =	vadd.s32 v0, v3;
	v3 =	vld [tilespmem:$0x25B0]  }
0xb9: {  	v61 =	vld [tilespmem:$0x25C0];
	[tilespmem:$0x2560] =	vst v1;
	v1 =	vadd.s32 v0, v58  }
0xba: {  	v62 =	vld [tilespmem:$0x25D0];
	[tilespmem:$0x2570] =	vst v1;
	v1 =	vadd.s32 v0, v59  }
0xbb: {  	v63 =	vld [tilespmem:$0x25E0];
	[tilespmem:$0x2580] =	vst v1;
	v1 =	vadd.s32 v0, v60  }
0xbc: {  	[tilespmem:$0x2590] =	vst v1;
	v1 =	vadd.s32 v0, v2;
	v2 =	vld [tilespmem:$0x25F0]  }
0xbd: {  	[tilespmem:$0x25A0] =	vst v1;
	v1 =	vadd.s32 v0, v3  }
0xbe: {  	[tilespmem:$0x25B0] =	vst v1;
	v1 =	vadd.s32 v0, v61  }
0xbf: {  	[tilespmem:$0x25C0] =	vst v1;
	v1 =	vadd.s32 v0, v62  }
0xc0: {  	[tilespmem:$0x25D0] =	vst v1;
	v1 =	vadd.s32 v0, v63  }
0xc1: {  	[tilespmem:$0x25E0] =	vst v1;
	v1 =	vadd.s32 v0, v2  }
0xc2: {  	[tilespmem:$0x25F0] =	vst v1  }
0xc3: {  	[tilespmem:s30], [sflag:$0x4] =	stream.indirect.gather [hbm4b:s4+s15], $0x10, s26, s15, $0xb8;
	[tilespmem:$0x1DE40] =	vst v63  }
0xc4: {  	s9 =	simm.s32 $0x2480  }
0xc5: {  	[tilespmem:s0], [sflag:$0x4] =	stream.indirect.gather [hbm4b:s4+s15], $0x10, s9, s15, $0xb8;
	[tilespmem:$0x1DE40] =	vst v63  }
0xc6: {  	s9 =	simm.s32 $0x2500  }
0xc7: {  	[tilespmem:s5], [sflag:$0x4] =	stream.indirect.gather [hbm4b:s4+s15], $0x10, s9, s15, $0xb8;
	[tilespmem:$0x1DE40] =	vst v63  }
0xc8: {  	s9 =	simm.s32 $0x2580  }
0xc9: {  	[tilespmem:s10], [sflag:$0x4] =	stream.indirect.gather [hbm4b:s4+s15], $0x10, s9, s15, $0xb8;
	[tilespmem:$0x1DE40] =	vst v63  }
0xca: {  	_ =	swait.ge [sflag:s6], $0x800  }
0xcb: {  	[sflag:s6] =	ssyncset.done $0x0  }
0xcc: {  	[sflag:s6] =	ssyncadd.s32 $0xFFFFF800  }
0xcd: {  	_ =	swait.ge [sflag:s6], $0x800  }
0xce: {  	[sflag:s6] =	ssyncset.done $0x0  }
0xcf: {  	[sflag:s6] =	ssyncadd.s32 $0xFFFFF800  }
0xd0: {  	p0 =	sne.s32 s31, $0x6180;
	_ =	swait.ge [sflag:s6], $0x800  }
.Ltmp2:
0xd1: {  	[sflag:s6] =	ssyncset.done $0x0;
	(pc) =	sbr.rel @!p0 .LBB2_3-.Ltmp2, $4  }
0xd2: {  	[sflag:s6] =	ssyncadd.s32 $0xFFFFF800  }
0xd3: {  	_ =	swait.ge [sflag:s6], $0x800  }
0xd4: {  	[sflag:s6] =	ssyncset.done $0x0  }
0xd5: {  	[sflag:s6] =	ssyncadd.s32 $0xFFFFF800  }
0xd6: {  	s1 =	sadd.s32 $0x80, s1  }
0xd7: {  	[tilespmem:s3], [sflag:$0x3] =	stream.linear.gather [hbm4b:s1+s3], $0x200, $0x38;
	[tilespmem:$0x1DE40] =	vst v63  }
0xd8: {  	s9 =	sadd.s32 $0x80, s18  }
0xd9: {  	[tilespmem:s13], [sflag:$0x3] =	stream.linear.gather [hbm4b:s9+s3], $0x200, $0x38;
	[tilespmem:$0x1DE40] =	vst v63  }
0xda: {  	_ =	swait.ge [sflag:s14], $0x200  }
0xdb: {  	[sflag:s14] =	ssyncset.done $0x0  }
0xdc: {  	[sflag:s14] =	ssyncadd.s32 $0xFFFFFE00  }
0xdd: {  	_ =	swait.ge [sflag:s14], $0x200  }
0xde: {  	[sflag:s14] =	ssyncset.done $0x0  }
0xdf: {  	[sflag:s14] =	ssyncadd.s32 $0xFFFFFE00  }
0xe0: {  	v1 =	vld [tilespmem:$0x0]  }
0xe1: {  	v2 =	vld [tilespmem:$0x10]  }
0xe2: {  	v3 =	vld [tilespmem:$0x20]  }
0xe3: {  	v4 =	vld [tilespmem:$0x30]  }
0xe4: {  	v5 =	vld [tilespmem:$0x40]  }
0xe5: {  	v6 =	vld [tilespmem:$0x50];
	v1 =	vadd.s32 v0, v1  }
0xe6: {  	[tilespmem:$0x0] =	vst v1;
	v1 =	vadd.s32 v0, v2;
	v2 =	vld [tilespmem:$0x60]  }
0xe7: {  	[tilespmem:$0x10] =	vst v1;
	v1 =	vadd.s32 v0, v3;
	v3 =	vld [tilespmem:$0x70]  }
0xe8: {  	v49 =	vld [tilespmem:$0x80];
	[tilespmem:$0x20] =	vst v1;
	v1 =	vadd.s32 v0, v4  }
0xe9: {  	v50 =	vld [tilespmem:$0x90];
	[tilespmem:$0x30] =	vst v1;
	v1 =	vadd.s32 v0, v5  }
0xea: {  	v51 =	vld [tilespmem:$0xA0];
	[tilespmem:$0x40] =	vst v1;
	v1 =	vadd.s32 v0, v6  }
0xeb: {  	[tilespmem:$0x50] =	vst v1;
	v1 =	vadd.s32 v0, v2;
	v2 =	vld [tilespmem:$0xB0]  }
0xec: {  	[tilespmem:$0x60] =	vst v1;
	v1 =	vadd.s32 v0, v3;
	v3 =	vld [tilespmem:$0xC0]  }
0xed: {  	v52 =	vld [tilespmem:$0xD0];
	[tilespmem:$0x70] =	vst v1;
	v1 =	vadd.s32 v0, v49  }
0xee: {  	v53 =	vld [tilespmem:$0xE0];
	[tilespmem:$0x80] =	vst v1;
	v1 =	vadd.s32 v0, v50  }
0xef: {  	v54 =	vld [tilespmem:$0xF0];
	[tilespmem:$0x90] =	vst v1;
	v1 =	vadd.s32 v0, v51  }
0xf0: {  	[tilespmem:$0xA0] =	vst v1;
	v1 =	vadd.s32 v0, v2;
	v2 =	vld [tilespmem:$0x100]  }
0xf1: {  	[tilespmem:$0xB0] =	vst v1;
	v1 =	vadd.s32 v0, v3;
	v3 =	vld [tilespmem:$0x110]  }
0xf2: {  	v55 =	vld [tilespmem:$0x120];
	[tilespmem:$0xC0] =	vst v1;
	v1 =	vadd.s32 v0, v52  }
0xf3: {  	v56 =	vld [tilespmem:$0x130];
	[tilespmem:$0xD0] =	vst v1;
	v1 =	vadd.s32 v0, v53  }
0xf4: {  	v57 =	vld [tilespmem:$0x140];
	[tilespmem:$0xE0] =	vst v1;
	v1 =	vadd.s32 v0, v54  }
0xf5: {  	[tilespmem:$0xF0] =	vst v1;
	v1 =	vadd.s32 v0, v2;
	v2 =	vld [tilespmem:$0x150]  }
0xf6: {  	[tilespmem:$0x100] =	vst v1;
	v1 =	vadd.s32 v0, v3;
	v3 =	vld [tilespmem:$0x160]  }
0xf7: {  	v58 =	vld [tilespmem:$0x170];
	[tilespmem:$0x110] =	vst v1;
	v1 =	vadd.s32 v0, v55  }
0xf8: {  	v59 =	vld [tilespmem:$0x180];
	[tilespmem:$0x120] =	vst v1;
	v1 =	vadd.s32 v0, v56  }
0xf9: {  	v60 =	vld [tilespmem:$0x190];
	[tilespmem:$0x130] =	vst v1;
	v1 =	vadd.s32 v0, v57  }
0xfa: {  	[tilespmem:$0x140] =	vst v1;
	v1 =	vadd.s32 v0, v2;
	v2 =	vld [tilespmem:$0x1A0]  }
0xfb: {  	[tilespmem:$0x150] =	vst v1;
	v1 =	vadd.s32 v0, v3;
	v3 =	vld [tilespmem:$0x1B0]  }
0xfc: {  	v61 =	vld [tilespmem:$0x1C0];
	[tilespmem:$0x160] =	vst v1;
	v1 =	vadd.s32 v0, v58  }
0xfd: {  	v62 =	vld [tilespmem:$0x1D0];
	[tilespmem:$0x170] =	vst v1;
	v1 =	vadd.s32 v0, v59  }
0xfe: {  	v63 =	vld [tilespmem:$0x1E0];
	[tilespmem:$0x180] =	vst v1;
	v1 =	vadd.s32 v0, v60  }
0xff: {  	[tilespmem:$0x190] =	vst v1;
	v1 =	vadd.s32 v0, v2;
	v2 =	vld [tilespmem:$0x1F0]  }
0x100: {  	[tilespmem:$0x1A0] =	vst v1;
	v1 =	vadd.s32 v0, v3  }
0x101: {  	[tilespmem:$0x1B0] =	vst v1;
	v1 =	vadd.s32 v0, v61  }
0x102: {  	[tilespmem:$0x1C0] =	vst v1;
	v1 =	vadd.s32 v0, v62  }
0x103: {  	[tilespmem:$0x1D0] =	vst v1;
	v1 =	vadd.s32 v0, v63  }
0x104: {  	[tilespmem:$0x1E0] =	vst v1;
	v1 =	vadd.s32 v0, v2  }
0x105: {  	[tilespmem:$0x1F0] =	vst v1  }
0x106: {  	[tilespmem:s16], [sflag:$0x1] =	stream.indirect.gather [hbm4b:s4+s15], $0x10, s3, s15, $0xb8;
	[tilespmem:$0x1DE40] =	vst v63  }
0x107: {  	_ = 	snop  }
0x108: {  	[tilespmem:s17], [sflag:$0x1] =	stream.indirect.gather [hbm4b:s4+s15], $0x10, s15, s15, $0xb8;
	[tilespmem:$0x1DE40] =	vst v63  }
0x109: {  	s18 =	simm.s32 $0x100  }
0x10a: {  	[tilespmem:s19], [sflag:$0x1] =	stream.indirect.gather [hbm4b:s4+s15], $0x10, s18, s15, $0xb8;
	[tilespmem:$0x1DE40] =	vst v63  }
0x10b: {  	_ = 	snop  }
0x10c: {  	[tilespmem:s21], [sflag:$0x1] =	stream.indirect.gather [hbm4b:s4+s15], $0x10, s20, s15, $0xb8;
	[tilespmem:$0x1DE40] =	vst v63  }
0x10d: {  	_ =	swait.ge [sflag:s11], $0x800  }
0x10e: {  	[sflag:s11] =	ssyncset.done $0x0  }
0x10f: {  	[sflag:s11] =	ssyncadd.s32 $0xFFFFF800  }
0x110: {  	_ =	swait.ge [sflag:s11], $0x800  }
0x111: {  	[sflag:s11] =	ssyncset.done $0x0  }
0x112: {  	[sflag:s11] =	ssyncadd.s32 $0xFFFFF800  }
0x113: {  	_ =	swait.ge [sflag:s11], $0x800  }
0x114: {  	[sflag:s11] =	ssyncset.done $0x0  }
0x115: {  	[sflag:s11] =	ssyncadd.s32 $0xFFFFF800  }
0x116: {  	_ =	swait.ge [sflag:s11], $0x800  }
0x117: {  	[sflag:s11] =	ssyncset.done $0x0  }
0x118: {  	[sflag:s11] =	ssyncadd.s32 $0xFFFFF800  }
0x119: {  	[spmem:s2] =	stream.indirect.scatter.add.f32 [tilespmem:s30], [sflag:$0x5], $0x10, s28, s15, $0xb8;
	[tilespmem:$0x1DE40] =	vst v63  }
0x11a: {  	_ = 	snop  }
0x11b: {  	[spmem:s2] =	stream.indirect.scatter.add.f32 [tilespmem:s0], [sflag:$0x5], $0x10, s12, s15, $0xb8;
	[tilespmem:$0x1DE40] =	vst v63  }
0x11c: {  	_ = 	snop  }
0x11d: {  	[spmem:s2] =	stream.indirect.scatter.add.f32 [tilespmem:s5], [sflag:$0x5], $0x10, s23, s15, $0xb8;
	[tilespmem:$0x1DE40] =	vst v63  }
0x11e: {  	_ = 	snop  }
0x11f: {  	[spmem:s2] =	stream.indirect.scatter.add.f32 [tilespmem:s10], [sflag:$0x5], $0x10, s24, s15, $0xb8;
	[tilespmem:$0x1DE40] =	vst v63  }
0x120: {  	_ =	swait.ge [sflag:s25], $0x800  }
0x121: {  	[sflag:s25] =	ssyncset.done $0x0  }
0x122: {  	[sflag:s25] =	ssyncadd.s32 $0xFFFFF800  }
0x123: {  	_ =	swait.ge [sflag:s25], $0x800  }
0x124: {  	[sflag:s25] =	ssyncset.done $0x0  }
0x125: {  	[sflag:s25] =	ssyncadd.s32 $0xFFFFF800  }
0x126: {  	_ =	swait.ge [sflag:s25], $0x800  }
0x127: {  	[sflag:s25] =	ssyncset.done $0x0  }
0x128: {  	[sflag:s25] =	ssyncadd.s32 $0xFFFFF800  }
0x129: {  	_ =	swait.ge [sflag:s25], $0x800  }
0x12a: {  	[sflag:s25] =	ssyncset.done $0x0  }
0x12b: {  	[sflag:s25] =	ssyncadd.s32 $0xFFFFF800  }
0x12c: {  	_ =	swait.ge [sflag:s22], $0x800  }
0x12d: {  	[sflag:s22] =	ssyncset.done $0x0  }
0x12e: {  	[sflag:s22] =	ssyncadd.s32 $0xFFFFF800  }
0x12f: {  	_ =	swait.ge [sflag:s22], $0x800  }
0x130: {  	[sflag:s22] =	ssyncset.done $0x0  }
0x131: {  	s31 =	sadd.s32 $0x80, s31;
	[sflag:s22] =	ssyncadd.s32 $0xFFFFF800  }
0x132: {  	p0 =	sne.s32 s31, $0x6200;
	_ =	swait.ge [sflag:s22], $0x800  }
.Ltmp3:
0x133: {  	[sflag:s22] =	ssyncset.done $0x0;
	(pc) =	sbr.rel @p0 .LBB2_2-.Ltmp3, $4  }
.Ltmp4:
0x134: {  	[sflag:s22] =	ssyncadd.s32 $0xFFFFF800;
	(pc) =	sbr.rel @!p0 .LBB2_5-.Ltmp4, $4  }
0x135: {  	_ =	swait.ge [sflag:s22], $0x800  }
0x136: {  	[sflag:s22] =	ssyncset.done $0x0  }
0x137: {  	[sflag:s22] =	ssyncadd.s32 $0xFFFFF800  }
0x138: {  	_ = 	snop  }
.LBB2_6:
0x139: {  	_ =	sfence.sel $0x180000  }
0x13a: {  	[bflag:$0x0] =	sbarrier.arrive $0xFFFF  }
0x13b: {  	_ =	strace $0x9000004D  }
0x13c: {  	s0 =	stileid.u32;
	[bflag:$0x2] =	sbarrier.arrive $0xFFFF  }
0x13d: {  	p0 =	sne.s32 s0, $0x0;
	s0 =	rddreg [dreg:$0x2]  }
0x13e: {  	s0 =	sadd.s32 @!p0 $0x100000, s0  }
0x13f: {  	[sflag:s0] =	ssyncadd.tile.s32 @!p0 $0x1;
	_ =	shalt  }
.Lfunc_end2:
_tile_overlayer_lowered:
.L_overlay_start_2:
0x140: {  	(tag) =	ssettag $0x2  }
0x141: {  	s0 =	rddreg [dreg:$0x0];
	s2 =	stileid.u32  }
0x142: {  	s1 =	rddreg [dreg:$0x1];
	p0 =	sne.s32 s2, $0x0  }
0x143: {  	s3 =	rddreg [dreg:$0x2];
	[bflag:$0x3] =	sbarrier.arrive $0xFFFF;
	s2 =	simm.s32 @!p0 $0x1C07  }
0x144: {  	[timem:s3], [sflag:s2] =	dma.local @!p0 [hbm:s0], s1  }
0x145: {  	s0 =	simm.s32 @!p0 $0x7  }
0x146: {  	_ =	swait.ge @!p0 [sflag:s0], s1  }
0x147: {  	s1 =	ssub.s32 @!p0 $0x0, s1;
	[sflag:s0] =	ssyncset.done @!p0 $0x0  }
0x148: {  	[sflag:s0] =	ssyncadd.s32 @!p0 s1  }
0x149: {  	[bflag:$0x3] =	sbarrier.arrive $0xFFFF  }
0x14a: {  	_ =	shalt  }

// kernel: kernel.9.cloned.1.call-start
scs
__scs_entry_jumppad:
0x0: {  	(pc) =	sbr.rel $0x88, $3  }
0x1: {  	(tag) =	ssettag $0x0;
	lr =	simm.s32 $0x1  }
0x2: {  	[smem:$0x3F92] =	sst lr;
	_ =	strace $0xD0000000  }
0x3: {  	_ = 	snop  }
0x4: {  	_ = 	snop  }
0x5: {  	_ = 	snop  }
0x6: {  	_ = 	snop  }
0x7: {  	_ = 	snop  }
__scs_overlays_trampoline_lowered:
0x8: {  	[smem:$0x3FA1] =	sst s0  }
0x9: {  	[smem:$0x3FA2] =	sst s1  }
0xa: {  	[smem:$0x3FA3] =	sst s2  }
0xb: {  	[smem:$0x3FA4] =	sst s3  }
0xc: {  	[smem:$0x3FA5] =	sst s4  }
0xd: {  	[smem:$0x3FA6] =	sst s5  }
0xe: {  	[smem:$0x3FA7] =	sst s6  }
0xf: {  	[smem:$0x3FA8] =	sst s7  }
0x10: {  	[smem:$0x3FA9] =	sst s8  }
0x11: {  	[smem:$0x3FAA] =	sst s9;
	s0 =	simm.s32 @!p0 $0x0  }
0x12: {  	s1 =	sld [smem:$0x3F90];
	s0 =	simm.s32 @p0 $0x1  }
0x13: {  	[smem:$0x3FAB] =	sst s0;
	s0 =	simm.s32 @!p1 $0x0  }
0x14: {  	s2 =	sld [smem:$0x3F8F];
	s0 =	simm.s32 @p1 $0x1  }
0x15: {  	[smem:$0x3FAC] =	sst s0;
	s0 =	simm.s32 @!p2 $0x0  }
0x16: {  	s3 =	sld [smem:$0x3FDB];
	s0 =	simm.s32 @p2 $0x1  }
0x17: {  	s4 =	simm.s32 $0x1BF5;
	[smem:$0x3FAE] =	sst s0  }
0x18: {  	s0 =	sld [smem:$0x3F91];
	_ =	swait.ge [sflag:s4], $0x0  }
0x19: {  	s7 =	sld [smem:$0x3F92]  }
0x1a: {  	s8 =	sadd.s32 $0xFFFFE003, lr  }
0x1b: {  	s9 =	sadd.s32 $0xFFFFFEF7, lr;
	s5 =	simm.s32 $0xFFFFFFFF;
	p2 =	slt.u32 s8, $0xFFFFF086  }
0x1c: {  	p1 =	slt.u32 s9, $0xF7A;
	s5 =	simm.s32 @!p2 $0x0  }
0x1d: {  	s5 =	simm.s32 @p1 $0x1;
	p0 =	seq.s32 s7, s2  }
0x1e: {  	s7 =	smul.u32 @!p0 $0xF7A, s2;
	p2 =	seq.s32 @!p0 s5, $0x0  }
0x1f: {  	s9 =	smul.u32 $0xF7A, s1;
	s8 =	simm.s32 @!p0 $0x1BF5;
	p2 =	por !p2, p0  }
0x20: {  	[sflag:s8] =	ssyncset.s32 @!p0 $0xFFFFF086;
	s6 =	sadd.s32 @!p0 s3, s7;
	s7 =	simm.s32 @!p0 $0x108  }
0x21: {  	s3 =	sadd.s32 s3, s9;
	s6 =	sadd.s32 @!p0 $0x88, s6;
	s7 =	simm.s32 @p2 $0x1082  }
0x22: {  	[simem:s7], [sflag:s8] =	dma.local @!p0 [hbm:s6], $0xF7A  }
0x23: {  	s9 =	sor.u32 $0xD0000000, s2;
	s6 =	simm.s32 $0x108;
	_ =	swait.ge @!p0 [sflag:s8], $0x0  }
0x24: {  	s3 =	sadd.s32 $0x88, s3;
	s6 =	simm.s32 @!p1 $0x1082;
	[sflag:s4] =	ssyncset.s32 $0xFFFFF086  }
0x25: {  	[simem:s6], [sflag:s4] =	dma.local [hbm:s3], $0xF7A  }
0x26: {  	[smem:$0x3F92] =	sst s1;
	(tag) =	ssettag s2;
	_ =	strace s9  }
0x27: {  	s1 =	sld [smem:$0x3FA2]  }
0x28: {  	s2 =	sld [smem:$0x3FA3]  }
0x29: {  	s4 =	sld [smem:$0x3FA5]  }
0x2a: {  	p0 =	seq.s32 s5, $0x0;
	s5 =	sld [smem:$0x3FA6]  }
0x2b: {  	s6 =	sld [smem:$0x3FA7]  }
0x2c: {  	s7 =	sld [smem:$0x3FA8]  }
0x2d: {  	s3 =	simm.s32 $0x108;
	s8 =	sld [smem:$0x3FA9]  }
0x2e: {  	s3 =	simm.s32 @!p0 $0x1082;
	s9 =	sld [smem:$0x3FAA]  }
0x2f: {  	lr =	sadd.s32 s0, s3;
	s0 =	sld [smem:$0x3FA1]  }
0x30: {  	s3 =	sld [smem:$0x3FA4]  }
0x31: {  	[smem:$0x3FAD] =	sst s10  }
0x32: {  	s10 =	sld [smem:$0x3FAB];
	_ =	sdelay $0x3  }
0x33: {  	p0 =	seq.s32 s10, $0x1;
	s10 =	sld [smem:$0x3FAD];
	_ =	sdelay $0x3  }
0x34: {  	[smem:$0x3FAD] =	sst s10  }
0x35: {  	s10 =	sld [smem:$0x3FAC];
	_ =	sdelay $0x3  }
0x36: {  	p1 =	seq.s32 s10, $0x1;
	s10 =	sld [smem:$0x3FAD];
	_ =	sdelay $0x3  }
0x37: {  	[smem:$0x3FAD] =	sst s10  }
0x38: {  	s10 =	sld [smem:$0x3FAE]  }
0x39: {  	_ = 	snop;
	(pc) =	sbr.ind lr, $3  }
0x3a: {  	_ = 	snop  }
0x3b: {  	_ = 	snop  }
0x3c: {  	p2 =	seq.s32 s10, $0x1;
	s10 =	sld [smem:$0x3FAD]  }
0x3d: {  	_ =	shalt  }
0x3e: {  	_ =	shalt  }
0x3f: {  	_ =	shalt  }
0x40: {  	_ =	shalt  }
0x41: {  	_ =	shalt  }
0x42: {  	_ =	shalt  }
0x43: {  	_ =	shalt  }
0x44: {  	_ =	shalt  }
0x45: {  	_ =	shalt  }
0x46: {  	_ =	shalt  }
0x47: {  	_ =	shalt  }
0x48: {  	_ =	shalt  }
0x49: {  	_ =	shalt  }
0x4a: {  	_ =	shalt  }
0x4b: {  	_ =	shalt  }
0x4c: {  	_ =	shalt  }
0x4d: {  	_ =	shalt  }
0x4e: {  	_ =	shalt  }
0x4f: {  	_ =	shalt  }
0x50: {  	_ =	shalt  }
0x51: {  	_ =	shalt  }
0x52: {  	_ =	shalt  }
0x53: {  	_ =	shalt  }
0x54: {  	_ =	shalt  }
0x55: {  	_ =	shalt  }
0x56: {  	_ =	shalt  }
0x57: {  	_ =	shalt  }
0x58: {  	_ =	shalt  }
0x59: {  	_ =	shalt  }
0x5a: {  	_ =	shalt  }
0x5b: {  	_ =	shalt  }
0x5c: {  	_ =	shalt  }
0x5d: {  	_ =	shalt  }
0x5e: {  	_ =	shalt  }
0x5f: {  	_ =	shalt  }
0x60: {  	_ =	shalt  }
0x61: {  	_ =	shalt  }
0x62: {  	_ =	shalt  }
0x63: {  	_ =	shalt  }
0x64: {  	_ =	shalt  }
0x65: {  	_ =	shalt  }
0x66: {  	_ =	shalt  }
0x67: {  	_ =	shalt  }
0x68: {  	_ =	shalt  }
0x69: {  	_ =	shalt  }
0x6a: {  	_ =	shalt  }
0x6b: {  	_ =	shalt  }
0x6c: {  	_ =	shalt  }
0x6d: {  	_ =	shalt  }
0x6e: {  	_ =	shalt  }
0x6f: {  	_ =	shalt  }
0x70: {  	_ =	shalt  }
0x71: {  	_ =	shalt  }
0x72: {  	_ =	shalt  }
0x73: {  	_ =	shalt  }
0x74: {  	_ =	shalt  }
0x75: {  	_ =	shalt  }
0x76: {  	_ =	shalt  }
0x77: {  	_ =	shalt  }
0x78: {  	_ =	shalt  }
0x79: {  	_ =	shalt  }
0x7a: {  	_ =	shalt  }
0x7b: {  	_ =	shalt  }
0x7c: {  	_ =	shalt  }
0x7d: {  	_ =	shalt  }
0x7e: {  	_ =	shalt  }
0x7f: {  	_ =	shalt  }
0x80: {  	_ =	shalt  }
0x81: {  	_ =	shalt  }
0x82: {  	_ =	shalt  }
0x83: {  	_ =	shalt  }
0x84: {  	_ =	shalt  }
0x85: {  	_ =	shalt  }
0x86: {  	_ =	shalt  }
0x87: {  	_ =	shalt  }
.Lfunc_end0:
.L_simem_size_0:
called_computation_lowered:
.L_overlay_start_0:
0x88: {  	s2 =	sld [smem:$0x3FD9]  }
0x89: {  	s3 =	sld [smem:$0x3FFE];
	_ =	sdelay $0x1  }
0x8a: {  	s1 =	srdreg.scid  }
0x8b: {  	s0 =	sand.u32 $0x1, s1  }
0x8c: {  	s17 =	sshll.u32 s0, $0xA;
	s2 =	sadd.s32 s3, s2  }
0x8d: {  	s2 =	sadd.s32 s2, s17  }
0x8e: {  	[smem:$0x3FB9] =	sst s2  }
0x8f: {  	_ = 	snop  }
0x90: {  	s18 =	sld [smem:$0x3FD0];
	(tm) =	ssettm $0x1  }
0x91: {  	s19 =	sld [smem:$0x3FFB];
	_ =	sdelay $0x3  }
0x92: {  	_ =	strace s19  }
0x93: {  	s2 =	sld [smem:$0x3FFC];
	_ =	sdelay $0x3  }
0x94: {  	_ =	strace s2  }
0x95: {  	s2 =	sld [smem:$0x3FFD];
	_ =	sdelay $0x3  }
0x96: {  	_ =	strace s2  }
0x97: {  	_ =	strace $0x8FFFFFFF  }
0x98: {  	s20 =	sld [smem:$0x3FDB];
	_ =	sdelay $0x1  }
0x99: {  	s4 =	simm.s32 $_scs_section_size  }
0x9a: {  	s5 =	simm.s32 $_size__tile_overlayer_lowered;
	s6 =	simm.s32 $_tile_overlayer_lowered  }
0x9b: {  	s7 =	simm.s32 $0x1BFF;
	s21 =	sshll.u32 s6, $0x1;
	s4 =	sadd.s32 s4, s20  }
0x9c: {  	s22 =	simm.s32 $0x0;
	s5 =	sshll.u32 s5, $0x1;
	s6 =	sadd.s32 s21, s4  }
0x9d: {  	[timem:s22], [sflag:s7] =	dma.local [hbm:s6], s5  }
0x9e: {  	_ =	swait.ge [sflag:s7], s5  }
0x9f: {  	s5 =	ssub.s32 $0x0, s5;
	[sflag:s7] =	ssyncset.done $0x0  }
0xa0: {  	[sflag:s7] =	ssyncadd.s32 s5;
	_ =	sdelay $0x1  }
0xa1: {  	s23 =	simm.s32 $0x1B8B  }
0xa2: {  	_ =	swait.ge [sflag:s23], $0x1  }
0xa3: {  	[sflag:s23] =	ssyncset.done $0x0  }
0xa4: {  	[sflag:s23] =	ssyncadd.s32 $0xFFFFFFFF  }
0xa5: {  	s5 =	sld [smem:$0x0]  }
0xa6: {  	s6 =	sand.u32 $0xFFFFFFFE, s1  }
0xa7: {  	p0 =	sne.s32 s1, s6  }
0xa8: {  	s6 =	sshll.u32 @p0 s6, $0xE  }
0xa9: {  	s6 =	sadd.s32 @p0 $0x11B8D, s6;
	s7 =	sshll.u32 @p0 s5, $0x11  }
0xaa: {  	s6 =	sor.u32 @p0 s7, s6  }
0xab: {  	[sflag:s6] =	ssyncadd.remote.s32 @p0 $0x1;
	_ =	sdelay $0x1  }
0xac: {  	s6 =	simm.s32 @p0 $0x1B8D  }
0xad: {  	_ =	swait.eq @p0 [sflag:s6], $0x1  }
0xae: {  	[sflag:s6] =	ssyncadd.s32 @p0 $0xFFFFFFFF  }
0xaf: {  	s7 =	sshll.u32 @!p0 s1, $0xE  }
0xb0: {  	s7 =	sor.u32 @!p0 $0x4000, s7;
	s6 =	simm.s32 @!p0 $0x1B8D  }
0xb1: {  	s5 =	sshll.u32 @!p0 s5, $0x11;
	s7 =	sadd.s32 @!p0 $0x11B8D, s7;
	_ =	swait.eq @!p0 [sflag:s6], $0x1  }
0xb2: {  	s5 =	sor.u32 @!p0 s5, s7;
	[sflag:s6] =	ssyncadd.s32 @!p0 $0xFFFFFFFF  }
0xb3: {  	s25 =	simm.s32 $0x1B8E;
	s24 =	sld [smem:$0x3FFE];
	[sflag:s5] =	ssyncadd.remote.s32 @!p0 $0x1  }
0xb4: {  	s26 =	simm.s32 $execute0_lowered;
	[smem:$0x3FD2] =	sst s25  }
0xb5: {  	s6 =	sshll.u32 s26, $0x1;
	_ =	strace $0x80000049;
	[dreg:$0x1] =	wrdreg $0xFFFFFFFF  }
0xb6: {  	s28 =	simm.s32 $_size_execute0_lowered;
	s4 =	sadd.s32 s4, s6;
	[dreg:$0x0] =	wrdreg $0x0  }
0xb7: {  	s6 =	sshll.u32 s28, $0x1;
	[dreg:$0x2] =	wrdreg s4  }
0xb8: {  	[dreg:$0x3] =	wrdreg s6  }
0xb9: {  	[dreg:$0x4] =	wrdreg $0xC0  }
0xba: {  	_ =	task [dreg:s22], $0x5FFFF  }
0xbb: {  	[dreg:$0x1] =	wrdreg $0xFFFFFFFF  }
0xbc: {  	[dreg:$0x0] =	wrdreg $0x60  }
0xbd: {  	[dreg:$0x2] =	wrdreg s24  }
0xbe: {  	[dreg:$0x3] =	wrdreg s18  }
0xbf: {  	[dreg:$0x4] =	wrdreg $0x6000  }
0xc0: {  	[dreg:$0x5] =	wrdreg $0x9  }
0xc1: {  	_ =	task.clear_ibuf [dreg:s22], $0x6FFFF;
	_ =	strace $0x90000049  }
0xc2: {  	s29 =	simm.s32 $0x9;
	_ =	strace $0x8000004B  }
0xc3: {  	_ =	swait.ge [sflag:s29], $0x1  }
0xc4: {  	[sflag:s29] =	ssyncadd.s32 $0xFFFFFFFF  }
0xc5: {  	_ =	strace $0x9000004B  }
0xc6: {  	_ =	sfence  }
0xc7: {  	s30 =	sld [smem:$0x0];
	_ =	sdelay $0x2  }
0xc8: {  	s31 =	sshll.u32 s1, $0xD;
	s1 =	sshrl.u32 s1, $0x2  }
0xc9: {  	s4 =	sand.u32 $0x4000, s31;
	s1 =	sadd.s32 s1, s30  }
0xca: {  	s0 =	sor.u32 s4, s0;
	s1 =	sshll.u32 s1, $0x11  }
0xcb: {  	s0 =	sor.u32 s1, s0  }
0xcc: {  	s0 =	sadd.s32 $0x8F2B, s0  }
0xcd: {  	[sflag:s0] =	ssyncadd.remote.s32 $0x1  }
0xce: {  	_ =	sfence.sel $0xFFFF  }
0xcf: {  	[dreg:$0x0] =	wrdreg $0xFFFFFFFF;
	(pc) =	sbr.abs _section_cstart, $3  }
0xd0: {  	[dreg:$0x1] =	wrdreg $0xFFFFFFFF  }
0xd1: {  	_ =	task.clear_ibuf [dreg:s22], $0x2FFFF;
	_ =	strace $0x9FFFFFFF  }
0xd2: {  	(tm) =	ssettm $0x7FFFFFFF  }
0xd3: {  	_ =	shalt  }
tec
execute0_lowered:
.L_overlay_start_1:
0x0: {  	(tag) =	ssettag $0x1  }
0x1: {  	s6 =	rddreg [dreg:$0x0]  }
0x2: {  	s2 =	rddreg [dreg:$0x1]  }
0x3: {  	s0 =	srdreg.scid;
	s3 =	rddreg [dreg:$0x2]  }
0x4: {  	s1 =	rddreg [dreg:$0x3];
	s7 =	sand.u32 $0x1, s0  }
0x5: {  	s4 =	simm.s32 $0x0;
	s0 =	stileid.u32;
	s5 =	smul.u32 $0x188000, s7  }
0x6: {  	s13 =	simm.s32 $0x80;
	s14 =	simm.s32 $0x100;
	s8 =	smul.u32 $0x18800, s0  }
0x7: {  	s15 =	simm.s32 $0x180;
	s16 =	simm.s32 $0x1;
	s28 =	smul.u32 $0x1964, s0  }
0x8: {  	s17 =	simm.s32 $0x0;
	[smem:$0x7FF] =	sst s4;
	s11 =	smul.u32 $0x32C80, s0  }
0x9: {  	_ =	strace $0x8000004A;
	s10 =	ssub.s32 $0x2, s7;
	s7 =	smul.u32 $0x19640, s7  }
0xa: {  	s31 =	sshll.u32 s0, $0x6;
	s12 =	sshrl.u32 s10, $0x1;
	s5 =	sadd.s32 s8, s5  }
0xb: {  	s29 =	ssub.s32 s10, s12;
	s30 =	sshrl.u32 s11, $0x2;
	s11 =	simm.s32 $0x2  }
0xc: {  	s12 =	simm.s32 $0x200;
	s5 =	sshrl.u32 s5, $0x3;
	s10 =	sadd.s32 s30, s3  }
0xd: {  	s9 =	sadd.s32 s5, s6;
	s5 =	sadd.s32 $0x191400, s6;
	s6 =	sadd.s32 s28, s6  }
0xe: {  	s8 =	smax.u32 s29, $0x1;
	s10 =	sshrl.u32 s10, $0x3;
	s7 =	sadd.s32 s7, s6  }
0xf: {  	s6 =	sor.u32 $0x1C02, s31;
	s9 =	sadd.s32 $0x64600, s9;
	s7 =	sadd.s32 $0x191600, s7  }
.LBB2_1:
0x10: {  	[spmem:s10], [sflag:s6] =	dma.local [hbm:s2], $0x1964  }
0x11: {  	_ =	swait.ge [sflag:s11], $0x1964  }
0x12: {  	[sflag:s11] =	ssyncset.done $0x0  }
0x13: {  	[sflag:s11] =	ssyncadd.s32 $0xFFFFE69C  }
0x14: {  	[tilespmem:s12], [sflag:$0x2] =	stream.linear.gather [hbm4b:s5+s4], $0x400, $0x38;
	[tilespmem:$0xD120] =	vst v63  }
0x15: {  	_ =	swait.ge [sflag:s11], $0x400  }
0x16: {  	[sflag:s11] =	ssyncset.done $0x0  }
0x17: {  	[sflag:s11] =	ssyncadd.s32 $0xFFFFFC00  }
0x18: {  	s18 =	sadd.s32 $0x0, s9;
	[bflag:$0x0] =	sbarrier.arrive $0xFFFF  }
0x19: {  	[tilespmem:s4], [sflag:$0x2] =	stream.linear.gather [hbm4b:s18+s4], $0x200, $0x38;
	[tilespmem:$0xD120] =	vst v63  }
0x1a: {  	_ =	swait.ge [sflag:s11], $0x200  }
0x1b: {  	[sflag:s11] =	ssyncset.done $0x0  }
0x1c: {  	[sflag:s11] =	ssyncadd.s32 $0xFFFFFE00  }
0x1d: {  	[spmem:s3] =	stream.indirect.scatter.add.f32 [tilespmem:s12], [sflag:$0x1], $0x8, s4, s13, $0xb8;
	[tilespmem:$0xD120] =	vst v63  }
0x1e: {  	_ = 	snop  }
0x1f: {  	[spmem:s3] =	stream.indirect.scatter.add.f32 [tilespmem:s12], [sflag:$0x1], $0x8, s13, s13, $0xb8;
	[tilespmem:$0xD120] =	vst v63  }
0x20: {  	_ = 	snop  }
0x21: {  	[spmem:s3] =	stream.indirect.scatter.add.f32 [tilespmem:s12], [sflag:$0x1], $0x8, s14, s13, $0xb8;
	[tilespmem:$0xD120] =	vst v63  }
0x22: {  	_ = 	snop  }
0x23: {  	[spmem:s3] =	stream.indirect.scatter.add.f32 [tilespmem:s12], [sflag:$0x1], $0x8, s15, s13, $0xb8;
	[tilespmem:$0xD120] =	vst v63  }
0x24: {  	_ =	swait.ge [sflag:s16], $0x400  }
0x25: {  	[sflag:s16] =	ssyncset.done $0x0  }
0x26: {  	[sflag:s16] =	ssyncadd.s32 $0xFFFFFC00  }
0x27: {  	_ =	swait.ge [sflag:s16], $0x400  }
0x28: {  	[sflag:s16] =	ssyncset.done $0x0  }
0x29: {  	[sflag:s16] =	ssyncadd.s32 $0xFFFFFC00  }
0x2a: {  	_ =	swait.ge [sflag:s16], $0x400  }
0x2b: {  	[sflag:s16] =	ssyncset.done $0x0  }
0x2c: {  	[sflag:s16] =	ssyncadd.s32 $0xFFFFFC00  }
0x2d: {  	_ =	swait.ge [sflag:s16], $0x400  }
0x2e: {  	s19 =	simm.s32 $0x80;
	s18 =	simm.s32 $0x40;
	[sflag:s16] =	ssyncset.done $0x0  }
.LBB2_2:
0x2f: {  	s20 =	sadd.s32 s18, s9  }
0x30: {  	[sflag:s16] =	ssyncadd.s32 $0xFFFFFC00;
	s18 =	smov.u32 s19;
	s21 =	sadd.s32 $0x40, s19  }
0x31: {  	[tilespmem:s4], [sflag:$0x2] =	stream.linear.gather [hbm4b:s20+s4], $0x200, $0x38;
	[tilespmem:$0xD120] =	vst v63  }
0x32: {  	p0 =	sne.s32 s19, $0x30C0;
	_ =	swait.ge [sflag:s11], $0x200  }
0x33: {  	[sflag:s11] =	ssyncset.done $0x0  }
0x34: {  	[sflag:s11] =	ssyncadd.s32 $0xFFFFFE00  }
0x35: {  	[spmem:s3] =	stream.indirect.scatter.add.f32 [tilespmem:s12], [sflag:$0x1], $0x8, s4, s13, $0xb8;
	[tilespmem:$0xD120] =	vst v63  }
0x36: {  	_ = 	snop  }
0x37: {  	[spmem:s3] =	stream.indirect.scatter.add.f32 [tilespmem:s12], [sflag:$0x1], $0x8, s13, s13, $0xb8;
	[tilespmem:$0xD120] =	vst v63  }
0x38: {  	_ = 	snop  }
0x39: {  	[spmem:s3] =	stream.indirect.scatter.add.f32 [tilespmem:s12], [sflag:$0x1], $0x8, s14, s13, $0xb8;
	[tilespmem:$0xD120] =	vst v63  }
0x3a: {  	_ = 	snop  }
0x3b: {  	[spmem:s3] =	stream.indirect.scatter.add.f32 [tilespmem:s12], [sflag:$0x1], $0x8, s15, s13, $0xb8;
	[tilespmem:$0xD120] =	vst v63  }
0x3c: {  	_ =	swait.ge [sflag:s16], $0x400  }
0x3d: {  	[sflag:s16] =	ssyncset.done $0x0  }
0x3e: {  	[sflag:s16] =	ssyncadd.s32 $0xFFFFFC00  }
0x3f: {  	_ =	swait.ge [sflag:s16], $0x400  }
0x40: {  	[sflag:s16] =	ssyncset.done $0x0  }
0x41: {  	[sflag:s16] =	ssyncadd.s32 $0xFFFFFC00  }
.Ltmp0:
0x42: {  	_ =	swait.ge [sflag:s16], $0x400;
	(pc) =	sbr.rel @p0 .LBB2_2-.Ltmp0, $4  }
0x43: {  	[sflag:s16] =	ssyncset.done $0x0  }
0x44: {  	[sflag:s16] =	ssyncadd.s32 $0xFFFFFC00  }
0x45: {  	_ =	swait.ge [sflag:s16], $0x400  }
0x46: {  	s19 =	smov.u32 s21;
	[sflag:s16] =	ssyncset.done $0x0  }
0x47: {  	s18 =	sadd.s32 s18, s9;
	[sflag:s16] =	ssyncadd.s32 $0xFFFFFC00  }
0x48: {  	[tilespmem:s4], [sflag:$0x2] =	stream.linear.gather [hbm4b:s18+s4], $0x200, $0x38;
	[tilespmem:$0xD120] =	vst v63  }
0x49: {  	_ =	swait.ge [sflag:s11], $0x200  }
0x4a: {  	[sflag:s11] =	ssyncset.done $0x0  }
0x4b: {  	[sflag:s11] =	ssyncadd.s32 $0xFFFFFE00  }
0x4c: {  	[spmem:s3] =	stream.indirect.scatter.add.f32 [tilespmem:s12], [sflag:$0x1], $0x8, s4, s13, $0xb8;
	[tilespmem:$0xD120] =	vst v63  }
0x4d: {  	_ = 	snop  }
0x4e: {  	[spmem:s3] =	stream.indirect.scatter.add.f32 [tilespmem:s12], [sflag:$0x1], $0x8, s13, s13, $0xb8;
	[tilespmem:$0xD120] =	vst v63  }
0x4f: {  	_ = 	snop  }
0x50: {  	[spmem:s3] =	stream.indirect.scatter.add.f32 [tilespmem:s12], [sflag:$0x1], $0x8, s14, s13, $0xb8;
	[tilespmem:$0xD120] =	vst v63  }
0x51: {  	_ = 	snop  }
0x52: {  	[spmem:s3] =	stream.indirect.scatter.add.f32 [tilespmem:s12], [sflag:$0x1], $0x8, s15, s13, $0xb8;
	[tilespmem:$0xD120] =	vst v63  }
0x53: {  	_ =	swait.ge [sflag:s16], $0x400  }
0x54: {  	[sflag:s16] =	ssyncset.done $0x0  }
0x55: {  	[sflag:s16] =	ssyncadd.s32 $0xFFFFFC00  }
0x56: {  	_ =	swait.ge [sflag:s16], $0x400  }
0x57: {  	[sflag:s16] =	ssyncset.done $0x0  }
0x58: {  	[sflag:s16] =	ssyncadd.s32 $0xFFFFFC00  }
0x59: {  	_ =	swait.ge [sflag:s16], $0x400  }
0x5a: {  	[sflag:s16] =	ssyncset.done $0x0  }
0x5b: {  	[sflag:s16] =	ssyncadd.s32 $0xFFFFFC00  }
0x5c: {  	_ =	swait.ge [sflag:s16], $0x400  }
0x5d: {  	s17 =	sadd.s32 $0x1, s17;
	[sflag:s16] =	ssyncset.done $0x0  }
0x5e: {  	p0 =	sne.s32 s17, s8;
	[sflag:s16] =	ssyncadd.s32 $0xFFFFFC00  }
.Ltmp1:
0x5f: {  	[bflag:$0x0] =	sbarrier.arrive $0xFFFF;
	(pc) =	sbr.rel @p0 .LBB2_1-.Ltmp1, $4  }
0x60: {  	[hbm:s7], [sflag:s6] =	dma.local [spmem:s10], $0x1964  }
0x61: {  	_ =	swait.ge [sflag:s11], $0x1964  }
0x62: {  	[sflag:s11] =	ssyncset.done $0x0  }
0x63: {  	[sflag:s11] =	ssyncadd.s32 $0xFFFFE69C  }
0x64: {  	_ =	sfence.sel $0x180000  }
0x65: {  	[bflag:$0x0] =	sbarrier.arrive $0xFFFF  }
0x66: {  	p0 =	sne.s32 s0, $0x0;
	_ =	strace $0x9000004A  }
0x67: {  	s0 =	sadd.s32 @!p0 $0x100000, s1;
	[bflag:$0x2] =	sbarrier.arrive $0xFFFF  }
0x68: {  	[sflag:s0] =	ssyncadd.tile.s32 @!p0 $0x1;
	_ =	shalt  }
.Lfunc_end2:
_tile_overlayer_lowered:
.L_overlay_start_2:
0x69: {  	(tag) =	ssettag $0x2  }
0x6a: {  	s0 =	rddreg [dreg:$0x0];
	s2 =	stileid.u32  }
0x6b: {  	s1 =	rddreg [dreg:$0x1];
	p0 =	sne.s32 s2, $0x0  }
0x6c: {  	s3 =	rddreg [dreg:$0x2];
	[bflag:$0x3] =	sbarrier.arrive $0xFFFF;
	s2 =	simm.s32 @!p0 $0x1C02  }
0x6d: {  	[timem:s3], [sflag:s2] =	dma.local @!p0 [hbm:s0], s1  }
0x6e: {  	s0 =	simm.s32 @!p0 $0x2  }
0x6f: {  	_ =	swait.ge @!p0 [sflag:s0], s1  }
0x70: {  	s1 =	ssub.s32 @!p0 $0x0, s1;
	[sflag:s0] =	ssyncset.done @!p0 $0x0  }
0x71: {  	[sflag:s0] =	ssyncadd.s32 @!p0 s1  }
0x72: {  	[bflag:$0x3] =	sbarrier.arrive $0xFFFF  }
0x73: {  	_ =	shalt  }

</sc_bundles>
